<compile_context>
chip_gen: v7x
topology: tpu7x:2x2x1
jax: 0.10.2.dev20260603
libtpu: 0.0.44.dev20260713+nightly
codegen_flags: <defaults>
</compile_context>

<pallas_src>
import functools

import jax
import jax.numpy as jnp
import numpy as np
from jax import lax
from jax.experimental import pallas as pl
from jax.experimental.pallas import tpu as pltpu
from jax.experimental.pallas import tpu_sc as plsc

_NUM_ITEM = 7000
_NUM_USER = 3000
_N = _NUM_ITEM + _NUM_USER
_E = 640000
_D = 128
_DID = 64

_NC = 2
_NS = 16
_NW = _NC * _NS
_EPW = _E // _NW
_K = 40
_T = _EPW // _K
_QT = _T // 4
_ROWW = 144
_N_PAD = 10240
_RPT = _N_PAD // _NS


def _leaky(x):
    return jnp.where(x > 0, x, 0.01 * x)


def _prologue_body(feat_ref, uf_ref, uw_ref, ub_ref, cw_ref, x_ref, xw_ref):
    user = jnp.tanh(
        jnp.dot(uf_ref[...], uw_ref[...], preferred_element_type=jnp.float32)
        + ub_ref[...]
    )
    xall = jnp.concatenate([feat_ref[...], user], axis=0)
    nrm = jnp.maximum(
        jnp.sqrt(jnp.sum(xall * xall, axis=1, keepdims=True)), 1e-12
    )
    x = xall / nrm
    x_ref[...] = x
    xw = jnp.dot(x, cw_ref[...], preferred_element_type=jnp.float32)
    xw_ref[...] = xw.astype(jnp.bfloat16)


_prologue = pl.pallas_call(
    _prologue_body,
    out_shape=[
        jax.ShapeDtypeStruct((_N, _D), jnp.float32),
        jax.ShapeDtypeStruct((_N, _D), jnp.bfloat16),
    ],
)


def _edge_body(xw_hbm, src_hbm, dst_hbm, out_hbm,
               cidx0, cidx1, idxd0, idxd1, idxd2, idxd3,
               rows0, rows1, msg0, msg1, agg,
               isem0, isem1, gsem0, gsem1, ssem0, ssem1):
    c = lax.axis_index("c")
    s = lax.axis_index("s")
    zero16 = jnp.zeros((16,), jnp.float32)
    lane = lax.iota(jnp.int32, 16)
    cidx = (cidx0, cidx1)
    idxd = (idxd0, idxd1, idxd2, idxd3)
    rows = (rows0, rows1)
    msg = (msg0, msg1)
    isem = (isem0, isem1)
    gsem = (gsem0, gsem1)
    ssem = (ssem0, ssem1)

    def _zrow(i, carry):
        for j in range(_ROWW // 16):
            msg0[i, pl.ds(j * 16, 16)] = zero16
        return carry

    lax.fori_loop(0, _K, _zrow, 0)
    for t in range(_RPT // _K):
        pltpu.sync_copy(msg0, agg.at[pl.ds(s * _RPT + t * _K, _K)])
    plsc.subcore_barrier()

    base_w = (c * _NS + s) * _EPW

    def _iissue(ch, sl2, sl4):
        eb = base_w + ch * _K
        pltpu.async_copy(src_hbm.at[pl.ds(eb, _K)], cidx[sl2], isem[sl2])
        pltpu.async_copy(dst_hbm.at[pl.ds(eb, _K)], idxd[sl4], isem[sl2])

    def _iwait(sl2, sl4):
        pltpu.make_async_copy(
            src_hbm.at[pl.ds(0, _K)], cidx[sl2], isem[sl2]).wait()
        pltpu.make_async_copy(
            dst_hbm.at[pl.ds(0, _K)], idxd[sl4], isem[sl2]).wait()

    def _gissue(sl2, sl4):
        pltpu.async_copy(xw_hbm.at[cidx[sl2]],
                         rows[sl2].at[pl.ds(0, _K)], gsem[sl2])
        pltpu.async_copy(xw_hbm.at[idxd[sl4]],
                         rows[sl2].at[pl.ds(_K, _K)], gsem[sl2])

    def _gwait(sl2, sl4):
        pltpu.make_async_copy(
            xw_hbm.at[cidx[sl2]],
            rows[sl2].at[pl.ds(0, _K)], gsem[sl2]).wait()
        pltpu.make_async_copy(
            xw_hbm.at[idxd[sl4]],
            rows[sl2].at[pl.ds(_K, _K)], gsem[sl2]).wait()

    def _sissue(sl2, sl4):
        pltpu.async_copy(msg[sl2], agg.at[idxd[sl4]], ssem[sl2], add=True)

    def _swait(sl2, sl4):
        pltpu.make_async_copy(
            msg[sl2], agg.at[idxd[sl4]], ssem[sl2]).wait()

    def _compute(sl2):
        rb, mb = rows[sl2], msg[sl2]

        @plsc.parallel_loop(0, _K, unroll=2)
        def _edge(i):
            acc = zero16
            srcv = []
            for j in range(_D // 32):
                sab = rb[i, pl.ds(j * 32, 32)]
                dab = rb[i + _K, pl.ds(j * 32, 32)]
                sa, sb = plsc.unpack(sab, format=plsc.PackFormat.INTERLEAVED)
                da, db = plsc.unpack(dab, format=plsc.PackFormat.INTERLEAVED)
                srcv.append((sa, sb))
                acc = acc + da * jnp.where(sa > 0, sa, sa * 0.01)
                acc = acc + db * jnp.where(sb > 0, sb, sb * 0.01)
            e = jnp.sum(acc)
            p = jnp.exp(jnp.full((16,), e, jnp.float32))
            for j in range(_D // 32):
                sa, sb = srcv[j]
                mb[i, pl.ds(j * 32, 16)] = sa * p
                mb[i, pl.ds(j * 32 + 16, 16)] = sb * p
            mb[i, pl.ds(_D, 16)] = jnp.where(lane == 0, p, 0.0)

    _iissue(0, 0, 0)
    _iissue(1, 1, 1)
    _iwait(0, 0)
    _gissue(0, 0)

    def _phase(q, r):
        ch = 4 * q + r
        sl2, sl4 = r % 2, r % 4
        _gwait(sl2, sl4)
        if r < 3:
            _iwait((r + 1) % 2, (r + 1) % 4)
            _gissue((r + 1) % 2, (r + 1) % 4)
        else:
            @pl.when(q < _QT - 1)
            def _():
                _iwait(0, 0)
                _gissue(0, 0)
        if r < 2:
            @pl.when(q >= 1)
            def _():
                _swait(sl2, (r + 2) % 4)
        else:
            _swait(sl2, (r + 2) % 4)
        if r < 2:
            _iissue(ch + 2, sl2, (r + 2) % 4)
        else:
            @pl.when(q < _QT - 1)
            def _():
                _iissue(ch + 2, sl2, (r + 2) % 4)
        _compute(sl2)
        _sissue(sl2, sl4)

    def _quad(q, carry):
        for r in range(4):
            _phase(q, r)
        return carry

    lax.fori_loop(0, _QT, _quad, 0)
    _swait(0, 2)
    _swait(1, 3)
    plsc.subcore_barrier()

    pltpu.sync_copy(
        agg.at[pl.ds(s * _RPT, _RPT)],
        out_hbm.at[pl.ds(c * _N_PAD + s * _RPT, _RPT)],
    )


@functools.cache
def _get_edge_pass():
  return functools.partial(
    pl.kernel,
    out_type=jax.ShapeDtypeStruct((_NC * _N_PAD, _ROWW), jnp.float32),
    mesh=plsc.VectorSubcoreMesh(core_axis_name="c", subcore_axis_name="s",
                                num_cores=_NC, num_subcores=_NS),
    scratch_types=(
        [pltpu.VMEM((_K,), jnp.int32)] * 2
        + [pltpu.VMEM((_K,), jnp.int32)] * 4
        + [pltpu.VMEM((2 * _K, _D), jnp.bfloat16)] * 2
        + [pltpu.VMEM((_K, _ROWW), jnp.float32)] * 2
        + [pltpu.VMEM_SHARED((_N_PAD, _ROWW), jnp.float32)]
        + [pltpu.SemaphoreType.DMA] * 6
    ),
    compiler_params=pltpu.CompilerParams(
        needs_layout_passes=False, use_tc_tiling_on_sc=False),
  )(_edge_body)


def _epilogue_body(nd_ref, x_ref, l1w_ref, l1b_ref, g1w_ref, g1b_ref,
                   emb_ref, out_ref):
    num = nd_ref[0:_N, 0:_D] + nd_ref[_N_PAD:_N_PAD + _N, 0:_D]
    den = (
        jnp.sum(nd_ref[0:_N, _D:_ROWW], axis=1, keepdims=True)
        + jnp.sum(nd_ref[_N_PAD:_N_PAD + _N, _D:_ROWW], axis=1, keepdims=True)
    )
    h = _leaky(num / (den + 1e-16))
    x_hat = _leaky(
        jnp.dot(x_ref[...], l1w_ref[...], preferred_element_type=jnp.float32)
        + l1b_ref[...]
    ) + emb_ref[...]
    out_ref[...] = _leaky(
        jnp.dot(h, g1w_ref[...], preferred_element_type=jnp.float32)
        + g1b_ref[...]
        + x_hat
    )


_epilogue = pl.pallas_call(
    _epilogue_body,
    out_shape=jax.ShapeDtypeStruct((_N, _DID), jnp.float32),
)


_PERM = np.concatenate([
    np.concatenate([np.arange(32 * j, 32 * j + 32, 2),
                    np.arange(32 * j + 1, 32 * j + 32, 2)])
    for j in range(_D // 32)
])


def kernel(features, user_features, user_mlp_w, user_mlp_b, conv1_weight,
           lin1_w, lin1_b, g1_w, g1_b, id_embedding, edge_index):
    x, xw16 = _prologue(
        features, user_features, user_mlp_w,
        user_mlp_b.reshape(1, _D), conv1_weight,
    )
    nd = _get_edge_pass()(xw16, edge_index[0], edge_index[1])
    return _epilogue(
        nd, x, lin1_w, lin1_b.reshape(1, _DID),
        jnp.take(g1_w, _PERM, axis=0), g1_b.reshape(1, _DID), id_embedding,
    )

# --- scband reference (transcript-rebuilt; emitter-appended) ---
"""Pipeline reference for scband-gat-13400297963982 (READ-ONLY COPY).

The authoritative reference and input builder live on the scoring server;
editing this copy changes nothing except your own understanding.
"""

import jax, jax.numpy as jnp
import numpy as np

NUM_ITEM = 7000
NUM_USER = 3000
N_NODES = NUM_ITEM + NUM_USER
N_EDGES = 640000
DIM_FEAT = 128
USER_DIM_FEAT = 384
DIM_ID = 64


def _xavier(k, shape):
    std = float(np.sqrt(2.0 / (shape[0] + shape[1])))
    return jax.random.normal(k, shape, dtype=jnp.float32) * std


def setup_inputs(seed: int = 0) -> dict:
    key = jax.random.key(seed)
    ks = jax.random.split(key, 8)
    return {
        "features": jax.random.normal(ks[0], (NUM_ITEM, DIM_FEAT), dtype=jnp.float32),
        "user_features": jax.random.normal(ks[1], (NUM_USER, USER_DIM_FEAT), dtype=jnp.float32),
        "user_mlp_w": _xavier(ks[2], (USER_DIM_FEAT, DIM_FEAT)),
        "user_mlp_b": jnp.zeros((DIM_FEAT,), dtype=jnp.float32),
        "conv1_weight": _xavier(ks[3], (DIM_FEAT, DIM_FEAT)),
        "lin1_w": _xavier(ks[4], (DIM_FEAT, DIM_ID)),
        "lin1_b": jnp.zeros((DIM_ID,), dtype=jnp.float32),
        "g1_w": _xavier(ks[5], (DIM_FEAT, DIM_ID)),
        "g1_b": jnp.zeros((DIM_ID,), dtype=jnp.float32),
        "id_embedding": jax.random.normal(ks[6], (N_NODES, DIM_ID), dtype=jnp.float32) * 0.1,
        "edge_index": jax.random.randint(ks[7], (2, N_EDGES), 0, N_NODES, dtype=jnp.int32),
    }


def _leaky(x):
    return jax.nn.leaky_relu(x, negative_slope=0.01)


def reference(features, user_features, user_mlp_w, user_mlp_b, conv1_weight,
              lin1_w, lin1_b, g1_w, g1_b, id_embedding, edge_index):
    # user_MLP + tanh
    user = jnp.tanh(user_features @ user_mlp_w + user_mlp_b)
    # concat items then users, L2 row-normalize (F.normalize, eps=1e-12)
    x = jnp.concatenate([features, user], axis=0)
    norm = jnp.maximum(jnp.linalg.norm(x, axis=1, keepdims=True), 1e-12)
    x = x / norm
    n = x.shape[0]
    # GraphGAT conv (MGAT-style attention message passing, aggr='add')
    xw = x @ conv1_weight
    src = edge_index[0]
    dst = edge_index[1]
    x_j = jnp.take(xw, src, axis=0)
    x_i = jnp.take(xw, dst, axis=0)
    e = jnp.sum(x_i * _leaky(x_j), axis=-1)
    # segment softmax over destination nodes
    e_max = jax.ops.segment_max(e, dst, num_segments=n)
    e_max = jnp.where(jnp.isfinite(e_max), e_max, 0.0)
    e_exp = jnp.exp(e - jnp.take(e_max, dst))
    denom = jax.ops.segment_sum(e_exp, dst, num_segments=n)
    alpha = e_exp / (jnp.take(denom, dst) + 1e-16)
    agg = jax.ops.segment_sum(x_j * alpha[:, None], dst, num_segments=n)
    h = _leaky(agg)
    # skip / gating branch (module returns x_1 early; code after first return is dead)
    x_hat = _leaky(x @ lin1_w + lin1_b) + id_embedding
    x_1 = _leaky(h @ g1_w + g1_b + x_hat)
    return x_1

if __name__ == "__main__":
    import jax
    _d = setup_inputs()
    print(jax.jit(kernel)(*tuple(_d.values())))

</pallas_src>

<mosaic_0001>
#map = affine_map<(d0, d1) -> (0, 0)>
#map1 = affine_map<(d0, d1) -> (0)>
module attributes {stable_mosaic.version = 14 : i64} {
  func.func @_edge_body(%arg0: i32, %arg1: i32, %arg2: memref<10000x128xbf16, #tpu.memory_space<hbm>>, %arg3: memref<640000xi32, #tpu.memory_space<hbm>>, %arg4: memref<640000xi32, #tpu.memory_space<hbm>>, %arg5: memref<20480x144xf32, #tpu.memory_space<hbm>>, %arg6: memref<40xi32, #tpu.memory_space<vmem>>, %arg7: memref<40xi32, #tpu.memory_space<vmem>>, %arg8: memref<40xi32, #tpu.memory_space<vmem>>, %arg9: memref<40xi32, #tpu.memory_space<vmem>>, %arg10: memref<40xi32, #tpu.memory_space<vmem>>, %arg11: memref<40xi32, #tpu.memory_space<vmem>>, %arg12: memref<80x128xbf16, #tpu.memory_space<vmem>>, %arg13: memref<80x128xbf16, #tpu.memory_space<vmem>>, %arg14: memref<40x144xf32, #tpu.memory_space<vmem>>, %arg15: memref<40x144xf32, #tpu.memory_space<vmem>>, %arg16: memref<10240x144xf32, #tpu.memory_space<vmem_shared>>, %arg17: memref<!tpu.dma_semaphore, #tpu.memory_space<semaphore_mem>>, %arg18: memref<!tpu.dma_semaphore, #tpu.memory_space<semaphore_mem>>, %arg19: memref<!tpu.dma_semaphore, #tpu.memory_space<semaphore_mem>>, %arg20: memref<!tpu.dma_semaphore, #tpu.memory_space<semaphore_mem>>, %arg21: memref<!tpu.dma_semaphore, #tpu.memory_space<semaphore_mem>>, %arg22: memref<!tpu.dma_semaphore, #tpu.memory_space<semaphore_mem>>) attributes {dimension_semantics = [#tpu.dimension_semantics<core_parallel>, #tpu.dimension_semantics<subcore_parallel>], iteration_bounds = array<i64: 2, 16>, scalar_prefetch = 0 : i64, scratch_operands = 17 : i64, tpu.core_type = #tpu.core_type<sc_vector_subcore>, window_params = [{transform_indices = #map}, {transform_indices = #map1}, {transform_indices = #map1}, {transform_indices = #map}]} {
    %broadcast_in_dim3A = arith.constant 0.000000e+00 : f32
    %broadcast_in_dim3A_0 = vector.broadcast %broadcast_in_dim3A : f32 to vector<16xf32>
    %iota3A = tpu.iota {dimensions = array<i32: 0>} : vector<16xi32>
    %scan3A = arith.constant 0 : i32
    %scan3A_1 = arith.constant 0 : i32
    %scan3A_2 = arith.constant 40 : i32
    %scan3A_3 = arith.addi %scan3A_1, %scan3A_2 : i32
    %scan3A_4 = arith.constant 1 : i32
    scf.for %scan3A_123 = %scan3A_1 to %scan3A_3 step %scan3A_4  : i32 {
      %swap3A = arith.index_cast %scan3A_123 : i32 to index
      %swap3A_124 = arith.constant 0 : index
      %swap3A_125 = tpu.vector_load %arg14[%swap3A, %swap3A_124] {strides = array<i32>} : memref<40x144xf32, #tpu.memory_space<vmem>>, vector<16xf32>,
      tpu.vector_store %arg14[%swap3A, %swap3A_124], %broadcast_in_dim3A_0 {strides = array<i32>} : memref<40x144xf32, #tpu.memory_space<vmem>>, vector<16xf32>,
      %swap3A_126 = arith.index_cast %scan3A_123 : i32 to index
      %swap3A_127 = arith.constant 16 : index
      %swap3A_128 = tpu.vector_load %arg14[%swap3A_126, %swap3A_127] {strides = array<i32>} : memref<40x144xf32, #tpu.memory_space<vmem>>, vector<16xf32>,
      tpu.vector_store %arg14[%swap3A_126, %swap3A_127], %broadcast_in_dim3A_0 {strides = array<i32>} : memref<40x144xf32, #tpu.memory_space<vmem>>, vector<16xf32>,
      %swap3A_129 = arith.index_cast %scan3A_123 : i32 to index
      %swap3A_130 = arith.constant 32 : index
      %swap3A_131 = tpu.vector_load %arg14[%swap3A_129, %swap3A_130] {strides = array<i32>} : memref<40x144xf32, #tpu.memory_space<vmem>>, vector<16xf32>,
      tpu.vector_store %arg14[%swap3A_129, %swap3A_130], %broadcast_in_dim3A_0 {strides = array<i32>} : memref<40x144xf32, #tpu.memory_space<vmem>>, vector<16xf32>,
      %swap3A_132 = arith.index_cast %scan3A_123 : i32 to index
      %swap3A_133 = arith.constant 48 : index
      %swap3A_134 = tpu.vector_load %arg14[%swap3A_132, %swap3A_133] {strides = array<i32>} : memref<40x144xf32, #tpu.memory_space<vmem>>, vector<16xf32>,
      tpu.vector_store %arg14[%swap3A_132, %swap3A_133], %broadcast_in_dim3A_0 {strides = array<i32>} : memref<40x144xf32, #tpu.memory_space<vmem>>, vector<16xf32>,
      %swap3A_135 = arith.index_cast %scan3A_123 : i32 to index
      %swap3A_136 = arith.constant 64 : index
      %swap3A_137 = tpu.vector_load %arg14[%swap3A_135, %swap3A_136] {strides = array<i32>} : memref<40x144xf32, #tpu.memory_space<vmem>>, vector<16xf32>,
      tpu.vector_store %arg14[%swap3A_135, %swap3A_136], %broadcast_in_dim3A_0 {strides = array<i32>} : memref<40x144xf32, #tpu.memory_space<vmem>>, vector<16xf32>,
      %swap3A_138 = arith.index_cast %scan3A_123 : i32 to index
      %swap3A_139 = arith.constant 80 : index
      %swap3A_140 = tpu.vector_load %arg14[%swap3A_138, %swap3A_139] {strides = array<i32>} : memref<40x144xf32, #tpu.memory_space<vmem>>, vector<16xf32>,
      tpu.vector_store %arg14[%swap3A_138, %swap3A_139], %broadcast_in_dim3A_0 {strides = array<i32>} : memref<40x144xf32, #tpu.memory_space<vmem>>, vector<16xf32>,
      %swap3A_141 = arith.index_cast %scan3A_123 : i32 to index
      %swap3A_142 = arith.constant 96 : index
      %swap3A_143 = tpu.vector_load %arg14[%swap3A_141, %swap3A_142] {strides = array<i32>} : memref<40x144xf32, #tpu.memory_space<vmem>>, vector<16xf32>,
      tpu.vector_store %arg14[%swap3A_141, %swap3A_142], %broadcast_in_dim3A_0 {strides = array<i32>} : memref<40x144xf32, #tpu.memory_space<vmem>>, vector<16xf32>,
      %swap3A_144 = arith.index_cast %scan3A_123 : i32 to index
      %swap3A_145 = arith.constant 112 : index
      %swap3A_146 = tpu.vector_load %arg14[%swap3A_144, %swap3A_145] {strides = array<i32>} : memref<40x144xf32, #tpu.memory_space<vmem>>, vector<16xf32>,
      tpu.vector_store %arg14[%swap3A_144, %swap3A_145], %broadcast_in_dim3A_0 {strides = array<i32>} : memref<40x144xf32, #tpu.memory_space<vmem>>, vector<16xf32>,
      %swap3A_147 = arith.index_cast %scan3A_123 : i32 to index
      %swap3A_148 = arith.constant 128 : index
      %swap3A_149 = tpu.vector_load %arg14[%swap3A_147, %swap3A_148] {strides = array<i32>} : memref<40x144xf32, #tpu.memory_space<vmem>>, vector<16xf32>,
      tpu.vector_store %arg14[%swap3A_147, %swap3A_148], %broadcast_in_dim3A_0 {strides = array<i32>} : memref<40x144xf32, #tpu.memory_space<vmem>>, vector<16xf32>,
    }
    %scan3A_5 = arith.constant 40 : i32
    %mul3A = arith.constant 640 : i32
    %mul3A_6 = arith.muli %arg1, %mul3A : i32
    %add3A = arith.constant 0 : i32
    %add3A_7 = arith.addi %mul3A_6, %add3A : i32
    "tpu.region"() ({
      %run_scoped3A = tpu.sem_alloc : memref<!tpu.dma_semaphore, #tpu.memory_space<semaphore_mem>>
      %dma_start3A_123 = arith.constant 0 : i32
      %dma_start3A_124 = tpu.memref_slice %arg16[%add3A_7, %dma_start3A_123] : memref<10240x144xf32, #tpu.memory_space<vmem_shared>> -> memref<40x144xf32, #tpu.memory_space<vmem_shared>>
      %dma_start3A_125 = arith.constant 0 : i32
      %dma_start3A_126 = tpu.memref_slice %arg16[%add3A_7, %dma_start3A_125] : memref<10240x144xf32, #tpu.memory_space<vmem_shared>> -> memref<40x144xf32, #tpu.memory_space<vmem_shared>>
      tpu.enqueue_dma source(%arg14 : memref<40x144xf32, #tpu.memory_space<vmem>>) target(%dma_start3A_126 : memref<40x144xf32, #tpu.memory_space<vmem_shared>>) target_semaphore(%run_scoped3A : memref<!tpu.dma_semaphore, #tpu.memory_space<semaphore_mem>>)
      %dma_wait3A_127 = arith.constant 0 : i32
      %dma_wait3A_128 = tpu.memref_slice %arg16[%add3A_7, %dma_wait3A_127] : memref<10240x144xf32, #tpu.memory_space<vmem_shared>> -> memref<40x144xf32, #tpu.memory_space<vmem_shared>>
      %dma_wait3A_129 = arith.constant 0 : i32
      %dma_wait3A_130 = tpu.memref_slice %arg16[%add3A_7, %dma_wait3A_129] : memref<10240x144xf32, #tpu.memory_space<vmem_shared>> -> memref<40x144xf32, #tpu.memory_space<vmem_shared>>
      tpu.wait_dma2 semaphore(%run_scoped3A : memref<!tpu.dma_semaphore, #tpu.memory_space<semaphore_mem>>) src(%arg14 : memref<40x144xf32, #tpu.memory_space<vmem>>) dst(%dma_wait3A_130 : memref<40x144xf32, #tpu.memory_space<vmem_shared>>)
      tpu.yield
    }) : () -> ()
    %mul3A_8 = arith.constant 640 : i32
    %mul3A_9 = arith.muli %arg1, %mul3A_8 : i32
    %add3A_10 = arith.constant 40 : i32
    %add3A_11 = arith.addi %mul3A_9, %add3A_10 : i32
    "tpu.region"() ({
      %run_scoped3A = tpu.sem_alloc : memref<!tpu.dma_semaphore, #tpu.memory_space<semaphore_mem>>
      %dma_start3A_123 = arith.constant 0 : i32
      %dma_start3A_124 = tpu.memref_slice %arg16[%add3A_11, %dma_start3A_123] : memref<10240x144xf32, #tpu.memory_space<vmem_shared>> -> memref<40x144xf32, #tpu.memory_space<vmem_shared>>
      %dma_start3A_125 = arith.constant 0 : i32
      %dma_start3A_126 = tpu.memref_slice %arg16[%add3A_11, %dma_start3A_125] : memref<10240x144xf32, #tpu.memory_space<vmem_shared>> -> memref<40x144xf32, #tpu.memory_space<vmem_shared>>
      tpu.enqueue_dma source(%arg14 : memref<40x144xf32, #tpu.memory_space<vmem>>) target(%dma_start3A_126 : memref<40x144xf32, #tpu.memory_space<vmem_shared>>) target_semaphore(%run_scoped3A : memref<!tpu.dma_semaphore, #tpu.memory_space<semaphore_mem>>)
      %dma_wait3A_127 = arith.constant 0 : i32
      %dma_wait3A_128 = tpu.memref_slice %arg16[%add3A_11, %dma_wait3A_127] : memref<10240x144xf32, #tpu.memory_space<vmem_shared>> -> memref<40x144xf32, #tpu.memory_space<vmem_shared>>
      %dma_wait3A_129 = arith.constant 0 : i32
      %dma_wait3A_130 = tpu.memref_slice %arg16[%add3A_11, %dma_wait3A_129] : memref<10240x144xf32, #tpu.memory_space<vmem_shared>> -> memref<40x144xf32, #tpu.memory_space<vmem_shared>>
      tpu.wait_dma2 semaphore(%run_scoped3A : memref<!tpu.dma_semaphore, #tpu.memory_space<semaphore_mem>>) src(%arg14 : memref<40x144xf32, #tpu.memory_space<vmem>>) dst(%dma_wait3A_130 : memref<40x144xf32, #tpu.memory_space<vmem_shared>>)
      tpu.yield
    }) : () -> ()
    %mul3A_12 = arith.constant 640 : i32
    %mul3A_13 = arith.muli %arg1, %mul3A_12 : i32
    %add3A_14 = arith.constant 80 : i32
    %add3A_15 = arith.addi %mul3A_13, %add3A_14 : i32
    "tpu.region"() ({
      %run_scoped3A = tpu.sem_alloc : memref<!tpu.dma_semaphore, #tpu.memory_space<semaphore_mem>>
      %dma_start3A_123 = arith.constant 0 : i32
      %dma_start3A_124 = tpu.memref_slice %arg16[%add3A_15, %dma_start3A_123] : memref<10240x144xf32, #tpu.memory_space<vmem_shared>> -> memref<40x144xf32, #tpu.memory_space<vmem_shared>>
      %dma_start3A_125 = arith.constant 0 : i32
      %dma_start3A_126 = tpu.memref_slice %arg16[%add3A_15, %dma_start3A_125] : memref<10240x144xf32, #tpu.memory_space<vmem_shared>> -> memref<40x144xf32, #tpu.memory_space<vmem_shared>>
      tpu.enqueue_dma source(%arg14 : memref<40x144xf32, #tpu.memory_space<vmem>>) target(%dma_start3A_126 : memref<40x144xf32, #tpu.memory_space<vmem_shared>>) target_semaphore(%run_scoped3A : memref<!tpu.dma_semaphore, #tpu.memory_space<semaphore_mem>>)
      %dma_wait3A_127 = arith.constant 0 : i32
      %dma_wait3A_128 = tpu.memref_slice %arg16[%add3A_15, %dma_wait3A_127] : memref<10240x144xf32, #tpu.memory_space<vmem_shared>> -> memref<40x144xf32, #tpu.memory_space<vmem_shared>>
      %dma_wait3A_129 = arith.constant 0 : i32
      %dma_wait3A_130 = tpu.memref_slice %arg16[%add3A_15, %dma_wait3A_129] : memref<10240x144xf32, #tpu.memory_space<vmem_shared>> -> memref<40x144xf32, #tpu.memory_space<vmem_shared>>
      tpu.wait_dma2 semaphore(%run_scoped3A : memref<!tpu.dma_semaphore, #tpu.memory_space<semaphore_mem>>) src(%arg14 : memref<40x144xf32, #tpu.memory_space<vmem>>) dst(%dma_wait3A_130 : memref<40x144xf32, #tpu.memory_space<vmem_shared>>)
      tpu.yield
    }) : () -> ()
    %mul3A_16 = arith.constant 640 : i32
    %mul3A_17 = arith.muli %arg1, %mul3A_16 : i32
    %add3A_18 = arith.constant 120 : i32
    %add3A_19 = arith.addi %mul3A_17, %add3A_18 : i32
    "tpu.region"() ({
      %run_scoped3A = tpu.sem_alloc : memref<!tpu.dma_semaphore, #tpu.memory_space<semaphore_mem>>
      %dma_start3A_123 = arith.constant 0 : i32
      %dma_start3A_124 = tpu.memref_slice %arg16[%add3A_19, %dma_start3A_123] : memref<10240x144xf32, #tpu.memory_space<vmem_shared>> -> memref<40x144xf32, #tpu.memory_space<vmem_shared>>
      %dma_start3A_125 = arith.constant 0 : i32
      %dma_start3A_126 = tpu.memref_slice %arg16[%add3A_19, %dma_start3A_125] : memref<10240x144xf32, #tpu.memory_space<vmem_shared>> -> memref<40x144xf32, #tpu.memory_space<vmem_shared>>
      tpu.enqueue_dma source(%arg14 : memref<40x144xf32, #tpu.memory_space<vmem>>) target(%dma_start3A_126 : memref<40x144xf32, #tpu.memory_space<vmem_shared>>) target_semaphore(%run_scoped3A : memref<!tpu.dma_semaphore, #tpu.memory_space<semaphore_mem>>)
      %dma_wait3A_127 = arith.constant 0 : i32
      %dma_wait3A_128 = tpu.memref_slice %arg16[%add3A_19, %dma_wait3A_127] : memref<10240x144xf32, #tpu.memory_space<vmem_shared>> -> memref<40x144xf32, #tpu.memory_space<vmem_shared>>
      %dma_wait3A_129 = arith.constant 0 : i32
      %dma_wait3A_130 = tpu.memref_slice %arg16[%add3A_19, %dma_wait3A_129] : memref<10240x144xf32, #tpu.memory_space<vmem_shared>> -> memref<40x144xf32, #tpu.memory_space<vmem_shared>>
      tpu.wait_dma2 semaphore(%run_scoped3A : memref<!tpu.dma_semaphore, #tpu.memory_space<semaphore_mem>>) src(%arg14 : memref<40x144xf32, #tpu.memory_space<vmem>>) dst(%dma_wait3A_130 : memref<40x144xf32, #tpu.memory_space<vmem_shared>>)
      tpu.yield
    }) : () -> ()
    %mul3A_20 = arith.constant 640 : i32
    %mul3A_21 = arith.muli %arg1, %mul3A_20 : i32
    %add3A_22 = arith.constant 160 : i32
    %add3A_23 = arith.addi %mul3A_21, %add3A_22 : i32
    "tpu.region"() ({
      %run_scoped3A = tpu.sem_alloc : memref<!tpu.dma_semaphore, #tpu.memory_space<semaphore_mem>>
      %dma_start3A_123 = arith.constant 0 : i32
      %dma_start3A_124 = tpu.memref_slice %arg16[%add3A_23, %dma_start3A_123] : memref<10240x144xf32, #tpu.memory_space<vmem_shared>> -> memref<40x144xf32, #tpu.memory_space<vmem_shared>>
      %dma_start3A_125 = arith.constant 0 : i32
      %dma_start3A_126 = tpu.memref_slice %arg16[%add3A_23, %dma_start3A_125] : memref<10240x144xf32, #tpu.memory_space<vmem_shared>> -> memref<40x144xf32, #tpu.memory_space<vmem_shared>>
      tpu.enqueue_dma source(%arg14 : memref<40x144xf32, #tpu.memory_space<vmem>>) target(%dma_start3A_126 : memref<40x144xf32, #tpu.memory_space<vmem_shared>>) target_semaphore(%run_scoped3A : memref<!tpu.dma_semaphore, #tpu.memory_space<semaphore_mem>>)
      %dma_wait3A_127 = arith.constant 0 : i32
      %dma_wait3A_128 = tpu.memref_slice %arg16[%add3A_23, %dma_wait3A_127] : memref<10240x144xf32, #tpu.memory_space<vmem_shared>> -> memref<40x144xf32, #tpu.memory_space<vmem_shared>>
      %dma_wait3A_129 = arith.constant 0 : i32
      %dma_wait3A_130 = tpu.memref_slice %arg16[%add3A_23, %dma_wait3A_129] : memref<10240x144xf32, #tpu.memory_space<vmem_shared>> -> memref<40x144xf32, #tpu.memory_space<vmem_shared>>
      tpu.wait_dma2 semaphore(%run_scoped3A : memref<!tpu.dma_semaphore, #tpu.memory_space<semaphore_mem>>) src(%arg14 : memref<40x144xf32, #tpu.memory_space<vmem>>) dst(%dma_wait3A_130 : memref<40x144xf32, #tpu.memory_space<vmem_shared>>)
      tpu.yield
    }) : () -> ()
    %mul3A_24 = arith.constant 640 : i32
    %mul3A_25 = arith.muli %arg1, %mul3A_24 : i32
    %add3A_26 = arith.constant 200 : i32
    %add3A_27 = arith.addi %mul3A_25, %add3A_26 : i32
    "tpu.region"() ({
      %run_scoped3A = tpu.sem_alloc : memref<!tpu.dma_semaphore, #tpu.memory_space<semaphore_mem>>
      %dma_start3A_123 = arith.constant 0 : i32
      %dma_start3A_124 = tpu.memref_slice %arg16[%add3A_27, %dma_start3A_123] : memref<10240x144xf32, #tpu.memory_space<vmem_shared>> -> memref<40x144xf32, #tpu.memory_space<vmem_shared>>
      %dma_start3A_125 = arith.constant 0 : i32
      %dma_start3A_126 = tpu.memref_slice %arg16[%add3A_27, %dma_start3A_125] : memref<10240x144xf32, #tpu.memory_space<vmem_shared>> -> memref<40x144xf32, #tpu.memory_space<vmem_shared>>
      tpu.enqueue_dma source(%arg14 : memref<40x144xf32, #tpu.memory_space<vmem>>) target(%dma_start3A_126 : memref<40x144xf32, #tpu.memory_space<vmem_shared>>) target_semaphore(%run_scoped3A : memref<!tpu.dma_semaphore, #tpu.memory_space<semaphore_mem>>)
      %dma_wait3A_127 = arith.constant 0 : i32
      %dma_wait3A_128 = tpu.memref_slice %arg16[%add3A_27, %dma_wait3A_127] : memref<10240x144xf32, #tpu.memory_space<vmem_shared>> -> memref<40x144xf32, #tpu.memory_space<vmem_shared>>
      %dma_wait3A_129 = arith.constant 0 : i32
      %dma_wait3A_130 = tpu.memref_slice %arg16[%add3A_27, %dma_wait3A_129] : memref<10240x144xf32, #tpu.memory_space<vmem_shared>> -> memref<40x144xf32, #tpu.memory_space<vmem_shared>>
      tpu.wait_dma2 semaphore(%run_scoped3A : memref<!tpu.dma_semaphore, #tpu.memory_space<semaphore_mem>>) src(%arg14 : memref<40x144xf32, #tpu.memory_space<vmem>>) dst(%dma_wait3A_130 : memref<40x144xf32, #tpu.memory_space<vmem_shared>>)
      tpu.yield
    }) : () -> ()
    %mul3A_28 = arith.constant 640 : i32
    %mul3A_29 = arith.muli %arg1, %mul3A_28 : i32
    %add3A_30 = arith.constant 240 : i32
    %add3A_31 = arith.addi %mul3A_29, %add3A_30 : i32
    "tpu.region"() ({
      %run_scoped3A = tpu.sem_alloc : memref<!tpu.dma_semaphore, #tpu.memory_space<semaphore_mem>>
      %dma_start3A_123 = arith.constant 0 : i32
      %dma_start3A_124 = tpu.memref_slice %arg16[%add3A_31, %dma_start3A_123] : memref<10240x144xf32, #tpu.memory_space<vmem_shared>> -> memref<40x144xf32, #tpu.memory_space<vmem_shared>>
      %dma_start3A_125 = arith.constant 0 : i32
      %dma_start3A_126 = tpu.memref_slice %arg16[%add3A_31, %dma_start3A_125] : memref<10240x144xf32, #tpu.memory_space<vmem_shared>> -> memref<40x144xf32, #tpu.memory_space<vmem_shared>>
      tpu.enqueue_dma source(%arg14 : memref<40x144xf32, #tpu.memory_space<vmem>>) target(%dma_start3A_126 : memref<40x144xf32, #tpu.memory_space<vmem_shared>>) target_semaphore(%run_scoped3A : memref<!tpu.dma_semaphore, #tpu.memory_space<semaphore_mem>>)
      %dma_wait3A_127 = arith.constant 0 : i32
      %dma_wait3A_128 = tpu.memref_slice %arg16[%add3A_31, %dma_wait3A_127] : memref<10240x144xf32, #tpu.memory_space<vmem_shared>> -> memref<40x144xf32, #tpu.memory_space<vmem_shared>>
      %dma_wait3A_129 = arith.constant 0 : i32
      %dma_wait3A_130 = tpu.memref_slice %arg16[%add3A_31, %dma_wait3A_129] : memref<10240x144xf32, #tpu.memory_space<vmem_shared>> -> memref<40x144xf32, #tpu.memory_space<vmem_shared>>
      tpu.wait_dma2 semaphore(%run_scoped3A : memref<!tpu.dma_semaphore, #tpu.memory_space<semaphore_mem>>) src(%arg14 : memref<40x144xf32, #tpu.memory_space<vmem>>) dst(%dma_wait3A_130 : memref<40x144xf32, #tpu.memory_space<vmem_shared>>)
      tpu.yield
    }) : () -> ()
    %mul3A_32 = arith.constant 640 : i32
    %mul3A_33 = arith.muli %arg1, %mul3A_32 : i32
    %add3A_34 = arith.constant 280 : i32
    %add3A_35 = arith.addi %mul3A_33, %add3A_34 : i32
    "tpu.region"() ({
      %run_scoped3A = tpu.sem_alloc : memref<!tpu.dma_semaphore, #tpu.memory_space<semaphore_mem>>
      %dma_start3A_123 = arith.constant 0 : i32
      %dma_start3A_124 = tpu.memref_slice %arg16[%add3A_35, %dma_start3A_123] : memref<10240x144xf32, #tpu.memory_space<vmem_shared>> -> memref<40x144xf32, #tpu.memory_space<vmem_shared>>
      %dma_start3A_125 = arith.constant 0 : i32
      %dma_start3A_126 = tpu.memref_slice %arg16[%add3A_35, %dma_start3A_125] : memref<10240x144xf32, #tpu.memory_space<vmem_shared>> -> memref<40x144xf32, #tpu.memory_space<vmem_shared>>
      tpu.enqueue_dma source(%arg14 : memref<40x144xf32, #tpu.memory_space<vmem>>) target(%dma_start3A_126 : memref<40x144xf32, #tpu.memory_space<vmem_shared>>) target_semaphore(%run_scoped3A : memref<!tpu.dma_semaphore, #tpu.memory_space<semaphore_mem>>)
      %dma_wait3A_127 = arith.constant 0 : i32
      %dma_wait3A_128 = tpu.memref_slice %arg16[%add3A_35, %dma_wait3A_127] : memref<10240x144xf32, #tpu.memory_space<vmem_shared>> -> memref<40x144xf32, #tpu.memory_space<vmem_shared>>
      %dma_wait3A_129 = arith.constant 0 : i32
      %dma_wait3A_130 = tpu.memref_slice %arg16[%add3A_35, %dma_wait3A_129] : memref<10240x144xf32, #tpu.memory_space<vmem_shared>> -> memref<40x144xf32, #tpu.memory_space<vmem_shared>>
      tpu.wait_dma2 semaphore(%run_scoped3A : memref<!tpu.dma_semaphore, #tpu.memory_space<semaphore_mem>>) src(%arg14 : memref<40x144xf32, #tpu.memory_space<vmem>>) dst(%dma_wait3A_130 : memref<40x144xf32, #tpu.memory_space<vmem_shared>>)
      tpu.yield
    }) : () -> ()
    %mul3A_36 = arith.constant 640 : i32
    %mul3A_37 = arith.muli %arg1, %mul3A_36 : i32
    %add3A_38 = arith.constant 320 : i32
    %add3A_39 = arith.addi %mul3A_37, %add3A_38 : i32
    "tpu.region"() ({
      %run_scoped3A = tpu.sem_alloc : memref<!tpu.dma_semaphore, #tpu.memory_space<semaphore_mem>>
      %dma_start3A_123 = arith.constant 0 : i32
      %dma_start3A_124 = tpu.memref_slice %arg16[%add3A_39, %dma_start3A_123] : memref<10240x144xf32, #tpu.memory_space<vmem_shared>> -> memref<40x144xf32, #tpu.memory_space<vmem_shared>>
      %dma_start3A_125 = arith.constant 0 : i32
      %dma_start3A_126 = tpu.memref_slice %arg16[%add3A_39, %dma_start3A_125] : memref<10240x144xf32, #tpu.memory_space<vmem_shared>> -> memref<40x144xf32, #tpu.memory_space<vmem_shared>>
      tpu.enqueue_dma source(%arg14 : memref<40x144xf32, #tpu.memory_space<vmem>>) target(%dma_start3A_126 : memref<40x144xf32, #tpu.memory_space<vmem_shared>>) target_semaphore(%run_scoped3A : memref<!tpu.dma_semaphore, #tpu.memory_space<semaphore_mem>>)
      %dma_wait3A_127 = arith.constant 0 : i32
      %dma_wait3A_128 = tpu.memref_slice %arg16[%add3A_39, %dma_wait3A_127] : memref<10240x144xf32, #tpu.memory_space<vmem_shared>> -> memref<40x144xf32, #tpu.memory_space<vmem_shared>>
      %dma_wait3A_129 = arith.constant 0 : i32
      %dma_wait3A_130 = tpu.memref_slice %arg16[%add3A_39, %dma_wait3A_129] : memref<10240x144xf32, #tpu.memory_space<vmem_shared>> -> memref<40x144xf32, #tpu.memory_space<vmem_shared>>
      tpu.wait_dma2 semaphore(%run_scoped3A : memref<!tpu.dma_semaphore, #tpu.memory_space<semaphore_mem>>) src(%arg14 : memref<40x144xf32, #tpu.memory_space<vmem>>) dst(%dma_wait3A_130 : memref<40x144xf32, #tpu.memory_space<vmem_shared>>)
      tpu.yield
    }) : () -> ()
    %mul3A_40 = arith.constant 640 : i32
    %mul3A_41 = arith.muli %arg1, %mul3A_40 : i32
    %add3A_42 = arith.constant 360 : i32
    %add3A_43 = arith.addi %mul3A_41, %add3A_42 : i32
    "tpu.region"() ({
      %run_scoped3A = tpu.sem_alloc : memref<!tpu.dma_semaphore, #tpu.memory_space<semaphore_mem>>
      %dma_start3A_123 = arith.constant 0 : i32
      %dma_start3A_124 = tpu.memref_slice %arg16[%add3A_43, %dma_start3A_123] : memref<10240x144xf32, #tpu.memory_space<vmem_shared>> -> memref<40x144xf32, #tpu.memory_space<vmem_shared>>
      %dma_start3A_125 = arith.constant 0 : i32
      %dma_start3A_126 = tpu.memref_slice %arg16[%add3A_43, %dma_start3A_125] : memref<10240x144xf32, #tpu.memory_space<vmem_shared>> -> memref<40x144xf32, #tpu.memory_space<vmem_shared>>
      tpu.enqueue_dma source(%arg14 : memref<40x144xf32, #tpu.memory_space<vmem>>) target(%dma_start3A_126 : memref<40x144xf32, #tpu.memory_space<vmem_shared>>) target_semaphore(%run_scoped3A : memref<!tpu.dma_semaphore, #tpu.memory_space<semaphore_mem>>)
      %dma_wait3A_127 = arith.constant 0 : i32
      %dma_wait3A_128 = tpu.memref_slice %arg16[%add3A_43, %dma_wait3A_127] : memref<10240x144xf32, #tpu.memory_space<vmem_shared>> -> memref<40x144xf32, #tpu.memory_space<vmem_shared>>
      %dma_wait3A_129 = arith.constant 0 : i32
      %dma_wait3A_130 = tpu.memref_slice %arg16[%add3A_43, %dma_wait3A_129] : memref<10240x144xf32, #tpu.memory_space<vmem_shared>> -> memref<40x144xf32, #tpu.memory_space<vmem_shared>>
      tpu.wait_dma2 semaphore(%run_scoped3A : memref<!tpu.dma_semaphore, #tpu.memory_space<semaphore_mem>>) src(%arg14 : memref<40x144xf32, #tpu.memory_space<vmem>>) dst(%dma_wait3A_130 : memref<40x144xf32, #tpu.memory_space<vmem_shared>>)
      tpu.yield
    }) : () -> ()
    %mul3A_44 = arith.constant 640 : i32
    %mul3A_45 = arith.muli %arg1, %mul3A_44 : i32
    %add3A_46 = arith.constant 400 : i32
    %add3A_47 = arith.addi %mul3A_45, %add3A_46 : i32
    "tpu.region"() ({
      %run_scoped3A = tpu.sem_alloc : memref<!tpu.dma_semaphore, #tpu.memory_space<semaphore_mem>>
      %dma_start3A_123 = arith.constant 0 : i32
      %dma_start3A_124 = tpu.memref_slice %arg16[%add3A_47, %dma_start3A_123] : memref<10240x144xf32, #tpu.memory_space<vmem_shared>> -> memref<40x144xf32, #tpu.memory_space<vmem_shared>>
      %dma_start3A_125 = arith.constant 0 : i32
      %dma_start3A_126 = tpu.memref_slice %arg16[%add3A_47, %dma_start3A_125] : memref<10240x144xf32, #tpu.memory_space<vmem_shared>> -> memref<40x144xf32, #tpu.memory_space<vmem_shared>>
      tpu.enqueue_dma source(%arg14 : memref<40x144xf32, #tpu.memory_space<vmem>>) target(%dma_start3A_126 : memref<40x144xf32, #tpu.memory_space<vmem_shared>>) target_semaphore(%run_scoped3A : memref<!tpu.dma_semaphore, #tpu.memory_space<semaphore_mem>>)
      %dma_wait3A_127 = arith.constant 0 : i32
      %dma_wait3A_128 = tpu.memref_slice %arg16[%add3A_47, %dma_wait3A_127] : memref<10240x144xf32, #tpu.memory_space<vmem_shared>> -> memref<40x144xf32, #tpu.memory_space<vmem_shared>>
      %dma_wait3A_129 = arith.constant 0 : i32
      %dma_wait3A_130 = tpu.memref_slice %arg16[%add3A_47, %dma_wait3A_129] : memref<10240x144xf32, #tpu.memory_space<vmem_shared>> -> memref<40x144xf32, #tpu.memory_space<vmem_shared>>
      tpu.wait_dma2 semaphore(%run_scoped3A : memref<!tpu.dma_semaphore, #tpu.memory_space<semaphore_mem>>) src(%arg14 : memref<40x144xf32, #tpu.memory_space<vmem>>) dst(%dma_wait3A_130 : memref<40x144xf32, #tpu.memory_space<vmem_shared>>)
      tpu.yield
    }) : () -> ()
    %mul3A_48 = arith.constant 640 : i32
    %mul3A_49 = arith.muli %arg1, %mul3A_48 : i32
    %add3A_50 = arith.constant 440 : i32
    %add3A_51 = arith.addi %mul3A_49, %add3A_50 : i32
    "tpu.region"() ({
      %run_scoped3A = tpu.sem_alloc : memref<!tpu.dma_semaphore, #tpu.memory_space<semaphore_mem>>
      %dma_start3A_123 = arith.constant 0 : i32
      %dma_start3A_124 = tpu.memref_slice %arg16[%add3A_51, %dma_start3A_123] : memref<10240x144xf32, #tpu.memory_space<vmem_shared>> -> memref<40x144xf32, #tpu.memory_space<vmem_shared>>
      %dma_start3A_125 = arith.constant 0 : i32
      %dma_start3A_126 = tpu.memref_slice %arg16[%add3A_51, %dma_start3A_125] : memref<10240x144xf32, #tpu.memory_space<vmem_shared>> -> memref<40x144xf32, #tpu.memory_space<vmem_shared>>
      tpu.enqueue_dma source(%arg14 : memref<40x144xf32, #tpu.memory_space<vmem>>) target(%dma_start3A_126 : memref<40x144xf32, #tpu.memory_space<vmem_shared>>) target_semaphore(%run_scoped3A : memref<!tpu.dma_semaphore, #tpu.memory_space<semaphore_mem>>)
      %dma_wait3A_127 = arith.constant 0 : i32
      %dma_wait3A_128 = tpu.memref_slice %arg16[%add3A_51, %dma_wait3A_127] : memref<10240x144xf32, #tpu.memory_space<vmem_shared>> -> memref<40x144xf32, #tpu.memory_space<vmem_shared>>
      %dma_wait3A_129 = arith.constant 0 : i32
      %dma_wait3A_130 = tpu.memref_slice %arg16[%add3A_51, %dma_wait3A_129] : memref<10240x144xf32, #tpu.memory_space<vmem_shared>> -> memref<40x144xf32, #tpu.memory_space<vmem_shared>>
      tpu.wait_dma2 semaphore(%run_scoped3A : memref<!tpu.dma_semaphore, #tpu.memory_space<semaphore_mem>>) src(%arg14 : memref<40x144xf32, #tpu.memory_space<vmem>>) dst(%dma_wait3A_130 : memref<40x144xf32, #tpu.memory_space<vmem_shared>>)
      tpu.yield
    }) : () -> ()
    %mul3A_52 = arith.constant 640 : i32
    %mul3A_53 = arith.muli %arg1, %mul3A_52 : i32
    %add3A_54 = arith.constant 480 : i32
    %add3A_55 = arith.addi %mul3A_53, %add3A_54 : i32
    "tpu.region"() ({
      %run_scoped3A = tpu.sem_alloc : memref<!tpu.dma_semaphore, #tpu.memory_space<semaphore_mem>>
      %dma_start3A_123 = arith.constant 0 : i32
      %dma_start3A_124 = tpu.memref_slice %arg16[%add3A_55, %dma_start3A_123] : memref<10240x144xf32, #tpu.memory_space<vmem_shared>> -> memref<40x144xf32, #tpu.memory_space<vmem_shared>>
      %dma_start3A_125 = arith.constant 0 : i32
      %dma_start3A_126 = tpu.memref_slice %arg16[%add3A_55, %dma_start3A_125] : memref<10240x144xf32, #tpu.memory_space<vmem_shared>> -> memref<40x144xf32, #tpu.memory_space<vmem_shared>>
      tpu.enqueue_dma source(%arg14 : memref<40x144xf32, #tpu.memory_space<vmem>>) target(%dma_start3A_126 : memref<40x144xf32, #tpu.memory_space<vmem_shared>>) target_semaphore(%run_scoped3A : memref<!tpu.dma_semaphore, #tpu.memory_space<semaphore_mem>>)
      %dma_wait3A_127 = arith.constant 0 : i32
      %dma_wait3A_128 = tpu.memref_slice %arg16[%add3A_55, %dma_wait3A_127] : memref<10240x144xf32, #tpu.memory_space<vmem_shared>> -> memref<40x144xf32, #tpu.memory_space<vmem_shared>>
      %dma_wait3A_129 = arith.constant 0 : i32
      %dma_wait3A_130 = tpu.memref_slice %arg16[%add3A_55, %dma_wait3A_129] : memref<10240x144xf32, #tpu.memory_space<vmem_shared>> -> memref<40x144xf32, #tpu.memory_space<vmem_shared>>
      tpu.wait_dma2 semaphore(%run_scoped3A : memref<!tpu.dma_semaphore, #tpu.memory_space<semaphore_mem>>) src(%arg14 : memref<40x144xf32, #tpu.memory_space<vmem>>) dst(%dma_wait3A_130 : memref<40x144xf32, #tpu.memory_space<vmem_shared>>)
      tpu.yield
    }) : () -> ()
    %mul3A_56 = arith.constant 640 : i32
    %mul3A_57 = arith.muli %arg1, %mul3A_56 : i32
    %add3A_58 = arith.constant 520 : i32
    %add3A_59 = arith.addi %mul3A_57, %add3A_58 : i32
    "tpu.region"() ({
      %run_scoped3A = tpu.sem_alloc : memref<!tpu.dma_semaphore, #tpu.memory_space<semaphore_mem>>
      %dma_start3A_123 = arith.constant 0 : i32
      %dma_start3A_124 = tpu.memref_slice %arg16[%add3A_59, %dma_start3A_123] : memref<10240x144xf32, #tpu.memory_space<vmem_shared>> -> memref<40x144xf32, #tpu.memory_space<vmem_shared>>
      %dma_start3A_125 = arith.constant 0 : i32
      %dma_start3A_126 = tpu.memref_slice %arg16[%add3A_59, %dma_start3A_125] : memref<10240x144xf32, #tpu.memory_space<vmem_shared>> -> memref<40x144xf32, #tpu.memory_space<vmem_shared>>
      tpu.enqueue_dma source(%arg14 : memref<40x144xf32, #tpu.memory_space<vmem>>) target(%dma_start3A_126 : memref<40x144xf32, #tpu.memory_space<vmem_shared>>) target_semaphore(%run_scoped3A : memref<!tpu.dma_semaphore, #tpu.memory_space<semaphore_mem>>)
      %dma_wait3A_127 = arith.constant 0 : i32
      %dma_wait3A_128 = tpu.memref_slice %arg16[%add3A_59, %dma_wait3A_127] : memref<10240x144xf32, #tpu.memory_space<vmem_shared>> -> memref<40x144xf32, #tpu.memory_space<vmem_shared>>
      %dma_wait3A_129 = arith.constant 0 : i32
      %dma_wait3A_130 = tpu.memref_slice %arg16[%add3A_59, %dma_wait3A_129] : memref<10240x144xf32, #tpu.memory_space<vmem_shared>> -> memref<40x144xf32, #tpu.memory_space<vmem_shared>>
      tpu.wait_dma2 semaphore(%run_scoped3A : memref<!tpu.dma_semaphore, #tpu.memory_space<semaphore_mem>>) src(%arg14 : memref<40x144xf32, #tpu.memory_space<vmem>>) dst(%dma_wait3A_130 : memref<40x144xf32, #tpu.memory_space<vmem_shared>>)
      tpu.yield
    }) : () -> ()
    %mul3A_60 = arith.constant 640 : i32
    %mul3A_61 = arith.muli %arg1, %mul3A_60 : i32
    %add3A_62 = arith.constant 560 : i32
    %add3A_63 = arith.addi %mul3A_61, %add3A_62 : i32
    "tpu.region"() ({
      %run_scoped3A = tpu.sem_alloc : memref<!tpu.dma_semaphore, #tpu.memory_space<semaphore_mem>>
      %dma_start3A_123 = arith.constant 0 : i32
      %dma_start3A_124 = tpu.memref_slice %arg16[%add3A_63, %dma_start3A_123] : memref<10240x144xf32, #tpu.memory_space<vmem_shared>> -> memref<40x144xf32, #tpu.memory_space<vmem_shared>>
      %dma_start3A_125 = arith.constant 0 : i32
      %dma_start3A_126 = tpu.memref_slice %arg16[%add3A_63, %dma_start3A_125] : memref<10240x144xf32, #tpu.memory_space<vmem_shared>> -> memref<40x144xf32, #tpu.memory_space<vmem_shared>>
      tpu.enqueue_dma source(%arg14 : memref<40x144xf32, #tpu.memory_space<vmem>>) target(%dma_start3A_126 : memref<40x144xf32, #tpu.memory_space<vmem_shared>>) target_semaphore(%run_scoped3A : memref<!tpu.dma_semaphore, #tpu.memory_space<semaphore_mem>>)
      %dma_wait3A_127 = arith.constant 0 : i32
      %dma_wait3A_128 = tpu.memref_slice %arg16[%add3A_63, %dma_wait3A_127] : memref<10240x144xf32, #tpu.memory_space<vmem_shared>> -> memref<40x144xf32, #tpu.memory_space<vmem_shared>>
      %dma_wait3A_129 = arith.constant 0 : i32
      %dma_wait3A_130 = tpu.memref_slice %arg16[%add3A_63, %dma_wait3A_129] : memref<10240x144xf32, #tpu.memory_space<vmem_shared>> -> memref<40x144xf32, #tpu.memory_space<vmem_shared>>
      tpu.wait_dma2 semaphore(%run_scoped3A : memref<!tpu.dma_semaphore, #tpu.memory_space<semaphore_mem>>) src(%arg14 : memref<40x144xf32, #tpu.memory_space<vmem>>) dst(%dma_wait3A_130 : memref<40x144xf32, #tpu.memory_space<vmem_shared>>)
      tpu.yield
    }) : () -> ()
    %mul3A_64 = arith.constant 640 : i32
    %mul3A_65 = arith.muli %arg1, %mul3A_64 : i32
    %add3A_66 = arith.constant 600 : i32
    %add3A_67 = arith.addi %mul3A_65, %add3A_66 : i32
    "tpu.region"() ({
      %run_scoped3A = tpu.sem_alloc : memref<!tpu.dma_semaphore, #tpu.memory_space<semaphore_mem>>
      %dma_start3A_123 = arith.constant 0 : i32
      %dma_start3A_124 = tpu.memref_slice %arg16[%add3A_67, %dma_start3A_123] : memref<10240x144xf32, #tpu.memory_space<vmem_shared>> -> memref<40x144xf32, #tpu.memory_space<vmem_shared>>
      %dma_start3A_125 = arith.constant 0 : i32
      %dma_start3A_126 = tpu.memref_slice %arg16[%add3A_67, %dma_start3A_125] : memref<10240x144xf32, #tpu.memory_space<vmem_shared>> -> memref<40x144xf32, #tpu.memory_space<vmem_shared>>
      tpu.enqueue_dma source(%arg14 : memref<40x144xf32, #tpu.memory_space<vmem>>) target(%dma_start3A_126 : memref<40x144xf32, #tpu.memory_space<vmem_shared>>) target_semaphore(%run_scoped3A : memref<!tpu.dma_semaphore, #tpu.memory_space<semaphore_mem>>)
      %dma_wait3A_127 = arith.constant 0 : i32
      %dma_wait3A_128 = tpu.memref_slice %arg16[%add3A_67, %dma_wait3A_127] : memref<10240x144xf32, #tpu.memory_space<vmem_shared>> -> memref<40x144xf32, #tpu.memory_space<vmem_shared>>
      %dma_wait3A_129 = arith.constant 0 : i32
      %dma_wait3A_130 = tpu.memref_slice %arg16[%add3A_67, %dma_wait3A_129] : memref<10240x144xf32, #tpu.memory_space<vmem_shared>> -> memref<40x144xf32, #tpu.memory_space<vmem_shared>>
      tpu.wait_dma2 semaphore(%run_scoped3A : memref<!tpu.dma_semaphore, #tpu.memory_space<semaphore_mem>>) src(%arg14 : memref<40x144xf32, #tpu.memory_space<vmem>>) dst(%dma_wait3A_130 : memref<40x144xf32, #tpu.memory_space<vmem_shared>>)
      tpu.yield
    }) : () -> ()
    %barrier3A = arith.constant 0 : index
    tpu.barrier barrier_id(%barrier3A)
    %mul3A_68 = arith.constant 16 : i32
    %mul3A_69 = arith.muli %arg0, %mul3A_68 : i32
    %add3A_70 = arith.addi %mul3A_69, %arg1 : i32
    %mul3A_71 = arith.constant 20000 : i32
    %mul3A_72 = arith.muli %add3A_70, %mul3A_71 : i32
    %add3A_73 = arith.constant 0 : i32
    %add3A_74 = arith.addi %mul3A_72, %add3A_73 : i32
    %dma_start3A = tpu.memref_slice %arg3[%add3A_74] : memref<640000xi32, #tpu.memory_space<hbm>> -> memref<40xi32, #tpu.memory_space<hbm>>
    %dma_start3A_75 = tpu.memref_slice %arg3[%add3A_74] : memref<640000xi32, #tpu.memory_space<hbm>> -> memref<40xi32, #tpu.memory_space<hbm>>
    tpu.enqueue_dma source(%dma_start3A_75 : memref<40xi32, #tpu.memory_space<hbm>>) target(%arg6 : memref<40xi32, #tpu.memory_space<vmem>>) target_semaphore(%arg17 : memref<!tpu.dma_semaphore, #tpu.memory_space<semaphore_mem>>)
    %dma_start3A_76 = tpu.memref_slice %arg4[%add3A_74] : memref<640000xi32, #tpu.memory_space<hbm>> -> memref<40xi32, #tpu.memory_space<hbm>>
    %dma_start3A_77 = tpu.memref_slice %arg4[%add3A_74] : memref<640000xi32, #tpu.memory_space<hbm>> -> memref<40xi32, #tpu.memory_space<hbm>>
    tpu.enqueue_dma source(%dma_start3A_77 : memref<40xi32, #tpu.memory_space<hbm>>) target(%arg8 : memref<40xi32, #tpu.memory_space<vmem>>) target_semaphore(%arg17 : memref<!tpu.dma_semaphore, #tpu.memory_space<semaphore_mem>>)
    %add3A_78 = arith.constant 40 : i32
    %add3A_79 = arith.addi %mul3A_72, %add3A_78 : i32
    %dma_start3A_80 = tpu.memref_slice %arg3[%add3A_79] : memref<640000xi32, #tpu.memory_space<hbm>> -> memref<40xi32, #tpu.memory_space<hbm>>
    %dma_start3A_81 = tpu.memref_slice %arg3[%add3A_79] : memref<640000xi32, #tpu.memory_space<hbm>> -> memref<40xi32, #tpu.memory_space<hbm>>
    tpu.enqueue_dma source(%dma_start3A_81 : memref<40xi32, #tpu.memory_space<hbm>>) target(%arg7 : memref<40xi32, #tpu.memory_space<vmem>>) target_semaphore(%arg18 : memref<!tpu.dma_semaphore, #tpu.memory_space<semaphore_mem>>)
    %dma_start3A_82 = tpu.memref_slice %arg4[%add3A_79] : memref<640000xi32, #tpu.memory_space<hbm>> -> memref<40xi32, #tpu.memory_space<hbm>>
    %dma_start3A_83 = tpu.memref_slice %arg4[%add3A_79] : memref<640000xi32, #tpu.memory_space<hbm>> -> memref<40xi32, #tpu.memory_space<hbm>>
    tpu.enqueue_dma source(%dma_start3A_83 : memref<40xi32, #tpu.memory_space<hbm>>) target(%arg9 : memref<40xi32, #tpu.memory_space<vmem>>) target_semaphore(%arg18 : memref<!tpu.dma_semaphore, #tpu.memory_space<semaphore_mem>>)
    %dma_wait3A = arith.constant 0 : i32
    %dma_wait3A_84 = tpu.memref_slice %arg3[%dma_wait3A] : memref<640000xi32, #tpu.memory_space<hbm>> -> memref<40xi32, #tpu.memory_space<hbm>>
    %dma_wait3A_85 = arith.constant 0 : i32
    %dma_wait3A_86 = tpu.memref_slice %arg3[%dma_wait3A_85] : memref<640000xi32, #tpu.memory_space<hbm>> -> memref<40xi32, #tpu.memory_space<hbm>>
    tpu.wait_dma2 semaphore(%arg17 : memref<!tpu.dma_semaphore, #tpu.memory_space<semaphore_mem>>) src(%dma_wait3A_86 : memref<40xi32, #tpu.memory_space<hbm>>) dst(%arg6 : memref<40xi32, #tpu.memory_space<vmem>>)
    %dma_wait3A_87 = arith.constant 0 : i32
    %dma_wait3A_88 = tpu.memref_slice %arg4[%dma_wait3A_87] : memref<640000xi32, #tpu.memory_space<hbm>> -> memref<40xi32, #tpu.memory_space<hbm>>
    %dma_wait3A_89 = arith.constant 0 : i32
    %dma_wait3A_90 = tpu.memref_slice %arg4[%dma_wait3A_89] : memref<640000xi32, #tpu.memory_space<hbm>> -> memref<40xi32, #tpu.memory_space<hbm>>
    tpu.wait_dma2 semaphore(%arg17 : memref<!tpu.dma_semaphore, #tpu.memory_space<semaphore_mem>>) src(%dma_wait3A_90 : memref<40xi32, #tpu.memory_space<hbm>>) dst(%arg8 : memref<40xi32, #tpu.memory_space<vmem>>)
    %dma_start3A_91 = arith.constant 0 : i32
    %dma_start3A_92 = arith.constant 0 : i32
    %dma_start3A_93 = tpu.memref_slice %arg12[%dma_start3A_91, %dma_start3A_92] : memref<80x128xbf16, #tpu.memory_space<vmem>> -> memref<40x128xbf16, #tpu.memory_space<vmem>>
    %dma_start3A_94 = arith.constant 0 : i32
    %dma_start3A_95 = arith.constant 0 : i32
    %dma_start3A_96 = tpu.memref_slice %arg2[%dma_start3A_94, %dma_start3A_95] : memref<10000x128xbf16, #tpu.memory_space<hbm>> -> memref<10000x128xbf16, #tpu.memory_space<hbm>>
    tpu.enqueue_indirect_dma source(%dma_start3A_96 : memref<10000x128xbf16, #tpu.memory_space<hbm>>) target(%dma_start3A_93 : memref<40x128xbf16, #tpu.memory_space<vmem>>) offsets(%arg6 : memref<40xi32, #tpu.memory_space<vmem>>) semaphore(%arg19 : memref<!tpu.dma_semaphore, #tpu.memory_space<semaphore_mem>>)
    %dma_start3A_97 = arith.constant 40 : i32
    %dma_start3A_98 = arith.constant 0 : i32
    %dma_start3A_99 = tpu.memref_slice %arg12[%dma_start3A_97, %dma_start3A_98] : memref<80x128xbf16, #tpu.memory_space<vmem>> -> memref<40x128xbf16, #tpu.memory_space<vmem>>
    %dma_start3A_100 = arith.constant 0 : i32
    %dma_start3A_101 = arith.constant 0 : i32
    %dma_start3A_102 = tpu.memref_slice %arg2[%dma_start3A_100, %dma_start3A_101] : memref<10000x128xbf16, #tpu.memory_space<hbm>> -> memref<10000x128xbf16, #tpu.memory_space<hbm>>
    tpu.enqueue_indirect_dma source(%dma_start3A_102 : memref<10000x128xbf16, #tpu.memory_space<hbm>>) target(%dma_start3A_99 : memref<40x128xbf16, #tpu.memory_space<vmem>>) offsets(%arg8 : memref<40xi32, #tpu.memory_space<vmem>>) semaphore(%arg19 : memref<!tpu.dma_semaphore, #tpu.memory_space<semaphore_mem>>)
    %scan3A_103 = arith.constant 0 : i32
    %scan3A_104 = arith.constant 0 : i32
    %scan3A_105 = arith.constant 125 : i32
    %scan3A_106 = arith.addi %scan3A_104, %scan3A_105 : i32
    %scan3A_107 = arith.constant 1 : i32
    scf.for %scan3A_123 = %scan3A_104 to %scan3A_106 step %scan3A_107  : i32 {
      %mul3A_124 = arith.constant 4 : i32
      %mul3A_125 = arith.muli %mul3A_124, %scan3A_123 : i32
      %add3A_126 = arith.constant 0 : i32
      %add3A_127 = arith.addi %mul3A_125, %add3A_126 : i32
      %dma_wait3A_128 = arith.constant 0 : i32
      %dma_wait3A_129 = arith.constant 0 : i32
      %dma_wait3A_130 = tpu.memref_slice %arg12[%dma_wait3A_128, %dma_wait3A_129] : memref<80x128xbf16, #tpu.memory_space<vmem>> -> memref<40x128xbf16, #tpu.memory_space<vmem>>
      %dma_wait3A_131 = arith.constant 0 : i32
      %dma_wait3A_132 = arith.constant 0 : i32
      %dma_wait3A_133 = tpu.memref_slice %arg2[%dma_wait3A_131, %dma_wait3A_132] : memref<10000x128xbf16, #tpu.memory_space<hbm>> -> memref<10000x128xbf16, #tpu.memory_space<hbm>>
      tpu.wait_indirect_dma semaphore(%arg19 : memref<!tpu.dma_semaphore, #tpu.memory_space<semaphore_mem>>) src(%dma_wait3A_133 : memref<10000x128xbf16, #tpu.memory_space<hbm>>) dst(%dma_wait3A_130 : memref<40x128xbf16, #tpu.memory_space<vmem>>)
      %dma_wait3A_134 = arith.constant 40 : i32
      %dma_wait3A_135 = arith.constant 0 : i32
      %dma_wait3A_136 = tpu.memref_slice %arg12[%dma_wait3A_134, %dma_wait3A_135] : memref<80x128xbf16, #tpu.memory_space<vmem>> -> memref<40x128xbf16, #tpu.memory_space<vmem>>
      %dma_wait3A_137 = arith.constant 0 : i32
      %dma_wait3A_138 = arith.constant 0 : i32
      %dma_wait3A_139 = tpu.memref_slice %arg2[%dma_wait3A_137, %dma_wait3A_138] : memref<10000x128xbf16, #tpu.memory_space<hbm>> -> memref<10000x128xbf16, #tpu.memory_space<hbm>>
      tpu.wait_indirect_dma semaphore(%arg19 : memref<!tpu.dma_semaphore, #tpu.memory_space<semaphore_mem>>) src(%dma_wait3A_139 : memref<10000x128xbf16, #tpu.memory_space<hbm>>) dst(%dma_wait3A_136 : memref<40x128xbf16, #tpu.memory_space<vmem>>)
      %dma_wait3A_140 = arith.constant 0 : i32
      %dma_wait3A_141 = tpu.memref_slice %arg3[%dma_wait3A_140] : memref<640000xi32, #tpu.memory_space<hbm>> -> memref<40xi32, #tpu.memory_space<hbm>>
      %dma_wait3A_142 = arith.constant 0 : i32
      %dma_wait3A_143 = tpu.memref_slice %arg3[%dma_wait3A_142] : memref<640000xi32, #tpu.memory_space<hbm>> -> memref<40xi32, #tpu.memory_space<hbm>>
      tpu.wait_dma2 semaphore(%arg18 : memref<!tpu.dma_semaphore, #tpu.memory_space<semaphore_mem>>) src(%dma_wait3A_143 : memref<40xi32, #tpu.memory_space<hbm>>) dst(%arg7 : memref<40xi32, #tpu.memory_space<vmem>>)
      %dma_wait3A_144 = arith.constant 0 : i32
      %dma_wait3A_145 = tpu.memref_slice %arg4[%dma_wait3A_144] : memref<640000xi32, #tpu.memory_space<hbm>> -> memref<40xi32, #tpu.memory_space<hbm>>
      %dma_wait3A_146 = arith.constant 0 : i32
      %dma_wait3A_147 = tpu.memref_slice %arg4[%dma_wait3A_146] : memref<640000xi32, #tpu.memory_space<hbm>> -> memref<40xi32, #tpu.memory_space<hbm>>
      tpu.wait_dma2 semaphore(%arg18 : memref<!tpu.dma_semaphore, #tpu.memory_space<semaphore_mem>>) src(%dma_wait3A_147 : memref<40xi32, #tpu.memory_space<hbm>>) dst(%arg9 : memref<40xi32, #tpu.memory_space<vmem>>)
      %dma_start3A_148 = arith.constant 0 : i32
      %dma_start3A_149 = arith.constant 0 : i32
      %dma_start3A_150 = tpu.memref_slice %arg13[%dma_start3A_148, %dma_start3A_149] : memref<80x128xbf16, #tpu.memory_space<vmem>> -> memref<40x128xbf16, #tpu.memory_space<vmem>>
      %dma_start3A_151 = arith.constant 0 : i32
      %dma_start3A_152 = arith.constant 0 : i32
      %dma_start3A_153 = tpu.memref_slice %arg2[%dma_start3A_151, %dma_start3A_152] : memref<10000x128xbf16, #tpu.memory_space<hbm>> -> memref<10000x128xbf16, #tpu.memory_space<hbm>>
      tpu.enqueue_indirect_dma source(%dma_start3A_153 : memref<10000x128xbf16, #tpu.memory_space<hbm>>) target(%dma_start3A_150 : memref<40x128xbf16, #tpu.memory_space<vmem>>) offsets(%arg7 : memref<40xi32, #tpu.memory_space<vmem>>) semaphore(%arg20 : memref<!tpu.dma_semaphore, #tpu.memory_space<semaphore_mem>>)
      %dma_start3A_154 = arith.constant 40 : i32
      %dma_start3A_155 = arith.constant 0 : i32
      %dma_start3A_156 = tpu.memref_slice %arg13[%dma_start3A_154, %dma_start3A_155] : memref<80x128xbf16, #tpu.memory_space<vmem>> -> memref<40x128xbf16, #tpu.memory_space<vmem>>
      %dma_start3A_157 = arith.constant 0 : i32
      %dma_start3A_158 = arith.constant 0 : i32
      %dma_start3A_159 = tpu.memref_slice %arg2[%dma_start3A_157, %dma_start3A_158] : memref<10000x128xbf16, #tpu.memory_space<hbm>> -> memref<10000x128xbf16, #tpu.memory_space<hbm>>
      tpu.enqueue_indirect_dma source(%dma_start3A_159 : memref<10000x128xbf16, #tpu.memory_space<hbm>>) target(%dma_start3A_156 : memref<40x128xbf16, #tpu.memory_space<vmem>>) offsets(%arg9 : memref<40xi32, #tpu.memory_space<vmem>>) semaphore(%arg20 : memref<!tpu.dma_semaphore, #tpu.memory_space<semaphore_mem>>)
      %ge3A = arith.constant 1 : i32
      %ge3A_160 = arith.cmpi sge, %scan3A_123, %ge3A : i32
      %convert_element_type3A = arith.extui %ge3A_160 : i1 to i32
      %cond3A = arith.constant 0 : i32
      %cond3A_161 = arith.cmpi ne, %convert_element_type3A, %cond3A : i32
      scf.if %cond3A_161 {
        %dma_wait3A_316 = arith.constant 0 : i32
        %dma_wait3A_317 = arith.constant 0 : i32
        %dma_wait3A_318 = tpu.memref_slice %arg16[%dma_wait3A_316, %dma_wait3A_317] : memref<10240x144xf32, #tpu.memory_space<vmem_shared>> -> memref<10240x144xf32, #tpu.memory_space<vmem_shared>>
        tpu.wait_indirect_dma semaphore(%arg21 : memref<!tpu.dma_semaphore, #tpu.memory_space<semaphore_mem>>) src(%arg14 : memref<40x144xf32, #tpu.memory_space<vmem>>) dst(%dma_wait3A_318 : memref<10240x144xf32, #tpu.memory_space<vmem_shared>>)
      } else {
      }
      %add3A_162 = arith.constant 2 : i32
      %add3A_163 = arith.addi %add3A_127, %add3A_162 : i32
      %mul3A_164 = arith.constant 40 : i32
      %mul3A_165 = arith.muli %add3A_163, %mul3A_164 : i32
      %add3A_166 = arith.addi %mul3A_72, %mul3A_165 : i32
      %dma_start3A_167 = tpu.memref_slice %arg3[%add3A_166] : memref<640000xi32, #tpu.memory_space<hbm>> -> memref<40xi32, #tpu.memory_space<hbm>>
      %dma_start3A_168 = tpu.memref_slice %arg3[%add3A_166] : memref<640000xi32, #tpu.memory_space<hbm>> -> memref<40xi32, #tpu.memory_space<hbm>>
      tpu.enqueue_dma source(%dma_start3A_168 : memref<40xi32, #tpu.memory_space<hbm>>) target(%arg6 : memref<40xi32, #tpu.memory_space<vmem>>) target_semaphore(%arg17 : memref<!tpu.dma_semaphore, #tpu.memory_space<semaphore_mem>>)
      %dma_start3A_169 = tpu.memref_slice %arg4[%add3A_166] : memref<640000xi32, #tpu.memory_space<hbm>> -> memref<40xi32, #tpu.memory_space<hbm>>
      %dma_start3A_170 = tpu.memref_slice %arg4[%add3A_166] : memref<640000xi32, #tpu.memory_space<hbm>> -> memref<40xi32, #tpu.memory_space<hbm>>
      tpu.enqueue_dma source(%dma_start3A_170 : memref<40xi32, #tpu.memory_space<hbm>>) target(%arg10 : memref<40xi32, #tpu.memory_space<vmem>>) target_semaphore(%arg17 : memref<!tpu.dma_semaphore, #tpu.memory_space<semaphore_mem>>)
      %parallel_loop3A = arith.constant 0 : i32
      %parallel_loop3A_171 = arith.constant 40 : i32
      %parallel_loop3A_172 = arith.constant 1 : i32
      scf.for %parallel_loop3A_316 = %parallel_loop3A to %parallel_loop3A_171 step %parallel_loop3A_172  : i32 {
        %parallel_loop3A_317 = arith.index_cast %parallel_loop3A_316 : i32 to index
        %parallel_loop3A_318 = arith.constant 0 : index
        %parallel_loop3A_319 = tpu.vector_load %arg12[%parallel_loop3A_317, %parallel_loop3A_318] {strides = array<i32>} : memref<80x128xbf16, #tpu.memory_space<vmem>>, vector<32xbf16>,
        %parallel_loop3A_320 = arith.constant 40 : i32
        %parallel_loop3A_321 = arith.addi %parallel_loop3A_316, %parallel_loop3A_320 : i32
        %parallel_loop3A_322 = arith.index_cast %parallel_loop3A_321 : i32 to index
        %parallel_loop3A_323 = arith.constant 0 : index
        %parallel_loop3A_324 = tpu.vector_load %arg12[%parallel_loop3A_322, %parallel_loop3A_323] {strides = array<i32>} : memref<80x128xbf16, #tpu.memory_space<vmem>>, vector<32xbf16>,
        %parallel_loop3A_325 = tpu.unpack_subelements %parallel_loop3A_319, 0 {pack_format = #tpu.pack_format<interleaved>} : vector<32xbf16> -> vector<16xf32>
        %parallel_loop3A_326 = tpu.unpack_subelements %parallel_loop3A_319, 1 {pack_format = #tpu.pack_format<interleaved>} : vector<32xbf16> -> vector<16xf32>
        %parallel_loop3A_327 = tpu.unpack_subelements %parallel_loop3A_324, 0 {pack_format = #tpu.pack_format<interleaved>} : vector<32xbf16> -> vector<16xf32>
        %parallel_loop3A_328 = tpu.unpack_subelements %parallel_loop3A_324, 1 {pack_format = #tpu.pack_format<interleaved>} : vector<32xbf16> -> vector<16xf32>
        %parallel_loop3A_329 = arith.constant 0.000000e+00 : f32
        %parallel_loop3A_330 = vector.broadcast %parallel_loop3A_329 : f32 to vector<16xf32>
        %parallel_loop3A_331 = arith.cmpf ogt, %parallel_loop3A_325, %parallel_loop3A_330 : vector<16xf32>
        %parallel_loop3A_332 = arith.constant 0.00999999977 : f32
        %parallel_loop3A_333 = vector.broadcast %parallel_loop3A_332 : f32 to vector<16xf32>
        %parallel_loop3A_334 = arith.mulf %parallel_loop3A_325, %parallel_loop3A_333 : vector<16xf32>
        %parallel_loop3A_335 = arith.select %parallel_loop3A_331, %parallel_loop3A_325, %parallel_loop3A_334 : vector<16xi1>, vector<16xf32>
        %parallel_loop3A_336 = arith.mulf %parallel_loop3A_327, %parallel_loop3A_335 : vector<16xf32>
        %parallel_loop3A_337 = arith.addf %broadcast_in_dim3A_0, %parallel_loop3A_336 : vector<16xf32>
        %parallel_loop3A_338 = arith.constant 0.000000e+00 : f32
        %parallel_loop3A_339 = vector.broadcast %parallel_loop3A_338 : f32 to vector<16xf32>
        %parallel_loop3A_340 = arith.cmpf ogt, %parallel_loop3A_326, %parallel_loop3A_339 : vector<16xf32>
        %parallel_loop3A_341 = arith.constant 0.00999999977 : f32
        %parallel_loop3A_342 = vector.broadcast %parallel_loop3A_341 : f32 to vector<16xf32>
        %parallel_loop3A_343 = arith.mulf %parallel_loop3A_326, %parallel_loop3A_342 : vector<16xf32>
        %parallel_loop3A_344 = arith.select %parallel_loop3A_340, %parallel_loop3A_326, %parallel_loop3A_343 : vector<16xi1>, vector<16xf32>
        %parallel_loop3A_345 = arith.mulf %parallel_loop3A_328, %parallel_loop3A_344 : vector<16xf32>
        %parallel_loop3A_346 = arith.addf %parallel_loop3A_337, %parallel_loop3A_345 : vector<16xf32>
        %parallel_loop3A_347 = arith.index_cast %parallel_loop3A_316 : i32 to index
        %parallel_loop3A_348 = arith.constant 32 : index
        %parallel_loop3A_349 = tpu.vector_load %arg12[%parallel_loop3A_347, %parallel_loop3A_348] {strides = array<i32>} : memref<80x128xbf16, #tpu.memory_space<vmem>>, vector<32xbf16>,
        %parallel_loop3A_350 = arith.constant 40 : i32
        %parallel_loop3A_351 = arith.addi %parallel_loop3A_316, %parallel_loop3A_350 : i32
        %parallel_loop3A_352 = arith.index_cast %parallel_loop3A_351 : i32 to index
        %parallel_loop3A_353 = arith.constant 32 : index
        %parallel_loop3A_354 = tpu.vector_load %arg12[%parallel_loop3A_352, %parallel_loop3A_353] {strides = array<i32>} : memref<80x128xbf16, #tpu.memory_space<vmem>>, vector<32xbf16>,
        %parallel_loop3A_355 = tpu.unpack_subelements %parallel_loop3A_349, 0 {pack_format = #tpu.pack_format<interleaved>} : vector<32xbf16> -> vector<16xf32>
        %parallel_loop3A_356 = tpu.unpack_subelements %parallel_loop3A_349, 1 {pack_format = #tpu.pack_format<interleaved>} : vector<32xbf16> -> vector<16xf32>
        %parallel_loop3A_357 = tpu.unpack_subelements %parallel_loop3A_354, 0 {pack_format = #tpu.pack_format<interleaved>} : vector<32xbf16> -> vector<16xf32>
        %parallel_loop3A_358 = tpu.unpack_subelements %parallel_loop3A_354, 1 {pack_format = #tpu.pack_format<interleaved>} : vector<32xbf16> -> vector<16xf32>
        %parallel_loop3A_359 = arith.constant 0.000000e+00 : f32
        %parallel_loop3A_360 = vector.broadcast %parallel_loop3A_359 : f32 to vector<16xf32>
        %parallel_loop3A_361 = arith.cmpf ogt, %parallel_loop3A_355, %parallel_loop3A_360 : vector<16xf32>
        %parallel_loop3A_362 = arith.constant 0.00999999977 : f32
        %parallel_loop3A_363 = vector.broadcast %parallel_loop3A_362 : f32 to vector<16xf32>
        %parallel_loop3A_364 = arith.mulf %parallel_loop3A_355, %parallel_loop3A_363 : vector<16xf32>
        %parallel_loop3A_365 = arith.select %parallel_loop3A_361, %parallel_loop3A_355, %parallel_loop3A_364 : vector<16xi1>, vector<16xf32>
        %parallel_loop3A_366 = arith.mulf %parallel_loop3A_357, %parallel_loop3A_365 : vector<16xf32>
        %parallel_loop3A_367 = arith.addf %parallel_loop3A_346, %parallel_loop3A_366 : vector<16xf32>
        %parallel_loop3A_368 = arith.constant 0.000000e+00 : f32
        %parallel_loop3A_369 = vector.broadcast %parallel_loop3A_368 : f32 to vector<16xf32>
        %parallel_loop3A_370 = arith.cmpf ogt, %parallel_loop3A_356, %parallel_loop3A_369 : vector<16xf32>
        %parallel_loop3A_371 = arith.constant 0.00999999977 : f32
        %parallel_loop3A_372 = vector.broadcast %parallel_loop3A_371 : f32 to vector<16xf32>
        %parallel_loop3A_373 = arith.mulf %parallel_loop3A_356, %parallel_loop3A_372 : vector<16xf32>
        %parallel_loop3A_374 = arith.select %parallel_loop3A_370, %parallel_loop3A_356, %parallel_loop3A_373 : vector<16xi1>, vector<16xf32>
        %parallel_loop3A_375 = arith.mulf %parallel_loop3A_358, %parallel_loop3A_374 : vector<16xf32>
        %parallel_loop3A_376 = arith.addf %parallel_loop3A_367, %parallel_loop3A_375 : vector<16xf32>
        %parallel_loop3A_377 = arith.index_cast %parallel_loop3A_316 : i32 to index
        %parallel_loop3A_378 = arith.constant 64 : index
        %parallel_loop3A_379 = tpu.vector_load %arg12[%parallel_loop3A_377, %parallel_loop3A_378] {strides = array<i32>} : memref<80x128xbf16, #tpu.memory_space<vmem>>, vector<32xbf16>,
        %parallel_loop3A_380 = arith.constant 40 : i32
        %parallel_loop3A_381 = arith.addi %parallel_loop3A_316, %parallel_loop3A_380 : i32
        %parallel_loop3A_382 = arith.index_cast %parallel_loop3A_381 : i32 to index
        %parallel_loop3A_383 = arith.constant 64 : index
        %parallel_loop3A_384 = tpu.vector_load %arg12[%parallel_loop3A_382, %parallel_loop3A_383] {strides = array<i32>} : memref<80x128xbf16, #tpu.memory_space<vmem>>, vector<32xbf16>,
        %parallel_loop3A_385 = tpu.unpack_subelements %parallel_loop3A_379, 0 {pack_format = #tpu.pack_format<interleaved>} : vector<32xbf16> -> vector<16xf32>
        %parallel_loop3A_386 = tpu.unpack_subelements %parallel_loop3A_379, 1 {pack_format = #tpu.pack_format<interleaved>} : vector<32xbf16> -> vector<16xf32>
        %parallel_loop3A_387 = tpu.unpack_subelements %parallel_loop3A_384, 0 {pack_format = #tpu.pack_format<interleaved>} : vector<32xbf16> -> vector<16xf32>
        %parallel_loop3A_388 = tpu.unpack_subelements %parallel_loop3A_384, 1 {pack_format = #tpu.pack_format<interleaved>} : vector<32xbf16> -> vector<16xf32>
        %parallel_loop3A_389 = arith.constant 0.000000e+00 : f32
        %parallel_loop3A_390 = vector.broadcast %parallel_loop3A_389 : f32 to vector<16xf32>
        %parallel_loop3A_391 = arith.cmpf ogt, %parallel_loop3A_385, %parallel_loop3A_390 : vector<16xf32>
        %parallel_loop3A_392 = arith.constant 0.00999999977 : f32
        %parallel_loop3A_393 = vector.broadcast %parallel_loop3A_392 : f32 to vector<16xf32>
        %parallel_loop3A_394 = arith.mulf %parallel_loop3A_385, %parallel_loop3A_393 : vector<16xf32>
        %parallel_loop3A_395 = arith.select %parallel_loop3A_391, %parallel_loop3A_385, %parallel_loop3A_394 : vector<16xi1>, vector<16xf32>
        %parallel_loop3A_396 = arith.mulf %parallel_loop3A_387, %parallel_loop3A_395 : vector<16xf32>
        %parallel_loop3A_397 = arith.addf %parallel_loop3A_376, %parallel_loop3A_396 : vector<16xf32>
        %parallel_loop3A_398 = arith.constant 0.000000e+00 : f32
        %parallel_loop3A_399 = vector.broadcast %parallel_loop3A_398 : f32 to vector<16xf32>
        %parallel_loop3A_400 = arith.cmpf ogt, %parallel_loop3A_386, %parallel_loop3A_399 : vector<16xf32>
        %parallel_loop3A_401 = arith.constant 0.00999999977 : f32
        %parallel_loop3A_402 = vector.broadcast %parallel_loop3A_401 : f32 to vector<16xf32>
        %parallel_loop3A_403 = arith.mulf %parallel_loop3A_386, %parallel_loop3A_402 : vector<16xf32>
        %parallel_loop3A_404 = arith.select %parallel_loop3A_400, %parallel_loop3A_386, %parallel_loop3A_403 : vector<16xi1>, vector<16xf32>
        %parallel_loop3A_405 = arith.mulf %parallel_loop3A_388, %parallel_loop3A_404 : vector<16xf32>
        %parallel_loop3A_406 = arith.addf %parallel_loop3A_397, %parallel_loop3A_405 : vector<16xf32>
        %parallel_loop3A_407 = arith.index_cast %parallel_loop3A_316 : i32 to index
        %parallel_loop3A_408 = arith.constant 96 : index
        %parallel_loop3A_409 = tpu.vector_load %arg12[%parallel_loop3A_407, %parallel_loop3A_408] {strides = array<i32>} : memref<80x128xbf16, #tpu.memory_space<vmem>>, vector<32xbf16>,
        %parallel_loop3A_410 = arith.constant 40 : i32
        %parallel_loop3A_411 = arith.addi %parallel_loop3A_316, %parallel_loop3A_410 : i32
        %parallel_loop3A_412 = arith.index_cast %parallel_loop3A_411 : i32 to index
        %parallel_loop3A_413 = arith.constant 96 : index
        %parallel_loop3A_414 = tpu.vector_load %arg12[%parallel_loop3A_412, %parallel_loop3A_413] {strides = array<i32>} : memref<80x128xbf16, #tpu.memory_space<vmem>>, vector<32xbf16>,
        %parallel_loop3A_415 = tpu.unpack_subelements %parallel_loop3A_409, 0 {pack_format = #tpu.pack_format<interleaved>} : vector<32xbf16> -> vector<16xf32>
        %parallel_loop3A_416 = tpu.unpack_subelements %parallel_loop3A_409, 1 {pack_format = #tpu.pack_format<interleaved>} : vector<32xbf16> -> vector<16xf32>
        %parallel_loop3A_417 = tpu.unpack_subelements %parallel_loop3A_414, 0 {pack_format = #tpu.pack_format<interleaved>} : vector<32xbf16> -> vector<16xf32>
        %parallel_loop3A_418 = tpu.unpack_subelements %parallel_loop3A_414, 1 {pack_format = #tpu.pack_format<interleaved>} : vector<32xbf16> -> vector<16xf32>
        %parallel_loop3A_419 = arith.constant 0.000000e+00 : f32
        %parallel_loop3A_420 = vector.broadcast %parallel_loop3A_419 : f32 to vector<16xf32>
        %parallel_loop3A_421 = arith.cmpf ogt, %parallel_loop3A_415, %parallel_loop3A_420 : vector<16xf32>
        %parallel_loop3A_422 = arith.constant 0.00999999977 : f32
        %parallel_loop3A_423 = vector.broadcast %parallel_loop3A_422 : f32 to vector<16xf32>
        %parallel_loop3A_424 = arith.mulf %parallel_loop3A_415, %parallel_loop3A_423 : vector<16xf32>
        %parallel_loop3A_425 = arith.select %parallel_loop3A_421, %parallel_loop3A_415, %parallel_loop3A_424 : vector<16xi1>, vector<16xf32>
        %parallel_loop3A_426 = arith.mulf %parallel_loop3A_417, %parallel_loop3A_425 : vector<16xf32>
        %parallel_loop3A_427 = arith.addf %parallel_loop3A_406, %parallel_loop3A_426 : vector<16xf32>
        %parallel_loop3A_428 = arith.constant 0.000000e+00 : f32
        %parallel_loop3A_429 = vector.broadcast %parallel_loop3A_428 : f32 to vector<16xf32>
        %parallel_loop3A_430 = arith.cmpf ogt, %parallel_loop3A_416, %parallel_loop3A_429 : vector<16xf32>
        %parallel_loop3A_431 = arith.constant 0.00999999977 : f32
        %parallel_loop3A_432 = vector.broadcast %parallel_loop3A_431 : f32 to vector<16xf32>
        %parallel_loop3A_433 = arith.mulf %parallel_loop3A_416, %parallel_loop3A_432 : vector<16xf32>
        %parallel_loop3A_434 = arith.select %parallel_loop3A_430, %parallel_loop3A_416, %parallel_loop3A_433 : vector<16xi1>, vector<16xf32>
        %parallel_loop3A_435 = arith.mulf %parallel_loop3A_418, %parallel_loop3A_434 : vector<16xf32>
        %parallel_loop3A_436 = arith.addf %parallel_loop3A_427, %parallel_loop3A_435 : vector<16xf32>
        %parallel_loop3A_437 = arith.constant true
        %parallel_loop3A_438 = vector.broadcast %parallel_loop3A_437 : i1 to vector<16xi1>
        %parallel_loop3A_439 = tpu.scan <sum>, %parallel_loop3A_436 masked %parallel_loop3A_438 : vector<16xf32>, vector<16xi1> -> vector<16xf32>
        %parallel_loop3A_440 = vector.extract %parallel_loop3A_439[15] : f32 from vector<16xf32>
        %parallel_loop3A_441 = vector.broadcast %parallel_loop3A_440 : f32 to vector<16xf32>
        %parallel_loop3A_442 = math.exp %parallel_loop3A_441 : vector<16xf32>
        %parallel_loop3A_443 = arith.mulf %parallel_loop3A_325, %parallel_loop3A_442 : vector<16xf32>
        %parallel_loop3A_444 = arith.index_cast %parallel_loop3A_316 : i32 to index
        %parallel_loop3A_445 = arith.constant 0 : index
        %parallel_loop3A_446 = tpu.vector_load %arg14[%parallel_loop3A_444, %parallel_loop3A_445] {strides = array<i32>} : memref<40x144xf32, #tpu.memory_space<vmem>>, vector<16xf32>,
        tpu.vector_store %arg14[%parallel_loop3A_444, %parallel_loop3A_445], %parallel_loop3A_443 {strides = array<i32>} : memref<40x144xf32, #tpu.memory_space<vmem>>, vector<16xf32>,
        %parallel_loop3A_447 = arith.mulf %parallel_loop3A_326, %parallel_loop3A_442 : vector<16xf32>
        %parallel_loop3A_448 = arith.index_cast %parallel_loop3A_316 : i32 to index
        %parallel_loop3A_449 = arith.constant 16 : index
        %parallel_loop3A_450 = tpu.vector_load %arg14[%parallel_loop3A_448, %parallel_loop3A_449] {strides = array<i32>} : memref<40x144xf32, #tpu.memory_space<vmem>>, vector<16xf32>,
        tpu.vector_store %arg14[%parallel_loop3A_448, %parallel_loop3A_449], %parallel_loop3A_447 {strides = array<i32>} : memref<40x144xf32, #tpu.memory_space<vmem>>, vector<16xf32>,
        %parallel_loop3A_451 = arith.mulf %parallel_loop3A_355, %parallel_loop3A_442 : vector<16xf32>
        %parallel_loop3A_452 = arith.index_cast %parallel_loop3A_316 : i32 to index
        %parallel_loop3A_453 = arith.constant 32 : index
        %parallel_loop3A_454 = tpu.vector_load %arg14[%parallel_loop3A_452, %parallel_loop3A_453] {strides = array<i32>} : memref<40x144xf32, #tpu.memory_space<vmem>>, vector<16xf32>,
        tpu.vector_store %arg14[%parallel_loop3A_452, %parallel_loop3A_453], %parallel_loop3A_451 {strides = array<i32>} : memref<40x144xf32, #tpu.memory_space<vmem>>, vector<16xf32>,
        %parallel_loop3A_455 = arith.mulf %parallel_loop3A_356, %parallel_loop3A_442 : vector<16xf32>
        %parallel_loop3A_456 = arith.index_cast %parallel_loop3A_316 : i32 to index
        %parallel_loop3A_457 = arith.constant 48 : index
        %parallel_loop3A_458 = tpu.vector_load %arg14[%parallel_loop3A_456, %parallel_loop3A_457] {strides = array<i32>} : memref<40x144xf32, #tpu.memory_space<vmem>>, vector<16xf32>,
        tpu.vector_store %arg14[%parallel_loop3A_456, %parallel_loop3A_457], %parallel_loop3A_455 {strides = array<i32>} : memref<40x144xf32, #tpu.memory_space<vmem>>, vector<16xf32>,
        %parallel_loop3A_459 = arith.mulf %parallel_loop3A_385, %parallel_loop3A_442 : vector<16xf32>
        %parallel_loop3A_460 = arith.index_cast %parallel_loop3A_316 : i32 to index
        %parallel_loop3A_461 = arith.constant 64 : index
        %parallel_loop3A_462 = tpu.vector_load %arg14[%parallel_loop3A_460, %parallel_loop3A_461] {strides = array<i32>} : memref<40x144xf32, #tpu.memory_space<vmem>>, vector<16xf32>,
        tpu.vector_store %arg14[%parallel_loop3A_460, %parallel_loop3A_461], %parallel_loop3A_459 {strides = array<i32>} : memref<40x144xf32, #tpu.memory_space<vmem>>, vector<16xf32>,
        %parallel_loop3A_463 = arith.mulf %parallel_loop3A_386, %parallel_loop3A_442 : vector<16xf32>
        %parallel_loop3A_464 = arith.index_cast %parallel_loop3A_316 : i32 to index
        %parallel_loop3A_465 = arith.constant 80 : index
        %parallel_loop3A_466 = tpu.vector_load %arg14[%parallel_loop3A_464, %parallel_loop3A_465] {strides = array<i32>} : memref<40x144xf32, #tpu.memory_space<vmem>>, vector<16xf32>,
        tpu.vector_store %arg14[%parallel_loop3A_464, %parallel_loop3A_465], %parallel_loop3A_463 {strides = array<i32>} : memref<40x144xf32, #tpu.memory_space<vmem>>, vector<16xf32>,
        %parallel_loop3A_467 = arith.mulf %parallel_loop3A_415, %parallel_loop3A_442 : vector<16xf32>
        %parallel_loop3A_468 = arith.index_cast %parallel_loop3A_316 : i32 to index
        %parallel_loop3A_469 = arith.constant 96 : index
        %parallel_loop3A_470 = tpu.vector_load %arg14[%parallel_loop3A_468, %parallel_loop3A_469] {strides = array<i32>} : memref<40x144xf32, #tpu.memory_space<vmem>>, vector<16xf32>,
        tpu.vector_store %arg14[%parallel_loop3A_468, %parallel_loop3A_469], %parallel_loop3A_467 {strides = array<i32>} : memref<40x144xf32, #tpu.memory_space<vmem>>, vector<16xf32>,
        %parallel_loop3A_471 = arith.mulf %parallel_loop3A_416, %parallel_loop3A_442 : vector<16xf32>
        %parallel_loop3A_472 = arith.index_cast %parallel_loop3A_316 : i32 to index
        %parallel_loop3A_473 = arith.constant 112 : index
        %parallel_loop3A_474 = tpu.vector_load %arg14[%parallel_loop3A_472, %parallel_loop3A_473] {strides = array<i32>} : memref<40x144xf32, #tpu.memory_space<vmem>>, vector<16xf32>,
        tpu.vector_store %arg14[%parallel_loop3A_472, %parallel_loop3A_473], %parallel_loop3A_471 {strides = array<i32>} : memref<40x144xf32, #tpu.memory_space<vmem>>, vector<16xf32>,
        %parallel_loop3A_475 = arith.constant 0 : i32
        %parallel_loop3A_476 = vector.broadcast %parallel_loop3A_475 : i32 to vector<16xi32>
        %parallel_loop3A_477 = arith.cmpi eq, %iota3A, %parallel_loop3A_476 : vector<16xi32>
        %parallel_loop3A_478 = arith.constant 0.000000e+00 : f32
        %parallel_loop3A_479 = vector.broadcast %parallel_loop3A_478 : f32 to vector<16xf32>
        %parallel_loop3A_480 = arith.select %parallel_loop3A_477, %parallel_loop3A_442, %parallel_loop3A_479 : vector<16xi1>, vector<16xf32>
        %parallel_loop3A_481 = arith.index_cast %parallel_loop3A_316 : i32 to index
        %parallel_loop3A_482 = arith.constant 128 : index
        %parallel_loop3A_483 = tpu.vector_load %arg14[%parallel_loop3A_481, %parallel_loop3A_482] {strides = array<i32>} : memref<40x144xf32, #tpu.memory_space<vmem>>, vector<16xf32>,
        tpu.vector_store %arg14[%parallel_loop3A_481, %parallel_loop3A_482], %parallel_loop3A_480 {strides = array<i32>} : memref<40x144xf32, #tpu.memory_space<vmem>>, vector<16xf32>,
      } {sc.loop_unroll_factor = 2 : i64, sc.parallel_access}
      %dma_start3A_173 = arith.constant 0 : i32
      %dma_start3A_174 = arith.constant 0 : i32
      %dma_start3A_175 = tpu.memref_slice %arg16[%dma_start3A_173, %dma_start3A_174] : memref<10240x144xf32, #tpu.memory_space<vmem_shared>> -> memref<10240x144xf32, #tpu.memory_space<vmem_shared>>
      tpu.enqueue_indirect_dma source(%arg14 : memref<40x144xf32, #tpu.memory_space<vmem>>) target(%dma_start3A_175 : memref<10240x144xf32, #tpu.memory_space<vmem_shared>>) offsets(%arg8 : memref<40xi32, #tpu.memory_space<vmem>>) semaphore(%arg21 : memref<!tpu.dma_semaphore, #tpu.memory_space<semaphore_mem>>) {add = true}
      %mul3A_176 = arith.constant 4 : i32
      %mul3A_177 = arith.muli %mul3A_176, %scan3A_123 : i32
      %add3A_178 = arith.constant 1 : i32
      %add3A_179 = arith.addi %mul3A_177, %add3A_178 : i32
      %dma_wait3A_180 = arith.constant 0 : i32
      %dma_wait3A_181 = arith.constant 0 : i32
      %dma_wait3A_182 = tpu.memref_slice %arg13[%dma_wait3A_180, %dma_wait3A_181] : memref<80x128xbf16, #tpu.memory_space<vmem>> -> memref<40x128xbf16, #tpu.memory_space<vmem>>
      %dma_wait3A_183 = arith.constant 0 : i32
      %dma_wait3A_184 = arith.constant 0 : i32
      %dma_wait3A_185 = tpu.memref_slice %arg2[%dma_wait3A_183, %dma_wait3A_184] : memref<10000x128xbf16, #tpu.memory_space<hbm>> -> memref<10000x128xbf16, #tpu.memory_space<hbm>>
      tpu.wait_indirect_dma semaphore(%arg20 : memref<!tpu.dma_semaphore, #tpu.memory_space<semaphore_mem>>) src(%dma_wait3A_185 : memref<10000x128xbf16, #tpu.memory_space<hbm>>) dst(%dma_wait3A_182 : memref<40x128xbf16, #tpu.memory_space<vmem>>)
      %dma_wait3A_186 = arith.constant 40 : i32
      %dma_wait3A_187 = arith.constant 0 : i32
      %dma_wait3A_188 = tpu.memref_slice %arg13[%dma_wait3A_186, %dma_wait3A_187] : memref<80x128xbf16, #tpu.memory_space<vmem>> -> memref<40x128xbf16, #tpu.memory_space<vmem>>
      %dma_wait3A_189 = arith.constant 0 : i32
      %dma_wait3A_190 = arith.constant 0 : i32
      %dma_wait3A_191 = tpu.memref_slice %arg2[%dma_wait3A_189, %dma_wait3A_190] : memref<10000x128xbf16, #tpu.memory_space<hbm>> -> memref<10000x128xbf16, #tpu.memory_space<hbm>>
      tpu.wait_indirect_dma semaphore(%arg20 : memref<!tpu.dma_semaphore, #tpu.memory_space<semaphore_mem>>) src(%dma_wait3A_191 : memref<10000x128xbf16, #tpu.memory_space<hbm>>) dst(%dma_wait3A_188 : memref<40x128xbf16, #tpu.memory_space<vmem>>)
      %dma_wait3A_192 = arith.constant 0 : i32
      %dma_wait3A_193 = tpu.memref_slice %arg3[%dma_wait3A_192] : memref<640000xi32, #tpu.memory_space<hbm>> -> memref<40xi32, #tpu.memory_space<hbm>>
      %dma_wait3A_194 = arith.constant 0 : i32
      %dma_wait3A_195 = tpu.memref_slice %arg3[%dma_wait3A_194] : memref<640000xi32, #tpu.memory_space<hbm>> -> memref<40xi32, #tpu.memory_space<hbm>>
      tpu.wait_dma2 semaphore(%arg17 : memref<!tpu.dma_semaphore, #tpu.memory_space<semaphore_mem>>) src(%dma_wait3A_195 : memref<40xi32, #tpu.memory_space<hbm>>) dst(%arg6 : memref<40xi32, #tpu.memory_space<vmem>>)
      %dma_wait3A_196 = arith.constant 0 : i32
      %dma_wait3A_197 = tpu.memref_slice %arg4[%dma_wait3A_196] : memref<640000xi32, #tpu.memory_space<hbm>> -> memref<40xi32, #tpu.memory_space<hbm>>
      %dma_wait3A_198 = arith.constant 0 : i32
      %dma_wait3A_199 = tpu.memref_slice %arg4[%dma_wait3A_198] : memref<640000xi32, #tpu.memory_space<hbm>> -> memref<40xi32, #tpu.memory_space<hbm>>
      tpu.wait_dma2 semaphore(%arg17 : memref<!tpu.dma_semaphore, #tpu.memory_space<semaphore_mem>>) src(%dma_wait3A_199 : memref<40xi32, #tpu.memory_space<hbm>>) dst(%arg10 : memref<40xi32, #tpu.memory_space<vmem>>)
      %dma_start3A_200 = arith.constant 0 : i32
      %dma_start3A_201 = arith.constant 0 : i32
      %dma_start3A_202 = tpu.memref_slice %arg12[%dma_start3A_200, %dma_start3A_201] : memref<80x128xbf16, #tpu.memory_space<vmem>> -> memref<40x128xbf16, #tpu.memory_space<vmem>>
      %dma_start3A_203 = arith.constant 0 : i32
      %dma_start3A_204 = arith.constant 0 : i32
      %dma_start3A_205 = tpu.memref_slice %arg2[%dma_start3A_203, %dma_start3A_204] : memref<10000x128xbf16, #tpu.memory_space<hbm>> -> memref<10000x128xbf16, #tpu.memory_space<hbm>>
      tpu.enqueue_indirect_dma source(%dma_start3A_205 : memref<10000x128xbf16, #tpu.memory_space<hbm>>) target(%dma_start3A_202 : memref<40x128xbf16, #tpu.memory_space<vmem>>) offsets(%arg6 : memref<40xi32, #tpu.memory_space<vmem>>) semaphore(%arg19 : memref<!tpu.dma_semaphore, #tpu.memory_space<semaphore_mem>>)
      %dma_start3A_206 = arith.constant 40 : i32
      %dma_start3A_207 = arith.constant 0 : i32
      %dma_start3A_208 = tpu.memref_slice %arg12[%dma_start3A_206, %dma_start3A_207] : memref<80x128xbf16, #tpu.memory_space<vmem>> -> memref<40x128xbf16, #tpu.memory_space<vmem>>
      %dma_start3A_209 = arith.constant 0 : i32
      %dma_start3A_210 = arith.constant 0 : i32
      %dma_start3A_211 = tpu.memref_slice %arg2[%dma_start3A_209, %dma_start3A_210] : memref<10000x128xbf16, #tpu.memory_space<hbm>> -> memref<10000x128xbf16, #tpu.memory_space<hbm>>
      tpu.enqueue_indirect_dma source(%dma_start3A_211 : memref<10000x128xbf16, #tpu.memory_space<hbm>>) target(%dma_start3A_208 : memref<40x128xbf16, #tpu.memory_space<vmem>>) offsets(%arg10 : memref<40xi32, #tpu.memory_space<vmem>>) semaphore(%arg19 : memref<!tpu.dma_semaphore, #tpu.memory_space<semaphore_mem>>)
      %ge3A_212 = arith.constant 1 : i32
      %ge3A_213 = arith.cmpi sge, %scan3A_123, %ge3A_212 : i32
      %convert_element_type3A_214 = arith.extui %ge3A_213 : i1 to i32
      %cond3A_215 = arith.constant 0 : i32
      %cond3A_216 = arith.cmpi ne, %convert_element_type3A_214, %cond3A_215 : i32
      scf.if %cond3A_216 {
        %dma_wait3A_316 = arith.constant 0 : i32
        %dma_wait3A_317 = arith.constant 0 : i32
        %dma_wait3A_318 = tpu.memref_slice %arg16[%dma_wait3A_316, %dma_wait3A_317] : memref<10240x144xf32, #tpu.memory_space<vmem_shared>> -> memref<10240x144xf32, #tpu.memory_space<vmem_shared>>
        tpu.wait_indirect_dma semaphore(%arg22 : memref<!tpu.dma_semaphore, #tpu.memory_space<semaphore_mem>>) src(%arg15 : memref<40x144xf32, #tpu.memory_space<vmem>>) dst(%dma_wait3A_318 : memref<10240x144xf32, #tpu.memory_space<vmem_shared>>)
      } else {
      }
      %add3A_217 = arith.constant 2 : i32
      %add3A_218 = arith.addi %add3A_179, %add3A_217 : i32
      %mul3A_219 = arith.constant 40 : i32
      %mul3A_220 = arith.muli %add3A_218, %mul3A_219 : i32
      %add3A_221 = arith.addi %mul3A_72, %mul3A_220 : i32
      %dma_start3A_222 = tpu.memref_slice %arg3[%add3A_221] : memref<640000xi32, #tpu.memory_space<hbm>> -> memref<40xi32, #tpu.memory_space<hbm>>
      %dma_start3A_223 = tpu.memref_slice %arg3[%add3A_221] : memref<640000xi32, #tpu.memory_space<hbm>> -> memref<40xi32, #tpu.memory_space<hbm>>
      tpu.enqueue_dma source(%dma_start3A_223 : memref<40xi32, #tpu.memory_space<hbm>>) target(%arg7 : memref<40xi32, #tpu.memory_space<vmem>>) target_semaphore(%arg18 : memref<!tpu.dma_semaphore, #tpu.memory_space<semaphore_mem>>)
      %dma_start3A_224 = tpu.memref_slice %arg4[%add3A_221] : memref<640000xi32, #tpu.memory_space<hbm>> -> memref<40xi32, #tpu.memory_space<hbm>>
      %dma_start3A_225 = tpu.memref_slice %arg4[%add3A_221] : memref<640000xi32, #tpu.memory_space<hbm>> -> memref<40xi32, #tpu.memory_space<hbm>>
      tpu.enqueue_dma source(%dma_start3A_225 : memref<40xi32, #tpu.memory_space<hbm>>) target(%arg11 : memref<40xi32, #tpu.memory_space<vmem>>) target_semaphore(%arg18 : memref<!tpu.dma_semaphore, #tpu.memory_space<semaphore_mem>>)
      %parallel_loop3A_226 = arith.constant 0 : i32
      %parallel_loop3A_227 = arith.constant 40 : i32
      %parallel_loop3A_228 = arith.constant 1 : i32
      scf.for %parallel_loop3A_316 = %parallel_loop3A_226 to %parallel_loop3A_227 step %parallel_loop3A_228  : i32 {
        %parallel_loop3A_317 = arith.index_cast %parallel_loop3A_316 : i32 to index
        %parallel_loop3A_318 = arith.constant 0 : index
        %parallel_loop3A_319 = tpu.vector_load %arg13[%parallel_loop3A_317, %parallel_loop3A_318] {strides = array<i32>} : memref<80x128xbf16, #tpu.memory_space<vmem>>, vector<32xbf16>,
        %parallel_loop3A_320 = arith.constant 40 : i32
        %parallel_loop3A_321 = arith.addi %parallel_loop3A_316, %parallel_loop3A_320 : i32
        %parallel_loop3A_322 = arith.index_cast %parallel_loop3A_321 : i32 to index
        %parallel_loop3A_323 = arith.constant 0 : index
        %parallel_loop3A_324 = tpu.vector_load %arg13[%parallel_loop3A_322, %parallel_loop3A_323] {strides = array<i32>} : memref<80x128xbf16, #tpu.memory_space<vmem>>, vector<32xbf16>,
        %parallel_loop3A_325 = tpu.unpack_subelements %parallel_loop3A_319, 0 {pack_format = #tpu.pack_format<interleaved>} : vector<32xbf16> -> vector<16xf32>
        %parallel_loop3A_326 = tpu.unpack_subelements %parallel_loop3A_319, 1 {pack_format = #tpu.pack_format<interleaved>} : vector<32xbf16> -> vector<16xf32>
        %parallel_loop3A_327 = tpu.unpack_subelements %parallel_loop3A_324, 0 {pack_format = #tpu.pack_format<interleaved>} : vector<32xbf16> -> vector<16xf32>
        %parallel_loop3A_328 = tpu.unpack_subelements %parallel_loop3A_324, 1 {pack_format = #tpu.pack_format<interleaved>} : vector<32xbf16> -> vector<16xf32>
        %parallel_loop3A_329 = arith.constant 0.000000e+00 : f32
        %parallel_loop3A_330 = vector.broadcast %parallel_loop3A_329 : f32 to vector<16xf32>
        %parallel_loop3A_331 = arith.cmpf ogt, %parallel_loop3A_325, %parallel_loop3A_330 : vector<16xf32>
        %parallel_loop3A_332 = arith.constant 0.00999999977 : f32
        %parallel_loop3A_333 = vector.broadcast %parallel_loop3A_332 : f32 to vector<16xf32>
        %parallel_loop3A_334 = arith.mulf %parallel_loop3A_325, %parallel_loop3A_333 : vector<16xf32>
        %parallel_loop3A_335 = arith.select %parallel_loop3A_331, %parallel_loop3A_325, %parallel_loop3A_334 : vector<16xi1>, vector<16xf32>
        %parallel_loop3A_336 = arith.mulf %parallel_loop3A_327, %parallel_loop3A_335 : vector<16xf32>
        %parallel_loop3A_337 = arith.addf %broadcast_in_dim3A_0, %parallel_loop3A_336 : vector<16xf32>
        %parallel_loop3A_338 = arith.constant 0.000000e+00 : f32
        %parallel_loop3A_339 = vector.broadcast %parallel_loop3A_338 : f32 to vector<16xf32>
        %parallel_loop3A_340 = arith.cmpf ogt, %parallel_loop3A_326, %parallel_loop3A_339 : vector<16xf32>
        %parallel_loop3A_341 = arith.constant 0.00999999977 : f32
        %parallel_loop3A_342 = vector.broadcast %parallel_loop3A_341 : f32 to vector<16xf32>
        %parallel_loop3A_343 = arith.mulf %parallel_loop3A_326, %parallel_loop3A_342 : vector<16xf32>
        %parallel_loop3A_344 = arith.select %parallel_loop3A_340, %parallel_loop3A_326, %parallel_loop3A_343 : vector<16xi1>, vector<16xf32>
        %parallel_loop3A_345 = arith.mulf %parallel_loop3A_328, %parallel_loop3A_344 : vector<16xf32>
        %parallel_loop3A_346 = arith.addf %parallel_loop3A_337, %parallel_loop3A_345 : vector<16xf32>
        %parallel_loop3A_347 = arith.index_cast %parallel_loop3A_316 : i32 to index
        %parallel_loop3A_348 = arith.constant 32 : index
        %parallel_loop3A_349 = tpu.vector_load %arg13[%parallel_loop3A_347, %parallel_loop3A_348] {strides = array<i32>} : memref<80x128xbf16, #tpu.memory_space<vmem>>, vector<32xbf16>,
        %parallel_loop3A_350 = arith.constant 40 : i32
        %parallel_loop3A_351 = arith.addi %parallel_loop3A_316, %parallel_loop3A_350 : i32
        %parallel_loop3A_352 = arith.index_cast %parallel_loop3A_351 : i32 to index
        %parallel_loop3A_353 = arith.constant 32 : index
        %parallel_loop3A_354 = tpu.vector_load %arg13[%parallel_loop3A_352, %parallel_loop3A_353] {strides = array<i32>} : memref<80x128xbf16, #tpu.memory_space<vmem>>, vector<32xbf16>,
        %parallel_loop3A_355 = tpu.unpack_subelements %parallel_loop3A_349, 0 {pack_format = #tpu.pack_format<interleaved>} : vector<32xbf16> -> vector<16xf32>
        %parallel_loop3A_356 = tpu.unpack_subelements %parallel_loop3A_349, 1 {pack_format = #tpu.pack_format<interleaved>} : vector<32xbf16> -> vector<16xf32>
        %parallel_loop3A_357 = tpu.unpack_subelements %parallel_loop3A_354, 0 {pack_format = #tpu.pack_format<interleaved>} : vector<32xbf16> -> vector<16xf32>
        %parallel_loop3A_358 = tpu.unpack_subelements %parallel_loop3A_354, 1 {pack_format = #tpu.pack_format<interleaved>} : vector<32xbf16> -> vector<16xf32>
        %parallel_loop3A_359 = arith.constant 0.000000e+00 : f32
        %parallel_loop3A_360 = vector.broadcast %parallel_loop3A_359 : f32 to vector<16xf32>
        %parallel_loop3A_361 = arith.cmpf ogt, %parallel_loop3A_355, %parallel_loop3A_360 : vector<16xf32>
        %parallel_loop3A_362 = arith.constant 0.00999999977 : f32
        %parallel_loop3A_363 = vector.broadcast %parallel_loop3A_362 : f32 to vector<16xf32>
        %parallel_loop3A_364 = arith.mulf %parallel_loop3A_355, %parallel_loop3A_363 : vector<16xf32>
        %parallel_loop3A_365 = arith.select %parallel_loop3A_361, %parallel_loop3A_355, %parallel_loop3A_364 : vector<16xi1>, vector<16xf32>
        %parallel_loop3A_366 = arith.mulf %parallel_loop3A_357, %parallel_loop3A_365 : vector<16xf32>
        %parallel_loop3A_367 = arith.addf %parallel_loop3A_346, %parallel_loop3A_366 : vector<16xf32>
        %parallel_loop3A_368 = arith.constant 0.000000e+00 : f32
        %parallel_loop3A_369 = vector.broadcast %parallel_loop3A_368 : f32 to vector<16xf32>
        %parallel_loop3A_370 = arith.cmpf ogt, %parallel_loop3A_356, %parallel_loop3A_369 : vector<16xf32>
        %parallel_loop3A_371 = arith.constant 0.00999999977 : f32
        %parallel_loop3A_372 = vector.broadcast %parallel_loop3A_371 : f32 to vector<16xf32>
        %parallel_loop3A_373 = arith.mulf %parallel_loop3A_356, %parallel_loop3A_372 : vector<16xf32>
        %parallel_loop3A_374 = arith.select %parallel_loop3A_370, %parallel_loop3A_356, %parallel_loop3A_373 : vector<16xi1>, vector<16xf32>
        %parallel_loop3A_375 = arith.mulf %parallel_loop3A_358, %parallel_loop3A_374 : vector<16xf32>
        %parallel_loop3A_376 = arith.addf %parallel_loop3A_367, %parallel_loop3A_375 : vector<16xf32>
        %parallel_loop3A_377 = arith.index_cast %parallel_loop3A_316 : i32 to index
        %parallel_loop3A_378 = arith.constant 64 : index
        %parallel_loop3A_379 = tpu.vector_load %arg13[%parallel_loop3A_377, %parallel_loop3A_378] {strides = array<i32>} : memref<80x128xbf16, #tpu.memory_space<vmem>>, vector<32xbf16>,
        %parallel_loop3A_380 = arith.constant 40 : i32
        %parallel_loop3A_381 = arith.addi %parallel_loop3A_316, %parallel_loop3A_380 : i32
        %parallel_loop3A_382 = arith.index_cast %parallel_loop3A_381 : i32 to index
        %parallel_loop3A_383 = arith.constant 64 : index
        %parallel_loop3A_384 = tpu.vector_load %arg13[%parallel_loop3A_382, %parallel_loop3A_383] {strides = array<i32>} : memref<80x128xbf16, #tpu.memory_space<vmem>>, vector<32xbf16>,
        %parallel_loop3A_385 = tpu.unpack_subelements %parallel_loop3A_379, 0 {pack_format = #tpu.pack_format<interleaved>} : vector<32xbf16> -> vector<16xf32>
        %parallel_loop3A_386 = tpu.unpack_subelements %parallel_loop3A_379, 1 {pack_format = #tpu.pack_format<interleaved>} : vector<32xbf16> -> vector<16xf32>
        %parallel_loop3A_387 = tpu.unpack_subelements %parallel_loop3A_384, 0 {pack_format = #tpu.pack_format<interleaved>} : vector<32xbf16> -> vector<16xf32>
        %parallel_loop3A_388 = tpu.unpack_subelements %parallel_loop3A_384, 1 {pack_format = #tpu.pack_format<interleaved>} : vector<32xbf16> -> vector<16xf32>
        %parallel_loop3A_389 = arith.constant 0.000000e+00 : f32
        %parallel_loop3A_390 = vector.broadcast %parallel_loop3A_389 : f32 to vector<16xf32>
        %parallel_loop3A_391 = arith.cmpf ogt, %parallel_loop3A_385, %parallel_loop3A_390 : vector<16xf32>
        %parallel_loop3A_392 = arith.constant 0.00999999977 : f32
        %parallel_loop3A_393 = vector.broadcast %parallel_loop3A_392 : f32 to vector<16xf32>
        %parallel_loop3A_394 = arith.mulf %parallel_loop3A_385, %parallel_loop3A_393 : vector<16xf32>
        %parallel_loop3A_395 = arith.select %parallel_loop3A_391, %parallel_loop3A_385, %parallel_loop3A_394 : vector<16xi1>, vector<16xf32>
        %parallel_loop3A_396 = arith.mulf %parallel_loop3A_387, %parallel_loop3A_395 : vector<16xf32>
        %parallel_loop3A_397 = arith.addf %parallel_loop3A_376, %parallel_loop3A_396 : vector<16xf32>
        %parallel_loop3A_398 = arith.constant 0.000000e+00 : f32
        %parallel_loop3A_399 = vector.broadcast %parallel_loop3A_398 : f32 to vector<16xf32>
        %parallel_loop3A_400 = arith.cmpf ogt, %parallel_loop3A_386, %parallel_loop3A_399 : vector<16xf32>
        %parallel_loop3A_401 = arith.constant 0.00999999977 : f32
        %parallel_loop3A_402 = vector.broadcast %parallel_loop3A_401 : f32 to vector<16xf32>
        %parallel_loop3A_403 = arith.mulf %parallel_loop3A_386, %parallel_loop3A_402 : vector<16xf32>
        %parallel_loop3A_404 = arith.select %parallel_loop3A_400, %parallel_loop3A_386, %parallel_loop3A_403 : vector<16xi1>, vector<16xf32>
        %parallel_loop3A_405 = arith.mulf %parallel_loop3A_388, %parallel_loop3A_404 : vector<16xf32>
        %parallel_loop3A_406 = arith.addf %parallel_loop3A_397, %parallel_loop3A_405 : vector<16xf32>
        %parallel_loop3A_407 = arith.index_cast %parallel_loop3A_316 : i32 to index
        %parallel_loop3A_408 = arith.constant 96 : index
        %parallel_loop3A_409 = tpu.vector_load %arg13[%parallel_loop3A_407, %parallel_loop3A_408] {strides = array<i32>} : memref<80x128xbf16, #tpu.memory_space<vmem>>, vector<32xbf16>,
        %parallel_loop3A_410 = arith.constant 40 : i32
        %parallel_loop3A_411 = arith.addi %parallel_loop3A_316, %parallel_loop3A_410 : i32
        %parallel_loop3A_412 = arith.index_cast %parallel_loop3A_411 : i32 to index
        %parallel_loop3A_413 = arith.constant 96 : index
        %parallel_loop3A_414 = tpu.vector_load %arg13[%parallel_loop3A_412, %parallel_loop3A_413] {strides = array<i32>} : memref<80x128xbf16, #tpu.memory_space<vmem>>, vector<32xbf16>,
        %parallel_loop3A_415 = tpu.unpack_subelements %parallel_loop3A_409, 0 {pack_format = #tpu.pack_format<interleaved>} : vector<32xbf16> -> vector<16xf32>
        %parallel_loop3A_416 = tpu.unpack_subelements %parallel_loop3A_409, 1 {pack_format = #tpu.pack_format<interleaved>} : vector<32xbf16> -> vector<16xf32>
        %parallel_loop3A_417 = tpu.unpack_subelements %parallel_loop3A_414, 0 {pack_format = #tpu.pack_format<interleaved>} : vector<32xbf16> -> vector<16xf32>
        %parallel_loop3A_418 = tpu.unpack_subelements %parallel_loop3A_414, 1 {pack_format = #tpu.pack_format<interleaved>} : vector<32xbf16> -> vector<16xf32>
        %parallel_loop3A_419 = arith.constant 0.000000e+00 : f32
        %parallel_loop3A_420 = vector.broadcast %parallel_loop3A_419 : f32 to vector<16xf32>
        %parallel_loop3A_421 = arith.cmpf ogt, %parallel_loop3A_415, %parallel_loop3A_420 : vector<16xf32>
        %parallel_loop3A_422 = arith.constant 0.00999999977 : f32
        %parallel_loop3A_423 = vector.broadcast %parallel_loop3A_422 : f32 to vector<16xf32>
        %parallel_loop3A_424 = arith.mulf %parallel_loop3A_415, %parallel_loop3A_423 : vector<16xf32>
        %parallel_loop3A_425 = arith.select %parallel_loop3A_421, %parallel_loop3A_415, %parallel_loop3A_424 : vector<16xi1>, vector<16xf32>
        %parallel_loop3A_426 = arith.mulf %parallel_loop3A_417, %parallel_loop3A_425 : vector<16xf32>
        %parallel_loop3A_427 = arith.addf %parallel_loop3A_406, %parallel_loop3A_426 : vector<16xf32>
        %parallel_loop3A_428 = arith.constant 0.000000e+00 : f32
        %parallel_loop3A_429 = vector.broadcast %parallel_loop3A_428 : f32 to vector<16xf32>
        %parallel_loop3A_430 = arith.cmpf ogt, %parallel_loop3A_416, %parallel_loop3A_429 : vector<16xf32>
        %parallel_loop3A_431 = arith.constant 0.00999999977 : f32
        %parallel_loop3A_432 = vector.broadcast %parallel_loop3A_431 : f32 to vector<16xf32>
        %parallel_loop3A_433 = arith.mulf %parallel_loop3A_416, %parallel_loop3A_432 : vector<16xf32>
        %parallel_loop3A_434 = arith.select %parallel_loop3A_430, %parallel_loop3A_416, %parallel_loop3A_433 : vector<16xi1>, vector<16xf32>
        %parallel_loop3A_435 = arith.mulf %parallel_loop3A_418, %parallel_loop3A_434 : vector<16xf32>
        %parallel_loop3A_436 = arith.addf %parallel_loop3A_427, %parallel_loop3A_435 : vector<16xf32>
        %parallel_loop3A_437 = arith.constant true
        %parallel_loop3A_438 = vector.broadcast %parallel_loop3A_437 : i1 to vector<16xi1>
        %parallel_loop3A_439 = tpu.scan <sum>, %parallel_loop3A_436 masked %parallel_loop3A_438 : vector<16xf32>, vector<16xi1> -> vector<16xf32>
        %parallel_loop3A_440 = vector.extract %parallel_loop3A_439[15] : f32 from vector<16xf32>
        %parallel_loop3A_441 = vector.broadcast %parallel_loop3A_440 : f32 to vector<16xf32>
        %parallel_loop3A_442 = math.exp %parallel_loop3A_441 : vector<16xf32>
        %parallel_loop3A_443 = arith.mulf %parallel_loop3A_325, %parallel_loop3A_442 : vector<16xf32>
        %parallel_loop3A_444 = arith.index_cast %parallel_loop3A_316 : i32 to index
        %parallel_loop3A_445 = arith.constant 0 : index
        %parallel_loop3A_446 = tpu.vector_load %arg15[%parallel_loop3A_444, %parallel_loop3A_445] {strides = array<i32>} : memref<40x144xf32, #tpu.memory_space<vmem>>, vector<16xf32>,
        tpu.vector_store %arg15[%parallel_loop3A_444, %parallel_loop3A_445], %parallel_loop3A_443 {strides = array<i32>} : memref<40x144xf32, #tpu.memory_space<vmem>>, vector<16xf32>,
        %parallel_loop3A_447 = arith.mulf %parallel_loop3A_326, %parallel_loop3A_442 : vector<16xf32>
        %parallel_loop3A_448 = arith.index_cast %parallel_loop3A_316 : i32 to index
        %parallel_loop3A_449 = arith.constant 16 : index
        %parallel_loop3A_450 = tpu.vector_load %arg15[%parallel_loop3A_448, %parallel_loop3A_449] {strides = array<i32>} : memref<40x144xf32, #tpu.memory_space<vmem>>, vector<16xf32>,
        tpu.vector_store %arg15[%parallel_loop3A_448, %parallel_loop3A_449], %parallel_loop3A_447 {strides = array<i32>} : memref<40x144xf32, #tpu.memory_space<vmem>>, vector<16xf32>,
        %parallel_loop3A_451 = arith.mulf %parallel_loop3A_355, %parallel_loop3A_442 : vector<16xf32>
        %parallel_loop3A_452 = arith.index_cast %parallel_loop3A_316 : i32 to index
        %parallel_loop3A_453 = arith.constant 32 : index
        %parallel_loop3A_454 = tpu.vector_load %arg15[%parallel_loop3A_452, %parallel_loop3A_453] {strides = array<i32>} : memref<40x144xf32, #tpu.memory_space<vmem>>, vector<16xf32>,
        tpu.vector_store %arg15[%parallel_loop3A_452, %parallel_loop3A_453], %parallel_loop3A_451 {strides = array<i32>} : memref<40x144xf32, #tpu.memory_space<vmem>>, vector<16xf32>,
        %parallel_loop3A_455 = arith.mulf %parallel_loop3A_356, %parallel_loop3A_442 : vector<16xf32>
        %parallel_loop3A_456 = arith.index_cast %parallel_loop3A_316 : i32 to index
        %parallel_loop3A_457 = arith.constant 48 : index
        %parallel_loop3A_458 = tpu.vector_load %arg15[%parallel_loop3A_456, %parallel_loop3A_457] {strides = array<i32>} : memref<40x144xf32, #tpu.memory_space<vmem>>, vector<16xf32>,
        tpu.vector_store %arg15[%parallel_loop3A_456, %parallel_loop3A_457], %parallel_loop3A_455 {strides = array<i32>} : memref<40x144xf32, #tpu.memory_space<vmem>>, vector<16xf32>,
        %parallel_loop3A_459 = arith.mulf %parallel_loop3A_385, %parallel_loop3A_442 : vector<16xf32>
        %parallel_loop3A_460 = arith.index_cast %parallel_loop3A_316 : i32 to index
        %parallel_loop3A_461 = arith.constant 64 : index
        %parallel_loop3A_462 = tpu.vector_load %arg15[%parallel_loop3A_460, %parallel_loop3A_461] {strides = array<i32>} : memref<40x144xf32, #tpu.memory_space<vmem>>, vector<16xf32>,
        tpu.vector_store %arg15[%parallel_loop3A_460, %parallel_loop3A_461], %parallel_loop3A_459 {strides = array<i32>} : memref<40x144xf32, #tpu.memory_space<vmem>>, vector<16xf32>,
        %parallel_loop3A_463 = arith.mulf %parallel_loop3A_386, %parallel_loop3A_442 : vector<16xf32>
        %parallel_loop3A_464 = arith.index_cast %parallel_loop3A_316 : i32 to index
        %parallel_loop3A_465 = arith.constant 80 : index
        %parallel_loop3A_466 = tpu.vector_load %arg15[%parallel_loop3A_464, %parallel_loop3A_465] {strides = array<i32>} : memref<40x144xf32, #tpu.memory_space<vmem>>, vector<16xf32>,
        tpu.vector_store %arg15[%parallel_loop3A_464, %parallel_loop3A_465], %parallel_loop3A_463 {strides = array<i32>} : memref<40x144xf32, #tpu.memory_space<vmem>>, vector<16xf32>,
        %parallel_loop3A_467 = arith.mulf %parallel_loop3A_415, %parallel_loop3A_442 : vector<16xf32>
        %parallel_loop3A_468 = arith.index_cast %parallel_loop3A_316 : i32 to index
        %parallel_loop3A_469 = arith.constant 96 : index
        %parallel_loop3A_470 = tpu.vector_load %arg15[%parallel_loop3A_468, %parallel_loop3A_469] {strides = array<i32>} : memref<40x144xf32, #tpu.memory_space<vmem>>, vector<16xf32>,
        tpu.vector_store %arg15[%parallel_loop3A_468, %parallel_loop3A_469], %parallel_loop3A_467 {strides = array<i32>} : memref<40x144xf32, #tpu.memory_space<vmem>>, vector<16xf32>,
        %parallel_loop3A_471 = arith.mulf %parallel_loop3A_416, %parallel_loop3A_442 : vector<16xf32>
        %parallel_loop3A_472 = arith.index_cast %parallel_loop3A_316 : i32 to index
        %parallel_loop3A_473 = arith.constant 112 : index
        %parallel_loop3A_474 = tpu.vector_load %arg15[%parallel_loop3A_472, %parallel_loop3A_473] {strides = array<i32>} : memref<40x144xf32, #tpu.memory_space<vmem>>, vector<16xf32>,
        tpu.vector_store %arg15[%parallel_loop3A_472, %parallel_loop3A_473], %parallel_loop3A_471 {strides = array<i32>} : memref<40x144xf32, #tpu.memory_space<vmem>>, vector<16xf32>,
        %parallel_loop3A_475 = arith.constant 0 : i32
        %parallel_loop3A_476 = vector.broadcast %parallel_loop3A_475 : i32 to vector<16xi32>
        %parallel_loop3A_477 = arith.cmpi eq, %iota3A, %parallel_loop3A_476 : vector<16xi32>
        %parallel_loop3A_478 = arith.constant 0.000000e+00 : f32
        %parallel_loop3A_479 = vector.broadcast %parallel_loop3A_478 : f32 to vector<16xf32>
        %parallel_loop3A_480 = arith.select %parallel_loop3A_477, %parallel_loop3A_442, %parallel_loop3A_479 : vector<16xi1>, vector<16xf32>
        %parallel_loop3A_481 = arith.index_cast %parallel_loop3A_316 : i32 to index
        %parallel_loop3A_482 = arith.constant 128 : index
        %parallel_loop3A_483 = tpu.vector_load %arg15[%parallel_loop3A_481, %parallel_loop3A_482] {strides = array<i32>} : memref<40x144xf32, #tpu.memory_space<vmem>>, vector<16xf32>,
        tpu.vector_store %arg15[%parallel_loop3A_481, %parallel_loop3A_482], %parallel_loop3A_480 {strides = array<i32>} : memref<40x144xf32, #tpu.memory_space<vmem>>, vector<16xf32>,
      } {sc.loop_unroll_factor = 2 : i64, sc.parallel_access}
      %dma_start3A_229 = arith.constant 0 : i32
      %dma_start3A_230 = arith.constant 0 : i32
      %dma_start3A_231 = tpu.memref_slice %arg16[%dma_start3A_229, %dma_start3A_230] : memref<10240x144xf32, #tpu.memory_space<vmem_shared>> -> memref<10240x144xf32, #tpu.memory_space<vmem_shared>>
      tpu.enqueue_indirect_dma source(%arg15 : memref<40x144xf32, #tpu.memory_space<vmem>>) target(%dma_start3A_231 : memref<10240x144xf32, #tpu.memory_space<vmem_shared>>) offsets(%arg9 : memref<40xi32, #tpu.memory_space<vmem>>) semaphore(%arg22 : memref<!tpu.dma_semaphore, #tpu.memory_space<semaphore_mem>>) {add = true}
      %mul3A_232 = arith.constant 4 : i32
      %mul3A_233 = arith.muli %mul3A_232, %scan3A_123 : i32
      %add3A_234 = arith.constant 2 : i32
      %add3A_235 = arith.addi %mul3A_233, %add3A_234 : i32
      %dma_wait3A_236 = arith.constant 0 : i32
      %dma_wait3A_237 = arith.constant 0 : i32
      %dma_wait3A_238 = tpu.memref_slice %arg12[%dma_wait3A_236, %dma_wait3A_237] : memref<80x128xbf16, #tpu.memory_space<vmem>> -> memref<40x128xbf16, #tpu.memory_space<vmem>>
      %dma_wait3A_239 = arith.constant 0 : i32
      %dma_wait3A_240 = arith.constant 0 : i32
      %dma_wait3A_241 = tpu.memref_slice %arg2[%dma_wait3A_239, %dma_wait3A_240] : memref<10000x128xbf16, #tpu.memory_space<hbm>> -> memref<10000x128xbf16, #tpu.memory_space<hbm>>
      tpu.wait_indirect_dma semaphore(%arg19 : memref<!tpu.dma_semaphore, #tpu.memory_space<semaphore_mem>>) src(%dma_wait3A_241 : memref<10000x128xbf16, #tpu.memory_space<hbm>>) dst(%dma_wait3A_238 : memref<40x128xbf16, #tpu.memory_space<vmem>>)
      %dma_wait3A_242 = arith.constant 40 : i32
      %dma_wait3A_243 = arith.constant 0 : i32
      %dma_wait3A_244 = tpu.memref_slice %arg12[%dma_wait3A_242, %dma_wait3A_243] : memref<80x128xbf16, #tpu.memory_space<vmem>> -> memref<40x128xbf16, #tpu.memory_space<vmem>>
      %dma_wait3A_245 = arith.constant 0 : i32
      %dma_wait3A_246 = arith.constant 0 : i32
      %dma_wait3A_247 = tpu.memref_slice %arg2[%dma_wait3A_245, %dma_wait3A_246] : memref<10000x128xbf16, #tpu.memory_space<hbm>> -> memref<10000x128xbf16, #tpu.memory_space<hbm>>
      tpu.wait_indirect_dma semaphore(%arg19 : memref<!tpu.dma_semaphore, #tpu.memory_space<semaphore_mem>>) src(%dma_wait3A_247 : memref<10000x128xbf16, #tpu.memory_space<hbm>>) dst(%dma_wait3A_244 : memref<40x128xbf16, #tpu.memory_space<vmem>>)
      %dma_wait3A_248 = arith.constant 0 : i32
      %dma_wait3A_249 = tpu.memref_slice %arg3[%dma_wait3A_248] : memref<640000xi32, #tpu.memory_space<hbm>> -> memref<40xi32, #tpu.memory_space<hbm>>
      %dma_wait3A_250 = arith.constant 0 : i32
      %dma_wait3A_251 = tpu.memref_slice %arg3[%dma_wait3A_250] : memref<640000xi32, #tpu.memory_space<hbm>> -> memref<40xi32, #tpu.memory_space<hbm>>
      tpu.wait_dma2 semaphore(%arg18 : memref<!tpu.dma_semaphore, #tpu.memory_space<semaphore_mem>>) src(%dma_wait3A_251 : memref<40xi32, #tpu.memory_space<hbm>>) dst(%arg7 : memref<40xi32, #tpu.memory_space<vmem>>)
      %dma_wait3A_252 = arith.constant 0 : i32
      %dma_wait3A_253 = tpu.memref_slice %arg4[%dma_wait3A_252] : memref<640000xi32, #tpu.memory_space<hbm>> -> memref<40xi32, #tpu.memory_space<hbm>>
      %dma_wait3A_254 = arith.constant 0 : i32
      %dma_wait3A_255 = tpu.memref_slice %arg4[%dma_wait3A_254] : memref<640000xi32, #tpu.memory_space<hbm>> -> memref<40xi32, #tpu.memory_space<hbm>>
      tpu.wait_dma2 semaphore(%arg18 : memref<!tpu.dma_semaphore, #tpu.memory_space<semaphore_mem>>) src(%dma_wait3A_255 : memref<40xi32, #tpu.memory_space<hbm>>) dst(%arg11 : memref<40xi32, #tpu.memory_space<vmem>>)
      %dma_start3A_256 = arith.constant 0 : i32
      %dma_start3A_257 = arith.constant 0 : i32
      %dma_start3A_258 = tpu.memref_slice %arg13[%dma_start3A_256, %dma_start3A_257] : memref<80x128xbf16, #tpu.memory_space<vmem>> -> memref<40x128xbf16, #tpu.memory_space<vmem>>
      %dma_start3A_259 = arith.constant 0 : i32
      %dma_start3A_260 = arith.constant 0 : i32
      %dma_start3A_261 = tpu.memref_slice %arg2[%dma_start3A_259, %dma_start3A_260] : memref<10000x128xbf16, #tpu.memory_space<hbm>> -> memref<10000x128xbf16, #tpu.memory_space<hbm>>
      tpu.enqueue_indirect_dma source(%dma_start3A_261 : memref<10000x128xbf16, #tpu.memory_space<hbm>>) target(%dma_start3A_258 : memref<40x128xbf16, #tpu.memory_space<vmem>>) offsets(%arg7 : memref<40xi32, #tpu.memory_space<vmem>>) semaphore(%arg20 : memref<!tpu.dma_semaphore, #tpu.memory_space<semaphore_mem>>)
      %dma_start3A_262 = arith.constant 40 : i32
      %dma_start3A_263 = arith.constant 0 : i32
      %dma_start3A_264 = tpu.memref_slice %arg13[%dma_start3A_262, %dma_start3A_263] : memref<80x128xbf16, #tpu.memory_space<vmem>> -> memref<40x128xbf16, #tpu.memory_space<vmem>>
      %dma_start3A_265 = arith.constant 0 : i32
      %dma_start3A_266 = arith.constant 0 : i32
      %dma_start3A_267 = tpu.memref_slice %arg2[%dma_start3A_265, %dma_start3A_266] : memref<10000x128xbf16, #tpu.memory_space<hbm>> -> memref<10000x128xbf16, #tpu.memory_space<hbm>>
      tpu.enqueue_indirect_dma source(%dma_start3A_267 : memref<10000x128xbf16, #tpu.memory_space<hbm>>) target(%dma_start3A_264 : memref<40x128xbf16, #tpu.memory_space<vmem>>) offsets(%arg11 : memref<40xi32, #tpu.memory_space<vmem>>) semaphore(%arg20 : memref<!tpu.dma_semaphore, #tpu.memory_space<semaphore_mem>>)
      %dma_wait3A_268 = arith.constant 0 : i32
      %dma_wait3A_269 = arith.constant 0 : i32
      %dma_wait3A_270 = tpu.memref_slice %arg16[%dma_wait3A_268, %dma_wait3A_269] : memref<10240x144xf32, #tpu.memory_space<vmem_shared>> -> memref<10240x144xf32, #tpu.memory_space<vmem_shared>>
      tpu.wait_indirect_dma semaphore(%arg21 : memref<!tpu.dma_semaphore, #tpu.memory_space<semaphore_mem>>) src(%arg14 : memref<40x144xf32, #tpu.memory_space<vmem>>) dst(%dma_wait3A_270 : memref<10240x144xf32, #tpu.memory_space<vmem_shared>>)
      %lt3A = arith.constant 124 : i32
      %lt3A_271 = arith.cmpi slt, %scan3A_123, %lt3A : i32
      %convert_element_type3A_272 = arith.extui %lt3A_271 : i1 to i32
      %cond3A_273 = arith.constant 0 : i32
      %cond3A_274 = arith.cmpi ne, %convert_element_type3A_272, %cond3A_273 : i32
      scf.if %cond3A_274 {
        %add3A_316 = arith.constant 2 : i32
        %add3A_317 = arith.addi %add3A_235, %add3A_316 : i32
        %mul3A_318 = arith.constant 40 : i32
        %mul3A_319 = arith.muli %add3A_317, %mul3A_318 : i32
        %add3A_320 = arith.addi %mul3A_72, %mul3A_319 : i32
        %dma_start3A_321 = tpu.memref_slice %arg3[%add3A_320] : memref<640000xi32, #tpu.memory_space<hbm>> -> memref<40xi32, #tpu.memory_space<hbm>>
        %dma_start3A_322 = tpu.memref_slice %arg3[%add3A_320] : memref<640000xi32, #tpu.memory_space<hbm>> -> memref<40xi32, #tpu.memory_space<hbm>>
        tpu.enqueue_dma source(%dma_start3A_322 : memref<40xi32, #tpu.memory_space<hbm>>) target(%arg6 : memref<40xi32, #tpu.memory_space<vmem>>) target_semaphore(%arg17 : memref<!tpu.dma_semaphore, #tpu.memory_space<semaphore_mem>>)
        %dma_start3A_323 = tpu.memref_slice %arg4[%add3A_320] : memref<640000xi32, #tpu.memory_space<hbm>> -> memref<40xi32, #tpu.memory_space<hbm>>
        %dma_start3A_324 = tpu.memref_slice %arg4[%add3A_320] : memref<640000xi32, #tpu.memory_space<hbm>> -> memref<40xi32, #tpu.memory_space<hbm>>
        tpu.enqueue_dma source(%dma_start3A_324 : memref<40xi32, #tpu.memory_space<hbm>>) target(%arg8 : memref<40xi32, #tpu.memory_space<vmem>>) target_semaphore(%arg17 : memref<!tpu.dma_semaphore, #tpu.memory_space<semaphore_mem>>)
      } else {
      }
      %parallel_loop3A_275 = arith.constant 0 : i32
      %parallel_loop3A_276 = arith.constant 40 : i32
      %parallel_loop3A_277 = arith.constant 1 : i32
      scf.for %parallel_loop3A_316 = %parallel_loop3A_275 to %parallel_loop3A_276 step %parallel_loop3A_277  : i32 {
        %parallel_loop3A_317 = arith.index_cast %parallel_loop3A_316 : i32 to index
        %parallel_loop3A_318 = arith.constant 0 : index
        %parallel_loop3A_319 = tpu.vector_load %arg12[%parallel_loop3A_317, %parallel_loop3A_318] {strides = array<i32>} : memref<80x128xbf16, #tpu.memory_space<vmem>>, vector<32xbf16>,
        %parallel_loop3A_320 = arith.constant 40 : i32
        %parallel_loop3A_321 = arith.addi %parallel_loop3A_316, %parallel_loop3A_320 : i32
        %parallel_loop3A_322 = arith.index_cast %parallel_loop3A_321 : i32 to index
        %parallel_loop3A_323 = arith.constant 0 : index
        %parallel_loop3A_324 = tpu.vector_load %arg12[%parallel_loop3A_322, %parallel_loop3A_323] {strides = array<i32>} : memref<80x128xbf16, #tpu.memory_space<vmem>>, vector<32xbf16>,
        %parallel_loop3A_325 = tpu.unpack_subelements %parallel_loop3A_319, 0 {pack_format = #tpu.pack_format<interleaved>} : vector<32xbf16> -> vector<16xf32>
        %parallel_loop3A_326 = tpu.unpack_subelements %parallel_loop3A_319, 1 {pack_format = #tpu.pack_format<interleaved>} : vector<32xbf16> -> vector<16xf32>
        %parallel_loop3A_327 = tpu.unpack_subelements %parallel_loop3A_324, 0 {pack_format = #tpu.pack_format<interleaved>} : vector<32xbf16> -> vector<16xf32>
        %parallel_loop3A_328 = tpu.unpack_subelements %parallel_loop3A_324, 1 {pack_format = #tpu.pack_format<interleaved>} : vector<32xbf16> -> vector<16xf32>
        %parallel_loop3A_329 = arith.constant 0.000000e+00 : f32
        %parallel_loop3A_330 = vector.broadcast %parallel_loop3A_329 : f32 to vector<16xf32>
        %parallel_loop3A_331 = arith.cmpf ogt, %parallel_loop3A_325, %parallel_loop3A_330 : vector<16xf32>
        %parallel_loop3A_332 = arith.constant 0.00999999977 : f32
        %parallel_loop3A_333 = vector.broadcast %parallel_loop3A_332 : f32 to vector<16xf32>
        %parallel_loop3A_334 = arith.mulf %parallel_loop3A_325, %parallel_loop3A_333 : vector<16xf32>
        %parallel_loop3A_335 = arith.select %parallel_loop3A_331, %parallel_loop3A_325, %parallel_loop3A_334 : vector<16xi1>, vector<16xf32>
        %parallel_loop3A_336 = arith.mulf %parallel_loop3A_327, %parallel_loop3A_335 : vector<16xf32>
        %parallel_loop3A_337 = arith.addf %broadcast_in_dim3A_0, %parallel_loop3A_336 : vector<16xf32>
        %parallel_loop3A_338 = arith.constant 0.000000e+00 : f32
        %parallel_loop3A_339 = vector.broadcast %parallel_loop3A_338 : f32 to vector<16xf32>
        %parallel_loop3A_340 = arith.cmpf ogt, %parallel_loop3A_326, %parallel_loop3A_339 : vector<16xf32>
        %parallel_loop3A_341 = arith.constant 0.00999999977 : f32
        %parallel_loop3A_342 = vector.broadcast %parallel_loop3A_341 : f32 to vector<16xf32>
        %parallel_loop3A_343 = arith.mulf %parallel_loop3A_326, %parallel_loop3A_342 : vector<16xf32>
        %parallel_loop3A_344 = arith.select %parallel_loop3A_340, %parallel_loop3A_326, %parallel_loop3A_343 : vector<16xi1>, vector<16xf32>
        %parallel_loop3A_345 = arith.mulf %parallel_loop3A_328, %parallel_loop3A_344 : vector<16xf32>
        %parallel_loop3A_346 = arith.addf %parallel_loop3A_337, %parallel_loop3A_345 : vector<16xf32>
        %parallel_loop3A_347 = arith.index_cast %parallel_loop3A_316 : i32 to index
        %parallel_loop3A_348 = arith.constant 32 : index
        %parallel_loop3A_349 = tpu.vector_load %arg12[%parallel_loop3A_347, %parallel_loop3A_348] {strides = array<i32>} : memref<80x128xbf16, #tpu.memory_space<vmem>>, vector<32xbf16>,
        %parallel_loop3A_350 = arith.constant 40 : i32
        %parallel_loop3A_351 = arith.addi %parallel_loop3A_316, %parallel_loop3A_350 : i32
        %parallel_loop3A_352 = arith.index_cast %parallel_loop3A_351 : i32 to index
        %parallel_loop3A_353 = arith.constant 32 : index
        %parallel_loop3A_354 = tpu.vector_load %arg12[%parallel_loop3A_352, %parallel_loop3A_353] {strides = array<i32>} : memref<80x128xbf16, #tpu.memory_space<vmem>>, vector<32xbf16>,
        %parallel_loop3A_355 = tpu.unpack_subelements %parallel_loop3A_349, 0 {pack_format = #tpu.pack_format<interleaved>} : vector<32xbf16> -> vector<16xf32>
        %parallel_loop3A_356 = tpu.unpack_subelements %parallel_loop3A_349, 1 {pack_format = #tpu.pack_format<interleaved>} : vector<32xbf16> -> vector<16xf32>
        %parallel_loop3A_357 = tpu.unpack_subelements %parallel_loop3A_354, 0 {pack_format = #tpu.pack_format<interleaved>} : vector<32xbf16> -> vector<16xf32>
        %parallel_loop3A_358 = tpu.unpack_subelements %parallel_loop3A_354, 1 {pack_format = #tpu.pack_format<interleaved>} : vector<32xbf16> -> vector<16xf32>
        %parallel_loop3A_359 = arith.constant 0.000000e+00 : f32
        %parallel_loop3A_360 = vector.broadcast %parallel_loop3A_359 : f32 to vector<16xf32>
        %parallel_loop3A_361 = arith.cmpf ogt, %parallel_loop3A_355, %parallel_loop3A_360 : vector<16xf32>
        %parallel_loop3A_362 = arith.constant 0.00999999977 : f32
        %parallel_loop3A_363 = vector.broadcast %parallel_loop3A_362 : f32 to vector<16xf32>
        %parallel_loop3A_364 = arith.mulf %parallel_loop3A_355, %parallel_loop3A_363 : vector<16xf32>
        %parallel_loop3A_365 = arith.select %parallel_loop3A_361, %parallel_loop3A_355, %parallel_loop3A_364 : vector<16xi1>, vector<16xf32>
        %parallel_loop3A_366 = arith.mulf %parallel_loop3A_357, %parallel_loop3A_365 : vector<16xf32>
        %parallel_loop3A_367 = arith.addf %parallel_loop3A_346, %parallel_loop3A_366 : vector<16xf32>
        %parallel_loop3A_368 = arith.constant 0.000000e+00 : f32
        %parallel_loop3A_369 = vector.broadcast %parallel_loop3A_368 : f32 to vector<16xf32>
        %parallel_loop3A_370 = arith.cmpf ogt, %parallel_loop3A_356, %parallel_loop3A_369 : vector<16xf32>
        %parallel_loop3A_371 = arith.constant 0.00999999977 : f32
        %parallel_loop3A_372 = vector.broadcast %parallel_loop3A_371 : f32 to vector<16xf32>
        %parallel_loop3A_373 = arith.mulf %parallel_loop3A_356, %parallel_loop3A_372 : vector<16xf32>
        %parallel_loop3A_374 = arith.select %parallel_loop3A_370, %parallel_loop3A_356, %parallel_loop3A_373 : vector<16xi1>, vector<16xf32>
        %parallel_loop3A_375 = arith.mulf %parallel_loop3A_358, %parallel_loop3A_374 : vector<16xf32>
        %parallel_loop3A_376 = arith.addf %parallel_loop3A_367, %parallel_loop3A_375 : vector<16xf32>
        %parallel_loop3A_377 = arith.index_cast %parallel_loop3A_316 : i32 to index
        %parallel_loop3A_378 = arith.constant 64 : index
        %parallel_loop3A_379 = tpu.vector_load %arg12[%parallel_loop3A_377, %parallel_loop3A_378] {strides = array<i32>} : memref<80x128xbf16, #tpu.memory_space<vmem>>, vector<32xbf16>,
        %parallel_loop3A_380 = arith.constant 40 : i32
        %parallel_loop3A_381 = arith.addi %parallel_loop3A_316, %parallel_loop3A_380 : i32
        %parallel_loop3A_382 = arith.index_cast %parallel_loop3A_381 : i32 to index
        %parallel_loop3A_383 = arith.constant 64 : index
        %parallel_loop3A_384 = tpu.vector_load %arg12[%parallel_loop3A_382, %parallel_loop3A_383] {strides = array<i32>} : memref<80x128xbf16, #tpu.memory_space<vmem>>, vector<32xbf16>,
        %parallel_loop3A_385 = tpu.unpack_subelements %parallel_loop3A_379, 0 {pack_format = #tpu.pack_format<interleaved>} : vector<32xbf16> -> vector<16xf32>
        %parallel_loop3A_386 = tpu.unpack_subelements %parallel_loop3A_379, 1 {pack_format = #tpu.pack_format<interleaved>} : vector<32xbf16> -> vector<16xf32>
        %parallel_loop3A_387 = tpu.unpack_subelements %parallel_loop3A_384, 0 {pack_format = #tpu.pack_format<interleaved>} : vector<32xbf16> -> vector<16xf32>
        %parallel_loop3A_388 = tpu.unpack_subelements %parallel_loop3A_384, 1 {pack_format = #tpu.pack_format<interleaved>} : vector<32xbf16> -> vector<16xf32>
        %parallel_loop3A_389 = arith.constant 0.000000e+00 : f32
        %parallel_loop3A_390 = vector.broadcast %parallel_loop3A_389 : f32 to vector<16xf32>
        %parallel_loop3A_391 = arith.cmpf ogt, %parallel_loop3A_385, %parallel_loop3A_390 : vector<16xf32>
        %parallel_loop3A_392 = arith.constant 0.00999999977 : f32
        %parallel_loop3A_393 = vector.broadcast %parallel_loop3A_392 : f32 to vector<16xf32>
        %parallel_loop3A_394 = arith.mulf %parallel_loop3A_385, %parallel_loop3A_393 : vector<16xf32>
        %parallel_loop3A_395 = arith.select %parallel_loop3A_391, %parallel_loop3A_385, %parallel_loop3A_394 : vector<16xi1>, vector<16xf32>
        %parallel_loop3A_396 = arith.mulf %parallel_loop3A_387, %parallel_loop3A_395 : vector<16xf32>
        %parallel_loop3A_397 = arith.addf %parallel_loop3A_376, %parallel_loop3A_396 : vector<16xf32>
        %parallel_loop3A_398 = arith.constant 0.000000e+00 : f32
        %parallel_loop3A_399 = vector.broadcast %parallel_loop3A_398 : f32 to vector<16xf32>
        %parallel_loop3A_400 = arith.cmpf ogt, %parallel_loop3A_386, %parallel_loop3A_399 : vector<16xf32>
        %parallel_loop3A_401 = arith.constant 0.00999999977 : f32
        %parallel_loop3A_402 = vector.broadcast %parallel_loop3A_401 : f32 to vector<16xf32>
        %parallel_loop3A_403 = arith.mulf %parallel_loop3A_386, %parallel_loop3A_402 : vector<16xf32>
        %parallel_loop3A_404 = arith.select %parallel_loop3A_400, %parallel_loop3A_386, %parallel_loop3A_403 : vector<16xi1>, vector<16xf32>
        %parallel_loop3A_405 = arith.mulf %parallel_loop3A_388, %parallel_loop3A_404 : vector<16xf32>
        %parallel_loop3A_406 = arith.addf %parallel_loop3A_397, %parallel_loop3A_405 : vector<16xf32>
        %parallel_loop3A_407 = arith.index_cast %parallel_loop3A_316 : i32 to index
        %parallel_loop3A_408 = arith.constant 96 : index
        %parallel_loop3A_409 = tpu.vector_load %arg12[%parallel_loop3A_407, %parallel_loop3A_408] {strides = array<i32>} : memref<80x128xbf16, #tpu.memory_space<vmem>>, vector<32xbf16>,
        %parallel_loop3A_410 = arith.constant 40 : i32
        %parallel_loop3A_411 = arith.addi %parallel_loop3A_316, %parallel_loop3A_410 : i32
        %parallel_loop3A_412 = arith.index_cast %parallel_loop3A_411 : i32 to index
        %parallel_loop3A_413 = arith.constant 96 : index
        %parallel_loop3A_414 = tpu.vector_load %arg12[%parallel_loop3A_412, %parallel_loop3A_413] {strides = array<i32>} : memref<80x128xbf16, #tpu.memory_space<vmem>>, vector<32xbf16>,
        %parallel_loop3A_415 = tpu.unpack_subelements %parallel_loop3A_409, 0 {pack_format = #tpu.pack_format<interleaved>} : vector<32xbf16> -> vector<16xf32>
        %parallel_loop3A_416 = tpu.unpack_subelements %parallel_loop3A_409, 1 {pack_format = #tpu.pack_format<interleaved>} : vector<32xbf16> -> vector<16xf32>
        %parallel_loop3A_417 = tpu.unpack_subelements %parallel_loop3A_414, 0 {pack_format = #tpu.pack_format<interleaved>} : vector<32xbf16> -> vector<16xf32>
        %parallel_loop3A_418 = tpu.unpack_subelements %parallel_loop3A_414, 1 {pack_format = #tpu.pack_format<interleaved>} : vector<32xbf16> -> vector<16xf32>
        %parallel_loop3A_419 = arith.constant 0.000000e+00 : f32
        %parallel_loop3A_420 = vector.broadcast %parallel_loop3A_419 : f32 to vector<16xf32>
        %parallel_loop3A_421 = arith.cmpf ogt, %parallel_loop3A_415, %parallel_loop3A_420 : vector<16xf32>
        %parallel_loop3A_422 = arith.constant 0.00999999977 : f32
        %parallel_loop3A_423 = vector.broadcast %parallel_loop3A_422 : f32 to vector<16xf32>
        %parallel_loop3A_424 = arith.mulf %parallel_loop3A_415, %parallel_loop3A_423 : vector<16xf32>
        %parallel_loop3A_425 = arith.select %parallel_loop3A_421, %parallel_loop3A_415, %parallel_loop3A_424 : vector<16xi1>, vector<16xf32>
        %parallel_loop3A_426 = arith.mulf %parallel_loop3A_417, %parallel_loop3A_425 : vector<16xf32>
        %parallel_loop3A_427 = arith.addf %parallel_loop3A_406, %parallel_loop3A_426 : vector<16xf32>
        %parallel_loop3A_428 = arith.constant 0.000000e+00 : f32
        %parallel_loop3A_429 = vector.broadcast %parallel_loop3A_428 : f32 to vector<16xf32>
        %parallel_loop3A_430 = arith.cmpf ogt, %parallel_loop3A_416, %parallel_loop3A_429 : vector<16xf32>
        %parallel_loop3A_431 = arith.constant 0.00999999977 : f32
        %parallel_loop3A_432 = vector.broadcast %parallel_loop3A_431 : f32 to vector<16xf32>
        %parallel_loop3A_433 = arith.mulf %parallel_loop3A_416, %parallel_loop3A_432 : vector<16xf32>
        %parallel_loop3A_434 = arith.select %parallel_loop3A_430, %parallel_loop3A_416, %parallel_loop3A_433 : vector<16xi1>, vector<16xf32>
        %parallel_loop3A_435 = arith.mulf %parallel_loop3A_418, %parallel_loop3A_434 : vector<16xf32>
        %parallel_loop3A_436 = arith.addf %parallel_loop3A_427, %parallel_loop3A_435 : vector<16xf32>
        %parallel_loop3A_437 = arith.constant true
        %parallel_loop3A_438 = vector.broadcast %parallel_loop3A_437 : i1 to vector<16xi1>
        %parallel_loop3A_439 = tpu.scan <sum>, %parallel_loop3A_436 masked %parallel_loop3A_438 : vector<16xf32>, vector<16xi1> -> vector<16xf32>
        %parallel_loop3A_440 = vector.extract %parallel_loop3A_439[15] : f32 from vector<16xf32>
        %parallel_loop3A_441 = vector.broadcast %parallel_loop3A_440 : f32 to vector<16xf32>
        %parallel_loop3A_442 = math.exp %parallel_loop3A_441 : vector<16xf32>
        %parallel_loop3A_443 = arith.mulf %parallel_loop3A_325, %parallel_loop3A_442 : vector<16xf32>
        %parallel_loop3A_444 = arith.index_cast %parallel_loop3A_316 : i32 to index
        %parallel_loop3A_445 = arith.constant 0 : index
        %parallel_loop3A_446 = tpu.vector_load %arg14[%parallel_loop3A_444, %parallel_loop3A_445] {strides = array<i32>} : memref<40x144xf32, #tpu.memory_space<vmem>>, vector<16xf32>,
        tpu.vector_store %arg14[%parallel_loop3A_444, %parallel_loop3A_445], %parallel_loop3A_443 {strides = array<i32>} : memref<40x144xf32, #tpu.memory_space<vmem>>, vector<16xf32>,
        %parallel_loop3A_447 = arith.mulf %parallel_loop3A_326, %parallel_loop3A_442 : vector<16xf32>
        %parallel_loop3A_448 = arith.index_cast %parallel_loop3A_316 : i32 to index
        %parallel_loop3A_449 = arith.constant 16 : index
        %parallel_loop3A_450 = tpu.vector_load %arg14[%parallel_loop3A_448, %parallel_loop3A_449] {strides = array<i32>} : memref<40x144xf32, #tpu.memory_space<vmem>>, vector<16xf32>,
        tpu.vector_store %arg14[%parallel_loop3A_448, %parallel_loop3A_449], %parallel_loop3A_447 {strides = array<i32>} : memref<40x144xf32, #tpu.memory_space<vmem>>, vector<16xf32>,
        %parallel_loop3A_451 = arith.mulf %parallel_loop3A_355, %parallel_loop3A_442 : vector<16xf32>
        %parallel_loop3A_452 = arith.index_cast %parallel_loop3A_316 : i32 to index
        %parallel_loop3A_453 = arith.constant 32 : index
        %parallel_loop3A_454 = tpu.vector_load %arg14[%parallel_loop3A_452, %parallel_loop3A_453] {strides = array<i32>} : memref<40x144xf32, #tpu.memory_space<vmem>>, vector<16xf32>,
        tpu.vector_store %arg14[%parallel_loop3A_452, %parallel_loop3A_453], %parallel_loop3A_451 {strides = array<i32>} : memref<40x144xf32, #tpu.memory_space<vmem>>, vector<16xf32>,
        %parallel_loop3A_455 = arith.mulf %parallel_loop3A_356, %parallel_loop3A_442 : vector<16xf32>
        %parallel_loop3A_456 = arith.index_cast %parallel_loop3A_316 : i32 to index
        %parallel_loop3A_457 = arith.constant 48 : index
        %parallel_loop3A_458 = tpu.vector_load %arg14[%parallel_loop3A_456, %parallel_loop3A_457] {strides = array<i32>} : memref<40x144xf32, #tpu.memory_space<vmem>>, vector<16xf32>,
        tpu.vector_store %arg14[%parallel_loop3A_456, %parallel_loop3A_457], %parallel_loop3A_455 {strides = array<i32>} : memref<40x144xf32, #tpu.memory_space<vmem>>, vector<16xf32>,
        %parallel_loop3A_459 = arith.mulf %parallel_loop3A_385, %parallel_loop3A_442 : vector<16xf32>
        %parallel_loop3A_460 = arith.index_cast %parallel_loop3A_316 : i32 to index
        %parallel_loop3A_461 = arith.constant 64 : index
        %parallel_loop3A_462 = tpu.vector_load %arg14[%parallel_loop3A_460, %parallel_loop3A_461] {strides = array<i32>} : memref<40x144xf32, #tpu.memory_space<vmem>>, vector<16xf32>,
        tpu.vector_store %arg14[%parallel_loop3A_460, %parallel_loop3A_461], %parallel_loop3A_459 {strides = array<i32>} : memref<40x144xf32, #tpu.memory_space<vmem>>, vector<16xf32>,
        %parallel_loop3A_463 = arith.mulf %parallel_loop3A_386, %parallel_loop3A_442 : vector<16xf32>
        %parallel_loop3A_464 = arith.index_cast %parallel_loop3A_316 : i32 to index
        %parallel_loop3A_465 = arith.constant 80 : index
        %parallel_loop3A_466 = tpu.vector_load %arg14[%parallel_loop3A_464, %parallel_loop3A_465] {strides = array<i32>} : memref<40x144xf32, #tpu.memory_space<vmem>>, vector<16xf32>,
        tpu.vector_store %arg14[%parallel_loop3A_464, %parallel_loop3A_465], %parallel_loop3A_463 {strides = array<i32>} : memref<40x144xf32, #tpu.memory_space<vmem>>, vector<16xf32>,
        %parallel_loop3A_467 = arith.mulf %parallel_loop3A_415, %parallel_loop3A_442 : vector<16xf32>
        %parallel_loop3A_468 = arith.index_cast %parallel_loop3A_316 : i32 to index
        %parallel_loop3A_469 = arith.constant 96 : index
        %parallel_loop3A_470 = tpu.vector_load %arg14[%parallel_loop3A_468, %parallel_loop3A_469] {strides = array<i32>} : memref<40x144xf32, #tpu.memory_space<vmem>>, vector<16xf32>,
        tpu.vector_store %arg14[%parallel_loop3A_468, %parallel_loop3A_469], %parallel_loop3A_467 {strides = array<i32>} : memref<40x144xf32, #tpu.memory_space<vmem>>, vector<16xf32>,
        %parallel_loop3A_471 = arith.mulf %parallel_loop3A_416, %parallel_loop3A_442 : vector<16xf32>
        %parallel_loop3A_472 = arith.index_cast %parallel_loop3A_316 : i32 to index
        %parallel_loop3A_473 = arith.constant 112 : index
        %parallel_loop3A_474 = tpu.vector_load %arg14[%parallel_loop3A_472, %parallel_loop3A_473] {strides = array<i32>} : memref<40x144xf32, #tpu.memory_space<vmem>>, vector<16xf32>,
        tpu.vector_store %arg14[%parallel_loop3A_472, %parallel_loop3A_473], %parallel_loop3A_471 {strides = array<i32>} : memref<40x144xf32, #tpu.memory_space<vmem>>, vector<16xf32>,
        %parallel_loop3A_475 = arith.constant 0 : i32
        %parallel_loop3A_476 = vector.broadcast %parallel_loop3A_475 : i32 to vector<16xi32>
        %parallel_loop3A_477 = arith.cmpi eq, %iota3A, %parallel_loop3A_476 : vector<16xi32>
        %parallel_loop3A_478 = arith.constant 0.000000e+00 : f32
        %parallel_loop3A_479 = vector.broadcast %parallel_loop3A_478 : f32 to vector<16xf32>
        %parallel_loop3A_480 = arith.select %parallel_loop3A_477, %parallel_loop3A_442, %parallel_loop3A_479 : vector<16xi1>, vector<16xf32>
        %parallel_loop3A_481 = arith.index_cast %parallel_loop3A_316 : i32 to index
        %parallel_loop3A_482 = arith.constant 128 : index
        %parallel_loop3A_483 = tpu.vector_load %arg14[%parallel_loop3A_481, %parallel_loop3A_482] {strides = array<i32>} : memref<40x144xf32, #tpu.memory_space<vmem>>, vector<16xf32>,
        tpu.vector_store %arg14[%parallel_loop3A_481, %parallel_loop3A_482], %parallel_loop3A_480 {strides = array<i32>} : memref<40x144xf32, #tpu.memory_space<vmem>>, vector<16xf32>,
      } {sc.loop_unroll_factor = 2 : i64, sc.parallel_access}
      %dma_start3A_278 = arith.constant 0 : i32
      %dma_start3A_279 = arith.constant 0 : i32
      %dma_start3A_280 = tpu.memref_slice %arg16[%dma_start3A_278, %dma_start3A_279] : memref<10240x144xf32, #tpu.memory_space<vmem_shared>> -> memref<10240x144xf32, #tpu.memory_space<vmem_shared>>
      tpu.enqueue_indirect_dma source(%arg14 : memref<40x144xf32, #tpu.memory_space<vmem>>) target(%dma_start3A_280 : memref<10240x144xf32, #tpu.memory_space<vmem_shared>>) offsets(%arg10 : memref<40xi32, #tpu.memory_space<vmem>>) semaphore(%arg21 : memref<!tpu.dma_semaphore, #tpu.memory_space<semaphore_mem>>) {add = true}
      %mul3A_281 = arith.constant 4 : i32
      %mul3A_282 = arith.muli %mul3A_281, %scan3A_123 : i32
      %add3A_283 = arith.constant 3 : i32
      %add3A_284 = arith.addi %mul3A_282, %add3A_283 : i32
      %dma_wait3A_285 = arith.constant 0 : i32
      %dma_wait3A_286 = arith.constant 0 : i32
      %dma_wait3A_287 = tpu.memref_slice %arg13[%dma_wait3A_285, %dma_wait3A_286] : memref<80x128xbf16, #tpu.memory_space<vmem>> -> memref<40x128xbf16, #tpu.memory_space<vmem>>
      %dma_wait3A_288 = arith.constant 0 : i32
      %dma_wait3A_289 = arith.constant 0 : i32
      %dma_wait3A_290 = tpu.memref_slice %arg2[%dma_wait3A_288, %dma_wait3A_289] : memref<10000x128xbf16, #tpu.memory_space<hbm>> -> memref<10000x128xbf16, #tpu.memory_space<hbm>>
      tpu.wait_indirect_dma semaphore(%arg20 : memref<!tpu.dma_semaphore, #tpu.memory_space<semaphore_mem>>) src(%dma_wait3A_290 : memref<10000x128xbf16, #tpu.memory_space<hbm>>) dst(%dma_wait3A_287 : memref<40x128xbf16, #tpu.memory_space<vmem>>)
      %dma_wait3A_291 = arith.constant 40 : i32
      %dma_wait3A_292 = arith.constant 0 : i32
      %dma_wait3A_293 = tpu.memref_slice %arg13[%dma_wait3A_291, %dma_wait3A_292] : memref<80x128xbf16, #tpu.memory_space<vmem>> -> memref<40x128xbf16, #tpu.memory_space<vmem>>
      %dma_wait3A_294 = arith.constant 0 : i32
      %dma_wait3A_295 = arith.constant 0 : i32
      %dma_wait3A_296 = tpu.memref_slice %arg2[%dma_wait3A_294, %dma_wait3A_295] : memref<10000x128xbf16, #tpu.memory_space<hbm>> -> memref<10000x128xbf16, #tpu.memory_space<hbm>>
      tpu.wait_indirect_dma semaphore(%arg20 : memref<!tpu.dma_semaphore, #tpu.memory_space<semaphore_mem>>) src(%dma_wait3A_296 : memref<10000x128xbf16, #tpu.memory_space<hbm>>) dst(%dma_wait3A_293 : memref<40x128xbf16, #tpu.memory_space<vmem>>)
      %lt3A_297 = arith.constant 124 : i32
      %lt3A_298 = arith.cmpi slt, %scan3A_123, %lt3A_297 : i32
      %convert_element_type3A_299 = arith.extui %lt3A_298 : i1 to i32
      %cond3A_300 = arith.constant 0 : i32
      %cond3A_301 = arith.cmpi ne, %convert_element_type3A_299, %cond3A_300 : i32
      scf.if %cond3A_301 {
        %dma_wait3A_316 = arith.constant 0 : i32
        %dma_wait3A_317 = tpu.memref_slice %arg3[%dma_wait3A_316] : memref<640000xi32, #tpu.memory_space<hbm>> -> memref<40xi32, #tpu.memory_space<hbm>>
        %dma_wait3A_318 = arith.constant 0 : i32
        %dma_wait3A_319 = tpu.memref_slice %arg3[%dma_wait3A_318] : memref<640000xi32, #tpu.memory_space<hbm>> -> memref<40xi32, #tpu.memory_space<hbm>>
        tpu.wait_dma2 semaphore(%arg17 : memref<!tpu.dma_semaphore, #tpu.memory_space<semaphore_mem>>) src(%dma_wait3A_319 : memref<40xi32, #tpu.memory_space<hbm>>) dst(%arg6 : memref<40xi32, #tpu.memory_space<vmem>>)
        %dma_wait3A_320 = arith.constant 0 : i32
        %dma_wait3A_321 = tpu.memref_slice %arg4[%dma_wait3A_320] : memref<640000xi32, #tpu.memory_space<hbm>> -> memref<40xi32, #tpu.memory_space<hbm>>
        %dma_wait3A_322 = arith.constant 0 : i32
        %dma_wait3A_323 = tpu.memref_slice %arg4[%dma_wait3A_322] : memref<640000xi32, #tpu.memory_space<hbm>> -> memref<40xi32, #tpu.memory_space<hbm>>
        tpu.wait_dma2 semaphore(%arg17 : memref<!tpu.dma_semaphore, #tpu.memory_space<semaphore_mem>>) src(%dma_wait3A_323 : memref<40xi32, #tpu.memory_space<hbm>>) dst(%arg8 : memref<40xi32, #tpu.memory_space<vmem>>)
        %dma_start3A_324 = arith.constant 0 : i32
        %dma_start3A_325 = arith.constant 0 : i32
        %dma_start3A_326 = tpu.memref_slice %arg12[%dma_start3A_324, %dma_start3A_325] : memref<80x128xbf16, #tpu.memory_space<vmem>> -> memref<40x128xbf16, #tpu.memory_space<vmem>>
        %dma_start3A_327 = arith.constant 0 : i32
        %dma_start3A_328 = arith.constant 0 : i32
        %dma_start3A_329 = tpu.memref_slice %arg2[%dma_start3A_327, %dma_start3A_328] : memref<10000x128xbf16, #tpu.memory_space<hbm>> -> memref<10000x128xbf16, #tpu.memory_space<hbm>>
        tpu.enqueue_indirect_dma source(%dma_start3A_329 : memref<10000x128xbf16, #tpu.memory_space<hbm>>) target(%dma_start3A_326 : memref<40x128xbf16, #tpu.memory_space<vmem>>) offsets(%arg6 : memref<40xi32, #tpu.memory_space<vmem>>) semaphore(%arg19 : memref<!tpu.dma_semaphore, #tpu.memory_space<semaphore_mem>>)
        %dma_start3A_330 = arith.constant 40 : i32
        %dma_start3A_331 = arith.constant 0 : i32
        %dma_start3A_332 = tpu.memref_slice %arg12[%dma_start3A_330, %dma_start3A_331] : memref<80x128xbf16, #tpu.memory_space<vmem>> -> memref<40x128xbf16, #tpu.memory_space<vmem>>
        %dma_start3A_333 = arith.constant 0 : i32
        %dma_start3A_334 = arith.constant 0 : i32
        %dma_start3A_335 = tpu.memref_slice %arg2[%dma_start3A_333, %dma_start3A_334] : memref<10000x128xbf16, #tpu.memory_space<hbm>> -> memref<10000x128xbf16, #tpu.memory_space<hbm>>
        tpu.enqueue_indirect_dma source(%dma_start3A_335 : memref<10000x128xbf16, #tpu.memory_space<hbm>>) target(%dma_start3A_332 : memref<40x128xbf16, #tpu.memory_space<vmem>>) offsets(%arg8 : memref<40xi32, #tpu.memory_space<vmem>>) semaphore(%arg19 : memref<!tpu.dma_semaphore, #tpu.memory_space<semaphore_mem>>)
      } else {
      }
      %dma_wait3A_302 = arith.constant 0 : i32
      %dma_wait3A_303 = arith.constant 0 : i32
      %dma_wait3A_304 = tpu.memref_slice %arg16[%dma_wait3A_302, %dma_wait3A_303] : memref<10240x144xf32, #tpu.memory_space<vmem_shared>> -> memref<10240x144xf32, #tpu.memory_space<vmem_shared>>
      tpu.wait_indirect_dma semaphore(%arg22 : memref<!tpu.dma_semaphore, #tpu.memory_space<semaphore_mem>>) src(%arg15 : memref<40x144xf32, #tpu.memory_space<vmem>>) dst(%dma_wait3A_304 : memref<10240x144xf32, #tpu.memory_space<vmem_shared>>)
      %lt3A_305 = arith.constant 124 : i32
      %lt3A_306 = arith.cmpi slt, %scan3A_123, %lt3A_305 : i32
      %convert_element_type3A_307 = arith.extui %lt3A_306 : i1 to i32
      %cond3A_308 = arith.constant 0 : i32
      %cond3A_309 = arith.cmpi ne, %convert_element_type3A_307, %cond3A_308 : i32
      scf.if %cond3A_309 {
        %add3A_316 = arith.constant 2 : i32
        %add3A_317 = arith.addi %add3A_284, %add3A_316 : i32
        %mul3A_318 = arith.constant 40 : i32
        %mul3A_319 = arith.muli %add3A_317, %mul3A_318 : i32
        %add3A_320 = arith.addi %mul3A_72, %mul3A_319 : i32
        %dma_start3A_321 = tpu.memref_slice %arg3[%add3A_320] : memref<640000xi32, #tpu.memory_space<hbm>> -> memref<40xi32, #tpu.memory_space<hbm>>
        %dma_start3A_322 = tpu.memref_slice %arg3[%add3A_320] : memref<640000xi32, #tpu.memory_space<hbm>> -> memref<40xi32, #tpu.memory_space<hbm>>
        tpu.enqueue_dma source(%dma_start3A_322 : memref<40xi32, #tpu.memory_space<hbm>>) target(%arg7 : memref<40xi32, #tpu.memory_space<vmem>>) target_semaphore(%arg18 : memref<!tpu.dma_semaphore, #tpu.memory_space<semaphore_mem>>)
        %dma_start3A_323 = tpu.memref_slice %arg4[%add3A_320] : memref<640000xi32, #tpu.memory_space<hbm>> -> memref<40xi32, #tpu.memory_space<hbm>>
        %dma_start3A_324 = tpu.memref_slice %arg4[%add3A_320] : memref<640000xi32, #tpu.memory_space<hbm>> -> memref<40xi32, #tpu.memory_space<hbm>>
        tpu.enqueue_dma source(%dma_start3A_324 : memref<40xi32, #tpu.memory_space<hbm>>) target(%arg9 : memref<40xi32, #tpu.memory_space<vmem>>) target_semaphore(%arg18 : memref<!tpu.dma_semaphore, #tpu.memory_space<semaphore_mem>>)
      } else {
      }
      %parallel_loop3A_310 = arith.constant 0 : i32
      %parallel_loop3A_311 = arith.constant 40 : i32
      %parallel_loop3A_312 = arith.constant 1 : i32
      scf.for %parallel_loop3A_316 = %parallel_loop3A_310 to %parallel_loop3A_311 step %parallel_loop3A_312  : i32 {
        %parallel_loop3A_317 = arith.index_cast %parallel_loop3A_316 : i32 to index
        %parallel_loop3A_318 = arith.constant 0 : index
        %parallel_loop3A_319 = tpu.vector_load %arg13[%parallel_loop3A_317, %parallel_loop3A_318] {strides = array<i32>} : memref<80x128xbf16, #tpu.memory_space<vmem>>, vector<32xbf16>,
        %parallel_loop3A_320 = arith.constant 40 : i32
        %parallel_loop3A_321 = arith.addi %parallel_loop3A_316, %parallel_loop3A_320 : i32
        %parallel_loop3A_322 = arith.index_cast %parallel_loop3A_321 : i32 to index
        %parallel_loop3A_323 = arith.constant 0 : index
        %parallel_loop3A_324 = tpu.vector_load %arg13[%parallel_loop3A_322, %parallel_loop3A_323] {strides = array<i32>} : memref<80x128xbf16, #tpu.memory_space<vmem>>, vector<32xbf16>,
        %parallel_loop3A_325 = tpu.unpack_subelements %parallel_loop3A_319, 0 {pack_format = #tpu.pack_format<interleaved>} : vector<32xbf16> -> vector<16xf32>
        %parallel_loop3A_326 = tpu.unpack_subelements %parallel_loop3A_319, 1 {pack_format = #tpu.pack_format<interleaved>} : vector<32xbf16> -> vector<16xf32>
        %parallel_loop3A_327 = tpu.unpack_subelements %parallel_loop3A_324, 0 {pack_format = #tpu.pack_format<interleaved>} : vector<32xbf16> -> vector<16xf32>
        %parallel_loop3A_328 = tpu.unpack_subelements %parallel_loop3A_324, 1 {pack_format = #tpu.pack_format<interleaved>} : vector<32xbf16> -> vector<16xf32>
        %parallel_loop3A_329 = arith.constant 0.000000e+00 : f32
        %parallel_loop3A_330 = vector.broadcast %parallel_loop3A_329 : f32 to vector<16xf32>
        %parallel_loop3A_331 = arith.cmpf ogt, %parallel_loop3A_325, %parallel_loop3A_330 : vector<16xf32>
        %parallel_loop3A_332 = arith.constant 0.00999999977 : f32
        %parallel_loop3A_333 = vector.broadcast %parallel_loop3A_332 : f32 to vector<16xf32>
        %parallel_loop3A_334 = arith.mulf %parallel_loop3A_325, %parallel_loop3A_333 : vector<16xf32>
        %parallel_loop3A_335 = arith.select %parallel_loop3A_331, %parallel_loop3A_325, %parallel_loop3A_334 : vector<16xi1>, vector<16xf32>
        %parallel_loop3A_336 = arith.mulf %parallel_loop3A_327, %parallel_loop3A_335 : vector<16xf32>
        %parallel_loop3A_337 = arith.addf %broadcast_in_dim3A_0, %parallel_loop3A_336 : vector<16xf32>
        %parallel_loop3A_338 = arith.constant 0.000000e+00 : f32
        %parallel_loop3A_339 = vector.broadcast %parallel_loop3A_338 : f32 to vector<16xf32>
        %parallel_loop3A_340 = arith.cmpf ogt, %parallel_loop3A_326, %parallel_loop3A_339 : vector<16xf32>
        %parallel_loop3A_341 = arith.constant 0.00999999977 : f32
        %parallel_loop3A_342 = vector.broadcast %parallel_loop3A_341 : f32 to vector<16xf32>
        %parallel_loop3A_343 = arith.mulf %parallel_loop3A_326, %parallel_loop3A_342 : vector<16xf32>
        %parallel_loop3A_344 = arith.select %parallel_loop3A_340, %parallel_loop3A_326, %parallel_loop3A_343 : vector<16xi1>, vector<16xf32>
        %parallel_loop3A_345 = arith.mulf %parallel_loop3A_328, %parallel_loop3A_344 : vector<16xf32>
        %parallel_loop3A_346 = arith.addf %parallel_loop3A_337, %parallel_loop3A_345 : vector<16xf32>
        %parallel_loop3A_347 = arith.index_cast %parallel_loop3A_316 : i32 to index
        %parallel_loop3A_348 = arith.constant 32 : index
        %parallel_loop3A_349 = tpu.vector_load %arg13[%parallel_loop3A_347, %parallel_loop3A_348] {strides = array<i32>} : memref<80x128xbf16, #tpu.memory_space<vmem>>, vector<32xbf16>,
        %parallel_loop3A_350 = arith.constant 40 : i32
        %parallel_loop3A_351 = arith.addi %parallel_loop3A_316, %parallel_loop3A_350 : i32
        %parallel_loop3A_352 = arith.index_cast %parallel_loop3A_351 : i32 to index
        %parallel_loop3A_353 = arith.constant 32 : index
        %parallel_loop3A_354 = tpu.vector_load %arg13[%parallel_loop3A_352, %parallel_loop3A_353] {strides = array<i32>} : memref<80x128xbf16, #tpu.memory_space<vmem>>, vector<32xbf16>,
        %parallel_loop3A_355 = tpu.unpack_subelements %parallel_loop3A_349, 0 {pack_format = #tpu.pack_format<interleaved>} : vector<32xbf16> -> vector<16xf32>
        %parallel_loop3A_356 = tpu.unpack_subelements %parallel_loop3A_349, 1 {pack_format = #tpu.pack_format<interleaved>} : vector<32xbf16> -> vector<16xf32>
        %parallel_loop3A_357 = tpu.unpack_subelements %parallel_loop3A_354, 0 {pack_format = #tpu.pack_format<interleaved>} : vector<32xbf16> -> vector<16xf32>
        %parallel_loop3A_358 = tpu.unpack_subelements %parallel_loop3A_354, 1 {pack_format = #tpu.pack_format<interleaved>} : vector<32xbf16> -> vector<16xf32>
        %parallel_loop3A_359 = arith.constant 0.000000e+00 : f32
        %parallel_loop3A_360 = vector.broadcast %parallel_loop3A_359 : f32 to vector<16xf32>
        %parallel_loop3A_361 = arith.cmpf ogt, %parallel_loop3A_355, %parallel_loop3A_360 : vector<16xf32>
        %parallel_loop3A_362 = arith.constant 0.00999999977 : f32
        %parallel_loop3A_363 = vector.broadcast %parallel_loop3A_362 : f32 to vector<16xf32>
        %parallel_loop3A_364 = arith.mulf %parallel_loop3A_355, %parallel_loop3A_363 : vector<16xf32>
        %parallel_loop3A_365 = arith.select %parallel_loop3A_361, %parallel_loop3A_355, %parallel_loop3A_364 : vector<16xi1>, vector<16xf32>
        %parallel_loop3A_366 = arith.mulf %parallel_loop3A_357, %parallel_loop3A_365 : vector<16xf32>
        %parallel_loop3A_367 = arith.addf %parallel_loop3A_346, %parallel_loop3A_366 : vector<16xf32>
        %parallel_loop3A_368 = arith.constant 0.000000e+00 : f32
        %parallel_loop3A_369 = vector.broadcast %parallel_loop3A_368 : f32 to vector<16xf32>
        %parallel_loop3A_370 = arith.cmpf ogt, %parallel_loop3A_356, %parallel_loop3A_369 : vector<16xf32>
        %parallel_loop3A_371 = arith.constant 0.00999999977 : f32
        %parallel_loop3A_372 = vector.broadcast %parallel_loop3A_371 : f32 to vector<16xf32>
        %parallel_loop3A_373 = arith.mulf %parallel_loop3A_356, %parallel_loop3A_372 : vector<16xf32>
        %parallel_loop3A_374 = arith.select %parallel_loop3A_370, %parallel_loop3A_356, %parallel_loop3A_373 : vector<16xi1>, vector<16xf32>
        %parallel_loop3A_375 = arith.mulf %parallel_loop3A_358, %parallel_loop3A_374 : vector<16xf32>
        %parallel_loop3A_376 = arith.addf %parallel_loop3A_367, %parallel_loop3A_375 : vector<16xf32>
        %parallel_loop3A_377 = arith.index_cast %parallel_loop3A_316 : i32 to index
        %parallel_loop3A_378 = arith.constant 64 : index
        %parallel_loop3A_379 = tpu.vector_load %arg13[%parallel_loop3A_377, %parallel_loop3A_378] {strides = array<i32>} : memref<80x128xbf16, #tpu.memory_space<vmem>>, vector<32xbf16>,
        %parallel_loop3A_380 = arith.constant 40 : i32
        %parallel_loop3A_381 = arith.addi %parallel_loop3A_316, %parallel_loop3A_380 : i32
        %parallel_loop3A_382 = arith.index_cast %parallel_loop3A_381 : i32 to index
        %parallel_loop3A_383 = arith.constant 64 : index
        %parallel_loop3A_384 = tpu.vector_load %arg13[%parallel_loop3A_382, %parallel_loop3A_383] {strides = array<i32>} : memref<80x128xbf16, #tpu.memory_space<vmem>>, vector<32xbf16>,
        %parallel_loop3A_385 = tpu.unpack_subelements %parallel_loop3A_379, 0 {pack_format = #tpu.pack_format<interleaved>} : vector<32xbf16> -> vector<16xf32>
        %parallel_loop3A_386 = tpu.unpack_subelements %parallel_loop3A_379, 1 {pack_format = #tpu.pack_format<interleaved>} : vector<32xbf16> -> vector<16xf32>
        %parallel_loop3A_387 = tpu.unpack_subelements %parallel_loop3A_384, 0 {pack_format = #tpu.pack_format<interleaved>} : vector<32xbf16> -> vector<16xf32>
        %parallel_loop3A_388 = tpu.unpack_subelements %parallel_loop3A_384, 1 {pack_format = #tpu.pack_format<interleaved>} : vector<32xbf16> -> vector<16xf32>
        %parallel_loop3A_389 = arith.constant 0.000000e+00 : f32
        %parallel_loop3A_390 = vector.broadcast %parallel_loop3A_389 : f32 to vector<16xf32>
        %parallel_loop3A_391 = arith.cmpf ogt, %parallel_loop3A_385, %parallel_loop3A_390 : vector<16xf32>
        %parallel_loop3A_392 = arith.constant 0.00999999977 : f32
        %parallel_loop3A_393 = vector.broadcast %parallel_loop3A_392 : f32 to vector<16xf32>
        %parallel_loop3A_394 = arith.mulf %parallel_loop3A_385, %parallel_loop3A_393 : vector<16xf32>
        %parallel_loop3A_395 = arith.select %parallel_loop3A_391, %parallel_loop3A_385, %parallel_loop3A_394 : vector<16xi1>, vector<16xf32>
        %parallel_loop3A_396 = arith.mulf %parallel_loop3A_387, %parallel_loop3A_395 : vector<16xf32>
        %parallel_loop3A_397 = arith.addf %parallel_loop3A_376, %parallel_loop3A_396 : vector<16xf32>
        %parallel_loop3A_398 = arith.constant 0.000000e+00 : f32
        %parallel_loop3A_399 = vector.broadcast %parallel_loop3A_398 : f32 to vector<16xf32>
        %parallel_loop3A_400 = arith.cmpf ogt, %parallel_loop3A_386, %parallel_loop3A_399 : vector<16xf32>
        %parallel_loop3A_401 = arith.constant 0.00999999977 : f32
        %parallel_loop3A_402 = vector.broadcast %parallel_loop3A_401 : f32 to vector<16xf32>
        %parallel_loop3A_403 = arith.mulf %parallel_loop3A_386, %parallel_loop3A_402 : vector<16xf32>
        %parallel_loop3A_404 = arith.select %parallel_loop3A_400, %parallel_loop3A_386, %parallel_loop3A_403 : vector<16xi1>, vector<16xf32>
        %parallel_loop3A_405 = arith.mulf %parallel_loop3A_388, %parallel_loop3A_404 : vector<16xf32>
        %parallel_loop3A_406 = arith.addf %parallel_loop3A_397, %parallel_loop3A_405 : vector<16xf32>
        %parallel_loop3A_407 = arith.index_cast %parallel_loop3A_316 : i32 to index
        %parallel_loop3A_408 = arith.constant 96 : index
        %parallel_loop3A_409 = tpu.vector_load %arg13[%parallel_loop3A_407, %parallel_loop3A_408] {strides = array<i32>} : memref<80x128xbf16, #tpu.memory_space<vmem>>, vector<32xbf16>,
        %parallel_loop3A_410 = arith.constant 40 : i32
        %parallel_loop3A_411 = arith.addi %parallel_loop3A_316, %parallel_loop3A_410 : i32
        %parallel_loop3A_412 = arith.index_cast %parallel_loop3A_411 : i32 to index
        %parallel_loop3A_413 = arith.constant 96 : index
        %parallel_loop3A_414 = tpu.vector_load %arg13[%parallel_loop3A_412, %parallel_loop3A_413] {strides = array<i32>} : memref<80x128xbf16, #tpu.memory_space<vmem>>, vector<32xbf16>,
        %parallel_loop3A_415 = tpu.unpack_subelements %parallel_loop3A_409, 0 {pack_format = #tpu.pack_format<interleaved>} : vector<32xbf16> -> vector<16xf32>
        %parallel_loop3A_416 = tpu.unpack_subelements %parallel_loop3A_409, 1 {pack_format = #tpu.pack_format<interleaved>} : vector<32xbf16> -> vector<16xf32>
        %parallel_loop3A_417 = tpu.unpack_subelements %parallel_loop3A_414, 0 {pack_format = #tpu.pack_format<interleaved>} : vector<32xbf16> -> vector<16xf32>
        %parallel_loop3A_418 = tpu.unpack_subelements %parallel_loop3A_414, 1 {pack_format = #tpu.pack_format<interleaved>} : vector<32xbf16> -> vector<16xf32>
        %parallel_loop3A_419 = arith.constant 0.000000e+00 : f32
        %parallel_loop3A_420 = vector.broadcast %parallel_loop3A_419 : f32 to vector<16xf32>
        %parallel_loop3A_421 = arith.cmpf ogt, %parallel_loop3A_415, %parallel_loop3A_420 : vector<16xf32>
        %parallel_loop3A_422 = arith.constant 0.00999999977 : f32
        %parallel_loop3A_423 = vector.broadcast %parallel_loop3A_422 : f32 to vector<16xf32>
        %parallel_loop3A_424 = arith.mulf %parallel_loop3A_415, %parallel_loop3A_423 : vector<16xf32>
        %parallel_loop3A_425 = arith.select %parallel_loop3A_421, %parallel_loop3A_415, %parallel_loop3A_424 : vector<16xi1>, vector<16xf32>
        %parallel_loop3A_426 = arith.mulf %parallel_loop3A_417, %parallel_loop3A_425 : vector<16xf32>
        %parallel_loop3A_427 = arith.addf %parallel_loop3A_406, %parallel_loop3A_426 : vector<16xf32>
        %parallel_loop3A_428 = arith.constant 0.000000e+00 : f32
        %parallel_loop3A_429 = vector.broadcast %parallel_loop3A_428 : f32 to vector<16xf32>
        %parallel_loop3A_430 = arith.cmpf ogt, %parallel_loop3A_416, %parallel_loop3A_429 : vector<16xf32>
        %parallel_loop3A_431 = arith.constant 0.00999999977 : f32
        %parallel_loop3A_432 = vector.broadcast %parallel_loop3A_431 : f32 to vector<16xf32>
        %parallel_loop3A_433 = arith.mulf %parallel_loop3A_416, %parallel_loop3A_432 : vector<16xf32>
        %parallel_loop3A_434 = arith.select %parallel_loop3A_430, %parallel_loop3A_416, %parallel_loop3A_433 : vector<16xi1>, vector<16xf32>
        %parallel_loop3A_435 = arith.mulf %parallel_loop3A_418, %parallel_loop3A_434 : vector<16xf32>
        %parallel_loop3A_436 = arith.addf %parallel_loop3A_427, %parallel_loop3A_435 : vector<16xf32>
        %parallel_loop3A_437 = arith.constant true
        %parallel_loop3A_438 = vector.broadcast %parallel_loop3A_437 : i1 to vector<16xi1>
        %parallel_loop3A_439 = tpu.scan <sum>, %parallel_loop3A_436 masked %parallel_loop3A_438 : vector<16xf32>, vector<16xi1> -> vector<16xf32>
        %parallel_loop3A_440 = vector.extract %parallel_loop3A_439[15] : f32 from vector<16xf32>
        %parallel_loop3A_441 = vector.broadcast %parallel_loop3A_440 : f32 to vector<16xf32>
        %parallel_loop3A_442 = math.exp %parallel_loop3A_441 : vector<16xf32>
        %parallel_loop3A_443 = arith.mulf %parallel_loop3A_325, %parallel_loop3A_442 : vector<16xf32>
        %parallel_loop3A_444 = arith.index_cast %parallel_loop3A_316 : i32 to index
        %parallel_loop3A_445 = arith.constant 0 : index
        %parallel_loop3A_446 = tpu.vector_load %arg15[%parallel_loop3A_444, %parallel_loop3A_445] {strides = array<i32>} : memref<40x144xf32, #tpu.memory_space<vmem>>, vector<16xf32>,
        tpu.vector_store %arg15[%parallel_loop3A_444, %parallel_loop3A_445], %parallel_loop3A_443 {strides = array<i32>} : memref<40x144xf32, #tpu.memory_space<vmem>>, vector<16xf32>,
        %parallel_loop3A_447 = arith.mulf %parallel_loop3A_326, %parallel_loop3A_442 : vector<16xf32>
        %parallel_loop3A_448 = arith.index_cast %parallel_loop3A_316 : i32 to index
        %parallel_loop3A_449 = arith.constant 16 : index
        %parallel_loop3A_450 = tpu.vector_load %arg15[%parallel_loop3A_448, %parallel_loop3A_449] {strides = array<i32>} : memref<40x144xf32, #tpu.memory_space<vmem>>, vector<16xf32>,
        tpu.vector_store %arg15[%parallel_loop3A_448, %parallel_loop3A_449], %parallel_loop3A_447 {strides = array<i32>} : memref<40x144xf32, #tpu.memory_space<vmem>>, vector<16xf32>,
        %parallel_loop3A_451 = arith.mulf %parallel_loop3A_355, %parallel_loop3A_442 : vector<16xf32>
        %parallel_loop3A_452 = arith.index_cast %parallel_loop3A_316 : i32 to index
        %parallel_loop3A_453 = arith.constant 32 : index
        %parallel_loop3A_454 = tpu.vector_load %arg15[%parallel_loop3A_452, %parallel_loop3A_453] {strides = array<i32>} : memref<40x144xf32, #tpu.memory_space<vmem>>, vector<16xf32>,
        tpu.vector_store %arg15[%parallel_loop3A_452, %parallel_loop3A_453], %parallel_loop3A_451 {strides = array<i32>} : memref<40x144xf32, #tpu.memory_space<vmem>>, vector<16xf32>,
        %parallel_loop3A_455 = arith.mulf %parallel_loop3A_356, %parallel_loop3A_442 : vector<16xf32>
        %parallel_loop3A_456 = arith.index_cast %parallel_loop3A_316 : i32 to index
        %parallel_loop3A_457 = arith.constant 48 : index
        %parallel_loop3A_458 = tpu.vector_load %arg15[%parallel_loop3A_456, %parallel_loop3A_457] {strides = array<i32>} : memref<40x144xf32, #tpu.memory_space<vmem>>, vector<16xf32>,
        tpu.vector_store %arg15[%parallel_loop3A_456, %parallel_loop3A_457], %parallel_loop3A_455 {strides = array<i32>} : memref<40x144xf32, #tpu.memory_space<vmem>>, vector<16xf32>,
        %parallel_loop3A_459 = arith.mulf %parallel_loop3A_385, %parallel_loop3A_442 : vector<16xf32>
        %parallel_loop3A_460 = arith.index_cast %parallel_loop3A_316 : i32 to index
        %parallel_loop3A_461 = arith.constant 64 : index
        %parallel_loop3A_462 = tpu.vector_load %arg15[%parallel_loop3A_460, %parallel_loop3A_461] {strides = array<i32>} : memref<40x144xf32, #tpu.memory_space<vmem>>, vector<16xf32>,
        tpu.vector_store %arg15[%parallel_loop3A_460, %parallel_loop3A_461], %parallel_loop3A_459 {strides = array<i32>} : memref<40x144xf32, #tpu.memory_space<vmem>>, vector<16xf32>,
        %parallel_loop3A_463 = arith.mulf %parallel_loop3A_386, %parallel_loop3A_442 : vector<16xf32>
        %parallel_loop3A_464 = arith.index_cast %parallel_loop3A_316 : i32 to index
        %parallel_loop3A_465 = arith.constant 80 : index
        %parallel_loop3A_466 = tpu.vector_load %arg15[%parallel_loop3A_464, %parallel_loop3A_465] {strides = array<i32>} : memref<40x144xf32, #tpu.memory_space<vmem>>, vector<16xf32>,
        tpu.vector_store %arg15[%parallel_loop3A_464, %parallel_loop3A_465], %parallel_loop3A_463 {strides = array<i32>} : memref<40x144xf32, #tpu.memory_space<vmem>>, vector<16xf32>,
        %parallel_loop3A_467 = arith.mulf %parallel_loop3A_415, %parallel_loop3A_442 : vector<16xf32>
        %parallel_loop3A_468 = arith.index_cast %parallel_loop3A_316 : i32 to index
        %parallel_loop3A_469 = arith.constant 96 : index
        %parallel_loop3A_470 = tpu.vector_load %arg15[%parallel_loop3A_468, %parallel_loop3A_469] {strides = array<i32>} : memref<40x144xf32, #tpu.memory_space<vmem>>, vector<16xf32>,
        tpu.vector_store %arg15[%parallel_loop3A_468, %parallel_loop3A_469], %parallel_loop3A_467 {strides = array<i32>} : memref<40x144xf32, #tpu.memory_space<vmem>>, vector<16xf32>,
        %parallel_loop3A_471 = arith.mulf %parallel_loop3A_416, %parallel_loop3A_442 : vector<16xf32>
        %parallel_loop3A_472 = arith.index_cast %parallel_loop3A_316 : i32 to index
        %parallel_loop3A_473 = arith.constant 112 : index
        %parallel_loop3A_474 = tpu.vector_load %arg15[%parallel_loop3A_472, %parallel_loop3A_473] {strides = array<i32>} : memref<40x144xf32, #tpu.memory_space<vmem>>, vector<16xf32>,
        tpu.vector_store %arg15[%parallel_loop3A_472, %parallel_loop3A_473], %parallel_loop3A_471 {strides = array<i32>} : memref<40x144xf32, #tpu.memory_space<vmem>>, vector<16xf32>,
        %parallel_loop3A_475 = arith.constant 0 : i32
        %parallel_loop3A_476 = vector.broadcast %parallel_loop3A_475 : i32 to vector<16xi32>
        %parallel_loop3A_477 = arith.cmpi eq, %iota3A, %parallel_loop3A_476 : vector<16xi32>
        %parallel_loop3A_478 = arith.constant 0.000000e+00 : f32
        %parallel_loop3A_479 = vector.broadcast %parallel_loop3A_478 : f32 to vector<16xf32>
        %parallel_loop3A_480 = arith.select %parallel_loop3A_477, %parallel_loop3A_442, %parallel_loop3A_479 : vector<16xi1>, vector<16xf32>
        %parallel_loop3A_481 = arith.index_cast %parallel_loop3A_316 : i32 to index
        %parallel_loop3A_482 = arith.constant 128 : index
        %parallel_loop3A_483 = tpu.vector_load %arg15[%parallel_loop3A_481, %parallel_loop3A_482] {strides = array<i32>} : memref<40x144xf32, #tpu.memory_space<vmem>>, vector<16xf32>,
        tpu.vector_store %arg15[%parallel_loop3A_481, %parallel_loop3A_482], %parallel_loop3A_480 {strides = array<i32>} : memref<40x144xf32, #tpu.memory_space<vmem>>, vector<16xf32>,
      } {sc.loop_unroll_factor = 2 : i64, sc.parallel_access}
      %dma_start3A_313 = arith.constant 0 : i32
      %dma_start3A_314 = arith.constant 0 : i32
      %dma_start3A_315 = tpu.memref_slice %arg16[%dma_start3A_313, %dma_start3A_314] : memref<10240x144xf32, #tpu.memory_space<vmem_shared>> -> memref<10240x144xf32, #tpu.memory_space<vmem_shared>>
      tpu.enqueue_indirect_dma source(%arg15 : memref<40x144xf32, #tpu.memory_space<vmem>>) target(%dma_start3A_315 : memref<10240x144xf32, #tpu.memory_space<vmem_shared>>) offsets(%arg11 : memref<40xi32, #tpu.memory_space<vmem>>) semaphore(%arg22 : memref<!tpu.dma_semaphore, #tpu.memory_space<semaphore_mem>>) {add = true}
    }
    %scan3A_108 = arith.constant 125 : i32
    %dma_wait3A_109 = arith.constant 0 : i32
    %dma_wait3A_110 = arith.constant 0 : i32
    %dma_wait3A_111 = tpu.memref_slice %arg16[%dma_wait3A_109, %dma_wait3A_110] : memref<10240x144xf32, #tpu.memory_space<vmem_shared>> -> memref<10240x144xf32, #tpu.memory_space<vmem_shared>>
    tpu.wait_indirect_dma semaphore(%arg21 : memref<!tpu.dma_semaphore, #tpu.memory_space<semaphore_mem>>) src(%arg14 : memref<40x144xf32, #tpu.memory_space<vmem>>) dst(%dma_wait3A_111 : memref<10240x144xf32, #tpu.memory_space<vmem_shared>>)
    %dma_wait3A_112 = arith.constant 0 : i32
    %dma_wait3A_113 = arith.constant 0 : i32
    %dma_wait3A_114 = tpu.memref_slice %arg16[%dma_wait3A_112, %dma_wait3A_113] : memref<10240x144xf32, #tpu.memory_space<vmem_shared>> -> memref<10240x144xf32, #tpu.memory_space<vmem_shared>>
    tpu.wait_indirect_dma semaphore(%arg22 : memref<!tpu.dma_semaphore, #tpu.memory_space<semaphore_mem>>) src(%arg15 : memref<40x144xf32, #tpu.memory_space<vmem>>) dst(%dma_wait3A_114 : memref<10240x144xf32, #tpu.memory_space<vmem_shared>>)
    %barrier3A_115 = arith.constant 0 : index
    tpu.barrier barrier_id(%barrier3A_115)
    %mul3A_116 = arith.constant 640 : i32
    %mul3A_117 = arith.muli %arg1, %mul3A_116 : i32
    %mul3A_118 = arith.constant 10240 : i32
    %mul3A_119 = arith.muli %arg0, %mul3A_118 : i32
    %mul3A_120 = arith.constant 640 : i32
    %mul3A_121 = arith.muli %arg1, %mul3A_120 : i32
    %add3A_122 = arith.addi %mul3A_119, %mul3A_121 : i32
    "tpu.region"() ({
      %run_scoped3A = tpu.sem_alloc : memref<!tpu.dma_semaphore, #tpu.memory_space<semaphore_mem>>
      %dma_start3A_123 = arith.constant 0 : i32
      %dma_start3A_124 = tpu.memref_slice %arg5[%add3A_122, %dma_start3A_123] : memref<20480x144xf32, #tpu.memory_space<hbm>> -> memref<640x144xf32, #tpu.memory_space<hbm>>
      %dma_start3A_125 = arith.constant 0 : i32
      %dma_start3A_126 = tpu.memref_slice %arg16[%mul3A_117, %dma_start3A_125] : memref<10240x144xf32, #tpu.memory_space<vmem_shared>> -> memref<640x144xf32, #tpu.memory_space<vmem_shared>>
      tpu.enqueue_dma source(%dma_start3A_126 : memref<640x144xf32, #tpu.memory_space<vmem_shared>>) target(%dma_start3A_124 : memref<640x144xf32, #tpu.memory_space<hbm>>) target_semaphore(%run_scoped3A : memref<!tpu.dma_semaphore, #tpu.memory_space<semaphore_mem>>)
      %dma_wait3A_127 = arith.constant 0 : i32
      %dma_wait3A_128 = tpu.memref_slice %arg5[%add3A_122, %dma_wait3A_127] : memref<20480x144xf32, #tpu.memory_space<hbm>> -> memref<640x144xf32, #tpu.memory_space<hbm>>
      %dma_wait3A_129 = arith.constant 0 : i32
      %dma_wait3A_130 = tpu.memref_slice %arg16[%mul3A_117, %dma_wait3A_129] : memref<10240x144xf32, #tpu.memory_space<vmem_shared>> -> memref<640x144xf32, #tpu.memory_space<vmem_shared>>
      tpu.wait_dma2 semaphore(%run_scoped3A : memref<!tpu.dma_semaphore, #tpu.memory_space<semaphore_mem>>) src(%dma_wait3A_130 : memref<640x144xf32, #tpu.memory_space<vmem_shared>>) dst(%dma_wait3A_128 : memref<640x144xf32, #tpu.memory_space<hbm>>)
      tpu.yield
    }) : () -> ()
    return
  }
}

module attributes {stable_mosaic.version = 14 : i64} {
  func.func @_prologue_body(%arg0: memref<7000x128xf32, #tpu.memory_space<vmem>>, %arg1: memref<3000x384xf32, #tpu.memory_space<vmem>>, %arg2: memref<384x128xf32, #tpu.memory_space<vmem>>, %arg3: memref<1x128xf32, #tpu.memory_space<vmem>>, %arg4: memref<128x128xf32, #tpu.memory_space<vmem>>, %arg5: memref<10000x128xf32, #tpu.memory_space<vmem>>, %arg6: memref<10000x128xbf16, #tpu.memory_space<vmem>>) attributes {dimension_semantics = [], scalar_prefetch = 0 : i64, scratch_operands = 0 : i64, tpu.core_type = #tpu.core_type<tc>} {
    %get3A = arith.constant 0 : index
    %get3A_0 = arith.constant 0 : index
    %get3A_1 = vector.load %arg1[%get3A, %get3A_0] : memref<3000x384xf32, #tpu.memory_space<vmem>>, vector<3000x384xf32>
    %get3A_2 = arith.constant 0 : index
    %get3A_3 = arith.constant 0 : index
    %get3A_4 = vector.load %arg2[%get3A_2, %get3A_3] : memref<384x128xf32, #tpu.memory_space<vmem>>, vector<384x128xf32>
    %dot_general3A = arith.constant dense<0.000000e+00> : vector<3000x128xf32>
    %dot_general3A_5 = tpu.matmul %get3A_1, %get3A_4, %dot_general3A {dimension_numbers = #tpu.dot_dimension_numbers<[1], [0], [0], [1], [0, 0, 1, 1], [], []>, transpose_lhs_hint = false} : vector<3000x384xf32>, vector<384x128xf32>, vector<3000x128xf32> -> vector<3000x128xf32>
    %get3A_6 = arith.constant 0 : index
    %get3A_7 = arith.constant 0 : index
    %get3A_8 = vector.load %arg3[%get3A_6, %get3A_7] : memref<1x128xf32, #tpu.memory_space<vmem>>, vector<1x128xf32>
    %add3A = vector.broadcast %get3A_8 : vector<1x128xf32> to vector<3000x128xf32>
    %add3A_9 = arith.addf %dot_general3A_5, %add3A : vector<3000x128xf32>
    %tanh3A = math.tanh %add3A_9 : vector<3000x128xf32>
    %get3A_10 = arith.constant 0 : index
    %get3A_11 = arith.constant 0 : index
    %get3A_12 = vector.load %arg0[%get3A_10, %get3A_11] : memref<7000x128xf32, #tpu.memory_space<vmem>>, vector<7000x128xf32>
    %concatenate3A = tpu.concatenate %get3A_12, %tanh3A in 0 : vector<7000x128xf32>, vector<3000x128xf32> -> vector<10000x128xf32>
    %mul3A = arith.mulf %concatenate3A, %concatenate3A : vector<10000x128xf32>
    %reduce_sum3A = arith.constant dense<0.000000e+00> : vector<10000xf32>
    %reduce_sum3A_13 = vector.multi_reduction <add>, %mul3A, %reduce_sum3A [1] : vector<10000x128xf32> to vector<10000xf32>
    %broadcast_in_dim3A = vector.shape_cast %reduce_sum3A_13 : vector<10000xf32> to vector<10000x1xf32>
    %sqrt3A = math.sqrt %broadcast_in_dim3A : vector<10000x1xf32>
    %max3A = arith.constant 9.99999996E-13 : f32
    %max3A_14 = vector.broadcast %max3A : f32 to vector<10000x1xf32>
    %max3A_15 = arith.maximumf %sqrt3A, %max3A_14 : vector<10000x1xf32>
    %div3A = vector.broadcast %max3A_15 : vector<10000x1xf32> to vector<10000x128xf32>
    %div3A_16 = arith.divf %concatenate3A, %div3A : vector<10000x128xf32>
    %swap3A = arith.constant 0 : index
    %swap3A_17 = arith.constant 0 : index
    %swap3A_18 = vector.load %arg5[%swap3A, %swap3A_17] : memref<10000x128xf32, #tpu.memory_space<vmem>>, vector<10000x128xf32>
    tpu.vector_store %arg5[%swap3A, %swap3A_17], %div3A_16 {strides = array<i32>} : memref<10000x128xf32, #tpu.memory_space<vmem>>, vector<10000x128xf32>,
    %get3A_19 = arith.constant 0 : index
    %get3A_20 = arith.constant 0 : index
    %get3A_21 = vector.load %arg4[%get3A_19, %get3A_20] : memref<128x128xf32, #tpu.memory_space<vmem>>, vector<128x128xf32>
    %dot_general3A_22 = arith.constant dense<0.000000e+00> : vector<10000x128xf32>
    %dot_general3A_23 = tpu.matmul %div3A_16, %get3A_21, %dot_general3A_22 {dimension_numbers = #tpu.dot_dimension_numbers<[1], [0], [0], [1], [0, 0, 1, 1], [], []>, transpose_lhs_hint = false} : vector<10000x128xf32>, vector<128x128xf32>, vector<10000x128xf32> -> vector<10000x128xf32>
    %convert_element_type3A = arith.truncf %dot_general3A_23 : vector<10000x128xf32> to vector<10000x128xbf16>
    %swap3A_24 = arith.constant 0 : index
    %swap3A_25 = arith.constant 0 : index
    %swap3A_26 = vector.load %arg6[%swap3A_24, %swap3A_25] : memref<10000x128xbf16, #tpu.memory_space<vmem>>, vector<10000x128xbf16>
    tpu.vector_store %arg6[%swap3A_24, %swap3A_25], %convert_element_type3A {strides = array<i32>} : memref<10000x128xbf16, #tpu.memory_space<vmem>>, vector<10000x128xbf16>,
    return
  }
}

module attributes {stable_mosaic.version = 14 : i64} {
  func.func @_epilogue_body(%arg0: memref<20480x144xf32, #tpu.memory_space<vmem>>, %arg1: memref<10000x128xf32, #tpu.memory_space<vmem>>, %arg2: memref<128x64xf32, #tpu.memory_space<vmem>>, %arg3: memref<1x64xf32, #tpu.memory_space<vmem>>, %arg4: memref<128x64xf32, #tpu.memory_space<vmem>>, %arg5: memref<1x64xf32, #tpu.memory_space<vmem>>, %arg6: memref<10000x64xf32, #tpu.memory_space<vmem>>, %arg7: memref<10000x64xf32, #tpu.memory_space<vmem>>) attributes {dimension_semantics = [], scalar_prefetch = 0 : i64, scratch_operands = 0 : i64, tpu.core_type = #tpu.core_type<tc>} {
    %get3A = arith.constant 0 : index
    %get3A_0 = arith.constant 0 : index
    %get3A_1 = vector.load %arg0[%get3A, %get3A_0] : memref<20480x144xf32, #tpu.memory_space<vmem>>, vector<10000x128xf32>
    %get3A_2 = arith.constant 10240 : index
    %get3A_3 = arith.constant 0 : index
    %get3A_4 = vector.load %arg0[%get3A_2, %get3A_3] : memref<20480x144xf32, #tpu.memory_space<vmem>>, vector<10000x128xf32>
    %add3A = arith.addf %get3A_1, %get3A_4 : vector<10000x128xf32>
    %get3A_5 = arith.constant 0 : index
    %get3A_6 = arith.constant 128 : index
    %get3A_7 = vector.load %arg0[%get3A_5, %get3A_6] : memref<20480x144xf32, #tpu.memory_space<vmem>>, vector<10000x16xf32>
    %reduce_sum3A = arith.constant dense<0.000000e+00> : vector<10000xf32>
    %reduce_sum3A_8 = vector.multi_reduction <add>, %get3A_7, %reduce_sum3A [1] : vector<10000x16xf32> to vector<10000xf32>
    %broadcast_in_dim3A = vector.shape_cast %reduce_sum3A_8 : vector<10000xf32> to vector<10000x1xf32>
    %get3A_9 = arith.constant 10240 : index
    %get3A_10 = arith.constant 128 : index
    %get3A_11 = vector.load %arg0[%get3A_9, %get3A_10] : memref<20480x144xf32, #tpu.memory_space<vmem>>, vector<10000x16xf32>
    %reduce_sum3A_12 = arith.constant dense<0.000000e+00> : vector<10000xf32>
    %reduce_sum3A_13 = vector.multi_reduction <add>, %get3A_11, %reduce_sum3A_12 [1] : vector<10000x16xf32> to vector<10000xf32>
    %broadcast_in_dim3A_14 = vector.shape_cast %reduce_sum3A_13 : vector<10000xf32> to vector<10000x1xf32>
    %add3A_15 = arith.addf %broadcast_in_dim3A, %broadcast_in_dim3A_14 : vector<10000x1xf32>
    %add3A_16 = arith.constant 1.000000e-16 : f32
    %add3A_17 = vector.broadcast %add3A_16 : f32 to vector<10000x1xf32>
    %add3A_18 = arith.addf %add3A_15, %add3A_17 : vector<10000x1xf32>
    %div3A = vector.broadcast %add3A_18 : vector<10000x1xf32> to vector<10000x128xf32>
    %div3A_19 = arith.divf %add3A, %div3A : vector<10000x128xf32>
    %jit3A = arith.constant 0.00999999977 : f32
    %ge3A = arith.constant 0.000000e+00 : f32
    %ge3A_20 = vector.broadcast %ge3A : f32 to vector<10000x128xf32>
    %ge3A_21 = arith.cmpf oge, %div3A_19, %ge3A_20 : vector<10000x128xf32>
    %mul3A = vector.broadcast %jit3A : f32 to vector<10000x128xf32>
    %mul3A_22 = arith.mulf %mul3A, %div3A_19 : vector<10000x128xf32>
    %select_n3A = arith.select %ge3A_21, %div3A_19, %mul3A_22 : vector<10000x128xi1>, vector<10000x128xf32>
    %get3A_23 = arith.constant 0 : index
    %get3A_24 = arith.constant 0 : index
    %get3A_25 = vector.load %arg1[%get3A_23, %get3A_24] : memref<10000x128xf32, #tpu.memory_space<vmem>>, vector<10000x128xf32>
    %get3A_26 = arith.constant 0 : index
    %get3A_27 = arith.constant 0 : index
    %get3A_28 = vector.load %arg2[%get3A_26, %get3A_27] : memref<128x64xf32, #tpu.memory_space<vmem>>, vector<128x64xf32>
    %dot_general3A = arith.constant dense<0.000000e+00> : vector<10000x64xf32>
    %dot_general3A_29 = tpu.matmul %get3A_25, %get3A_28, %dot_general3A {dimension_numbers = #tpu.dot_dimension_numbers<[1], [0], [0], [1], [0, 0, 1, 1], [], []>, transpose_lhs_hint = false} : vector<10000x128xf32>, vector<128x64xf32>, vector<10000x64xf32> -> vector<10000x64xf32>
    %get3A_30 = arith.constant 0 : index
    %get3A_31 = arith.constant 0 : index
    %get3A_32 = vector.load %arg3[%get3A_30, %get3A_31] : memref<1x64xf32, #tpu.memory_space<vmem>>, vector<1x64xf32>
    %add3A_33 = vector.broadcast %get3A_32 : vector<1x64xf32> to vector<10000x64xf32>
    %add3A_34 = arith.addf %dot_general3A_29, %add3A_33 : vector<10000x64xf32>
    %jit3A_35 = arith.constant 0.00999999977 : f32
    %ge3A_36 = arith.constant 0.000000e+00 : f32
    %ge3A_37 = vector.broadcast %ge3A_36 : f32 to vector<10000x64xf32>
    %ge3A_38 = arith.cmpf oge, %add3A_34, %ge3A_37 : vector<10000x64xf32>
    %mul3A_39 = vector.broadcast %jit3A_35 : f32 to vector<10000x64xf32>
    %mul3A_40 = arith.mulf %mul3A_39, %add3A_34 : vector<10000x64xf32>
    %select_n3A_41 = arith.select %ge3A_38, %add3A_34, %mul3A_40 : vector<10000x64xi1>, vector<10000x64xf32>
    %get3A_42 = arith.constant 0 : index
    %get3A_43 = arith.constant 0 : index
    %get3A_44 = vector.load %arg6[%get3A_42, %get3A_43] : memref<10000x64xf32, #tpu.memory_space<vmem>>, vector<10000x64xf32>
    %add3A_45 = arith.addf %select_n3A_41, %get3A_44 : vector<10000x64xf32>
    %get3A_46 = arith.constant 0 : index
    %get3A_47 = arith.constant 0 : index
    %get3A_48 = vector.load %arg4[%get3A_46, %get3A_47] : memref<128x64xf32, #tpu.memory_space<vmem>>, vector<128x64xf32>
    %dot_general3A_49 = arith.constant dense<0.000000e+00> : vector<10000x64xf32>
    %dot_general3A_50 = tpu.matmul %select_n3A, %get3A_48, %dot_general3A_49 {dimension_numbers = #tpu.dot_dimension_numbers<[1], [0], [0], [1], [0, 0, 1, 1], [], []>, transpose_lhs_hint = false} : vector<10000x128xf32>, vector<128x64xf32>, vector<10000x64xf32> -> vector<10000x64xf32>
    %get3A_51 = arith.constant 0 : index
    %get3A_52 = arith.constant 0 : index
    %get3A_53 = vector.load %arg5[%get3A_51, %get3A_52] : memref<1x64xf32, #tpu.memory_space<vmem>>, vector<1x64xf32>
    %add3A_54 = vector.broadcast %get3A_53 : vector<1x64xf32> to vector<10000x64xf32>
    %add3A_55 = arith.addf %dot_general3A_50, %add3A_54 : vector<10000x64xf32>
    %add3A_56 = arith.addf %add3A_55, %add3A_45 : vector<10000x64xf32>
    %jit3A_57 = arith.constant 0.00999999977 : f32
    %ge3A_58 = arith.constant 0.000000e+00 : f32
    %ge3A_59 = vector.broadcast %ge3A_58 : f32 to vector<10000x64xf32>
    %ge3A_60 = arith.cmpf oge, %add3A_56, %ge3A_59 : vector<10000x64xf32>
    %mul3A_61 = vector.broadcast %jit3A_57 : f32 to vector<10000x64xf32>
    %mul3A_62 = arith.mulf %mul3A_61, %add3A_56 : vector<10000x64xf32>
    %select_n3A_63 = arith.select %ge3A_60, %add3A_56, %mul3A_62 : vector<10000x64xi1>, vector<10000x64xf32>
    %swap3A = arith.constant 0 : index
    %swap3A_64 = arith.constant 0 : index
    %swap3A_65 = vector.load %arg7[%swap3A, %swap3A_64] : memref<10000x64xf32, #tpu.memory_space<vmem>>, vector<10000x64xf32>
    tpu.vector_store %arg7[%swap3A, %swap3A_64], %select_n3A_63 {strides = array<i32>} : memref<10000x64xf32, #tpu.memory_space<vmem>>, vector<10000x64xf32>,
    return
  }
}

</mosaic_0001>

<sc_bundles>
// kernel: kernel.5.cloned.1.call-start
scs
__scs_entry_jumppad:
0x0: {  	(pc) =	sbr.rel $0x88, $3  }
0x1: {  	(tag) =	ssettag $0x0;
	lr =	simm.s32 $0x1  }
0x2: {  	[smem:$0x3F96] =	sst lr;
	_ =	strace $0xD0000000  }
0x3: {  	_ = 	snop  }
0x4: {  	_ = 	snop  }
0x5: {  	_ = 	snop  }
0x6: {  	_ = 	snop  }
0x7: {  	_ = 	snop  }
__scs_overlays_trampoline_lowered:
0x8: {  	[smem:$0x3FA5] =	sst s0  }
0x9: {  	[smem:$0x3FA6] =	sst s1  }
0xa: {  	[smem:$0x3FA7] =	sst s2  }
0xb: {  	[smem:$0x3FA8] =	sst s3  }
0xc: {  	[smem:$0x3FA9] =	sst s4  }
0xd: {  	[smem:$0x3FAA] =	sst s5  }
0xe: {  	[smem:$0x3FAB] =	sst s6  }
0xf: {  	[smem:$0x3FAC] =	sst s7  }
0x10: {  	[smem:$0x3FAD] =	sst s8  }
0x11: {  	[smem:$0x3FAE] =	sst s9;
	s0 =	simm.s32 @!p0 $0x0  }
0x12: {  	s1 =	sld [smem:$0x3F94];
	s0 =	simm.s32 @p0 $0x1  }
0x13: {  	[smem:$0x3FAF] =	sst s0;
	s0 =	simm.s32 @!p1 $0x0  }
0x14: {  	s2 =	sld [smem:$0x3F93];
	s0 =	simm.s32 @p1 $0x1  }
0x15: {  	[smem:$0x3FB0] =	sst s0;
	s0 =	simm.s32 @!p2 $0x0  }
0x16: {  	s3 =	sld [smem:$0x3FDB];
	s0 =	simm.s32 @p2 $0x1  }
0x17: {  	s4 =	simm.s32 $0x1BF5;
	[smem:$0x3FB2] =	sst s0  }
0x18: {  	s0 =	sld [smem:$0x3F95];
	_ =	swait.ge [sflag:s4], $0x0  }
0x19: {  	s7 =	sld [smem:$0x3F96]  }
0x1a: {  	s8 =	sadd.s32 $0xFFFFE003, lr  }
0x1b: {  	s9 =	sadd.s32 $0xFFFFFEF7, lr;
	s5 =	simm.s32 $0xFFFFFFFF;
	p2 =	slt.u32 s8, $0xFFFFF086  }
0x1c: {  	p1 =	slt.u32 s9, $0xF7A;
	s5 =	simm.s32 @!p2 $0x0  }
0x1d: {  	s5 =	simm.s32 @p1 $0x1;
	p0 =	seq.s32 s7, s2  }
0x1e: {  	s7 =	smul.u32 @!p0 $0xF7A, s2;
	p2 =	seq.s32 @!p0 s5, $0x0  }
0x1f: {  	s9 =	smul.u32 $0xF7A, s1;
	s8 =	simm.s32 @!p0 $0x1BF5;
	p2 =	por !p2, p0  }
0x20: {  	[sflag:s8] =	ssyncset.s32 @!p0 $0xFFFFF086;
	s6 =	sadd.s32 @!p0 s3, s7;
	s7 =	simm.s32 @!p0 $0x108  }
0x21: {  	s3 =	sadd.s32 s3, s9;
	s6 =	sadd.s32 @!p0 $0x88, s6;
	s7 =	simm.s32 @p2 $0x1082  }
0x22: {  	[simem:s7], [sflag:s8] =	dma.local @!p0 [hbm:s6], $0xF7A  }
0x23: {  	s9 =	sor.u32 $0xD0000000, s2;
	s6 =	simm.s32 $0x108;
	_ =	swait.ge @!p0 [sflag:s8], $0x0  }
0x24: {  	s3 =	sadd.s32 $0x88, s3;
	s6 =	simm.s32 @!p1 $0x1082;
	[sflag:s4] =	ssyncset.s32 $0xFFFFF086  }
0x25: {  	[simem:s6], [sflag:s4] =	dma.local [hbm:s3], $0xF7A  }
0x26: {  	[smem:$0x3F96] =	sst s1;
	(tag) =	ssettag s2;
	_ =	strace s9  }
0x27: {  	s1 =	sld [smem:$0x3FA6]  }
0x28: {  	s2 =	sld [smem:$0x3FA7]  }
0x29: {  	s4 =	sld [smem:$0x3FA9]  }
0x2a: {  	p0 =	seq.s32 s5, $0x0;
	s5 =	sld [smem:$0x3FAA]  }
0x2b: {  	s6 =	sld [smem:$0x3FAB]  }
0x2c: {  	s7 =	sld [smem:$0x3FAC]  }
0x2d: {  	s3 =	simm.s32 $0x108;
	s8 =	sld [smem:$0x3FAD]  }
0x2e: {  	s3 =	simm.s32 @!p0 $0x1082;
	s9 =	sld [smem:$0x3FAE]  }
0x2f: {  	lr =	sadd.s32 s0, s3;
	s0 =	sld [smem:$0x3FA5]  }
0x30: {  	s3 =	sld [smem:$0x3FA8]  }
0x31: {  	[smem:$0x3FB1] =	sst s10  }
0x32: {  	s10 =	sld [smem:$0x3FAF];
	_ =	sdelay $0x3  }
0x33: {  	p0 =	seq.s32 s10, $0x1;
	s10 =	sld [smem:$0x3FB1];
	_ =	sdelay $0x3  }
0x34: {  	[smem:$0x3FB1] =	sst s10  }
0x35: {  	s10 =	sld [smem:$0x3FB0];
	_ =	sdelay $0x3  }
0x36: {  	p1 =	seq.s32 s10, $0x1;
	s10 =	sld [smem:$0x3FB1];
	_ =	sdelay $0x3  }
0x37: {  	[smem:$0x3FB1] =	sst s10  }
0x38: {  	s10 =	sld [smem:$0x3FB2]  }
0x39: {  	_ = 	snop;
	(pc) =	sbr.ind lr, $3  }
0x3a: {  	_ = 	snop  }
0x3b: {  	_ = 	snop  }
0x3c: {  	p2 =	seq.s32 s10, $0x1;
	s10 =	sld [smem:$0x3FB1]  }
0x3d: {  	_ =	shalt  }
0x3e: {  	_ =	shalt  }
0x3f: {  	_ =	shalt  }
0x40: {  	_ =	shalt  }
0x41: {  	_ =	shalt  }
0x42: {  	_ =	shalt  }
0x43: {  	_ =	shalt  }
0x44: {  	_ =	shalt  }
0x45: {  	_ =	shalt  }
0x46: {  	_ =	shalt  }
0x47: {  	_ =	shalt  }
0x48: {  	_ =	shalt  }
0x49: {  	_ =	shalt  }
0x4a: {  	_ =	shalt  }
0x4b: {  	_ =	shalt  }
0x4c: {  	_ =	shalt  }
0x4d: {  	_ =	shalt  }
0x4e: {  	_ =	shalt  }
0x4f: {  	_ =	shalt  }
0x50: {  	_ =	shalt  }
0x51: {  	_ =	shalt  }
0x52: {  	_ =	shalt  }
0x53: {  	_ =	shalt  }
0x54: {  	_ =	shalt  }
0x55: {  	_ =	shalt  }
0x56: {  	_ =	shalt  }
0x57: {  	_ =	shalt  }
0x58: {  	_ =	shalt  }
0x59: {  	_ =	shalt  }
0x5a: {  	_ =	shalt  }
0x5b: {  	_ =	shalt  }
0x5c: {  	_ =	shalt  }
0x5d: {  	_ =	shalt  }
0x5e: {  	_ =	shalt  }
0x5f: {  	_ =	shalt  }
0x60: {  	_ =	shalt  }
0x61: {  	_ =	shalt  }
0x62: {  	_ =	shalt  }
0x63: {  	_ =	shalt  }
0x64: {  	_ =	shalt  }
0x65: {  	_ =	shalt  }
0x66: {  	_ =	shalt  }
0x67: {  	_ =	shalt  }
0x68: {  	_ =	shalt  }
0x69: {  	_ =	shalt  }
0x6a: {  	_ =	shalt  }
0x6b: {  	_ =	shalt  }
0x6c: {  	_ =	shalt  }
0x6d: {  	_ =	shalt  }
0x6e: {  	_ =	shalt  }
0x6f: {  	_ =	shalt  }
0x70: {  	_ =	shalt  }
0x71: {  	_ =	shalt  }
0x72: {  	_ =	shalt  }
0x73: {  	_ =	shalt  }
0x74: {  	_ =	shalt  }
0x75: {  	_ =	shalt  }
0x76: {  	_ =	shalt  }
0x77: {  	_ =	shalt  }
0x78: {  	_ =	shalt  }
0x79: {  	_ =	shalt  }
0x7a: {  	_ =	shalt  }
0x7b: {  	_ =	shalt  }
0x7c: {  	_ =	shalt  }
0x7d: {  	_ =	shalt  }
0x7e: {  	_ =	shalt  }
0x7f: {  	_ =	shalt  }
0x80: {  	_ =	shalt  }
0x81: {  	_ =	shalt  }
0x82: {  	_ =	shalt  }
0x83: {  	_ =	shalt  }
0x84: {  	_ =	shalt  }
0x85: {  	_ =	shalt  }
0x86: {  	_ =	shalt  }
0x87: {  	_ =	shalt  }
.Lfunc_end0:
.L_simem_size_0:
called_computation_lowered:
.L_overlay_start_0:
0x88: {  	s2 =	sld [smem:$0x3FD9]  }
0x89: {  	s3 =	sld [smem:$0x3FFE];
	_ =	sdelay $0x1  }
0x8a: {  	s1 =	srdreg.scid  }
0x8b: {  	s0 =	sand.u32 $0x1, s1  }
0x8c: {  	s17 =	sshll.u32 s0, $0xA;
	s2 =	sadd.s32 s3, s2  }
0x8d: {  	s2 =	sadd.s32 s2, s17  }
0x8e: {  	[smem:$0x3FBD] =	sst s2  }
0x8f: {  	_ = 	snop  }
0x90: {  	s2 =	sld [smem:$0x3FD0];
	(tm) =	ssettm $0x1  }
0x91: {  	s18 =	sld [smem:$0x3FFB];
	_ =	sdelay $0x3  }
0x92: {  	_ =	strace s18  }
0x93: {  	s3 =	sld [smem:$0x3FFC];
	_ =	sdelay $0x3  }
0x94: {  	_ =	strace s3  }
0x95: {  	s3 =	sld [smem:$0x3FFD];
	_ =	sdelay $0x3  }
0x96: {  	_ =	strace s3  }
0x97: {  	_ =	strace $0x8FFFFFFF  }
0x98: {  	s19 =	sld [smem:$0x3FDB];
	_ =	sdelay $0x1  }
0x99: {  	s4 =	simm.s32 $_scs_section_size  }
0x9a: {  	s5 =	simm.s32 $_size__tile_overlayer_lowered;
	s6 =	simm.s32 $_tile_overlayer_lowered  }
0x9b: {  	s22 =	simm.s32 $0x1BFF;
	s21 =	sshll.u32 s6, $0x1;
	s3 =	sadd.s32 s4, s19  }
0x9c: {  	s7 =	simm.s32 $0x0;
	s20 =	sshll.u32 s5, $0x1;
	s5 =	sadd.s32 s21, s3  }
0x9d: {  	[timem:s7], [sflag:s22] =	dma.local [hbm:s5], s20  }
0x9e: {  	_ =	swait.ge [sflag:s22], s20  }
0x9f: {  	s4 =	ssub.s32 $0x0, s20;
	[sflag:s22] =	ssyncset.done $0x0  }
0xa0: {  	[sflag:s22] =	ssyncadd.s32 s4;
	_ =	sdelay $0x1  }
0xa1: {  	s23 =	simm.s32 $0x1B8B  }
0xa2: {  	_ =	swait.ge [sflag:s23], $0x1  }
0xa3: {  	[sflag:s23] =	ssyncset.done $0x0  }
0xa4: {  	s25 =	simm.s32 $0x1B8E;
	s24 =	sld [smem:$0x3FFE];
	[sflag:s23] =	ssyncadd.s32 $0xFFFFFFFF  }
0xa5: {  	s26 =	simm.s32 $execute0_lowered;
	[smem:$0x3FD2] =	sst s25  }
0xa6: {  	s5 =	sshll.u32 s26, $0x1;
	_ =	strace $0x80000046;
	[dreg:$0x1] =	wrdreg $0xFFFFFFFF  }
0xa7: {  	s28 =	simm.s32 $_size_execute0_lowered;
	s3 =	sadd.s32 s3, s5;
	[dreg:$0x0] =	wrdreg $0x0  }
0xa8: {  	s5 =	sshll.u32 s28, $0x1;
	[dreg:$0x2] =	wrdreg s3  }
0xa9: {  	[dreg:$0x3] =	wrdreg s5  }
0xaa: {  	[dreg:$0x4] =	wrdreg $0xC0  }
0xab: {  	_ =	task [dreg:s7], $0x5FFFF  }
0xac: {  	[dreg:$0x1] =	wrdreg $0xFFFFFFFF  }
0xad: {  	[dreg:$0x0] =	wrdreg $0x60  }
0xae: {  	[dreg:$0x2] =	wrdreg s2  }
0xaf: {  	[dreg:$0x3] =	wrdreg s24  }
0xb0: {  	[dreg:$0x4] =	wrdreg $0x55F00  }
0xb1: {  	[dreg:$0x5] =	wrdreg $0x9  }
0xb2: {  	_ =	task.clear_ibuf [dreg:s7], $0x6FFFF;
	_ =	strace $0x90000046  }
0xb3: {  	s29 =	simm.s32 $0x9;
	_ =	strace $0x80000048  }
0xb4: {  	_ =	swait.ge [sflag:s29], $0x1  }
0xb5: {  	[sflag:s29] =	ssyncadd.s32 $0xFFFFFFFF  }
0xb6: {  	_ =	strace $0x90000048  }
0xb7: {  	_ =	sfence  }
0xb8: {  	s30 =	sld [smem:$0x0];
	_ =	sdelay $0x2  }
0xb9: {  	s31 =	sshll.u32 s1, $0xD;
	s1 =	sshrl.u32 s1, $0x2  }
0xba: {  	s3 =	sand.u32 $0x4000, s31;
	s1 =	sadd.s32 s1, s30  }
0xbb: {  	s0 =	sor.u32 s3, s0;
	s1 =	sshll.u32 s1, $0x11  }
0xbc: {  	s0 =	sor.u32 s1, s0  }
0xbd: {  	s0 =	sadd.s32 $0x8F2B, s0  }
0xbe: {  	[sflag:s0] =	ssyncadd.remote.s32 $0x1  }
0xbf: {  	_ =	sfence.sel $0xFFFF  }
0xc0: {  	[dreg:$0x0] =	wrdreg $0xFFFFFFFF;
	(pc) =	sbr.abs _section_cstart, $3  }
0xc1: {  	[dreg:$0x1] =	wrdreg $0xFFFFFFFF  }
0xc2: {  	_ =	task.clear_ibuf [dreg:s7], $0x2FFFF;
	_ =	strace $0x9FFFFFFF  }
0xc3: {  	(tm) =	ssettm $0x7FFFFFFF  }
tec
execute0_lowered:
.L_overlay_start_1:
0x0: {  	(tag) =	ssettag $0x1  }
0x1: {  	s1 =	rddreg [dreg:$0x0]  }
0x2: {  	s0 =	rddreg [dreg:$0x1]  }
0x3: {  	s3 =	rddreg [dreg:$0x2];
	s2 =	srdreg.scid  }
0x4: {  	s10 =	stileid.u32;
	s4 =	simm.s32 $0x0;
	s28 =	simm.s32 $0x3F70  }
0x5: {  	s29 =	simm.s32 $0x5;
	s2 =	sand.u32 $0x1, s2;
	s6 =	smul.u32 $0x2D00, s10  }
0x6: {  	[smem:$0x7FF] =	sst s4;
	s5 =	sadd.s32 $0x16000, s0;
	s8 =	smul.u32 $0x5A000, s10  }
0x7: {  	s7 =	smul.u32 $0x2D000, s2;
	_ =	strace $0x80000047;
	s24 =	ssub.s32 $0x2, s2  }
0x8: {  	s2 =	sshll.u32 s2, $0x4;
	s9 =	sshrl.u32 s24, $0x1;
	s8 =	sshrl.u32 s8, $0x2  }
0x9: {  	s2 =	sor.u32 s10, s2;
	s7 =	sadd.s32 s6, s7;
	s14 =	sadd.s32 s8, s3  }
0xa: {  	s6 =	sadd.s32 $0x2600, s0;
	s8 =	sadd.s32 $0x1680, s14;
	[dreg:$0x4] =	wrdreg s14  }
0xb: {  	s2 =	smul.u32 $0x4E20, s2;
	s25 =	sadd.s32 $0x2D00, s14;
	[dreg:$0x5] =	wrdreg s8  }
0xc: {  	s0 =	sadd.s32 s7, s0;
	s26 =	sadd.s32 $0x4380, s14;
	[dreg:$0x6] =	wrdreg s25  }
0xd: {  	s7 =	ssub.s32 s24, s9;
	s30 =	sadd.s32 $0x5A00, s14;
	[dreg:$0x7] =	wrdreg s26  }
0xe: {  	s31 =	sadd.s32 $0x7080, s14;
	s9 =	sadd.s32 $0x8700, s14;
	[dreg:$0x8] =	wrdreg s30  }
0xf: {  	s10 =	sadd.s32 $0x9D80, s14;
	s12 =	sadd.s32 $0xB400, s14;
	[dreg:$0x9] =	wrdreg s31  }
0x10: {  	s18 =	sadd.s32 $0xCA80, s14;
	s19 =	sadd.s32 $0xE100, s14;
	[dreg:$0xa] =	wrdreg s9  }
0x11: {  	s24 =	sadd.s32 $0xF780, s14;
	[dreg:$0xb] =	wrdreg s10;
	s11 =	sadd.s32 $0x28, s2  }
0x12: {  	[dreg:$0xc] =	wrdreg s12;
	s13 =	sshrl.u32 s2, $0x3;
	s20 =	sadd.s32 $0x50, s2  }
0x13: {  	s21 =	sadd.s32 $0x78, s2;
	s22 =	sadd.s32 $0xA0, s2;
	[dreg:$0x13] =	wrdreg s18  }
0x14: {  	s23 =	sadd.s32 $0xC8, s2;
	s0 =	sadd.s32 $0x29A00, s0;
	[dreg:$0x14] =	wrdreg s19  }
0x15: {  	s17 =	smax.u32 s7, $0x1;
	[dreg:$0x15] =	wrdreg s24;
	s25 =	sadd.s32 $0x10E00, s14  }
0x16: {  	s26 =	sadd.s32 $0x12480, s14;
	s30 =	sadd.s32 $0x13B00, s14;
	[dreg:$0x11] =	wrdreg s0  }
0x17: {  	s31 =	sadd.s32 $0x15180, s14;
	s10 =	simm.s32 $0x50;
	[dreg:$0x12] =	wrdreg s17  }
0x18: {  	s12 =	simm.s32 $0x78;
	s18 =	simm.s32 $0x14F0;
	[dreg:$0x16] =	wrdreg s25  }
0x19: {  	s19 =	simm.s32 $0x1EF0;
	s24 =	simm.s32 $0xA0;
	[dreg:$0x17] =	wrdreg s26  }
0x1a: {  	s2 =	simm.s32 $0x0;
	s8 =	sshrl.u32 s11, $0x3;
	[dreg:$0x18] =	wrdreg s30  }
0x1b: {  	s15 =	sadd.s32 s5, s13;
	s9 =	sadd.s32 s6, s13;
	[dreg:$0x19] =	wrdreg s31  }
0x1c: {  	s11 =	simm.s32 $0x28;
	s13 =	simm.s32 $0x1;
	s17 =	simm.s32 $0x2  }
0x1d: {  	s25 =	simm.s32 $0x4;
	s26 =	simm.s32 $0xC8;
	[dreg:$0xd] =	wrdreg s15  }
0x1e: {  	[dreg:$0xe] =	wrdreg s9;
	s16 =	sadd.s32 s5, s8;
	s8 =	sadd.s32 s6, s8  }
0x1f: {  	s9 =	simm.s32 $0x7;
	s15 =	simm.s32 $0xAF0;
	[dreg:$0xf] =	wrdreg s16  }
0x20: {  	v0 =	vimm.f32 $0.0e+00;
	vm0 =	vmmov $0x1;
	[dreg:$0x10] =	wrdreg s8;
	s8 =	simm.s32 $0x28F0;
	s16 =	simm.s32 $0x3  }
.LBB2_1:
0x21: {  	[dreg:$0x1a] =	wrdreg s2;
	s0 =	simm.s32 $0x0;
	s2 =	simm.s32 $0x240  }
.LBB2_2:
0x22: {  	p0 =	sne.s32 s2, $0x57C0;
	[tilespmem:s0+$0x2970] =	vst v0  }
0x23: {  	[tilespmem:s0+$0x28F0] =	vst v0  }
0x24: {  	[tilespmem:s0+$0x2900] =	vst v0  }
0x25: {  	[tilespmem:s0+$0x2910] =	vst v0  }
.Ltmp0:
0x26: {  	[tilespmem:s0+$0x2920] =	vst v0;
	(pc) =	sbr.rel @p0 .LBB2_2-.Ltmp0, $4  }
0x27: {  	[tilespmem:s0+$0x2930] =	vst v0  }
0x28: {  	[tilespmem:s0+$0x2940] =	vst v0  }
0x29: {  	[tilespmem:s0+$0x2950] =	vst v0  }
0x2a: {  	[tilespmem:s0+$0x2960] =	vst v0;
	s0 =	sshra.s32 s2, $0x2;
	s2 =	sadd.s32 $0x240, s2  }
0x2b: {  	[tilespmem:s0+$0x2970] =	vst v0  }
0x2c: {  	[tilespmem:s0+$0x28F0] =	vst v0  }
0x2d: {  	[tilespmem:s0+$0x2900] =	vst v0  }
0x2e: {  	[tilespmem:s0+$0x2910] =	vst v0  }
0x2f: {  	[tilespmem:s0+$0x2920] =	vst v0  }
0x30: {  	[tilespmem:s0+$0x2930] =	vst v0  }
0x31: {  	[tilespmem:s0+$0x2940] =	vst v0  }
0x32: {  	[tilespmem:s0+$0x2950] =	vst v0  }
0x33: {  	[tilespmem:s0+$0x2960] =	vst v0  }
0x34: {  	[spmem:s14] =	stream.linear.scatter [tilespmem:s8], [sflag:$0x7], $0x1680, $0x38;
	[tilespmem:$0x1BDF0] =	vst v63  }
0x35: {  	_ =	swait.ge [sflag:s9], $0x1680  }
0x36: {  	[sflag:s9] =	ssyncset.done $0x0  }
0x37: {  	s7 =	rddreg [dreg:$0x5];
	[sflag:s9] =	ssyncadd.s32 $0xFFFFE980  }
0x38: {  	[spmem:s7] =	stream.linear.scatter [tilespmem:s8], [sflag:$0x7], $0x1680, $0x38;
	[tilespmem:$0x1BDF0] =	vst v63  }
0x39: {  	_ =	swait.ge [sflag:s9], $0x1680  }
0x3a: {  	[sflag:s9] =	ssyncset.done $0x0  }
0x3b: {  	s14 =	rddreg [dreg:$0x6];
	[sflag:s9] =	ssyncadd.s32 $0xFFFFE980  }
0x3c: {  	[spmem:s14] =	stream.linear.scatter [tilespmem:s8], [sflag:$0x7], $0x1680, $0x38;
	[tilespmem:$0x1BDF0] =	vst v63  }
0x3d: {  	_ =	swait.ge [sflag:s9], $0x1680  }
0x3e: {  	[sflag:s9] =	ssyncset.done $0x0  }
0x3f: {  	s30 =	rddreg [dreg:$0x7];
	[sflag:s9] =	ssyncadd.s32 $0xFFFFE980  }
0x40: {  	[spmem:s30] =	stream.linear.scatter [tilespmem:s8], [sflag:$0x7], $0x1680, $0x38;
	[tilespmem:$0x1BDF0] =	vst v63  }
0x41: {  	_ =	swait.ge [sflag:s9], $0x1680  }
0x42: {  	[sflag:s9] =	ssyncset.done $0x0  }
0x43: {  	s31 =	rddreg [dreg:$0x8];
	[sflag:s9] =	ssyncadd.s32 $0xFFFFE980  }
0x44: {  	[spmem:s31] =	stream.linear.scatter [tilespmem:s8], [sflag:$0x7], $0x1680, $0x38;
	[tilespmem:$0x1BDF0] =	vst v63  }
0x45: {  	_ =	swait.ge [sflag:s9], $0x1680  }
0x46: {  	[sflag:s9] =	ssyncset.done $0x0  }
0x47: {  	s2 =	rddreg [dreg:$0x9];
	[sflag:s9] =	ssyncadd.s32 $0xFFFFE980  }
0x48: {  	[spmem:s2] =	stream.linear.scatter [tilespmem:s8], [sflag:$0x7], $0x1680, $0x38;
	[tilespmem:$0x1BDF0] =	vst v63  }
0x49: {  	_ =	swait.ge [sflag:s9], $0x1680  }
0x4a: {  	[sflag:s9] =	ssyncset.done $0x0  }
0x4b: {  	s7 =	rddreg [dreg:$0xa];
	[sflag:s9] =	ssyncadd.s32 $0xFFFFE980  }
0x4c: {  	[spmem:s7] =	stream.linear.scatter [tilespmem:s8], [sflag:$0x7], $0x1680, $0x38;
	[tilespmem:$0x1BDF0] =	vst v63  }
0x4d: {  	_ =	swait.ge [sflag:s9], $0x1680  }
0x4e: {  	[sflag:s9] =	ssyncset.done $0x0  }
0x4f: {  	s14 =	rddreg [dreg:$0xb];
	[sflag:s9] =	ssyncadd.s32 $0xFFFFE980  }
0x50: {  	[spmem:s14] =	stream.linear.scatter [tilespmem:s8], [sflag:$0x7], $0x1680, $0x38;
	[tilespmem:$0x1BDF0] =	vst v63  }
0x51: {  	_ =	swait.ge [sflag:s9], $0x1680  }
0x52: {  	[sflag:s9] =	ssyncset.done $0x0  }
0x53: {  	s30 =	rddreg [dreg:$0xc];
	[sflag:s9] =	ssyncadd.s32 $0xFFFFE980  }
0x54: {  	[spmem:s30] =	stream.linear.scatter [tilespmem:s8], [sflag:$0x7], $0x1680, $0x38;
	[tilespmem:$0x1BDF0] =	vst v63  }
0x55: {  	_ =	swait.ge [sflag:s9], $0x1680  }
0x56: {  	[sflag:s9] =	ssyncset.done $0x0  }
0x57: {  	s31 =	rddreg [dreg:$0x13];
	[sflag:s9] =	ssyncadd.s32 $0xFFFFE980  }
0x58: {  	[spmem:s31] =	stream.linear.scatter [tilespmem:s8], [sflag:$0x7], $0x1680, $0x38;
	[tilespmem:$0x1BDF0] =	vst v63  }
0x59: {  	_ =	swait.ge [sflag:s9], $0x1680  }
0x5a: {  	[sflag:s9] =	ssyncset.done $0x0  }
0x5b: {  	s2 =	rddreg [dreg:$0x14];
	[sflag:s9] =	ssyncadd.s32 $0xFFFFE980  }
0x5c: {  	[spmem:s2] =	stream.linear.scatter [tilespmem:s8], [sflag:$0x7], $0x1680, $0x38;
	[tilespmem:$0x1BDF0] =	vst v63  }
0x5d: {  	_ =	swait.ge [sflag:s9], $0x1680  }
0x5e: {  	[sflag:s9] =	ssyncset.done $0x0  }
0x5f: {  	s7 =	rddreg [dreg:$0x15];
	[sflag:s9] =	ssyncadd.s32 $0xFFFFE980  }
0x60: {  	[spmem:s7] =	stream.linear.scatter [tilespmem:s8], [sflag:$0x7], $0x1680, $0x38;
	[tilespmem:$0x1BDF0] =	vst v63  }
0x61: {  	_ =	swait.ge [sflag:s9], $0x1680  }
0x62: {  	[sflag:s9] =	ssyncset.done $0x0  }
0x63: {  	s14 =	rddreg [dreg:$0x16];
	[sflag:s9] =	ssyncadd.s32 $0xFFFFE980  }
0x64: {  	[spmem:s14] =	stream.linear.scatter [tilespmem:s8], [sflag:$0x7], $0x1680, $0x38;
	[tilespmem:$0x1BDF0] =	vst v63  }
0x65: {  	_ =	swait.ge [sflag:s9], $0x1680  }
0x66: {  	[sflag:s9] =	ssyncset.done $0x0  }
0x67: {  	s30 =	rddreg [dreg:$0x17];
	[sflag:s9] =	ssyncadd.s32 $0xFFFFE980  }
0x68: {  	[spmem:s30] =	stream.linear.scatter [tilespmem:s8], [sflag:$0x7], $0x1680, $0x38;
	[tilespmem:$0x1BDF0] =	vst v63  }
0x69: {  	_ =	swait.ge [sflag:s9], $0x1680  }
0x6a: {  	[sflag:s9] =	ssyncset.done $0x0  }
0x6b: {  	s31 =	rddreg [dreg:$0x18];
	[sflag:s9] =	ssyncadd.s32 $0xFFFFE980  }
0x6c: {  	[spmem:s31] =	stream.linear.scatter [tilespmem:s8], [sflag:$0x7], $0x1680, $0x38;
	[tilespmem:$0x1BDF0] =	vst v63  }
0x6d: {  	_ =	swait.ge [sflag:s9], $0x1680  }
0x6e: {  	[sflag:s9] =	ssyncset.done $0x0  }
0x6f: {  	s2 =	rddreg [dreg:$0x19];
	[sflag:s9] =	ssyncadd.s32 $0xFFFFE980  }
0x70: {  	[spmem:s2] =	stream.linear.scatter [tilespmem:s8], [sflag:$0x7], $0x1680, $0x38;
	[tilespmem:$0x1BDF0] =	vst v63  }
0x71: {  	_ =	swait.ge [sflag:s9], $0x1680  }
0x72: {  	[sflag:s9] =	ssyncset.done $0x0  }
0x73: {  	[sflag:s9] =	ssyncadd.s32 $0xFFFFE980  }
0x74: {  	[bflag:$0x0] =	sbarrier.arrive $0xFFFF  }
0x75: {  	s0 =	simm.s32 $0x0;
	s2 =	rddreg [dreg:$0xd]  }
0x76: {  	[tilespmem:s0], [sflag:$0x1] =	stream.linear.gather [hbm4b:s2+s0], $0x28, $0x38;
	[tilespmem:$0x1BDF0] =	vst v63  }
0x77: {  	s7 =	rddreg [dreg:$0xe]  }
0x78: {  	[tilespmem:s10], [sflag:$0x1] =	stream.linear.gather [hbm4b:s7+s0], $0x28, $0x38;
	[tilespmem:$0x1BDF0] =	vst v63  }
0x79: {  	s14 =	rddreg [dreg:$0xf]  }
0x7a: {  	[tilespmem:s11], [sflag:$0x2] =	stream.linear.gather [hbm4b:s14+s0], $0x28, $0x38;
	[tilespmem:$0x1BDF0] =	vst v63  }
0x7b: {  	s30 =	rddreg [dreg:$0x10]  }
0x7c: {  	[tilespmem:s12], [sflag:$0x2] =	stream.linear.gather [hbm4b:s30+s0], $0x28, $0x38;
	[tilespmem:$0x1BDF0] =	vst v63  }
0x7d: {  	_ =	swait.ge [sflag:s13], $0x28  }
0x7e: {  	[sflag:s13] =	ssyncset.done $0x0  }
0x7f: {  	[sflag:s13] =	ssyncadd.s32 $0xFFFFFFD8  }
0x80: {  	_ =	swait.ge [sflag:s13], $0x28  }
0x81: {  	[sflag:s13] =	ssyncset.done $0x0  }
0x82: {  	s31 =	simm.s32 $0xF0;
	[sflag:s13] =	ssyncadd.s32 $0xFFFFFFD8  }
0x83: {  	[tilespmem:s31], [sflag:$0x3] =	stream.indirect.gather [hbm4b:s1+s11], $0x40, s0, s11, $0xb8;
	[tilespmem:$0x1BDF0] =	vst v63  }
0x84: {  	_ = 	snop  }
0x85: {  	[tilespmem:s15], [sflag:$0x3] =	stream.indirect.gather [hbm4b:s1+s11], $0x40, s10, s11, $0xb8;
	[tilespmem:$0x1BDF0] =	vst v63  }
.LBB2_4:
0x86: {  	_ =	swait.ge [sflag:s16], $0xA00  }
0x87: {  	[sflag:s16] =	ssyncset.done $0x0  }
0x88: {  	[sflag:s16] =	ssyncadd.s32 $0xFFFFF600  }
0x89: {  	_ =	swait.ge [sflag:s16], $0xA00  }
0x8a: {  	[sflag:s16] =	ssyncset.done $0x0  }
0x8b: {  	[sflag:s16] =	ssyncadd.s32 $0xFFFFF600  }
0x8c: {  	_ =	swait.ge [sflag:s17], $0x28  }
0x8d: {  	[sflag:s17] =	ssyncset.done $0x0  }
0x8e: {  	[sflag:s17] =	ssyncadd.s32 $0xFFFFFFD8  }
0x8f: {  	_ =	swait.ge [sflag:s17], $0x28  }
0x90: {  	[sflag:s17] =	ssyncset.done $0x0  }
0x91: {  	p0 =	seq.s32 s0, $0x0;
	[sflag:s17] =	ssyncadd.s32 $0xFFFFFFD8  }
0x92: {  	[tilespmem:s18], [sflag:$0x4] =	stream.indirect.gather [hbm4b:s1+s11], $0x40, s11, s11, $0xb8;
	[tilespmem:$0x1BDF0] =	vst v63  }
0x93: {  	s2 =	smul.u32 $0xA0, s0;
	s7 =	simm.s32 @!p0 $0x5  }
0x94: {  	[tilespmem:s19], [sflag:$0x4] =	stream.indirect.gather [hbm4b:s1+s11], $0x40, s12, s11, $0xb8;
	[tilespmem:$0x1BDF0] =	vst v63  }
0x95: {  	s14 =	sadd.s32 s2, s20;
	_ =	swait.ge @!p0 [sflag:s7], $0x1680  }
0x96: {  	s14 =	sshrl.u32 s14, $0x3;
	[sflag:s7] =	ssyncset.done @!p0 $0x0  }
0x97: {  	[sflag:s7] =	ssyncadd.s32 @!p0 $0xFFFFE980;
	s7 =	sadd.s32 s5, s14  }
0x98: {  	[tilespmem:s4], [sflag:$0x1] =	stream.linear.gather [hbm4b:s7+s4], $0x28, $0x38;
	[tilespmem:$0x1BDF0] =	vst v63  }
0x99: {  	s14 =	sadd.s32 s6, s14  }
0x9a: {  	[tilespmem:s24], [sflag:$0x1] =	stream.linear.gather [hbm4b:s14+s4], $0x28, $0x38;
	[tilespmem:$0x1BDF0] =	vst v63  }
0x9b: {  	s14 =	simm.s32 $0xB60  }
0x9c: {  	v1 =	vld [tilespmem:s14+$0xFFFFF600]  }
0x9d: {  	v2 =	vld [tilespmem:s14+$0xFFFFF5D0]  }
0x9e: {  	v3 =	vld [tilespmem:s14+$0xFFFFF5F0]  }
0x9f: {  	v4 =	vld [tilespmem:s14+$0xFFFFF5E0]  }
0xa0: {  	v5 =	vld [tilespmem:s14+$0xFFFFFFD0];
	_ =	sdelay $0x1  }
0xa1: {  	v27 =	vunpack.i.u.bf16.f32 v1;
	v24 =	vunpack.i.l.bf16.f32 v2;
	v21 =	vunpack.i.l.bf16.f32 v1  }
0xa2: {  	v22 =	vunpack.i.u.bf16.f32 v3;
	v23 =	vunpack.i.l.bf16.f32 v3;
	v1 =	vmul.f32 $9.999999770e-03, v24  }
0xa3: {  	v26 =	vunpack.i.u.bf16.f32 v2;
	v2 =	vld [tilespmem:s14+$0xFFFFFFE0];
	v25 =	vunpack.i.u.bf16.f32 v4;
	vm1 =	vgt.f32 v24, $0.0e+00  }
0xa4: {  	v3 =	vunpack.i.l.bf16.f32 v5;
	v6 =	vmul.f32 $9.999999770e-03, v26;
	v1 =	vsel vm1, v24, v1  }
0xa5: {  	v28 =	vunpack.i.l.bf16.f32 v4;
	vm1 =	vgt.f32 v26, $0.0e+00;
	v1 =	vmul.f32 v1, v3  }
0xa6: {  	v9 =	vld [tilespmem:s14+$0xFFFFF5A0];
	v3 =	vunpack.i.u.bf16.f32 v5;
	v4 =	vsel vm1, v26, v6;
	v5 =	vmul.f32 $9.999999770e-03, v28  }
0xa7: {  	vm1 =	vgt.f32 v28, $0.0e+00;
	v3 =	vmul.f32 v4, v3;
	v4 =	vld [tilespmem:s14+$0xFFFFFFF0];
	v1 =	vadd.f32 $0.0e+00, v1  }
0xa8: {  	v7 =	vmul.f32 $9.999999770e-03, v25;
	v6 =	vunpack.i.l.bf16.f32 v2;
	v5 =	vsel vm1, v28, v5  }
0xa9: {  	vm1 =	vgt.f32 v25, $0.0e+00;
	v1 =	vadd.f32 v1, v3;
	v3 =	vmul.f32 v5, v6  }
0xaa: {  	v2 =	vunpack.i.u.bf16.f32 v2;
	v5 =	vsel vm1, v25, v7;
	v6 =	vmul.f32 $9.999999770e-03, v23  }
0xab: {  	vm1 =	vgt.f32 v23, $0.0e+00;
	v2 =	vmul.f32 v5, v2;
	v1 =	vadd.f32 v3, v1  }
0xac: {  	v33 =	vunpack.i.l.bf16.f32 v9;
	v5 =	vld [tilespmem:s14+$0xFFFFF590];
	v7 =	vunpack.i.l.bf16.f32 v4;
	v6 =	vsel vm1, v23, v6  }
0xad: {  	v8 =	vmul.f32 $9.999999770e-03, v22;
	v3 =	vld [tilespmem:s14+$0x0];
	v1 =	vadd.f32 v1, v2;
	v2 =	vmul.f32 v6, v7  }
0xae: {  	vm1 =	vgt.f32 v22, $0.0e+00;
	v4 =	vunpack.i.u.bf16.f32 v4;
	v7 =	vmul.f32 $9.999999770e-03, v21  }
0xaf: {  	v6 =	vsel vm1, v22, v8;
	v8 =	vld [tilespmem:s14+$0xFFFFFF90];
	vm1 =	vgt.f32 v21, $0.0e+00;
	v1 =	vadd.f32 v2, v1  }
0xb0: {  	v2 =	vmul.f32 v6, v4;
	v6 =	vsel vm1, v21, v7;
	v7 =	vmul.f32 $9.999999770e-03, v27  }
0xb1: {  	v12 =	vld [tilespmem:s14+$0xFFFFF5C0];
	vm1 =	vgt.f32 v27, $0.0e+00;
	v31 =	vunpack.i.l.bf16.f32 v5;
	v32 =	vunpack.i.u.bf16.f32 v5  }
0xb2: {  	v4 =	vunpack.i.l.bf16.f32 v3;
	v1 =	vadd.f32 v1, v2;
	v2 =	vunpack.i.u.bf16.f32 v3  }
0xb3: {  	v3 =	vsel vm1, v27, v7;
	v7 =	vmul.f32 $9.999999770e-03, v31;
	v4 =	vmul.f32 v6, v4  }
0xb4: {  	vm1 =	vgt.f32 v31, $0.0e+00;
	v2 =	vmul.f32 v3, v2;
	v3 =	vld [tilespmem:s14+$0xFFFFFFA0];
	v5 =	vunpack.i.l.bf16.f32 v8  }
0xb5: {  	v6 =	vsel vm1, v31, v7;
	v1 =	vadd.f32 v4, v1;
	v4 =	vmul.f32 $9.999999770e-03, v32  }
0xb6: {  	v14 =	vunpack.i.l.bf16.f32 v12;
	vm1 =	vgt.f32 v32, $0.0e+00;
	v5 =	vmul.f32 v6, v5;
	v6 =	vld [tilespmem:s14+$0xFFFFF5B0]  }
0xb7: {  	v10 =	vmul.f32 $9.999999770e-03, v33;
	v7 =	vunpack.i.u.bf16.f32 v8;
	v4 =	vsel vm1, v32, v4  }
0xb8: {  	vm1 =	vgt.f32 v33, $0.0e+00;
	v5 =	vadd.f32 $0.0e+00, v5;
	v4 =	vmul.f32 v4, v7  }
0xb9: {  	v11 =	vld [tilespmem:s14+$0xFFFFFFB0];
	v8 =	vunpack.i.u.bf16.f32 v9;
	v9 =	vsel vm1, v33, v10;
	v7 =	vunpack.i.l.bf16.f32 v3  }
0xba: {  	v10 =	vmul.f32 $9.999999770e-03, v8;
	v4 =	vadd.f32 v5, v4;
	v5 =	vmul.f32 v9, v7  }
0xbb: {  	vm1 =	vgt.f32 v8, $0.0e+00;
	v3 =	vunpack.i.u.bf16.f32 v3;
	v9 =	vunpack.i.l.bf16.f32 v6  }
0xbc: {  	v7 =	vsel vm1, v8, v10;
	v4 =	vadd.f32 v5, v4;
	v5 =	vmul.f32 $9.999999770e-03, v9  }
0xbd: {  	v3 =	vmul.f32 v7, v3;
	v10 =	vunpack.i.u.bf16.f32 v6;
	vm1 =	vgt.f32 v9, $0.0e+00  }
0xbe: {  	v7 =	vld [tilespmem:s14+$0xFFFFFFC0];
	v6 =	vunpack.i.l.bf16.f32 v11;
	v13 =	vmul.f32 $9.999999770e-03, v10;
	v5 =	vsel vm1, v9, v5  }
0xbf: {  	s14 =	simm.s32 $0xBE0;
	v3 =	vadd.f32 v4, v3;
	vm1 =	vgt.f32 v10, $0.0e+00;
	v4 =	vmul.f32 v5, v6  }
0xc0: {  	v17 =	vunpack.i.u.bf16.f32 v12;
	v12 =	vld [tilespmem:s14+$0xFFFFF5F0];
	v5 =	vunpack.i.u.bf16.f32 v11;
	v6 =	vsel vm1, v10, v13  }
0xc1: {  	v11 =	vmul.f32 $9.999999770e-03, v14;
	v3 =	vadd.f32 v4, v3;
	v4 =	vmul.f32 v6, v5;
	v5 =	vld [tilespmem:s14+$0xFFFFF5D0]  }
0xc2: {  	v15 =	vmul.f32 $9.999999770e-03, v17;
	v13 =	vld [tilespmem:s14+$0xFFFFF600];
	vm1 =	vgt.f32 v14, $0.0e+00  }
0xc3: {  	v16 =	vadd.f32 v1, v2;
	v18 =	vld [tilespmem:s14+$0xFFFFFFD0];
	v6 =	vunpack.i.l.bf16.f32 v7;
	v11 =	vsel vm1, v14, v11  }
0xc4: {  	vm1 =	vgt.f32 v17, $0.0e+00;
	v3 =	vadd.f32 v3, v4;
	v4 =	vmul.f32 v11, v6;
	v11 =	vld [tilespmem:s14+$0xFFFFF5E0]  }
0xc5: {  	v19 =	vunpack.i.u.bf16.f32 v7;
	v1 =	vunpack.i.l.bf16.f32 v12;
	v15 =	vsel vm1, v17, v15  }
0xc6: {  	v6 =	vunpack.i.u.bf16.f32 v12;
	v20 =	vadd.f32 v4, v3;
	v3 =	vunpack.i.l.bf16.f32 v5  }
0xc7: {  	v29 =	vunpack.i.u.bf16.f32 v13;
	v2 =	vunpack.i.l.bf16.f32 v13;
	v7 =	vmul.f32 $9.999999770e-03, v3  }
0xc8: {  	v12 =	vld [tilespmem:s14+$0xFFFFFFE0];
	v13 =	vunpack.i.l.bf16.f32 v18;
	v4 =	vunpack.i.u.bf16.f32 v5;
	vm1 =	vgt.f32 v3, $0.0e+00  }
0xc9: {  	v30 =	vmul.f32 $9.999999770e-03, v4;
	v5 =	vunpack.i.u.bf16.f32 v11;
	v7 =	vsel vm1, v3, v7  }
0xca: {  	vm1 =	vgt.f32 v4, $0.0e+00;
	v13 =	vmul.f32 v7, v13;
	v7 =	vunpack.i.l.bf16.f32 v11  }
0xcb: {  	v11 =	vunpack.i.u.bf16.f32 v18;
	v18 =	vsel vm1, v4, v30;
	v30 =	vmul.f32 $9.999999770e-03, v7  }
0xcc: {  	v11 =	vmul.f32 v18, v11;
	vm1 =	vgt.f32 v7, $0.0e+00;
	v18 =	vld [tilespmem:s14+$0xFFFFFFF0];
	v13 =	vadd.f32 $0.0e+00, v13  }
0xcd: {  	(xrf2) =	vadd.scan.msk.f32 $0xffff, v16;
	v16 =	vunpack.i.l.bf16.f32 v12;
	v34 =	vmul.f32 $9.999999770e-03, v5;
	v30 =	vsel vm1, v7, v30  }
0xce: {  	vm1 =	vgt.f32 v5, $0.0e+00;
	v11 =	vadd.f32 v13, v11;
	v13 =	vmul.f32 v30, v16  }
0xcf: {  	v12 =	vunpack.i.u.bf16.f32 v12;
	v16 =	vsel vm1, v5, v34;
	v30 =	vmul.f32 $9.999999770e-03, v1  }
0xd0: {  	vm1 =	vgt.f32 v1, $0.0e+00;
	v12 =	vmul.f32 v16, v12;
	v11 =	vadd.f32 v13, v11;
	v13 =	vld [tilespmem:s14+$0x0]  }
0xd1: {  	v42 =	vmul.f32 $9.999999770e-03, v6;
	v16 =	vunpack.i.l.bf16.f32 v18;
	v30 =	vsel vm1, v1, v30  }
0xd2: {  	vm1 =	vgt.f32 v6, $0.0e+00;
	v11 =	vadd.f32 v11, v12;
	v12 =	vmul.f32 v30, v16  }
0xd3: {  	v16 =	vunpack.i.u.bf16.f32 v18;
	v18 =	vsel vm1, v6, v42;
	v30 =	vmul.f32 $9.999999770e-03, v2  }
0xd4: {  	vm1 =	vgt.f32 v2, $0.0e+00;
	v11 =	vadd.f32 v12, v11;
	v12 =	vmul.f32 v18, v16  }
0xd5: {  	v43 =	vmul.f32 $9.999999770e-03, v29;
	v16 =	vld [tilespmem:s14+$0xFFFFF590];
	v30 =	vsel vm1, v2, v30;
	v18 =	vunpack.i.l.bf16.f32 v13  }
0xd6: {  	vm1 =	vgt.f32 v29, $0.0e+00;
	v11 =	vadd.f32 v11, v12;
	v12 =	vmul.f32 v30, v18  }
0xd7: {  	v39 =	vld [tilespmem:s14+$0xFFFFFFC0];
	v15 =	vmul.f32 v15, v19;
	v13 =	vunpack.i.u.bf16.f32 v13;
	v19 =	vsel vm1, v29, v43  }
0xd8: {  	v30 =	vld [tilespmem:s14+$0xFFFFFF90];
	v13 =	vmul.f32 v19, v13;
	v18, _, _ =	vpop (xrf2);
	v12 =	vadd.f32 v12, v11  }
0xd9: {  	v15 =	vadd.f32 v20, v15;
	v18 =	vmul.f32 $1.442695020e+00, v18  }
0xda: {  	v19 =	vld [tilespmem:s14+$0xFFFFF5A0];
	v11 =	vunpack.i.l.bf16.f32 v16;
	v12 =	vadd.f32 v12, v13  }
0xdb: {  	(xrf2) =	vadd.scan.msk.f32 $0xffff, v15;
	v13 =	vmul.f32 $9.999999770e-03, v11;
	v18 =	vbroadcast v18, $0xF  }
0xdc: {  	v50 =	vunpack.i.l.bf16.f32 v39;
	v15 =	vld [tilespmem:s14+$0xFFFFFFA0];
	vm1 =	vgt.f32 v11, $0.0e+00;
	(xrf2) =	vadd.scan.msk.f32 $0xffff, v12;
	v12 =	vunpack.i.u.bf16.f32 v16  }
0xdd: {  	v16 =	vunpack.i.l.bf16.f32 v30;
	v13 =	vsel vm1, v11, v13;
	(erf) = vpow2.f32 v18  }
0xde: {  	v54 =	vunpack.i.u.bf16.f32 v39;
	v18 =	vmul.f32 $9.999999770e-03, v12;
	v16 =	vmul.f32 v13, v16  }
0xdf: {  	v20 =	vld [tilespmem:s14+$0xFFFFF5B0];
	v30 =	vunpack.i.u.bf16.f32 v30;
	vm1 =	vgt.f32 v12, $0.0e+00;
	v13 =	vunpack.i.l.bf16.f32 v19  }
0xe0: {  	v44 =	vmul.f32 $9.999999770e-03, v13;
	v18 =	vsel vm1, v12, v18;
	v35 =	vadd.f32 $0.0e+00, v16  }
0xe1: {  	vm1 =	vgt.f32 v13, $0.0e+00;
	v16 =	vunpack.i.u.bf16.f32 v19;
	v19 =	vunpack.i.l.bf16.f32 v15  }
0xe2: {  	v36 =	vld [tilespmem:s14+$0xFFFFFFB0];
	v18 =	vmul.f32 v18, v30;
	v30 =	vsel vm1, v13, v44;
	v45 =	vmul.f32 $9.999999770e-03, v16  }
0xe3: {  	vm1 =	vgt.f32 v16, $0.0e+00;
	v19 =	vmul.f32 v30, v19;
	v30 =	vunpack.i.u.bf16.f32 v15  }
0xe4: {  	v37 =	vld [tilespmem:s14+$0xFFFFF5C0];
	v15 =	vunpack.i.l.bf16.f32 v20;
	v18 =	vadd.f32 v35, v18;
	v34 =	vsel vm1, v16, v45  }
0xe5: {  	v46, _, _ =	vpop (xrf2);
	v38 =	vmul.f32 $9.999999770e-03, v15;
	vm1 =	vgt.f32 v15, $0.0e+00;
	v30 =	vmul.f32 v34, v30  }
0xe6: {  	v35 =	vmul.f32 $1.442695020e+00, v46;
	v19 =	vadd.f32 v19, v18;
	v18 =	vunpack.i.u.bf16.f32 v20;
	v47, _, _ =	vpop (xrf2)  }
0xe7: {  	s14 =	simm.s32 $0xC60;
	v20 =	vunpack.i.l.bf16.f32 v36;
	v38 =	vsel vm1, v15, v38;
	v34 =	vmul.f32 $1.442695020e+00, v47  }
0xe8: {  	v55 =	vld [tilespmem:s14+$0xFFFFF600];
	v36 =	vunpack.i.u.bf16.f32 v36;
	v40 =	vmul.f32 $9.999999770e-03, v18;
	v20 =	vmul.f32 v38, v20  }
0xe9: {  	v56 =	vld [tilespmem:s14+$0xFFFFF5D0];
	v30 =	vadd.f32 v19, v30;
	v19 =	vunpack.i.l.bf16.f32 v37;
	v34 =	vbroadcast v34, $0xF  }
0xea: {  	vm1 =	vgt.f32 v18, $0.0e+00;
	v35 =	vbroadcast v35, $0xF;
	v53 =	vpop (erf);
	v49 =	vmul.f32 $9.999999770e-03, v19  }
0xeb: {  	v57 =	vld [tilespmem:s14+$0xFFFFF5F0];
	v48 =	vsel vm1, v18, v40;
	v46 =	vmul.f32 v53, v27;
	(erf) = vpow2.f32 v34  }
0xec: {  	vm1 =	vgt.f32 v19, $0.0e+00;
	v47 =	vmul.f32 v53, v24;
	v45 =	vmul.f32 v53, v28  }
0xed: {  	v44 =	vmul.f32 v53, v25;
	v41 =	vmul.f32 v53, v23;
	v28 =	vunpack.i.u.bf16.f32 v55  }
0xee: {  	v43 =	vmul.f32 v53, v22;
	v42 =	vmul.f32 v53, v21;
	v25 =	vunpack.i.l.bf16.f32 v56  }
0xef: {  	v21 =	vunpack.i.l.bf16.f32 v55;
	v30 =	vadd.f32 v20, v30;
	v20 =	vunpack.i.u.bf16.f32 v37  }
0xf0: {  	v22 =	vunpack.i.u.bf16.f32 v57;
	v36 =	vmul.f32 v48, v36;
	v52 =	vmul.f32 $9.999999770e-03, v20  }
0xf1: {  	v58 =	vld [tilespmem:s14+$0xFFFFF5E0];
	v23 =	vunpack.i.l.bf16.f32 v57;
	v51 =	vsel vm1, v19, v49;
	vm1 =	vgt.f32 v20, $0.0e+00  }
0xf2: {  	v49 =	vld [tilespmem:s14+$0xFFFFFFD0];
	v30 =	vadd.f32 v30, v36;
	v34 =	vmul.f32 v51, v50;
	v38 =	vsel vm1, v20, v52  }
0xf3: {  	v48 =	vnsel vm0, $0x0, v53;
	v57 =	vmul.f32 $9.999999770e-03, v23;
	v27 =	vmul.f32 v38, v54  }
0xf4: {  	(erf) = vpow2.f32 v35;
	v38 =	vmul.f32 v53, v26;
	v30 =	vadd.f32 v34, v30;
	v24 =	vpop (erf)  }
0xf5: {  	vm1 =	vgt.f32 v25, $0.0e+00;
	v50 =	vmul.f32 v24, v29;
	v29 =	vmul.f32 $9.999999770e-03, v25  }
0xf6: {  	v59 =	vld [tilespmem:s14+$0xFFFFFFE0];
	v26 =	vunpack.i.u.bf16.f32 v58;
	v40 =	vadd.f32 v30, v27;
	v27 =	vunpack.i.u.bf16.f32 v56  }
0xf7: {  	v30 =	vunpack.i.l.bf16.f32 v49;
	v60 =	vmul.f32 $9.999999770e-03, v27;
	v29 =	vsel vm1, v25, v29  }
0xf8: {  	vm1 =	vgt.f32 v27, $0.0e+00;
	v29 =	vmul.f32 v29, v30;
	v30 =	vunpack.i.l.bf16.f32 v58  }
0xf9: {  	v63 =	vld [tilespmem:s14+$0xFFFFFFF0];
	v61 =	vunpack.i.u.bf16.f32 v49;
	v36 =	vsel vm1, v27, v60;
	v62 =	vmul.f32 $9.999999770e-03, v30  }
0xfa: {  	v52 =	vld [tilespmem:s14+$0xFFFFF5A0];
	v35 =	vmul.f32 v36, v61;
	vm1 =	vgt.f32 v30, $0.0e+00;
	v29 =	vadd.f32 $0.0e+00, v29  }
0xfb: {  	v53 =	vunpack.i.l.bf16.f32 v59;
	v54 =	vmul.f32 $9.999999770e-03, v26;
	v37 =	vsel vm1, v30, v62  }
0xfc: {  	vm1 =	vgt.f32 v26, $0.0e+00;
	v29 =	vadd.f32 v29, v35;
	v55 =	vmul.f32 v37, v53  }
0xfd: {  	v34 =	vunpack.i.u.bf16.f32 v59;
	v59 =	vmul.f32 $9.999999770e-03, v22;
	v56 =	vsel vm1, v26, v54  }
0xfe: {  	vm1 =	vgt.f32 v23, $0.0e+00;
	v35 =	vld [tilespmem:s14+$0x0];
	v34 =	vmul.f32 v56, v34;
	v29 =	vadd.f32 v55, v29  }
0xff: {  	(xrf2) =	vadd.scan.msk.f32 $0xffff, v40;
	v40 =	vunpack.i.l.bf16.f32 v52;
	v58 =	vunpack.i.l.bf16.f32 v63;
	v39 =	vsel vm1, v23, v57  }
0x100: {  	v51 =	vld [tilespmem:s14+$0xFFFFF590];
	vm1 =	vgt.f32 v22, $0.0e+00;
	v60 =	vmul.f32 v39, v58;
	v29 =	vadd.f32 v29, v34  }
0x101: {  	v36 =	vunpack.i.u.bf16.f32 v63;
	v62 =	vmul.f32 $9.999999770e-03, v21;
	v61 =	vsel vm1, v22, v59  }
0x102: {  	v49 =	vld [tilespmem:s14+$0xFFFFFF90];
	vm1 =	vgt.f32 v21, $0.0e+00;
	v63 =	vmul.f32 v61, v36;
	v29 =	vadd.f32 v60, v29  }
0x103: {  	v58 =	vmul.f32 $9.999999770e-03, v28;
	v57 =	vsel vm1, v21, v62;
	v56 =	vunpack.i.l.bf16.f32 v35  }
0x104: {  	vm1 =	vgt.f32 v28, $0.0e+00;
	v36 =	vmul.f32 v57, v56;
	v34 =	vadd.f32 v29, v63  }
0x105: {  	v39 =	vunpack.i.u.bf16.f32 v51;
	v59 =	vsel vm1, v28, v58;
	v35 =	vunpack.i.u.bf16.f32 v35  }
0x106: {  	v35 =	vmul.f32 v59, v35;
	v29 =	vunpack.i.l.bf16.f32 v51;
	v63 =	vld [tilespmem:s14+$0xFFFFF5B0];
	v34 =	vadd.f32 v36, v34  }
0x107: {  	v62 =	vmul.f32 $9.999999770e-03, v39;
	v60 =	vunpack.i.l.bf16.f32 v49;
	v53 =	vmul.f32 $9.999999770e-03, v29;
	v36 =	vld [tilespmem:s14+$0xFFFFFFA0]  }
0x108: {  	v49 =	vunpack.i.u.bf16.f32 v49;
	vm1 =	vgt.f32 v29, $0.0e+00;
	v34 =	vadd.f32 v34, v35  }
0x109: {  	v57 =	vmul.f32 $9.999999770e-03, v40;
	v61 =	vsel vm1, v29, v53;
	vm1 =	vgt.f32 v39, $0.0e+00  }
0x10a: {  	v37 =	vmul.f32 v61, v60;
	v56 =	vsel vm1, v39, v62;
	vm1 =	vgt.f32 v40, $0.0e+00;
	(xrf2) =	vadd.scan.msk.f32 $0xffff, v34  }
0x10b: {  	v49 =	vmul.f32 v56, v49;
	v53 =	vsel vm1, v40, v57;
	v35 =	vunpack.i.u.bf16.f32 v63  }
0x10c: {  	s7 =	simm.s32 $0x2980;
	v51 =	vld [tilespmem:s14+$0xFFFFFFB0];
	v37 =	vadd.f32 $0.0e+00, v37;
	v34 =	vunpack.i.u.bf16.f32 v52;
	v58 =	vunpack.i.l.bf16.f32 v36  }
0x10d: {  	[tilespmem:s7+$0x70] =	vst v46;
	v46 =	vld [tilespmem:s14+$0xFFFFFFC0];
	v60 =	vmul.f32 $9.999999770e-03, v34;
	v54 =	vunpack.i.u.bf16.f32 v36;
	v36 =	vunpack.i.l.bf16.f32 v63  }
0x10e: {  	vm1 =	vgt.f32 v34, $0.0e+00;
	v37 =	vadd.f32 v37, v49;
	v62 =	vmul.f32 $9.999999770e-03, v36  }
0x10f: {  	v59 =	vmul.f32 v53, v58;
	v53 =	vld [tilespmem:s14+$0xFFFFF5C0];
	v61 =	vsel vm1, v34, v60;
	vm1 =	vgt.f32 v36, $0.0e+00  }
0x110: {  	v55 =	vmul.f32 $9.999999770e-03, v35;
	v52 =	vsel vm1, v36, v62  }
0x111: {  	v63 =	vunpack.i.l.bf16.f32 v51;
	v58 =	vunpack.i.u.bf16.f32 v51;
	v37 =	vadd.f32 v59, v37  }
0x112: {  	[tilespmem:s7+$0x80] =	vst v48;
	v49 =	vmul.f32 v61, v54;
	vm1 =	vgt.f32 v35, $0.0e+00;
	v54 =	vunpack.i.l.bf16.f32 v46  }
0x113: {  	[tilespmem:s7+$0x0] =	vst v47;
	v46 =	vunpack.i.u.bf16.f32 v46;
	v57 =	vmul.f32 v52, v63;
	v59 =	vsel vm1, v35, v55;
	v52, _, _ =	vpop (xrf2)  }
0x114: {  	s30 =	simm.s32 $0x2AA0;
	[tilespmem:s7+$0x10] =	vst v38;
	v56 =	vadd.f32 v37, v49;
	v61 =	vmul.f32 v59, v58;
	v37 =	vunpack.i.l.bf16.f32 v53;
	v63, _, _ =	vpop (xrf2)  }
0x115: {  	[tilespmem:s30+$0x70] =	vst v50;
	v38 =	vunpack.i.u.bf16.f32 v53;
	v62 =	vmul.f32 $9.999999770e-03, v37;
	v50 =	vmul.f32 $1.442695020e+00, v63  }
0x116: {  	[tilespmem:s7+$0x20] =	vst v45;
	v60 =	vadd.f32 v57, v56;
	vm1 =	vgt.f32 v37, $0.0e+00;
	v55 =	vmul.f32 $9.999999770e-03, v38  }
0x117: {  	[tilespmem:s7+$0x30] =	vst v44;
	v58 =	vmul.f32 $1.442695020e+00, v52;
	v49 =	vsel vm1, v37, v62;
	v57 =	vbroadcast v50, $0xF  }
0x118: {  	[tilespmem:s7+$0x40] =	vst v41;
	v56 =	vadd.f32 v60, v61;
	vm1 =	vgt.f32 v38, $0.0e+00;
	v45 =	vmul.f32 v49, v54  }
0x119: {  	[tilespmem:s7+$0x50] =	vst v43;
	v41 =	vpop (erf);
	v61 =	vbroadcast v58, $0xF;
	v59 =	vsel vm1, v38, v55;
	(erf) = vpow2.f32 v57  }
0x11a: {  	[tilespmem:s7+$0x60] =	vst v42;
	v62 =	vnsel vm0, $0x0, v41;
	v60 =	vmul.f32 v59, v46;
	v45 =	vadd.f32 v45, v56  }
0x11b: {  	v44 =	vmul.f32 v41, v31;
	v43 =	vmul.f32 v41, v32;
	v63 =	vnsel vm0, $0x0, v24;
	[tilespmem:s7+$0xFFFFFFF0] =	vst v62  }
0x11c: {  	s31 =	simm.s32 $0x4;
	v33 =	vmul.f32 v41, v33;
	s14 =	simm.s32 $0xCE0;
	[tilespmem:s30+$0x80] =	vst v63;
	v42 =	vadd.f32 v45, v60;
	(erf) = vpow2.f32 v61  }
.LBB2_5:
0x11d: {  	v45 =	vld [tilespmem:s14+$0xFFFFF600];
	[tilespmem:s7+$0xFFFFFF70] =	vst v44;
	v8 =	vmul.f32 v41, v8;
	v9 =	vmul.f32 v41, v9;
	v31 =	vmovc v12;
	v12 =	vmov v39  }
0x11e: {  	s31 =	sadd.s32 $0x2, s31;
	v10 =	vmul.f32 v41, v10;
	v14 =	vmul.f32 v41, v14;
	v32 =	vmovc v13;
	v39 =	vld [tilespmem:s14+$0xFFFFF5D0];
	(xrf2) =	vadd.scan.msk.f32 $0xffff, v42;
	[tilespmem:s7+$0xFFFFFF80] =	vst v43  }
0x11f: {  	v17 =	vmul.f32 v41, v17;
	v13 =	vmovc v40;
	p1 =	slt.u32 s31, $0x26;
	v43 =	vmul.f32 v24, v3;
	v3 =	vmov v25;
	v42 =	vld [tilespmem:s14+$0xFFFFF5F0];
	[tilespmem:s7+$0xFFFFFF90] =	vst v33  }
0x120: {  	v40 =	vmul.f32 v24, v4;
	v44 =	vmul.f32 v24, v7;
	v4 =	vmovc v27;
	v7 =	vmov v30;
	v33 =	vld [tilespmem:s14+$0xFFFFF5E0];
	[tilespmem:s7+$0xFFFFFFA0] =	vst v8  }
0x121: {  	v47 =	vmul.f32 v24, v5;
	v48 =	vmul.f32 v24, v1;
	v1 =	vmovc v23;
	v5 =	vmov v26;
	v46 =	vld [tilespmem:s14+$0xFFFFFFD0];
	[tilespmem:s7+$0xFFFFFFB0] =	vst v9  }
0x122: {  	v50 =	vmul.f32 v24, v6;
	v51 =	vmul.f32 v24, v2;
	v49 =	vld [tilespmem:s14+$0xFFFFF590];
	v26 =	vunpack.i.u.bf16.f32 v45;
	v24 =	vpop (erf);
	[tilespmem:s7+$0xFFFFFFC0] =	vst v10  }
0x123: {  	v2 =	vmovc v21;
	v21 =	vunpack.i.l.bf16.f32 v45;
	v52 =	vld [tilespmem:s14+$0xFFFFFF90];
	v25 =	vunpack.i.l.bf16.f32 v39;
	v30 =	vmul.f32 v24, v28;
	[tilespmem:s7+$0xFFFFFFD0] =	vst v14;
	v28 =	vmovc v26  }
0x124: {  	v6 =	vmovc v22;
	v8 =	vmovc v16;
	v45 =	vld [tilespmem:s14+$0xFFFFF5A0];
	v55 =	vmul.f32 $9.999999770e-03, v25;
	v23 =	vunpack.i.l.bf16.f32 v42;
	[tilespmem:s7+$0xFFFFFFE0] =	vst v17;
	v22 =	vunpack.i.u.bf16.f32 v42;
	s7 =	smov.u32 s30;
	s30 =	sadd.s32 $0x120, s30  }
0x125: {  	v27 =	vunpack.i.u.bf16.f32 v39;
	vm1 =	vgt.f32 v25, $0.0e+00;
	v39 =	vld [tilespmem:s14+$0xFFFFFFE0];
	v26 =	vunpack.i.u.bf16.f32 v33;
	[tilespmem:s30+$0x70] =	vst v30;
	v41 =	vpop (erf)  }
0x126: {  	v16 =	vmovc v34;
	v9 =	vmovc v15;
	v17 =	vmul.f32 $9.999999770e-03, v27;
	v42 =	vld [tilespmem:s14+$0xFFFFFFA0];
	v14 =	vunpack.i.l.bf16.f32 v46;
	v53 =	vsel vm1, v25, v55;
	[tilespmem:s7+$0x0] =	vst v43  }
0x127: {  	v15 =	vmovc v36;
	v10 =	vmovc v18;
	v30 =	vunpack.i.l.bf16.f32 v33;
	vm1 =	vgt.f32 v27, $0.0e+00;
	v43 =	vld [tilespmem:s14+$0xFFFFF5B0];
	v54 =	vmul.f32 v53, v14;
	[tilespmem:s7+$0x10] =	vst v40  }
0x128: {  	v46 =	vunpack.i.u.bf16.f32 v46;
	v34 =	vmul.f32 $9.999999770e-03, v30;
	v55 =	vsel vm1, v27, v17;
	v53 =	vld [tilespmem:s14+$0xFFFFFFB0];
	v33, _, _ =	vpop (xrf2);
	[tilespmem:s7+$0x20] =	vst v44  }
0x129: {  	v18 =	vmovc v35;
	vm1 =	vgt.f32 v30, $0.0e+00;
	v40 =	vmul.f32 v55, v46;
	v36 =	vadd.f32 $0.0e+00, v54;
	v44 =	vld [tilespmem:s14+$0xFFFFFFF0];
	[tilespmem:s7+$0x30] =	vst v47;
	v14 =	vmovc v19  }
0x12a: {  	v34 =	vsel vm1, v30, v34;
	v17 =	vmovc v20;
	v47 =	vmul.f32 $9.999999770e-03, v26;
	v19 =	vmovc v37;
	v46 =	vld [tilespmem:s14+$0xFFFFF5C0];
	v35 =	vunpack.i.l.bf16.f32 v39;
	[tilespmem:s7+$0x40] =	vst v48  }
0x12b: {  	vm1 =	vgt.f32 v26, $0.0e+00;
	v20 =	vmovc v38;
	v48 =	vld [tilespmem:s14+$0xFFFFFFC0];
	v36 =	vadd.f32 v36, v40;
	v34 =	vmul.f32 v34, v35;
	[tilespmem:s7+$0x50] =	vst v50  }
0x12c: {  	v38 =	vmul.f32 $9.999999770e-03, v23;
	v35 =	vunpack.i.u.bf16.f32 v39;
	v37 =	vsel vm1, v26, v47;
	[tilespmem:s7+$0x60] =	vst v51  }
0x12d: {  	vm1 =	vgt.f32 v23, $0.0e+00;
	v35 =	vmul.f32 v37, v35;
	v34 =	vadd.f32 v34, v36;
	v36 =	vld [tilespmem:s14+$0x0]  }
0x12e: {  	v39 =	vmul.f32 $9.999999770e-03, v22;
	v38 =	vsel vm1, v23, v38;
	v37 =	vunpack.i.l.bf16.f32 v44  }
0x12f: {  	vm1 =	vgt.f32 v22, $0.0e+00;
	v34 =	vadd.f32 v34, v35;
	v35 =	vmul.f32 v38, v37  }
0x130: {  	v37 =	vunpack.i.u.bf16.f32 v44;
	v38 =	vsel vm1, v22, v39;
	v39 =	vmul.f32 $9.999999770e-03, v21  }
0x131: {  	vm1 =	vgt.f32 v21, $0.0e+00;
	v34 =	vadd.f32 v35, v34;
	v35 =	vmul.f32 v38, v37  }
0x132: {  	v38 =	vsel vm1, v21, v39;
	v39 =	vmul.f32 $9.999999770e-03, v28;
	v37 =	vunpack.i.l.bf16.f32 v36  }
0x133: {  	vm1 =	vgt.f32 v28, $0.0e+00;
	v34 =	vadd.f32 v34, v35;
	v35 =	vmul.f32 v38, v37  }
0x134: {  	v47 =	vunpack.i.l.bf16.f32 v49;
	v36 =	vunpack.i.u.bf16.f32 v36;
	v37 =	vsel vm1, v28, v39  }
0x135: {  	v38 =	vmul.f32 $9.999999770e-03, v47;
	v34 =	vadd.f32 v35, v34;
	v35 =	vmul.f32 v37, v36  }
0x136: {  	v39 =	vunpack.i.u.bf16.f32 v49;
	vm1 =	vgt.f32 v47, $0.0e+00;
	v36 =	vunpack.i.l.bf16.f32 v52  }
0x137: {  	v37 =	vsel vm1, v47, v38;
	v38 =	vmul.f32 $9.999999770e-03, v39;
	v34 =	vadd.f32 v34, v35  }
0x138: {  	v40 =	vunpack.i.l.bf16.f32 v45;
	vm1 =	vgt.f32 v39, $0.0e+00;
	v35 =	vmul.f32 v37, v36  }
0x139: {  	v36 =	vunpack.i.u.bf16.f32 v52;
	v37 =	vsel vm1, v39, v38;
	v38 =	vmul.f32 $9.999999770e-03, v40;
	(xrf2) =	vadd.scan.msk.f32 $0xffff, v34  }
0x13a: {  	vm1 =	vgt.f32 v40, $0.0e+00;
	v36 =	vmul.f32 v37, v36;
	v35 =	vadd.f32 $0.0e+00, v35  }
0x13b: {  	v37 =	vunpack.i.l.bf16.f32 v42;
	v34 =	vunpack.i.u.bf16.f32 v45;
	v38 =	vsel vm1, v40, v38  }
0x13c: {  	v37 =	vmul.f32 v38, v37;
	v38 =	vmul.f32 $9.999999770e-03, v34;
	v35 =	vadd.f32 v35, v36  }
0x13d: {  	v42 =	vunpack.i.u.bf16.f32 v42;
	vm1 =	vgt.f32 v34, $0.0e+00;
	v36 =	vunpack.i.l.bf16.f32 v43  }
0x13e: {  	v37 =	vadd.f32 v37, v35;
	v35 =	vsel vm1, v34, v38;
	v38 =	vmul.f32 $9.999999770e-03, v36  }
0x13f: {  	vm1 =	vgt.f32 v36, $0.0e+00;
	v42 =	vmul.f32 v35, v42;
	v35 =	vunpack.i.u.bf16.f32 v43  }
0x140: {  	v43 =	vunpack.i.l.bf16.f32 v53;
	v38 =	vsel vm1, v36, v38;
	v44 =	vmul.f32 $9.999999770e-03, v35  }
0x141: {  	vm1 =	vgt.f32 v35, $0.0e+00;
	v42 =	vadd.f32 v37, v42;
	v38 =	vmul.f32 v38, v43  }
0x142: {  	v43 =	vunpack.i.u.bf16.f32 v53;
	v37 =	vunpack.i.l.bf16.f32 v46;
	v44 =	vsel vm1, v35, v44  }
0x143: {  	v42 =	vadd.f32 v38, v42;
	v43 =	vmul.f32 v44, v43;
	v44 =	vmul.f32 $9.999999770e-03, v37;
	v45, _, _ =	vpop (xrf2)  }
0x144: {  	vm1 =	vgt.f32 v37, $0.0e+00;
	v38 =	vunpack.i.u.bf16.f32 v46;
	v45 =	vmul.f32 $1.442695020e+00, v45  }
0x145: {  	v46 =	vunpack.i.l.bf16.f32 v48;
	v49 =	vmul.f32 $9.999999770e-03, v38;
	v44 =	vsel vm1, v37, v44  }
0x146: {  	v42 =	vadd.f32 v42, v43;
	v43 =	vmul.f32 v44, v46;
	v44 =	vbroadcast v45, $0xF  }
.Ltmp1:
0x147: {  	v33 =	vmul.f32 $1.442695020e+00, v33;
	vm1 =	vgt.f32 v38, $0.0e+00;
	v45 =	vunpack.i.u.bf16.f32 v48;
	(pc) =	sbr.rel @p1 .LBB2_5-.Ltmp1, $4  }
0x148: {  	v42 =	vadd.f32 v43, v42;
	v43 =	vsel vm1, v38, v49;
	(erf) = vpow2.f32 v44  }
0x149: {  	v33 =	vbroadcast v33, $0xF;
	v46 =	vnsel vm0, $0x0, v41;
	v45 =	vmul.f32 v43, v45  }
0x14a: {  	v48 =	vnsel vm0, $0x0, v24;
	v44 =	vmul.f32 v41, v11;
	v43 =	vmul.f32 v41, v31;
	v11 =	vmovc v29;
	[tilespmem:s7+$0xFFFFFFF0] =	vst v46  }
0x14b: {  	s14 =	sadd.s32 $0x80, s14;
	v29 =	vmovc v47;
	v42 =	vadd.f32 v42, v45;
	[tilespmem:s30+$0x80] =	vst v48;
	(erf) = vpow2.f32 v33;
	v33 =	vmul.f32 v41, v32  }
0x14c: {  	[tilespmem:s7+$0xFFFFFF70] =	vst v44  }
0x14d: {  	v8 =	vmul.f32 v41, v8;
	[tilespmem:s7+$0xFFFFFF80] =	vst v43  }
0x14e: {  	v9 =	vmul.f32 v41, v9;
	[tilespmem:s7+$0xFFFFFF90] =	vst v33  }
0x14f: {  	v10 =	vmul.f32 v41, v10;
	[tilespmem:s7+$0xFFFFFFA0] =	vst v8  }
0x150: {  	v3 =	vmul.f32 v24, v3;
	[tilespmem:s7+$0xFFFFFFB0] =	vst v9  }
0x151: {  	v4 =	vmul.f32 v24, v4;
	[tilespmem:s7+$0xFFFFFFC0] =	vst v10  }
0x152: {  	v7 =	vmul.f32 v24, v7;
	[tilespmem:s30+$0x0] =	vst v3  }
0x153: {  	v1 =	vmul.f32 v24, v1;
	(xrf2) =	vadd.scan.msk.f32 $0xffff, v42;
	[tilespmem:s30+$0x10] =	vst v4  }
0x154: {  	v2 =	vmul.f32 v24, v2;
	[tilespmem:s30+$0x20] =	vst v7  }
0x155: {  	v8 =	vmul.f32 v41, v14;
	[tilespmem:s30+$0x40] =	vst v1  }
0x156: {  	v9 =	vmul.f32 v41, v17;
	[tilespmem:s30+$0x60] =	vst v2  }
0x157: {  	v3 =	vmul.f32 v24, v5;
	[tilespmem:s7+$0xFFFFFFD0] =	vst v8  }
0x158: {  	v4 =	vmul.f32 v24, v6;
	[tilespmem:s7+$0xFFFFFFE0] =	vst v9;
	v14 =	vpop (erf)  }
0x159: {  	[tilespmem:s30+$0x30] =	vst v3;
	v1 =	vpop (erf)  }
0x15a: {  	s14 =	sadd.s32 $0x120, s30;
	[tilespmem:s30+$0x50] =	vst v4;
	v10 =	vmul.f32 v14, v28;
	v3 =	vnsel vm0, $0x0, v14;
	v2 =	vnsel vm0, $0x0, v1  }
0x15b: {  	[tilespmem:s14+$0x80] =	vst v3  }
0x15c: {  	[tilespmem:s14+$0x70] =	vst v10;
	v4 =	vmul.f32 v1, v11  }
0x15d: {  	v5 =	vmul.f32 v1, v12;
	[tilespmem:s30+$0xFFFFFFF0] =	vst v2;
	v2, _, _ =	vpop (xrf2)  }
0x15e: {  	v3 =	vmul.f32 v1, v13;
	[tilespmem:s30+$0xFFFFFF70] =	vst v4;
	v2 =	vmul.f32 $1.442695020e+00, v2  }
0x15f: {  	v4 =	vmul.f32 v1, v16;
	[tilespmem:s30+$0xFFFFFF80] =	vst v5  }
0x160: {  	[tilespmem:s30+$0xFFFFFF90] =	vst v3;
	v3 =	vmul.f32 v1, v18;
	v2 =	vbroadcast v2, $0xF  }
0x161: {  	v5 =	vmul.f32 v1, v15;
	[tilespmem:s30+$0xFFFFFFA0] =	vst v4  }
0x162: {  	[tilespmem:s30+$0xFFFFFFC0] =	vst v3;
	v3 =	vmul.f32 v14, v25;
	(erf) = vpow2.f32 v2  }
0x163: {  	[tilespmem:s30+$0xFFFFFFB0] =	vst v5;
	v2 =	vmul.f32 v1, v19  }
0x164: {  	[tilespmem:s14+$0x0] =	vst v3;
	v3 =	vmul.f32 v14, v26  }
0x165: {  	[tilespmem:s30+$0xFFFFFFD0] =	vst v2;
	v2 =	vmul.f32 v14, v27  }
0x166: {  	v1 =	vmul.f32 v1, v20;
	[tilespmem:s14+$0x30] =	vst v3  }
0x167: {  	v3 =	vmul.f32 v14, v21;
	[tilespmem:s14+$0x10] =	vst v2;
	v2 =	vmul.f32 v14, v23  }
0x168: {  	[tilespmem:s30+$0xFFFFFFE0] =	vst v1;
	v1 =	vmul.f32 v14, v30  }
0x169: {  	[tilespmem:s14+$0x60] =	vst v3  }
0x16a: {  	[tilespmem:s14+$0x20] =	vst v1;
	v1 =	vmul.f32 v14, v22  }
0x16b: {  	[tilespmem:s14+$0x40] =	vst v2;
	v2 =	vpop (erf)  }
0x16c: {  	[tilespmem:s14+$0x50] =	vst v1;
	v1 =	vnsel vm0, $0x0, v2;
	v3 =	vmul.f32 v2, v29  }
0x16d: {  	v4 =	vmul.f32 v2, v39;
	[tilespmem:s14+$0xFFFFFFF0] =	vst v1  }
0x16e: {  	v1 =	vmul.f32 v2, v40;
	[tilespmem:s14+$0xFFFFFF70] =	vst v3  }
0x16f: {  	v3 =	vmul.f32 v2, v34;
	[tilespmem:s14+$0xFFFFFF80] =	vst v4  }
0x170: {  	v4 =	vmul.f32 v2, v36;
	[tilespmem:s14+$0xFFFFFF90] =	vst v1  }
0x171: {  	v1 =	vmul.f32 v2, v35;
	[tilespmem:s14+$0xFFFFFFA0] =	vst v3  }
0x172: {  	v3 =	vmul.f32 v2, v37;
	[tilespmem:s14+$0xFFFFFFB0] =	vst v4  }
0x173: {  	v2 =	vmul.f32 v2, v38;
	[tilespmem:s14+$0xFFFFFFC0] =	vst v1  }
0x174: {  	[tilespmem:s14+$0xFFFFFFD0] =	vst v3  }
0x175: {  	[tilespmem:s14+$0xFFFFFFE0] =	vst v2  }
0x176: {  	[spmem:s3] =	stream.indirect.scatter.add.f32 [tilespmem:s8], [sflag:$0x5], $0x90, s10, s11, $0xb8;
	[tilespmem:$0x1BDF0] =	vst v63  }
0x177: {  	_ =	swait.ge [sflag:s25], $0xA00  }
0x178: {  	[sflag:s25] =	ssyncset.done $0x0  }
0x179: {  	[sflag:s25] =	ssyncadd.s32 $0xFFFFF600  }
0x17a: {  	_ =	swait.ge [sflag:s25], $0xA00  }
0x17b: {  	[sflag:s25] =	ssyncset.done $0x0  }
0x17c: {  	[sflag:s25] =	ssyncadd.s32 $0xFFFFF600  }
0x17d: {  	_ =	swait.ge [sflag:s13], $0x28  }
0x17e: {  	[sflag:s13] =	ssyncset.done $0x0  }
0x17f: {  	[sflag:s13] =	ssyncadd.s32 $0xFFFFFFD8  }
0x180: {  	_ =	swait.ge [sflag:s13], $0x28  }
0x181: {  	[sflag:s13] =	ssyncset.done $0x0  }
0x182: {  	s14 =	simm.s32 $0xF0;
	[sflag:s13] =	ssyncadd.s32 $0xFFFFFFD8  }
0x183: {  	[tilespmem:s14], [sflag:$0x3] =	stream.indirect.gather [hbm4b:s1+s11], $0x40, s4, s11, $0xb8;
	[tilespmem:$0x1BDF0] =	vst v63  }
0x184: {  	s7 =	simm.s32 @!p0 $0x6  }
0x185: {  	[tilespmem:s15], [sflag:$0x3] =	stream.indirect.gather [hbm4b:s1+s11], $0x40, s24, s11, $0xb8;
	[tilespmem:$0x1BDF0] =	vst v63  }
0x186: {  	s14 =	sadd.s32 s2, s21;
	_ =	swait.ge @!p0 [sflag:s7], $0x1680  }
0x187: {  	s14 =	sshrl.u32 s14, $0x3;
	[sflag:s7] =	ssyncset.done @!p0 $0x0  }
0x188: {  	[sflag:s7] =	ssyncadd.s32 @!p0 $0xFFFFE980;
	s7 =	sadd.s32 s5, s14  }
0x189: {  	[tilespmem:s11], [sflag:$0x2] =	stream.linear.gather [hbm4b:s7+s4], $0x28, $0x38;
	[tilespmem:$0x1BDF0] =	vst v63  }
0x18a: {  	s14 =	sadd.s32 s6, s14  }
0x18b: {  	[tilespmem:s26], [sflag:$0x2] =	stream.linear.gather [hbm4b:s14+s4], $0x28, $0x38;
	[tilespmem:$0x1BDF0] =	vst v63  }
0x18c: {  	s14 =	simm.s32 $0x1F60  }
0x18d: {  	v1 =	vld [tilespmem:s14+$0xFFFFF600]  }
0x18e: {  	v2 =	vld [tilespmem:s14+$0xFFFFF5D0]  }
0x18f: {  	v3 =	vld [tilespmem:s14+$0xFFFFF5F0]  }
0x190: {  	v4 =	vld [tilespmem:s14+$0xFFFFF5E0]  }
0x191: {  	v5 =	vld [tilespmem:s14+$0xFFFFFFD0];
	_ =	sdelay $0x1  }
0x192: {  	v9 =	vld [tilespmem:s14+$0xFFFFF5A0];
	v27 =	vunpack.i.u.bf16.f32 v1  }
0x193: {  	v24 =	vunpack.i.l.bf16.f32 v2;
	v21 =	vunpack.i.l.bf16.f32 v1;
	v22 =	vunpack.i.u.bf16.f32 v3  }
0x194: {  	v23 =	vunpack.i.l.bf16.f32 v3;
	v26 =	vunpack.i.u.bf16.f32 v2;
	v1 =	vmul.f32 $9.999999770e-03, v24  }
0x195: {  	v2 =	vld [tilespmem:s14+$0xFFFFFFE0];
	v25 =	vunpack.i.u.bf16.f32 v4;
	v3 =	vunpack.i.l.bf16.f32 v5;
	vm1 =	vgt.f32 v24, $0.0e+00  }
0x196: {  	v28 =	vunpack.i.l.bf16.f32 v4;
	v6 =	vmul.f32 $9.999999770e-03, v26;
	v1 =	vsel vm1, v24, v1  }
0x197: {  	v33 =	vunpack.i.l.bf16.f32 v9;
	vm1 =	vgt.f32 v26, $0.0e+00;
	v1 =	vmul.f32 v1, v3  }
0x198: {  	v12 =	vld [tilespmem:s14+$0xFFFFF5C0];
	v3 =	vunpack.i.u.bf16.f32 v5;
	v4 =	vsel vm1, v26, v6;
	v5 =	vmul.f32 $9.999999770e-03, v28  }
0x199: {  	vm1 =	vgt.f32 v28, $0.0e+00;
	v3 =	vmul.f32 v4, v3;
	v4 =	vld [tilespmem:s14+$0xFFFFFFF0];
	v1 =	vadd.f32 $0.0e+00, v1  }
0x19a: {  	v7 =	vmul.f32 $9.999999770e-03, v25;
	v6 =	vunpack.i.l.bf16.f32 v2;
	v5 =	vsel vm1, v28, v5  }
0x19b: {  	vm1 =	vgt.f32 v25, $0.0e+00;
	v1 =	vadd.f32 v1, v3;
	v3 =	vmul.f32 v5, v6  }
0x19c: {  	v2 =	vunpack.i.u.bf16.f32 v2;
	v5 =	vsel vm1, v25, v7;
	v6 =	vmul.f32 $9.999999770e-03, v23  }
0x19d: {  	vm1 =	vgt.f32 v23, $0.0e+00;
	v2 =	vmul.f32 v5, v2;
	v1 =	vadd.f32 v3, v1  }
0x19e: {  	v14 =	vunpack.i.l.bf16.f32 v12;
	v5 =	vld [tilespmem:s14+$0xFFFFF590];
	v7 =	vunpack.i.l.bf16.f32 v4;
	v6 =	vsel vm1, v23, v6  }
0x19f: {  	v8 =	vmul.f32 $9.999999770e-03, v22;
	v3 =	vld [tilespmem:s14+$0x0];
	v1 =	vadd.f32 v1, v2;
	v2 =	vmul.f32 v6, v7  }
0x1a0: {  	vm1 =	vgt.f32 v22, $0.0e+00;
	v4 =	vunpack.i.u.bf16.f32 v4;
	v7 =	vmul.f32 $9.999999770e-03, v21  }
0x1a1: {  	v6 =	vsel vm1, v22, v8;
	v8 =	vld [tilespmem:s14+$0xFFFFFF90];
	vm1 =	vgt.f32 v21, $0.0e+00;
	v1 =	vadd.f32 v2, v1  }
0x1a2: {  	v2 =	vmul.f32 v6, v4;
	v6 =	vsel vm1, v21, v7;
	v7 =	vmul.f32 $9.999999770e-03, v27  }
0x1a3: {  	vm1 =	vgt.f32 v27, $0.0e+00;
	v31 =	vunpack.i.l.bf16.f32 v5;
	v32 =	vunpack.i.u.bf16.f32 v5  }
0x1a4: {  	v4 =	vunpack.i.l.bf16.f32 v3;
	v1 =	vadd.f32 v1, v2;
	v2 =	vunpack.i.u.bf16.f32 v3  }
0x1a5: {  	v3 =	vsel vm1, v27, v7;
	v7 =	vmul.f32 $9.999999770e-03, v31;
	v4 =	vmul.f32 v6, v4  }
0x1a6: {  	vm1 =	vgt.f32 v31, $0.0e+00;
	v2 =	vmul.f32 v3, v2;
	v3 =	vld [tilespmem:s14+$0xFFFFFFA0];
	v5 =	vunpack.i.l.bf16.f32 v8  }
0x1a7: {  	v6 =	vsel vm1, v31, v7;
	v1 =	vadd.f32 v4, v1;
	v4 =	vmul.f32 $9.999999770e-03, v32  }
0x1a8: {  	v17 =	vunpack.i.u.bf16.f32 v12;
	vm1 =	vgt.f32 v32, $0.0e+00;
	v5 =	vmul.f32 v6, v5;
	v6 =	vld [tilespmem:s14+$0xFFFFF5B0]  }
0x1a9: {  	v10 =	vmul.f32 $9.999999770e-03, v33;
	v7 =	vunpack.i.u.bf16.f32 v8;
	v4 =	vsel vm1, v32, v4  }
0x1aa: {  	vm1 =	vgt.f32 v33, $0.0e+00;
	v5 =	vadd.f32 $0.0e+00, v5;
	v4 =	vmul.f32 v4, v7  }
0x1ab: {  	v11 =	vld [tilespmem:s14+$0xFFFFFFB0];
	v8 =	vunpack.i.u.bf16.f32 v9;
	v9 =	vsel vm1, v33, v10;
	v7 =	vunpack.i.l.bf16.f32 v3  }
0x1ac: {  	v10 =	vmul.f32 $9.999999770e-03, v8;
	v4 =	vadd.f32 v5, v4;
	v5 =	vmul.f32 v9, v7  }
0x1ad: {  	vm1 =	vgt.f32 v8, $0.0e+00;
	v3 =	vunpack.i.u.bf16.f32 v3;
	v9 =	vunpack.i.l.bf16.f32 v6  }
0x1ae: {  	v7 =	vsel vm1, v8, v10;
	v4 =	vadd.f32 v5, v4;
	v5 =	vmul.f32 $9.999999770e-03, v9  }
0x1af: {  	v3 =	vmul.f32 v7, v3;
	v7 =	vld [tilespmem:s14+$0xFFFFFFC0];
	v10 =	vunpack.i.u.bf16.f32 v6;
	vm1 =	vgt.f32 v9, $0.0e+00  }
0x1b0: {  	v6 =	vunpack.i.l.bf16.f32 v11;
	s14 =	simm.s32 $0x1FE0;
	v13 =	vmul.f32 $9.999999770e-03, v10;
	v5 =	vsel vm1, v9, v5  }
0x1b1: {  	v12 =	vld [tilespmem:s14+$0xFFFFF5F0];
	v3 =	vadd.f32 v4, v3;
	vm1 =	vgt.f32 v10, $0.0e+00;
	v4 =	vmul.f32 v5, v6  }
0x1b2: {  	v15 =	vmul.f32 $9.999999770e-03, v17;
	v5 =	vunpack.i.u.bf16.f32 v11;
	v6 =	vsel vm1, v10, v13;
	v13 =	vld [tilespmem:s14+$0xFFFFF600]  }
0x1b3: {  	v11 =	vmul.f32 $9.999999770e-03, v14;
	v3 =	vadd.f32 v4, v3;
	v4 =	vmul.f32 v6, v5;
	v5 =	vld [tilespmem:s14+$0xFFFFF5D0]  }
0x1b4: {  	v16 =	vadd.f32 v1, v2;
	vm1 =	vgt.f32 v14, $0.0e+00;
	v19 =	vunpack.i.u.bf16.f32 v7  }
0x1b5: {  	v18 =	vld [tilespmem:s14+$0xFFFFFFD0];
	v6 =	vunpack.i.l.bf16.f32 v7;
	v11 =	vsel vm1, v14, v11;
	vm1 =	vgt.f32 v17, $0.0e+00  }
0x1b6: {  	v15 =	vsel vm1, v17, v15;
	v3 =	vadd.f32 v3, v4;
	v4 =	vmul.f32 v11, v6;
	v11 =	vld [tilespmem:s14+$0xFFFFF5E0]  }
0x1b7: {  	v1 =	vunpack.i.l.bf16.f32 v12;
	v6 =	vunpack.i.u.bf16.f32 v12;
	v15 =	vmul.f32 v15, v19  }
0x1b8: {  	v29 =	vunpack.i.u.bf16.f32 v13;
	v20 =	vadd.f32 v4, v3;
	v3 =	vunpack.i.l.bf16.f32 v5  }
0x1b9: {  	v2 =	vunpack.i.l.bf16.f32 v13;
	v4 =	vunpack.i.u.bf16.f32 v5;
	v7 =	vmul.f32 $9.999999770e-03, v3  }
0x1ba: {  	v12 =	vld [tilespmem:s14+$0xFFFFFFE0];
	v13 =	vunpack.i.l.bf16.f32 v18;
	vm1 =	vgt.f32 v3, $0.0e+00;
	v30 =	vmul.f32 $9.999999770e-03, v4  }
0x1bb: {  	v15 =	vadd.f32 v20, v15;
	v5 =	vunpack.i.u.bf16.f32 v11;
	v7 =	vsel vm1, v3, v7  }
0x1bc: {  	vm1 =	vgt.f32 v4, $0.0e+00;
	v13 =	vmul.f32 v7, v13;
	v7 =	vunpack.i.l.bf16.f32 v11  }
0x1bd: {  	v11 =	vunpack.i.u.bf16.f32 v18;
	v18 =	vsel vm1, v4, v30;
	v30 =	vmul.f32 $9.999999770e-03, v7  }
0x1be: {  	v11 =	vmul.f32 v18, v11;
	vm1 =	vgt.f32 v7, $0.0e+00;
	v18 =	vld [tilespmem:s14+$0xFFFFFFF0];
	v13 =	vadd.f32 $0.0e+00, v13  }
0x1bf: {  	(xrf2) =	vadd.scan.msk.f32 $0xffff, v16;
	v16 =	vunpack.i.l.bf16.f32 v12;
	v55 =	vmul.f32 $9.999999770e-03, v5;
	v30 =	vsel vm1, v7, v30  }
0x1c0: {  	vm1 =	vgt.f32 v5, $0.0e+00;
	v11 =	vadd.f32 v13, v11;
	v13 =	vmul.f32 v30, v16  }
0x1c1: {  	v12 =	vunpack.i.u.bf16.f32 v12;
	v16 =	vsel vm1, v5, v55;
	v30 =	vmul.f32 $9.999999770e-03, v1  }
0x1c2: {  	vm1 =	vgt.f32 v1, $0.0e+00;
	v12 =	vmul.f32 v16, v12;
	v11 =	vadd.f32 v13, v11;
	v13 =	vld [tilespmem:s14+$0x0]  }
0x1c3: {  	v56 =	vmul.f32 $9.999999770e-03, v6;
	v16 =	vunpack.i.l.bf16.f32 v18;
	v30 =	vsel vm1, v1, v30  }
0x1c4: {  	(xrf2) =	vadd.scan.msk.f32 $0xffff, v15;
	vm1 =	vgt.f32 v6, $0.0e+00;
	v11 =	vadd.f32 v11, v12;
	v12 =	vmul.f32 v30, v16  }
0x1c5: {  	v16 =	vunpack.i.u.bf16.f32 v18;
	v18 =	vsel vm1, v6, v56;
	v30 =	vmul.f32 $9.999999770e-03, v2  }
0x1c6: {  	v60 =	vld [tilespmem:s14+$0xFFFFFFB0];
	vm1 =	vgt.f32 v2, $0.0e+00;
	v11 =	vadd.f32 v12, v11;
	v12 =	vmul.f32 v18, v16  }
0x1c7: {  	v46 =	vld [tilespmem:s14+$0xFFFFFFC0];
	v57 =	vmul.f32 $9.999999770e-03, v29;
	v30 =	vsel vm1, v2, v30;
	v18 =	vunpack.i.l.bf16.f32 v13  }
0x1c8: {  	v16 =	vld [tilespmem:s14+$0xFFFFF590];
	vm1 =	vgt.f32 v29, $0.0e+00;
	v11 =	vadd.f32 v11, v12;
	v12 =	vmul.f32 v30, v18  }
0x1c9: {  	v13 =	vunpack.i.u.bf16.f32 v13;
	v19 =	vsel vm1, v29, v57  }
0x1ca: {  	v13 =	vmul.f32 v19, v13;
	v12 =	vadd.f32 v12, v11  }
0x1cb: {  	v30 =	vld [tilespmem:s14+$0xFFFFFF90];
	v18, _, _ =	vpop (xrf2)  }
0x1cc: {  	v18 =	vmul.f32 $1.442695020e+00, v18;
	v12 =	vadd.f32 v12, v13  }
0x1cd: {  	v36 =	vunpack.i.u.bf16.f32 v60;
	v50 =	vunpack.i.l.bf16.f32 v46;
	v19 =	vld [tilespmem:s14+$0xFFFFF5A0];
	v11 =	vunpack.i.l.bf16.f32 v16  }
0x1ce: {  	v54 =	vunpack.i.u.bf16.f32 v46;
	v62, _, _ =	vpop (xrf2);
	v13 =	vmul.f32 $9.999999770e-03, v11;
	v18 =	vbroadcast v18, $0xF;
	(xrf2) =	vadd.scan.msk.f32 $0xffff, v12  }
0x1cf: {  	v15 =	vld [tilespmem:s14+$0xFFFFFFA0];
	vm1 =	vgt.f32 v11, $0.0e+00;
	v35 =	vmul.f32 $1.442695020e+00, v62;
	v12 =	vunpack.i.u.bf16.f32 v16  }
0x1d0: {  	v16 =	vunpack.i.l.bf16.f32 v30;
	v13 =	vsel vm1, v11, v13;
	(erf) = vpow2.f32 v18  }
0x1d1: {  	v30 =	vunpack.i.u.bf16.f32 v30;
	v18 =	vmul.f32 $9.999999770e-03, v12;
	v16 =	vmul.f32 v13, v16  }
0x1d2: {  	v20 =	vld [tilespmem:s14+$0xFFFFF5B0];
	v35 =	vbroadcast v35, $0xF;
	vm1 =	vgt.f32 v12, $0.0e+00;
	v13 =	vunpack.i.l.bf16.f32 v19  }
0x1d3: {  	v58 =	vmul.f32 $9.999999770e-03, v13;
	v18 =	vsel vm1, v12, v18;
	v59 =	vadd.f32 $0.0e+00, v16  }
0x1d4: {  	vm1 =	vgt.f32 v13, $0.0e+00;
	v16 =	vunpack.i.u.bf16.f32 v19;
	v19 =	vunpack.i.l.bf16.f32 v15  }
0x1d5: {  	v18 =	vmul.f32 v18, v30;
	v30 =	vsel vm1, v13, v58;
	v61 =	vmul.f32 $9.999999770e-03, v16  }
0x1d6: {  	v63 =	vld [tilespmem:s14+$0xFFFFF5C0];
	vm1 =	vgt.f32 v16, $0.0e+00;
	v19 =	vmul.f32 v30, v19;
	v30 =	vunpack.i.u.bf16.f32 v15  }
0x1d7: {  	v15 =	vunpack.i.l.bf16.f32 v20;
	v18 =	vadd.f32 v59, v18;
	v34 =	vsel vm1, v16, v61  }
0x1d8: {  	v44 =	vmul.f32 $9.999999770e-03, v15;
	vm1 =	vgt.f32 v15, $0.0e+00;
	v30 =	vmul.f32 v34, v30;
	v45, _, _ =	vpop (xrf2)  }
0x1d9: {  	s14 =	simm.s32 $0x2060;
	v19 =	vadd.f32 v19, v18;
	v18 =	vunpack.i.u.bf16.f32 v20;
	v34 =	vmul.f32 $1.442695020e+00, v45  }
0x1da: {  	v55 =	vld [tilespmem:s14+$0xFFFFF600];
	v20 =	vunpack.i.l.bf16.f32 v60;
	v38 =	vsel vm1, v15, v44;
	v47 =	vmul.f32 $9.999999770e-03, v18  }
0x1db: {  	v56 =	vld [tilespmem:s14+$0xFFFFF5D0];
	v30 =	vadd.f32 v19, v30;
	v19 =	vunpack.i.l.bf16.f32 v63;
	v34 =	vbroadcast v34, $0xF  }
0x1dc: {  	v20 =	vmul.f32 v38, v20;
	vm1 =	vgt.f32 v18, $0.0e+00;
	v53 =	vpop (erf);
	v49 =	vmul.f32 $9.999999770e-03, v19  }
0x1dd: {  	v57 =	vld [tilespmem:s14+$0xFFFFF5F0];
	v48 =	vsel vm1, v18, v47;
	v46 =	vmul.f32 v53, v27;
	(erf) = vpow2.f32 v34  }
0x1de: {  	vm1 =	vgt.f32 v19, $0.0e+00;
	v47 =	vmul.f32 v53, v24;
	v45 =	vmul.f32 v53, v28  }
0x1df: {  	v44 =	vmul.f32 v53, v25;
	v41 =	vmul.f32 v53, v23;
	v28 =	vunpack.i.u.bf16.f32 v55  }
0x1e0: {  	v43 =	vmul.f32 v53, v22;
	v42 =	vmul.f32 v53, v21;
	v25 =	vunpack.i.l.bf16.f32 v56  }
0x1e1: {  	v21 =	vunpack.i.l.bf16.f32 v55;
	v30 =	vadd.f32 v20, v30;
	v20 =	vunpack.i.u.bf16.f32 v63  }
0x1e2: {  	v22 =	vunpack.i.u.bf16.f32 v57;
	v36 =	vmul.f32 v48, v36;
	v52 =	vmul.f32 $9.999999770e-03, v20  }
0x1e3: {  	v58 =	vld [tilespmem:s14+$0xFFFFF5E0];
	v23 =	vunpack.i.l.bf16.f32 v57;
	v51 =	vsel vm1, v19, v49;
	vm1 =	vgt.f32 v20, $0.0e+00  }
0x1e4: {  	v49 =	vld [tilespmem:s14+$0xFFFFFFD0];
	v30 =	vadd.f32 v30, v36;
	v34 =	vmul.f32 v51, v50;
	v38 =	vsel vm1, v20, v52  }
0x1e5: {  	v48 =	vnsel vm0, $0x0, v53;
	v57 =	vmul.f32 $9.999999770e-03, v23;
	v27 =	vmul.f32 v38, v54  }
0x1e6: {  	(erf) = vpow2.f32 v35;
	v38 =	vmul.f32 v53, v26;
	v30 =	vadd.f32 v34, v30;
	v24 =	vpop (erf)  }
0x1e7: {  	vm1 =	vgt.f32 v25, $0.0e+00;
	v50 =	vmul.f32 v24, v29;
	v29 =	vmul.f32 $9.999999770e-03, v25  }
0x1e8: {  	v59 =	vld [tilespmem:s14+$0xFFFFFFE0];
	v26 =	vunpack.i.u.bf16.f32 v58;
	v40 =	vadd.f32 v30, v27;
	v27 =	vunpack.i.u.bf16.f32 v56  }
0x1e9: {  	v30 =	vunpack.i.l.bf16.f32 v49;
	v60 =	vmul.f32 $9.999999770e-03, v27;
	v29 =	vsel vm1, v25, v29  }
0x1ea: {  	vm1 =	vgt.f32 v27, $0.0e+00;
	v29 =	vmul.f32 v29, v30;
	v30 =	vunpack.i.l.bf16.f32 v58  }
0x1eb: {  	v63 =	vld [tilespmem:s14+$0xFFFFFFF0];
	v61 =	vunpack.i.u.bf16.f32 v49;
	v36 =	vsel vm1, v27, v60;
	v62 =	vmul.f32 $9.999999770e-03, v30  }
0x1ec: {  	v52 =	vld [tilespmem:s14+$0xFFFFF5A0];
	v35 =	vmul.f32 v36, v61;
	vm1 =	vgt.f32 v30, $0.0e+00;
	v29 =	vadd.f32 $0.0e+00, v29  }
0x1ed: {  	v53 =	vunpack.i.l.bf16.f32 v59;
	v54 =	vmul.f32 $9.999999770e-03, v26;
	v37 =	vsel vm1, v30, v62  }
0x1ee: {  	vm1 =	vgt.f32 v26, $0.0e+00;
	v29 =	vadd.f32 v29, v35;
	v55 =	vmul.f32 v37, v53  }
0x1ef: {  	v34 =	vunpack.i.u.bf16.f32 v59;
	v59 =	vmul.f32 $9.999999770e-03, v22;
	v56 =	vsel vm1, v26, v54  }
0x1f0: {  	vm1 =	vgt.f32 v23, $0.0e+00;
	v35 =	vld [tilespmem:s14+$0x0];
	v34 =	vmul.f32 v56, v34;
	v29 =	vadd.f32 v55, v29  }
0x1f1: {  	(xrf2) =	vadd.scan.msk.f32 $0xffff, v40;
	v40 =	vunpack.i.l.bf16.f32 v52;
	v58 =	vunpack.i.l.bf16.f32 v63;
	v39 =	vsel vm1, v23, v57  }
0x1f2: {  	v51 =	vld [tilespmem:s14+$0xFFFFF590];
	vm1 =	vgt.f32 v22, $0.0e+00;
	v60 =	vmul.f32 v39, v58;
	v29 =	vadd.f32 v29, v34  }
0x1f3: {  	v36 =	vunpack.i.u.bf16.f32 v63;
	v62 =	vmul.f32 $9.999999770e-03, v21;
	v61 =	vsel vm1, v22, v59  }
0x1f4: {  	v49 =	vld [tilespmem:s14+$0xFFFFFF90];
	vm1 =	vgt.f32 v21, $0.0e+00;
	v63 =	vmul.f32 v61, v36;
	v29 =	vadd.f32 v60, v29  }
0x1f5: {  	v58 =	vmul.f32 $9.999999770e-03, v28;
	v57 =	vsel vm1, v21, v62;
	v56 =	vunpack.i.l.bf16.f32 v35  }
0x1f6: {  	vm1 =	vgt.f32 v28, $0.0e+00;
	v36 =	vmul.f32 v57, v56;
	v34 =	vadd.f32 v29, v63  }
0x1f7: {  	v39 =	vunpack.i.u.bf16.f32 v51;
	v59 =	vsel vm1, v28, v58;
	v35 =	vunpack.i.u.bf16.f32 v35  }
0x1f8: {  	v35 =	vmul.f32 v59, v35;
	v29 =	vunpack.i.l.bf16.f32 v51;
	v63 =	vld [tilespmem:s14+$0xFFFFF5B0];
	v34 =	vadd.f32 v36, v34  }
0x1f9: {  	v62 =	vmul.f32 $9.999999770e-03, v39;
	v60 =	vunpack.i.l.bf16.f32 v49;
	v53 =	vmul.f32 $9.999999770e-03, v29;
	v36 =	vld [tilespmem:s14+$0xFFFFFFA0]  }
0x1fa: {  	v49 =	vunpack.i.u.bf16.f32 v49;
	vm1 =	vgt.f32 v29, $0.0e+00;
	v34 =	vadd.f32 v34, v35  }
0x1fb: {  	v57 =	vmul.f32 $9.999999770e-03, v40;
	v61 =	vsel vm1, v29, v53;
	vm1 =	vgt.f32 v39, $0.0e+00  }
0x1fc: {  	v37 =	vmul.f32 v61, v60;
	v56 =	vsel vm1, v39, v62;
	vm1 =	vgt.f32 v40, $0.0e+00;
	(xrf2) =	vadd.scan.msk.f32 $0xffff, v34  }
0x1fd: {  	v49 =	vmul.f32 v56, v49;
	v53 =	vsel vm1, v40, v57;
	v35 =	vunpack.i.u.bf16.f32 v63  }
0x1fe: {  	s7 =	simm.s32 $0x4000;
	v51 =	vld [tilespmem:s14+$0xFFFFFFB0];
	v37 =	vadd.f32 $0.0e+00, v37;
	v34 =	vunpack.i.u.bf16.f32 v52;
	v58 =	vunpack.i.l.bf16.f32 v36  }
0x1ff: {  	[tilespmem:s7+$0x70] =	vst v46;
	v46 =	vld [tilespmem:s14+$0xFFFFFFC0];
	v60 =	vmul.f32 $9.999999770e-03, v34;
	v54 =	vunpack.i.u.bf16.f32 v36;
	v36 =	vunpack.i.l.bf16.f32 v63  }
0x200: {  	vm1 =	vgt.f32 v34, $0.0e+00;
	v37 =	vadd.f32 v37, v49;
	v62 =	vmul.f32 $9.999999770e-03, v36  }
0x201: {  	v59 =	vmul.f32 v53, v58;
	v53 =	vld [tilespmem:s14+$0xFFFFF5C0];
	v61 =	vsel vm1, v34, v60;
	vm1 =	vgt.f32 v36, $0.0e+00  }
0x202: {  	v55 =	vmul.f32 $9.999999770e-03, v35;
	v52 =	vsel vm1, v36, v62  }
0x203: {  	v63 =	vunpack.i.l.bf16.f32 v51;
	v58 =	vunpack.i.u.bf16.f32 v51;
	v37 =	vadd.f32 v59, v37  }
0x204: {  	[tilespmem:s7+$0x80] =	vst v48;
	v49 =	vmul.f32 v61, v54;
	vm1 =	vgt.f32 v35, $0.0e+00;
	v54 =	vunpack.i.l.bf16.f32 v46  }
0x205: {  	[tilespmem:s7+$0x0] =	vst v47;
	v46 =	vunpack.i.u.bf16.f32 v46;
	v57 =	vmul.f32 v52, v63;
	v59 =	vsel vm1, v35, v55;
	v52, _, _ =	vpop (xrf2)  }
0x206: {  	s30 =	simm.s32 $0x4120;
	[tilespmem:s7+$0x10] =	vst v38;
	v56 =	vadd.f32 v37, v49;
	v61 =	vmul.f32 v59, v58;
	v37 =	vunpack.i.l.bf16.f32 v53;
	v63, _, _ =	vpop (xrf2)  }
0x207: {  	[tilespmem:s30+$0x70] =	vst v50;
	v38 =	vunpack.i.u.bf16.f32 v53;
	v62 =	vmul.f32 $9.999999770e-03, v37;
	v50 =	vmul.f32 $1.442695020e+00, v63  }
0x208: {  	[tilespmem:s7+$0x20] =	vst v45;
	v60 =	vadd.f32 v57, v56;
	vm1 =	vgt.f32 v37, $0.0e+00;
	v55 =	vmul.f32 $9.999999770e-03, v38  }
0x209: {  	[tilespmem:s7+$0x30] =	vst v44;
	v58 =	vmul.f32 $1.442695020e+00, v52;
	v49 =	vsel vm1, v37, v62;
	v57 =	vbroadcast v50, $0xF  }
0x20a: {  	[tilespmem:s7+$0x40] =	vst v41;
	v56 =	vadd.f32 v60, v61;
	vm1 =	vgt.f32 v38, $0.0e+00;
	v45 =	vmul.f32 v49, v54  }
0x20b: {  	[tilespmem:s7+$0x50] =	vst v43;
	v41 =	vpop (erf);
	v61 =	vbroadcast v58, $0xF;
	v59 =	vsel vm1, v38, v55;
	(erf) = vpow2.f32 v57  }
0x20c: {  	[tilespmem:s7+$0x60] =	vst v42;
	v62 =	vnsel vm0, $0x0, v41;
	v60 =	vmul.f32 v59, v46;
	v45 =	vadd.f32 v45, v56  }
0x20d: {  	v44 =	vmul.f32 v41, v31;
	v43 =	vmul.f32 v41, v32;
	v63 =	vnsel vm0, $0x0, v24;
	[tilespmem:s7+$0xFFFFFFF0] =	vst v62  }
0x20e: {  	s31 =	simm.s32 $0x4;
	v33 =	vmul.f32 v41, v33;
	s14 =	simm.s32 $0x20E0;
	[tilespmem:s30+$0x80] =	vst v63;
	v42 =	vadd.f32 v45, v60;
	(erf) = vpow2.f32 v61  }
.LBB2_7:
0x20f: {  	v45 =	vld [tilespmem:s14+$0xFFFFF600];
	[tilespmem:s7+$0xFFFFFF70] =	vst v44;
	v8 =	vmul.f32 v41, v8;
	v9 =	vmul.f32 v41, v9;
	v31 =	vmovc v12;
	v12 =	vmov v39  }
0x210: {  	s31 =	sadd.s32 $0x2, s31;
	v10 =	vmul.f32 v41, v10;
	v14 =	vmul.f32 v41, v14;
	v32 =	vmovc v13;
	v39 =	vld [tilespmem:s14+$0xFFFFF5D0];
	(xrf2) =	vadd.scan.msk.f32 $0xffff, v42;
	[tilespmem:s7+$0xFFFFFF80] =	vst v43  }
0x211: {  	v17 =	vmul.f32 v41, v17;
	v13 =	vmovc v40;
	p0 =	slt.u32 s31, $0x26;
	v43 =	vmul.f32 v24, v3;
	v3 =	vmov v25;
	v42 =	vld [tilespmem:s14+$0xFFFFF5F0];
	[tilespmem:s7+$0xFFFFFF90] =	vst v33  }
0x212: {  	v40 =	vmul.f32 v24, v4;
	v44 =	vmul.f32 v24, v7;
	v4 =	vmovc v27;
	v7 =	vmov v30;
	v33 =	vld [tilespmem:s14+$0xFFFFF5E0];
	[tilespmem:s7+$0xFFFFFFA0] =	vst v8  }
0x213: {  	v47 =	vmul.f32 v24, v5;
	v48 =	vmul.f32 v24, v1;
	v1 =	vmovc v23;
	v5 =	vmov v26;
	v46 =	vld [tilespmem:s14+$0xFFFFFFD0];
	[tilespmem:s7+$0xFFFFFFB0] =	vst v9  }
0x214: {  	v50 =	vmul.f32 v24, v6;
	v51 =	vmul.f32 v24, v2;
	v49 =	vld [tilespmem:s14+$0xFFFFF590];
	v26 =	vunpack.i.u.bf16.f32 v45;
	v24 =	vpop (erf);
	[tilespmem:s7+$0xFFFFFFC0] =	vst v10  }
0x215: {  	v2 =	vmovc v21;
	v21 =	vunpack.i.l.bf16.f32 v45;
	v52 =	vld [tilespmem:s14+$0xFFFFFF90];
	v25 =	vunpack.i.l.bf16.f32 v39;
	v30 =	vmul.f32 v24, v28;
	[tilespmem:s7+$0xFFFFFFD0] =	vst v14;
	v28 =	vmovc v26  }
0x216: {  	v6 =	vmovc v22;
	v8 =	vmovc v16;
	v45 =	vld [tilespmem:s14+$0xFFFFF5A0];
	v55 =	vmul.f32 $9.999999770e-03, v25;
	v23 =	vunpack.i.l.bf16.f32 v42;
	[tilespmem:s7+$0xFFFFFFE0] =	vst v17;
	v22 =	vunpack.i.u.bf16.f32 v42;
	s7 =	smov.u32 s30;
	s30 =	sadd.s32 $0x120, s30  }
0x217: {  	v27 =	vunpack.i.u.bf16.f32 v39;
	vm1 =	vgt.f32 v25, $0.0e+00;
	v39 =	vld [tilespmem:s14+$0xFFFFFFE0];
	v26 =	vunpack.i.u.bf16.f32 v33;
	[tilespmem:s30+$0x70] =	vst v30;
	v41 =	vpop (erf)  }
0x218: {  	v16 =	vmovc v34;
	v9 =	vmovc v15;
	v17 =	vmul.f32 $9.999999770e-03, v27;
	v42 =	vld [tilespmem:s14+$0xFFFFFFA0];
	v14 =	vunpack.i.l.bf16.f32 v46;
	v53 =	vsel vm1, v25, v55;
	[tilespmem:s7+$0x0] =	vst v43  }
0x219: {  	v15 =	vmovc v36;
	v10 =	vmovc v18;
	v30 =	vunpack.i.l.bf16.f32 v33;
	vm1 =	vgt.f32 v27, $0.0e+00;
	v43 =	vld [tilespmem:s14+$0xFFFFF5B0];
	v54 =	vmul.f32 v53, v14;
	[tilespmem:s7+$0x10] =	vst v40  }
0x21a: {  	v46 =	vunpack.i.u.bf16.f32 v46;
	v34 =	vmul.f32 $9.999999770e-03, v30;
	v55 =	vsel vm1, v27, v17;
	v53 =	vld [tilespmem:s14+$0xFFFFFFB0];
	v33, _, _ =	vpop (xrf2);
	[tilespmem:s7+$0x20] =	vst v44  }
0x21b: {  	v18 =	vmovc v35;
	vm1 =	vgt.f32 v30, $0.0e+00;
	v40 =	vmul.f32 v55, v46;
	v36 =	vadd.f32 $0.0e+00, v54;
	v44 =	vld [tilespmem:s14+$0xFFFFFFF0];
	[tilespmem:s7+$0x30] =	vst v47;
	v14 =	vmovc v19  }
0x21c: {  	v34 =	vsel vm1, v30, v34;
	v17 =	vmovc v20;
	v47 =	vmul.f32 $9.999999770e-03, v26;
	v19 =	vmovc v37;
	v46 =	vld [tilespmem:s14+$0xFFFFF5C0];
	v35 =	vunpack.i.l.bf16.f32 v39;
	[tilespmem:s7+$0x40] =	vst v48  }
0x21d: {  	vm1 =	vgt.f32 v26, $0.0e+00;
	v20 =	vmovc v38;
	v48 =	vld [tilespmem:s14+$0xFFFFFFC0];
	v36 =	vadd.f32 v36, v40;
	v34 =	vmul.f32 v34, v35;
	[tilespmem:s7+$0x50] =	vst v50  }
0x21e: {  	v38 =	vmul.f32 $9.999999770e-03, v23;
	v35 =	vunpack.i.u.bf16.f32 v39;
	v37 =	vsel vm1, v26, v47;
	[tilespmem:s7+$0x60] =	vst v51  }
0x21f: {  	vm1 =	vgt.f32 v23, $0.0e+00;
	v35 =	vmul.f32 v37, v35;
	v34 =	vadd.f32 v34, v36;
	v36 =	vld [tilespmem:s14+$0x0]  }
0x220: {  	v39 =	vmul.f32 $9.999999770e-03, v22;
	v38 =	vsel vm1, v23, v38;
	v37 =	vunpack.i.l.bf16.f32 v44  }
0x221: {  	vm1 =	vgt.f32 v22, $0.0e+00;
	v34 =	vadd.f32 v34, v35;
	v35 =	vmul.f32 v38, v37  }
0x222: {  	v37 =	vunpack.i.u.bf16.f32 v44;
	v38 =	vsel vm1, v22, v39;
	v39 =	vmul.f32 $9.999999770e-03, v21  }
0x223: {  	vm1 =	vgt.f32 v21, $0.0e+00;
	v34 =	vadd.f32 v35, v34;
	v35 =	vmul.f32 v38, v37  }
0x224: {  	v38 =	vsel vm1, v21, v39;
	v39 =	vmul.f32 $9.999999770e-03, v28;
	v37 =	vunpack.i.l.bf16.f32 v36  }
0x225: {  	vm1 =	vgt.f32 v28, $0.0e+00;
	v34 =	vadd.f32 v34, v35;
	v35 =	vmul.f32 v38, v37  }
0x226: {  	v47 =	vunpack.i.l.bf16.f32 v49;
	v36 =	vunpack.i.u.bf16.f32 v36;
	v37 =	vsel vm1, v28, v39  }
0x227: {  	v38 =	vmul.f32 $9.999999770e-03, v47;
	v34 =	vadd.f32 v35, v34;
	v35 =	vmul.f32 v37, v36  }
0x228: {  	v39 =	vunpack.i.u.bf16.f32 v49;
	vm1 =	vgt.f32 v47, $0.0e+00;
	v36 =	vunpack.i.l.bf16.f32 v52  }
0x229: {  	v37 =	vsel vm1, v47, v38;
	v38 =	vmul.f32 $9.999999770e-03, v39;
	v34 =	vadd.f32 v34, v35  }
0x22a: {  	v40 =	vunpack.i.l.bf16.f32 v45;
	vm1 =	vgt.f32 v39, $0.0e+00;
	v35 =	vmul.f32 v37, v36  }
0x22b: {  	v36 =	vunpack.i.u.bf16.f32 v52;
	v37 =	vsel vm1, v39, v38;
	v38 =	vmul.f32 $9.999999770e-03, v40;
	(xrf2) =	vadd.scan.msk.f32 $0xffff, v34  }
0x22c: {  	vm1 =	vgt.f32 v40, $0.0e+00;
	v36 =	vmul.f32 v37, v36;
	v35 =	vadd.f32 $0.0e+00, v35  }
0x22d: {  	v37 =	vunpack.i.l.bf16.f32 v42;
	v34 =	vunpack.i.u.bf16.f32 v45;
	v38 =	vsel vm1, v40, v38  }
0x22e: {  	v37 =	vmul.f32 v38, v37;
	v38 =	vmul.f32 $9.999999770e-03, v34;
	v35 =	vadd.f32 v35, v36  }
0x22f: {  	v42 =	vunpack.i.u.bf16.f32 v42;
	vm1 =	vgt.f32 v34, $0.0e+00;
	v36 =	vunpack.i.l.bf16.f32 v43  }
0x230: {  	v37 =	vadd.f32 v37, v35;
	v35 =	vsel vm1, v34, v38;
	v38 =	vmul.f32 $9.999999770e-03, v36  }
0x231: {  	vm1 =	vgt.f32 v36, $0.0e+00;
	v42 =	vmul.f32 v35, v42;
	v35 =	vunpack.i.u.bf16.f32 v43  }
0x232: {  	v43 =	vunpack.i.l.bf16.f32 v53;
	v38 =	vsel vm1, v36, v38;
	v44 =	vmul.f32 $9.999999770e-03, v35  }
0x233: {  	vm1 =	vgt.f32 v35, $0.0e+00;
	v42 =	vadd.f32 v37, v42;
	v38 =	vmul.f32 v38, v43  }
0x234: {  	v43 =	vunpack.i.u.bf16.f32 v53;
	v37 =	vunpack.i.l.bf16.f32 v46;
	v44 =	vsel vm1, v35, v44  }
0x235: {  	v42 =	vadd.f32 v38, v42;
	v43 =	vmul.f32 v44, v43;
	v44 =	vmul.f32 $9.999999770e-03, v37;
	v45, _, _ =	vpop (xrf2)  }
0x236: {  	vm1 =	vgt.f32 v37, $0.0e+00;
	v38 =	vunpack.i.u.bf16.f32 v46;
	v45 =	vmul.f32 $1.442695020e+00, v45  }
0x237: {  	v46 =	vunpack.i.l.bf16.f32 v48;
	v49 =	vmul.f32 $9.999999770e-03, v38;
	v44 =	vsel vm1, v37, v44  }
0x238: {  	v42 =	vadd.f32 v42, v43;
	v43 =	vmul.f32 v44, v46;
	v44 =	vbroadcast v45, $0xF  }
.Ltmp2:
0x239: {  	v33 =	vmul.f32 $1.442695020e+00, v33;
	vm1 =	vgt.f32 v38, $0.0e+00;
	v45 =	vunpack.i.u.bf16.f32 v48;
	(pc) =	sbr.rel @p0 .LBB2_7-.Ltmp2, $4  }
0x23a: {  	v42 =	vadd.f32 v43, v42;
	v43 =	vsel vm1, v38, v49;
	(erf) = vpow2.f32 v44  }
0x23b: {  	v33 =	vbroadcast v33, $0xF;
	v46 =	vnsel vm0, $0x0, v41;
	v45 =	vmul.f32 v43, v45  }
0x23c: {  	v48 =	vnsel vm0, $0x0, v24;
	v44 =	vmul.f32 v41, v11;
	v43 =	vmul.f32 v41, v31;
	v11 =	vmovc v29;
	[tilespmem:s7+$0xFFFFFFF0] =	vst v46  }
0x23d: {  	s14 =	sadd.s32 $0x80, s14;
	v29 =	vmovc v47;
	v42 =	vadd.f32 v42, v45;
	[tilespmem:s30+$0x80] =	vst v48;
	(erf) = vpow2.f32 v33;
	v33 =	vmul.f32 v41, v32  }
0x23e: {  	[tilespmem:s7+$0xFFFFFF70] =	vst v44  }
0x23f: {  	v8 =	vmul.f32 v41, v8;
	[tilespmem:s7+$0xFFFFFF80] =	vst v43  }
0x240: {  	v9 =	vmul.f32 v41, v9;
	[tilespmem:s7+$0xFFFFFF90] =	vst v33  }
0x241: {  	v10 =	vmul.f32 v41, v10;
	[tilespmem:s7+$0xFFFFFFA0] =	vst v8  }
0x242: {  	v3 =	vmul.f32 v24, v3;
	[tilespmem:s7+$0xFFFFFFB0] =	vst v9  }
0x243: {  	v4 =	vmul.f32 v24, v4;
	[tilespmem:s7+$0xFFFFFFC0] =	vst v10  }
0x244: {  	v7 =	vmul.f32 v24, v7;
	[tilespmem:s30+$0x0] =	vst v3  }
0x245: {  	v1 =	vmul.f32 v24, v1;
	(xrf2) =	vadd.scan.msk.f32 $0xffff, v42;
	[tilespmem:s30+$0x10] =	vst v4  }
0x246: {  	v2 =	vmul.f32 v24, v2;
	[tilespmem:s30+$0x20] =	vst v7  }
0x247: {  	v8 =	vmul.f32 v41, v14;
	[tilespmem:s30+$0x40] =	vst v1  }
0x248: {  	v9 =	vmul.f32 v41, v17;
	[tilespmem:s30+$0x60] =	vst v2  }
0x249: {  	v3 =	vmul.f32 v24, v5;
	[tilespmem:s7+$0xFFFFFFD0] =	vst v8  }
0x24a: {  	v4 =	vmul.f32 v24, v6;
	[tilespmem:s7+$0xFFFFFFE0] =	vst v9;
	v14 =	vpop (erf)  }
0x24b: {  	[tilespmem:s30+$0x30] =	vst v3;
	v1 =	vpop (erf)  }
0x24c: {  	s14 =	sadd.s32 $0x120, s30;
	[tilespmem:s30+$0x50] =	vst v4;
	v10 =	vmul.f32 v14, v28;
	v3 =	vnsel vm0, $0x0, v14;
	v2 =	vnsel vm0, $0x0, v1  }
0x24d: {  	[tilespmem:s14+$0x80] =	vst v3  }
0x24e: {  	[tilespmem:s14+$0x70] =	vst v10;
	v4 =	vmul.f32 v1, v11  }
0x24f: {  	v5 =	vmul.f32 v1, v12;
	[tilespmem:s30+$0xFFFFFFF0] =	vst v2;
	v2, _, _ =	vpop (xrf2)  }
0x250: {  	v3 =	vmul.f32 v1, v13;
	[tilespmem:s30+$0xFFFFFF70] =	vst v4;
	v2 =	vmul.f32 $1.442695020e+00, v2  }
0x251: {  	v4 =	vmul.f32 v1, v16;
	[tilespmem:s30+$0xFFFFFF80] =	vst v5  }
0x252: {  	[tilespmem:s30+$0xFFFFFF90] =	vst v3;
	v3 =	vmul.f32 v1, v18;
	v2 =	vbroadcast v2, $0xF  }
0x253: {  	v5 =	vmul.f32 v1, v15;
	[tilespmem:s30+$0xFFFFFFA0] =	vst v4  }
0x254: {  	[tilespmem:s30+$0xFFFFFFC0] =	vst v3;
	v3 =	vmul.f32 v14, v25;
	(erf) = vpow2.f32 v2  }
0x255: {  	[tilespmem:s30+$0xFFFFFFB0] =	vst v5;
	v2 =	vmul.f32 v1, v19  }
0x256: {  	[tilespmem:s14+$0x0] =	vst v3;
	v3 =	vmul.f32 v14, v26  }
0x257: {  	[tilespmem:s30+$0xFFFFFFD0] =	vst v2;
	v2 =	vmul.f32 v14, v27  }
0x258: {  	v1 =	vmul.f32 v1, v20;
	[tilespmem:s14+$0x30] =	vst v3  }
0x259: {  	v3 =	vmul.f32 v14, v21;
	[tilespmem:s14+$0x10] =	vst v2;
	v2 =	vmul.f32 v14, v23  }
0x25a: {  	[tilespmem:s30+$0xFFFFFFE0] =	vst v1;
	v1 =	vmul.f32 v14, v30  }
0x25b: {  	[tilespmem:s14+$0x60] =	vst v3  }
0x25c: {  	[tilespmem:s14+$0x20] =	vst v1;
	v1 =	vmul.f32 v14, v22  }
0x25d: {  	[tilespmem:s14+$0x40] =	vst v2;
	v2 =	vpop (erf)  }
0x25e: {  	[tilespmem:s14+$0x50] =	vst v1;
	v1 =	vnsel vm0, $0x0, v2;
	v3 =	vmul.f32 v2, v29  }
0x25f: {  	v4 =	vmul.f32 v2, v39;
	[tilespmem:s14+$0xFFFFFFF0] =	vst v1  }
0x260: {  	v1 =	vmul.f32 v2, v40;
	[tilespmem:s14+$0xFFFFFF70] =	vst v3  }
0x261: {  	v3 =	vmul.f32 v2, v34;
	[tilespmem:s14+$0xFFFFFF80] =	vst v4  }
0x262: {  	v4 =	vmul.f32 v2, v36;
	[tilespmem:s14+$0xFFFFFF90] =	vst v1  }
0x263: {  	v1 =	vmul.f32 v2, v35;
	[tilespmem:s14+$0xFFFFFFA0] =	vst v3  }
0x264: {  	v3 =	vmul.f32 v2, v37;
	[tilespmem:s14+$0xFFFFFFB0] =	vst v4  }
0x265: {  	v2 =	vmul.f32 v2, v38;
	[tilespmem:s14+$0xFFFFFFC0] =	vst v1  }
0x266: {  	[tilespmem:s14+$0xFFFFFFD0] =	vst v3  }
0x267: {  	[tilespmem:s14+$0xFFFFFFE0] =	vst v2  }
0x268: {  	[spmem:s3] =	stream.indirect.scatter.add.f32 [tilespmem:s28], [sflag:$0x6], $0x90, s12, s11, $0xb8;
	[tilespmem:$0x1BDF0] =	vst v63  }
0x269: {  	_ =	swait.ge [sflag:s16], $0xA00  }
0x26a: {  	[sflag:s16] =	ssyncset.done $0x0  }
0x26b: {  	[sflag:s16] =	ssyncadd.s32 $0xFFFFF600  }
0x26c: {  	_ =	swait.ge [sflag:s16], $0xA00  }
0x26d: {  	[sflag:s16] =	ssyncset.done $0x0  }
0x26e: {  	[sflag:s16] =	ssyncadd.s32 $0xFFFFF600  }
0x26f: {  	_ =	swait.ge [sflag:s17], $0x28  }
0x270: {  	[sflag:s17] =	ssyncset.done $0x0  }
0x271: {  	[sflag:s17] =	ssyncadd.s32 $0xFFFFFFD8  }
0x272: {  	_ =	swait.ge [sflag:s17], $0x28  }
0x273: {  	[sflag:s17] =	ssyncset.done $0x0  }
0x274: {  	[sflag:s17] =	ssyncadd.s32 $0xFFFFFFD8  }
0x275: {  	[tilespmem:s18], [sflag:$0x4] =	stream.indirect.gather [hbm4b:s1+s11], $0x40, s11, s11, $0xb8;
	[tilespmem:$0x1BDF0] =	vst v63  }
0x276: {  	p0 =	seq.s32 s0, $0x7C  }
0x277: {  	[tilespmem:s19], [sflag:$0x4] =	stream.indirect.gather [hbm4b:s1+s11], $0x40, s26, s11, $0xb8;
	[tilespmem:$0x1BDF0] =	vst v63  }
0x278: {  	s7 =	sadd.s32 @!p0 s2, s22;
	_ =	swait.ge [sflag:s29], $0x1680  }
0x279: {  	s7 =	sshrl.u32 @!p0 s7, $0x3;
	[sflag:s29] =	ssyncset.done $0x0  }
0x27a: {  	s30 =	simm.s32 @!p0 $0x0;
	s14 =	sadd.s32 @!p0 s5, s7;
	[sflag:s29] =	ssyncadd.s32 $0xFFFFE980  }
0x27b: {  	[tilespmem:s30], [sflag:$0x1] =	stream.linear.gather @!p0 [hbm4b:s14+s30], $0x28, $0x38;
	[tilespmem:$0x1BDF0] =	vst v63  }
0x27c: {  	s7 =	sadd.s32 @!p0 s6, s7;
	s14 =	simm.s32 @!p0 $0x50  }
0x27d: {  	[tilespmem:s14], [sflag:$0x1] =	stream.linear.gather @!p0 [hbm4b:s7+s30], $0x28, $0x38;
	[tilespmem:$0x1BDF0] =	vst v63  }
0x27e: {  	s14 =	simm.s32 $0xB60  }
0x27f: {  	v1 =	vld [tilespmem:s14+$0xFFFFF600]  }
0x280: {  	v2 =	vld [tilespmem:s14+$0xFFFFF5D0]  }
0x281: {  	v3 =	vld [tilespmem:s14+$0xFFFFF5F0]  }
0x282: {  	v4 =	vld [tilespmem:s14+$0xFFFFF5E0]  }
0x283: {  	v5 =	vld [tilespmem:s14+$0xFFFFFFD0];
	_ =	sdelay $0x1  }
0x284: {  	v9 =	vld [tilespmem:s14+$0xFFFFF5A0];
	v27 =	vunpack.i.u.bf16.f32 v1  }
0x285: {  	v24 =	vunpack.i.l.bf16.f32 v2;
	v21 =	vunpack.i.l.bf16.f32 v1;
	v22 =	vunpack.i.u.bf16.f32 v3  }
0x286: {  	v23 =	vunpack.i.l.bf16.f32 v3;
	v26 =	vunpack.i.u.bf16.f32 v2;
	v1 =	vmul.f32 $9.999999770e-03, v24  }
0x287: {  	v2 =	vld [tilespmem:s14+$0xFFFFFFE0];
	v25 =	vunpack.i.u.bf16.f32 v4;
	v3 =	vunpack.i.l.bf16.f32 v5;
	vm1 =	vgt.f32 v24, $0.0e+00  }
0x288: {  	v28 =	vunpack.i.l.bf16.f32 v4;
	v6 =	vmul.f32 $9.999999770e-03, v26;
	v1 =	vsel vm1, v24, v1  }
0x289: {  	v33 =	vunpack.i.l.bf16.f32 v9;
	vm1 =	vgt.f32 v26, $0.0e+00;
	v1 =	vmul.f32 v1, v3  }
0x28a: {  	v12 =	vld [tilespmem:s14+$0xFFFFF5C0];
	v3 =	vunpack.i.u.bf16.f32 v5;
	v4 =	vsel vm1, v26, v6;
	v5 =	vmul.f32 $9.999999770e-03, v28  }
0x28b: {  	vm1 =	vgt.f32 v28, $0.0e+00;
	v3 =	vmul.f32 v4, v3;
	v4 =	vld [tilespmem:s14+$0xFFFFFFF0];
	v1 =	vadd.f32 $0.0e+00, v1  }
0x28c: {  	v7 =	vmul.f32 $9.999999770e-03, v25;
	v6 =	vunpack.i.l.bf16.f32 v2;
	v5 =	vsel vm1, v28, v5  }
0x28d: {  	vm1 =	vgt.f32 v25, $0.0e+00;
	v1 =	vadd.f32 v1, v3;
	v3 =	vmul.f32 v5, v6  }
0x28e: {  	v2 =	vunpack.i.u.bf16.f32 v2;
	v5 =	vsel vm1, v25, v7;
	v6 =	vmul.f32 $9.999999770e-03, v23  }
0x28f: {  	vm1 =	vgt.f32 v23, $0.0e+00;
	v2 =	vmul.f32 v5, v2;
	v1 =	vadd.f32 v3, v1  }
0x290: {  	v14 =	vunpack.i.l.bf16.f32 v12;
	v5 =	vld [tilespmem:s14+$0xFFFFF590];
	v7 =	vunpack.i.l.bf16.f32 v4;
	v6 =	vsel vm1, v23, v6  }
0x291: {  	v8 =	vmul.f32 $9.999999770e-03, v22;
	v3 =	vld [tilespmem:s14+$0x0];
	v1 =	vadd.f32 v1, v2;
	v2 =	vmul.f32 v6, v7  }
0x292: {  	vm1 =	vgt.f32 v22, $0.0e+00;
	v4 =	vunpack.i.u.bf16.f32 v4;
	v7 =	vmul.f32 $9.999999770e-03, v21  }
0x293: {  	v6 =	vsel vm1, v22, v8;
	v8 =	vld [tilespmem:s14+$0xFFFFFF90];
	vm1 =	vgt.f32 v21, $0.0e+00;
	v1 =	vadd.f32 v2, v1  }
0x294: {  	v2 =	vmul.f32 v6, v4;
	v6 =	vsel vm1, v21, v7;
	v7 =	vmul.f32 $9.999999770e-03, v27  }
0x295: {  	vm1 =	vgt.f32 v27, $0.0e+00;
	v31 =	vunpack.i.l.bf16.f32 v5;
	v32 =	vunpack.i.u.bf16.f32 v5  }
0x296: {  	v4 =	vunpack.i.l.bf16.f32 v3;
	v1 =	vadd.f32 v1, v2;
	v2 =	vunpack.i.u.bf16.f32 v3  }
0x297: {  	v3 =	vsel vm1, v27, v7;
	v7 =	vmul.f32 $9.999999770e-03, v31;
	v4 =	vmul.f32 v6, v4  }
0x298: {  	vm1 =	vgt.f32 v31, $0.0e+00;
	v2 =	vmul.f32 v3, v2;
	v3 =	vld [tilespmem:s14+$0xFFFFFFA0];
	v5 =	vunpack.i.l.bf16.f32 v8  }
0x299: {  	v6 =	vsel vm1, v31, v7;
	v1 =	vadd.f32 v4, v1;
	v4 =	vmul.f32 $9.999999770e-03, v32  }
0x29a: {  	v17 =	vunpack.i.u.bf16.f32 v12;
	vm1 =	vgt.f32 v32, $0.0e+00;
	v5 =	vmul.f32 v6, v5;
	v6 =	vld [tilespmem:s14+$0xFFFFF5B0]  }
0x29b: {  	v10 =	vmul.f32 $9.999999770e-03, v33;
	v7 =	vunpack.i.u.bf16.f32 v8;
	v4 =	vsel vm1, v32, v4  }
0x29c: {  	vm1 =	vgt.f32 v33, $0.0e+00;
	v5 =	vadd.f32 $0.0e+00, v5;
	v4 =	vmul.f32 v4, v7  }
0x29d: {  	v11 =	vld [tilespmem:s14+$0xFFFFFFB0];
	v8 =	vunpack.i.u.bf16.f32 v9;
	v9 =	vsel vm1, v33, v10;
	v7 =	vunpack.i.l.bf16.f32 v3  }
0x29e: {  	v10 =	vmul.f32 $9.999999770e-03, v8;
	v4 =	vadd.f32 v5, v4;
	v5 =	vmul.f32 v9, v7  }
0x29f: {  	vm1 =	vgt.f32 v8, $0.0e+00;
	v3 =	vunpack.i.u.bf16.f32 v3;
	v9 =	vunpack.i.l.bf16.f32 v6  }
0x2a0: {  	v7 =	vsel vm1, v8, v10;
	v4 =	vadd.f32 v5, v4;
	v5 =	vmul.f32 $9.999999770e-03, v9  }
0x2a1: {  	v3 =	vmul.f32 v7, v3;
	v7 =	vld [tilespmem:s14+$0xFFFFFFC0];
	v10 =	vunpack.i.u.bf16.f32 v6;
	vm1 =	vgt.f32 v9, $0.0e+00  }
0x2a2: {  	v6 =	vunpack.i.l.bf16.f32 v11;
	s14 =	simm.s32 $0xBE0;
	v13 =	vmul.f32 $9.999999770e-03, v10;
	v5 =	vsel vm1, v9, v5  }
0x2a3: {  	v12 =	vld [tilespmem:s14+$0xFFFFF5F0];
	v3 =	vadd.f32 v4, v3;
	vm1 =	vgt.f32 v10, $0.0e+00;
	v4 =	vmul.f32 v5, v6  }
0x2a4: {  	v15 =	vmul.f32 $9.999999770e-03, v17;
	v5 =	vunpack.i.u.bf16.f32 v11;
	v6 =	vsel vm1, v10, v13;
	v13 =	vld [tilespmem:s14+$0xFFFFF600]  }
0x2a5: {  	v11 =	vmul.f32 $9.999999770e-03, v14;
	v3 =	vadd.f32 v4, v3;
	v4 =	vmul.f32 v6, v5;
	v5 =	vld [tilespmem:s14+$0xFFFFF5D0]  }
0x2a6: {  	v16 =	vadd.f32 v1, v2;
	vm1 =	vgt.f32 v14, $0.0e+00;
	v19 =	vunpack.i.u.bf16.f32 v7  }
0x2a7: {  	v18 =	vld [tilespmem:s14+$0xFFFFFFD0];
	v6 =	vunpack.i.l.bf16.f32 v7;
	v11 =	vsel vm1, v14, v11;
	vm1 =	vgt.f32 v17, $0.0e+00  }
0x2a8: {  	v15 =	vsel vm1, v17, v15;
	v3 =	vadd.f32 v3, v4;
	v4 =	vmul.f32 v11, v6;
	v11 =	vld [tilespmem:s14+$0xFFFFF5E0]  }
0x2a9: {  	v1 =	vunpack.i.l.bf16.f32 v12;
	v6 =	vunpack.i.u.bf16.f32 v12;
	v15 =	vmul.f32 v15, v19  }
0x2aa: {  	v29 =	vunpack.i.u.bf16.f32 v13;
	v20 =	vadd.f32 v4, v3;
	v3 =	vunpack.i.l.bf16.f32 v5  }
0x2ab: {  	v2 =	vunpack.i.l.bf16.f32 v13;
	v4 =	vunpack.i.u.bf16.f32 v5;
	v7 =	vmul.f32 $9.999999770e-03, v3  }
0x2ac: {  	v12 =	vld [tilespmem:s14+$0xFFFFFFE0];
	v13 =	vunpack.i.l.bf16.f32 v18;
	vm1 =	vgt.f32 v3, $0.0e+00;
	v30 =	vmul.f32 $9.999999770e-03, v4  }
0x2ad: {  	v15 =	vadd.f32 v20, v15;
	v5 =	vunpack.i.u.bf16.f32 v11;
	v7 =	vsel vm1, v3, v7  }
0x2ae: {  	vm1 =	vgt.f32 v4, $0.0e+00;
	v13 =	vmul.f32 v7, v13;
	v7 =	vunpack.i.l.bf16.f32 v11  }
0x2af: {  	v11 =	vunpack.i.u.bf16.f32 v18;
	v18 =	vsel vm1, v4, v30;
	v30 =	vmul.f32 $9.999999770e-03, v7  }
0x2b0: {  	v11 =	vmul.f32 v18, v11;
	vm1 =	vgt.f32 v7, $0.0e+00;
	v18 =	vld [tilespmem:s14+$0xFFFFFFF0];
	v13 =	vadd.f32 $0.0e+00, v13  }
0x2b1: {  	(xrf2) =	vadd.scan.msk.f32 $0xffff, v16;
	v16 =	vunpack.i.l.bf16.f32 v12;
	v55 =	vmul.f32 $9.999999770e-03, v5;
	v30 =	vsel vm1, v7, v30  }
0x2b2: {  	vm1 =	vgt.f32 v5, $0.0e+00;
	v11 =	vadd.f32 v13, v11;
	v13 =	vmul.f32 v30, v16  }
0x2b3: {  	v12 =	vunpack.i.u.bf16.f32 v12;
	v16 =	vsel vm1, v5, v55;
	v30 =	vmul.f32 $9.999999770e-03, v1  }
0x2b4: {  	vm1 =	vgt.f32 v1, $0.0e+00;
	v12 =	vmul.f32 v16, v12;
	v11 =	vadd.f32 v13, v11;
	v13 =	vld [tilespmem:s14+$0x0]  }
0x2b5: {  	v56 =	vmul.f32 $9.999999770e-03, v6;
	v16 =	vunpack.i.l.bf16.f32 v18;
	v30 =	vsel vm1, v1, v30  }
0x2b6: {  	(xrf2) =	vadd.scan.msk.f32 $0xffff, v15;
	vm1 =	vgt.f32 v6, $0.0e+00;
	v11 =	vadd.f32 v11, v12;
	v12 =	vmul.f32 v30, v16  }
0x2b7: {  	v16 =	vunpack.i.u.bf16.f32 v18;
	v18 =	vsel vm1, v6, v56;
	v30 =	vmul.f32 $9.999999770e-03, v2  }
0x2b8: {  	v60 =	vld [tilespmem:s14+$0xFFFFFFB0];
	vm1 =	vgt.f32 v2, $0.0e+00;
	v11 =	vadd.f32 v12, v11;
	v12 =	vmul.f32 v18, v16  }
0x2b9: {  	v46 =	vld [tilespmem:s14+$0xFFFFFFC0];
	v57 =	vmul.f32 $9.999999770e-03, v29;
	v30 =	vsel vm1, v2, v30;
	v18 =	vunpack.i.l.bf16.f32 v13  }
0x2ba: {  	v16 =	vld [tilespmem:s14+$0xFFFFF590];
	vm1 =	vgt.f32 v29, $0.0e+00;
	v11 =	vadd.f32 v11, v12;
	v12 =	vmul.f32 v30, v18  }
0x2bb: {  	v13 =	vunpack.i.u.bf16.f32 v13;
	v19 =	vsel vm1, v29, v57  }
0x2bc: {  	v13 =	vmul.f32 v19, v13;
	v12 =	vadd.f32 v12, v11  }
0x2bd: {  	v30 =	vld [tilespmem:s14+$0xFFFFFF90];
	v18, _, _ =	vpop (xrf2)  }
0x2be: {  	v18 =	vmul.f32 $1.442695020e+00, v18;
	v12 =	vadd.f32 v12, v13  }
0x2bf: {  	v36 =	vunpack.i.u.bf16.f32 v60;
	v50 =	vunpack.i.l.bf16.f32 v46;
	v19 =	vld [tilespmem:s14+$0xFFFFF5A0];
	v11 =	vunpack.i.l.bf16.f32 v16  }
0x2c0: {  	v54 =	vunpack.i.u.bf16.f32 v46;
	v62, _, _ =	vpop (xrf2);
	v13 =	vmul.f32 $9.999999770e-03, v11;
	v18 =	vbroadcast v18, $0xF;
	(xrf2) =	vadd.scan.msk.f32 $0xffff, v12  }
0x2c1: {  	v15 =	vld [tilespmem:s14+$0xFFFFFFA0];
	vm1 =	vgt.f32 v11, $0.0e+00;
	v35 =	vmul.f32 $1.442695020e+00, v62;
	v12 =	vunpack.i.u.bf16.f32 v16  }
0x2c2: {  	v16 =	vunpack.i.l.bf16.f32 v30;
	v13 =	vsel vm1, v11, v13;
	(erf) = vpow2.f32 v18  }
0x2c3: {  	v30 =	vunpack.i.u.bf16.f32 v30;
	v18 =	vmul.f32 $9.999999770e-03, v12;
	v16 =	vmul.f32 v13, v16  }
0x2c4: {  	v20 =	vld [tilespmem:s14+$0xFFFFF5B0];
	v35 =	vbroadcast v35, $0xF;
	vm1 =	vgt.f32 v12, $0.0e+00;
	v13 =	vunpack.i.l.bf16.f32 v19  }
0x2c5: {  	v58 =	vmul.f32 $9.999999770e-03, v13;
	v18 =	vsel vm1, v12, v18;
	v59 =	vadd.f32 $0.0e+00, v16  }
0x2c6: {  	vm1 =	vgt.f32 v13, $0.0e+00;
	v16 =	vunpack.i.u.bf16.f32 v19;
	v19 =	vunpack.i.l.bf16.f32 v15  }
0x2c7: {  	v18 =	vmul.f32 v18, v30;
	v30 =	vsel vm1, v13, v58;
	v61 =	vmul.f32 $9.999999770e-03, v16  }
0x2c8: {  	v63 =	vld [tilespmem:s14+$0xFFFFF5C0];
	vm1 =	vgt.f32 v16, $0.0e+00;
	v19 =	vmul.f32 v30, v19;
	v30 =	vunpack.i.u.bf16.f32 v15  }
0x2c9: {  	v15 =	vunpack.i.l.bf16.f32 v20;
	v18 =	vadd.f32 v59, v18;
	v34 =	vsel vm1, v16, v61  }
0x2ca: {  	v44 =	vmul.f32 $9.999999770e-03, v15;
	vm1 =	vgt.f32 v15, $0.0e+00;
	v30 =	vmul.f32 v34, v30;
	v45, _, _ =	vpop (xrf2)  }
0x2cb: {  	s14 =	simm.s32 $0xC60;
	v19 =	vadd.f32 v19, v18;
	v18 =	vunpack.i.u.bf16.f32 v20;
	v34 =	vmul.f32 $1.442695020e+00, v45  }
0x2cc: {  	v55 =	vld [tilespmem:s14+$0xFFFFF600];
	v20 =	vunpack.i.l.bf16.f32 v60;
	v38 =	vsel vm1, v15, v44;
	v47 =	vmul.f32 $9.999999770e-03, v18  }
0x2cd: {  	v56 =	vld [tilespmem:s14+$0xFFFFF5D0];
	v30 =	vadd.f32 v19, v30;
	v19 =	vunpack.i.l.bf16.f32 v63;
	v34 =	vbroadcast v34, $0xF  }
0x2ce: {  	v20 =	vmul.f32 v38, v20;
	vm1 =	vgt.f32 v18, $0.0e+00;
	v53 =	vpop (erf);
	v49 =	vmul.f32 $9.999999770e-03, v19  }
0x2cf: {  	v57 =	vld [tilespmem:s14+$0xFFFFF5F0];
	v48 =	vsel vm1, v18, v47;
	v46 =	vmul.f32 v53, v27;
	(erf) = vpow2.f32 v34  }
0x2d0: {  	vm1 =	vgt.f32 v19, $0.0e+00;
	v47 =	vmul.f32 v53, v24;
	v45 =	vmul.f32 v53, v28  }
0x2d1: {  	v44 =	vmul.f32 v53, v25;
	v41 =	vmul.f32 v53, v23;
	v28 =	vunpack.i.u.bf16.f32 v55  }
0x2d2: {  	v43 =	vmul.f32 v53, v22;
	v42 =	vmul.f32 v53, v21;
	v25 =	vunpack.i.l.bf16.f32 v56  }
0x2d3: {  	v21 =	vunpack.i.l.bf16.f32 v55;
	v30 =	vadd.f32 v20, v30;
	v20 =	vunpack.i.u.bf16.f32 v63  }
0x2d4: {  	v22 =	vunpack.i.u.bf16.f32 v57;
	v36 =	vmul.f32 v48, v36;
	v52 =	vmul.f32 $9.999999770e-03, v20  }
0x2d5: {  	v58 =	vld [tilespmem:s14+$0xFFFFF5E0];
	v23 =	vunpack.i.l.bf16.f32 v57;
	v51 =	vsel vm1, v19, v49;
	vm1 =	vgt.f32 v20, $0.0e+00  }
0x2d6: {  	v49 =	vld [tilespmem:s14+$0xFFFFFFD0];
	v30 =	vadd.f32 v30, v36;
	v34 =	vmul.f32 v51, v50;
	v38 =	vsel vm1, v20, v52  }
0x2d7: {  	v48 =	vnsel vm0, $0x0, v53;
	v57 =	vmul.f32 $9.999999770e-03, v23;
	v27 =	vmul.f32 v38, v54  }
0x2d8: {  	(erf) = vpow2.f32 v35;
	v38 =	vmul.f32 v53, v26;
	v30 =	vadd.f32 v34, v30;
	v24 =	vpop (erf)  }
0x2d9: {  	vm1 =	vgt.f32 v25, $0.0e+00;
	v50 =	vmul.f32 v24, v29;
	v29 =	vmul.f32 $9.999999770e-03, v25  }
0x2da: {  	v59 =	vld [tilespmem:s14+$0xFFFFFFE0];
	v26 =	vunpack.i.u.bf16.f32 v58;
	v40 =	vadd.f32 v30, v27;
	v27 =	vunpack.i.u.bf16.f32 v56  }
0x2db: {  	v30 =	vunpack.i.l.bf16.f32 v49;
	v60 =	vmul.f32 $9.999999770e-03, v27;
	v29 =	vsel vm1, v25, v29  }
0x2dc: {  	vm1 =	vgt.f32 v27, $0.0e+00;
	v29 =	vmul.f32 v29, v30;
	v30 =	vunpack.i.l.bf16.f32 v58  }
0x2dd: {  	v63 =	vld [tilespmem:s14+$0xFFFFFFF0];
	v61 =	vunpack.i.u.bf16.f32 v49;
	v36 =	vsel vm1, v27, v60;
	v62 =	vmul.f32 $9.999999770e-03, v30  }
0x2de: {  	v52 =	vld [tilespmem:s14+$0xFFFFF5A0];
	v35 =	vmul.f32 v36, v61;
	vm1 =	vgt.f32 v30, $0.0e+00;
	v29 =	vadd.f32 $0.0e+00, v29  }
0x2df: {  	v53 =	vunpack.i.l.bf16.f32 v59;
	v54 =	vmul.f32 $9.999999770e-03, v26;
	v37 =	vsel vm1, v30, v62  }
0x2e0: {  	vm1 =	vgt.f32 v26, $0.0e+00;
	v29 =	vadd.f32 v29, v35;
	v55 =	vmul.f32 v37, v53  }
0x2e1: {  	v34 =	vunpack.i.u.bf16.f32 v59;
	v59 =	vmul.f32 $9.999999770e-03, v22;
	v56 =	vsel vm1, v26, v54  }
0x2e2: {  	vm1 =	vgt.f32 v23, $0.0e+00;
	v35 =	vld [tilespmem:s14+$0x0];
	v34 =	vmul.f32 v56, v34;
	v29 =	vadd.f32 v55, v29  }
0x2e3: {  	(xrf2) =	vadd.scan.msk.f32 $0xffff, v40;
	v40 =	vunpack.i.l.bf16.f32 v52;
	v58 =	vunpack.i.l.bf16.f32 v63;
	v39 =	vsel vm1, v23, v57  }
0x2e4: {  	v51 =	vld [tilespmem:s14+$0xFFFFF590];
	vm1 =	vgt.f32 v22, $0.0e+00;
	v60 =	vmul.f32 v39, v58;
	v29 =	vadd.f32 v29, v34  }
0x2e5: {  	v36 =	vunpack.i.u.bf16.f32 v63;
	v62 =	vmul.f32 $9.999999770e-03, v21;
	v61 =	vsel vm1, v22, v59  }
0x2e6: {  	v49 =	vld [tilespmem:s14+$0xFFFFFF90];
	vm1 =	vgt.f32 v21, $0.0e+00;
	v63 =	vmul.f32 v61, v36;
	v29 =	vadd.f32 v60, v29  }
0x2e7: {  	v58 =	vmul.f32 $9.999999770e-03, v28;
	v57 =	vsel vm1, v21, v62;
	v56 =	vunpack.i.l.bf16.f32 v35  }
0x2e8: {  	vm1 =	vgt.f32 v28, $0.0e+00;
	v36 =	vmul.f32 v57, v56;
	v34 =	vadd.f32 v29, v63  }
0x2e9: {  	v39 =	vunpack.i.u.bf16.f32 v51;
	v59 =	vsel vm1, v28, v58;
	v35 =	vunpack.i.u.bf16.f32 v35  }
0x2ea: {  	v35 =	vmul.f32 v59, v35;
	v29 =	vunpack.i.l.bf16.f32 v51;
	v63 =	vld [tilespmem:s14+$0xFFFFF5B0];
	v34 =	vadd.f32 v36, v34  }
0x2eb: {  	v62 =	vmul.f32 $9.999999770e-03, v39;
	v60 =	vunpack.i.l.bf16.f32 v49;
	v53 =	vmul.f32 $9.999999770e-03, v29;
	v36 =	vld [tilespmem:s14+$0xFFFFFFA0]  }
0x2ec: {  	v49 =	vunpack.i.u.bf16.f32 v49;
	vm1 =	vgt.f32 v29, $0.0e+00;
	v34 =	vadd.f32 v34, v35  }
0x2ed: {  	v57 =	vmul.f32 $9.999999770e-03, v40;
	v61 =	vsel vm1, v29, v53;
	vm1 =	vgt.f32 v39, $0.0e+00  }
0x2ee: {  	v37 =	vmul.f32 v61, v60;
	v56 =	vsel vm1, v39, v62;
	vm1 =	vgt.f32 v40, $0.0e+00;
	(xrf2) =	vadd.scan.msk.f32 $0xffff, v34  }
0x2ef: {  	v49 =	vmul.f32 v56, v49;
	v53 =	vsel vm1, v40, v57;
	v35 =	vunpack.i.u.bf16.f32 v63  }
0x2f0: {  	s7 =	simm.s32 $0x2980;
	v51 =	vld [tilespmem:s14+$0xFFFFFFB0];
	v37 =	vadd.f32 $0.0e+00, v37;
	v34 =	vunpack.i.u.bf16.f32 v52;
	v58 =	vunpack.i.l.bf16.f32 v36  }
0x2f1: {  	[tilespmem:s7+$0x70] =	vst v46;
	v46 =	vld [tilespmem:s14+$0xFFFFFFC0];
	v60 =	vmul.f32 $9.999999770e-03, v34;
	v54 =	vunpack.i.u.bf16.f32 v36;
	v36 =	vunpack.i.l.bf16.f32 v63  }
0x2f2: {  	vm1 =	vgt.f32 v34, $0.0e+00;
	v37 =	vadd.f32 v37, v49;
	v62 =	vmul.f32 $9.999999770e-03, v36  }
0x2f3: {  	v59 =	vmul.f32 v53, v58;
	v53 =	vld [tilespmem:s14+$0xFFFFF5C0];
	v61 =	vsel vm1, v34, v60;
	vm1 =	vgt.f32 v36, $0.0e+00  }
0x2f4: {  	v55 =	vmul.f32 $9.999999770e-03, v35;
	v52 =	vsel vm1, v36, v62  }
0x2f5: {  	v63 =	vunpack.i.l.bf16.f32 v51;
	v58 =	vunpack.i.u.bf16.f32 v51;
	v37 =	vadd.f32 v59, v37  }
0x2f6: {  	[tilespmem:s7+$0x80] =	vst v48;
	v49 =	vmul.f32 v61, v54;
	vm1 =	vgt.f32 v35, $0.0e+00;
	v54 =	vunpack.i.l.bf16.f32 v46  }
0x2f7: {  	[tilespmem:s7+$0x0] =	vst v47;
	v46 =	vunpack.i.u.bf16.f32 v46;
	v57 =	vmul.f32 v52, v63;
	v59 =	vsel vm1, v35, v55;
	v52, _, _ =	vpop (xrf2)  }
0x2f8: {  	s30 =	simm.s32 $0x2AA0;
	[tilespmem:s7+$0x10] =	vst v38;
	v56 =	vadd.f32 v37, v49;
	v61 =	vmul.f32 v59, v58;
	v37 =	vunpack.i.l.bf16.f32 v53;
	v63, _, _ =	vpop (xrf2)  }
0x2f9: {  	[tilespmem:s30+$0x70] =	vst v50;
	v38 =	vunpack.i.u.bf16.f32 v53;
	v62 =	vmul.f32 $9.999999770e-03, v37;
	v50 =	vmul.f32 $1.442695020e+00, v63  }
0x2fa: {  	[tilespmem:s7+$0x20] =	vst v45;
	v60 =	vadd.f32 v57, v56;
	vm1 =	vgt.f32 v37, $0.0e+00;
	v55 =	vmul.f32 $9.999999770e-03, v38  }
0x2fb: {  	[tilespmem:s7+$0x30] =	vst v44;
	v58 =	vmul.f32 $1.442695020e+00, v52;
	v49 =	vsel vm1, v37, v62;
	v57 =	vbroadcast v50, $0xF  }
0x2fc: {  	[tilespmem:s7+$0x40] =	vst v41;
	v56 =	vadd.f32 v60, v61;
	vm1 =	vgt.f32 v38, $0.0e+00;
	v45 =	vmul.f32 v49, v54  }
0x2fd: {  	[tilespmem:s7+$0x50] =	vst v43;
	v41 =	vpop (erf);
	v61 =	vbroadcast v58, $0xF;
	v59 =	vsel vm1, v38, v55;
	(erf) = vpow2.f32 v57  }
0x2fe: {  	[tilespmem:s7+$0x60] =	vst v42;
	v62 =	vnsel vm0, $0x0, v41;
	v60 =	vmul.f32 v59, v46;
	v45 =	vadd.f32 v45, v56  }
0x2ff: {  	v44 =	vmul.f32 v41, v31;
	v43 =	vmul.f32 v41, v32;
	v63 =	vnsel vm0, $0x0, v24;
	[tilespmem:s7+$0xFFFFFFF0] =	vst v62  }
0x300: {  	s31 =	simm.s32 $0x4;
	v33 =	vmul.f32 v41, v33;
	s14 =	simm.s32 $0xCE0;
	[tilespmem:s30+$0x80] =	vst v63;
	v42 =	vadd.f32 v45, v60;
	(erf) = vpow2.f32 v61  }
.LBB2_9:
0x301: {  	v45 =	vld [tilespmem:s14+$0xFFFFF600];
	[tilespmem:s7+$0xFFFFFF70] =	vst v44;
	v8 =	vmul.f32 v41, v8;
	v9 =	vmul.f32 v41, v9;
	v31 =	vmovc v12;
	v12 =	vmov v39  }
0x302: {  	s31 =	sadd.s32 $0x2, s31;
	v10 =	vmul.f32 v41, v10;
	v14 =	vmul.f32 v41, v14;
	v32 =	vmovc v13;
	v39 =	vld [tilespmem:s14+$0xFFFFF5D0];
	(xrf2) =	vadd.scan.msk.f32 $0xffff, v42;
	[tilespmem:s7+$0xFFFFFF80] =	vst v43  }
0x303: {  	v17 =	vmul.f32 v41, v17;
	v13 =	vmovc v40;
	p1 =	slt.u32 s31, $0x26;
	v43 =	vmul.f32 v24, v3;
	v3 =	vmov v25;
	v42 =	vld [tilespmem:s14+$0xFFFFF5F0];
	[tilespmem:s7+$0xFFFFFF90] =	vst v33  }
0x304: {  	v40 =	vmul.f32 v24, v4;
	v44 =	vmul.f32 v24, v7;
	v4 =	vmovc v27;
	v7 =	vmov v30;
	v33 =	vld [tilespmem:s14+$0xFFFFF5E0];
	[tilespmem:s7+$0xFFFFFFA0] =	vst v8  }
0x305: {  	v47 =	vmul.f32 v24, v5;
	v48 =	vmul.f32 v24, v1;
	v1 =	vmovc v23;
	v5 =	vmov v26;
	v46 =	vld [tilespmem:s14+$0xFFFFFFD0];
	[tilespmem:s7+$0xFFFFFFB0] =	vst v9  }
0x306: {  	v50 =	vmul.f32 v24, v6;
	v51 =	vmul.f32 v24, v2;
	v49 =	vld [tilespmem:s14+$0xFFFFF590];
	v26 =	vunpack.i.u.bf16.f32 v45;
	v24 =	vpop (erf);
	[tilespmem:s7+$0xFFFFFFC0] =	vst v10  }
0x307: {  	v2 =	vmovc v21;
	v21 =	vunpack.i.l.bf16.f32 v45;
	v52 =	vld [tilespmem:s14+$0xFFFFFF90];
	v25 =	vunpack.i.l.bf16.f32 v39;
	v30 =	vmul.f32 v24, v28;
	[tilespmem:s7+$0xFFFFFFD0] =	vst v14;
	v28 =	vmovc v26  }
0x308: {  	v6 =	vmovc v22;
	v8 =	vmovc v16;
	v45 =	vld [tilespmem:s14+$0xFFFFF5A0];
	v55 =	vmul.f32 $9.999999770e-03, v25;
	v23 =	vunpack.i.l.bf16.f32 v42;
	[tilespmem:s7+$0xFFFFFFE0] =	vst v17;
	v22 =	vunpack.i.u.bf16.f32 v42;
	s7 =	smov.u32 s30;
	s30 =	sadd.s32 $0x120, s30  }
0x309: {  	v27 =	vunpack.i.u.bf16.f32 v39;
	vm1 =	vgt.f32 v25, $0.0e+00;
	v39 =	vld [tilespmem:s14+$0xFFFFFFE0];
	v26 =	vunpack.i.u.bf16.f32 v33;
	[tilespmem:s30+$0x70] =	vst v30;
	v41 =	vpop (erf)  }
0x30a: {  	v16 =	vmovc v34;
	v9 =	vmovc v15;
	v17 =	vmul.f32 $9.999999770e-03, v27;
	v42 =	vld [tilespmem:s14+$0xFFFFFFA0];
	v14 =	vunpack.i.l.bf16.f32 v46;
	v53 =	vsel vm1, v25, v55;
	[tilespmem:s7+$0x0] =	vst v43  }
0x30b: {  	v15 =	vmovc v36;
	v10 =	vmovc v18;
	v30 =	vunpack.i.l.bf16.f32 v33;
	vm1 =	vgt.f32 v27, $0.0e+00;
	v43 =	vld [tilespmem:s14+$0xFFFFF5B0];
	v54 =	vmul.f32 v53, v14;
	[tilespmem:s7+$0x10] =	vst v40  }
0x30c: {  	v46 =	vunpack.i.u.bf16.f32 v46;
	v34 =	vmul.f32 $9.999999770e-03, v30;
	v55 =	vsel vm1, v27, v17;
	v53 =	vld [tilespmem:s14+$0xFFFFFFB0];
	v33, _, _ =	vpop (xrf2);
	[tilespmem:s7+$0x20] =	vst v44  }
0x30d: {  	v18 =	vmovc v35;
	vm1 =	vgt.f32 v30, $0.0e+00;
	v40 =	vmul.f32 v55, v46;
	v36 =	vadd.f32 $0.0e+00, v54;
	v44 =	vld [tilespmem:s14+$0xFFFFFFF0];
	[tilespmem:s7+$0x30] =	vst v47;
	v14 =	vmovc v19  }
0x30e: {  	v34 =	vsel vm1, v30, v34;
	v17 =	vmovc v20;
	v47 =	vmul.f32 $9.999999770e-03, v26;
	v19 =	vmovc v37;
	v46 =	vld [tilespmem:s14+$0xFFFFF5C0];
	v35 =	vunpack.i.l.bf16.f32 v39;
	[tilespmem:s7+$0x40] =	vst v48  }
0x30f: {  	vm1 =	vgt.f32 v26, $0.0e+00;
	v20 =	vmovc v38;
	v48 =	vld [tilespmem:s14+$0xFFFFFFC0];
	v36 =	vadd.f32 v36, v40;
	v34 =	vmul.f32 v34, v35;
	[tilespmem:s7+$0x50] =	vst v50  }
0x310: {  	v38 =	vmul.f32 $9.999999770e-03, v23;
	v35 =	vunpack.i.u.bf16.f32 v39;
	v37 =	vsel vm1, v26, v47;
	[tilespmem:s7+$0x60] =	vst v51  }
0x311: {  	vm1 =	vgt.f32 v23, $0.0e+00;
	v35 =	vmul.f32 v37, v35;
	v34 =	vadd.f32 v34, v36;
	v36 =	vld [tilespmem:s14+$0x0]  }
0x312: {  	v39 =	vmul.f32 $9.999999770e-03, v22;
	v38 =	vsel vm1, v23, v38;
	v37 =	vunpack.i.l.bf16.f32 v44  }
0x313: {  	vm1 =	vgt.f32 v22, $0.0e+00;
	v34 =	vadd.f32 v34, v35;
	v35 =	vmul.f32 v38, v37  }
0x314: {  	v37 =	vunpack.i.u.bf16.f32 v44;
	v38 =	vsel vm1, v22, v39;
	v39 =	vmul.f32 $9.999999770e-03, v21  }
0x315: {  	vm1 =	vgt.f32 v21, $0.0e+00;
	v34 =	vadd.f32 v35, v34;
	v35 =	vmul.f32 v38, v37  }
0x316: {  	v38 =	vsel vm1, v21, v39;
	v39 =	vmul.f32 $9.999999770e-03, v28;
	v37 =	vunpack.i.l.bf16.f32 v36  }
0x317: {  	vm1 =	vgt.f32 v28, $0.0e+00;
	v34 =	vadd.f32 v34, v35;
	v35 =	vmul.f32 v38, v37  }
0x318: {  	v47 =	vunpack.i.l.bf16.f32 v49;
	v36 =	vunpack.i.u.bf16.f32 v36;
	v37 =	vsel vm1, v28, v39  }
0x319: {  	v38 =	vmul.f32 $9.999999770e-03, v47;
	v34 =	vadd.f32 v35, v34;
	v35 =	vmul.f32 v37, v36  }
0x31a: {  	v39 =	vunpack.i.u.bf16.f32 v49;
	vm1 =	vgt.f32 v47, $0.0e+00;
	v36 =	vunpack.i.l.bf16.f32 v52  }
0x31b: {  	v37 =	vsel vm1, v47, v38;
	v38 =	vmul.f32 $9.999999770e-03, v39;
	v34 =	vadd.f32 v34, v35  }
0x31c: {  	v40 =	vunpack.i.l.bf16.f32 v45;
	vm1 =	vgt.f32 v39, $0.0e+00;
	v35 =	vmul.f32 v37, v36  }
0x31d: {  	v36 =	vunpack.i.u.bf16.f32 v52;
	v37 =	vsel vm1, v39, v38;
	v38 =	vmul.f32 $9.999999770e-03, v40;
	(xrf2) =	vadd.scan.msk.f32 $0xffff, v34  }
0x31e: {  	vm1 =	vgt.f32 v40, $0.0e+00;
	v36 =	vmul.f32 v37, v36;
	v35 =	vadd.f32 $0.0e+00, v35  }
0x31f: {  	v37 =	vunpack.i.l.bf16.f32 v42;
	v34 =	vunpack.i.u.bf16.f32 v45;
	v38 =	vsel vm1, v40, v38  }
0x320: {  	v37 =	vmul.f32 v38, v37;
	v38 =	vmul.f32 $9.999999770e-03, v34;
	v35 =	vadd.f32 v35, v36  }
0x321: {  	v42 =	vunpack.i.u.bf16.f32 v42;
	vm1 =	vgt.f32 v34, $0.0e+00;
	v36 =	vunpack.i.l.bf16.f32 v43  }
0x322: {  	v37 =	vadd.f32 v37, v35;
	v35 =	vsel vm1, v34, v38;
	v38 =	vmul.f32 $9.999999770e-03, v36  }
0x323: {  	vm1 =	vgt.f32 v36, $0.0e+00;
	v42 =	vmul.f32 v35, v42;
	v35 =	vunpack.i.u.bf16.f32 v43  }
0x324: {  	v43 =	vunpack.i.l.bf16.f32 v53;
	v38 =	vsel vm1, v36, v38;
	v44 =	vmul.f32 $9.999999770e-03, v35  }
0x325: {  	vm1 =	vgt.f32 v35, $0.0e+00;
	v42 =	vadd.f32 v37, v42;
	v38 =	vmul.f32 v38, v43  }
0x326: {  	v43 =	vunpack.i.u.bf16.f32 v53;
	v37 =	vunpack.i.l.bf16.f32 v46;
	v44 =	vsel vm1, v35, v44  }
0x327: {  	v42 =	vadd.f32 v38, v42;
	v43 =	vmul.f32 v44, v43;
	v44 =	vmul.f32 $9.999999770e-03, v37;
	v45, _, _ =	vpop (xrf2)  }
0x328: {  	vm1 =	vgt.f32 v37, $0.0e+00;
	v38 =	vunpack.i.u.bf16.f32 v46;
	v45 =	vmul.f32 $1.442695020e+00, v45  }
0x329: {  	v46 =	vunpack.i.l.bf16.f32 v48;
	v49 =	vmul.f32 $9.999999770e-03, v38;
	v44 =	vsel vm1, v37, v44  }
0x32a: {  	v42 =	vadd.f32 v42, v43;
	v43 =	vmul.f32 v44, v46;
	v44 =	vbroadcast v45, $0xF  }
.Ltmp3:
0x32b: {  	v33 =	vmul.f32 $1.442695020e+00, v33;
	vm1 =	vgt.f32 v38, $0.0e+00;
	v45 =	vunpack.i.u.bf16.f32 v48;
	(pc) =	sbr.rel @p1 .LBB2_9-.Ltmp3, $4  }
0x32c: {  	v42 =	vadd.f32 v43, v42;
	v43 =	vsel vm1, v38, v49;
	(erf) = vpow2.f32 v44  }
0x32d: {  	v33 =	vbroadcast v33, $0xF;
	v46 =	vnsel vm0, $0x0, v41;
	v45 =	vmul.f32 v43, v45  }
0x32e: {  	v48 =	vnsel vm0, $0x0, v24;
	v44 =	vmul.f32 v41, v11;
	v43 =	vmul.f32 v41, v31;
	v11 =	vmovc v29;
	[tilespmem:s7+$0xFFFFFFF0] =	vst v46  }
0x32f: {  	s14 =	sadd.s32 $0x80, s14;
	v29 =	vmovc v47;
	v42 =	vadd.f32 v42, v45;
	[tilespmem:s30+$0x80] =	vst v48;
	(erf) = vpow2.f32 v33;
	v33 =	vmul.f32 v41, v32  }
0x330: {  	[tilespmem:s7+$0xFFFFFF70] =	vst v44  }
0x331: {  	v8 =	vmul.f32 v41, v8;
	[tilespmem:s7+$0xFFFFFF80] =	vst v43  }
0x332: {  	v9 =	vmul.f32 v41, v9;
	[tilespmem:s7+$0xFFFFFF90] =	vst v33  }
0x333: {  	v10 =	vmul.f32 v41, v10;
	[tilespmem:s7+$0xFFFFFFA0] =	vst v8  }
0x334: {  	v3 =	vmul.f32 v24, v3;
	[tilespmem:s7+$0xFFFFFFB0] =	vst v9  }
0x335: {  	v4 =	vmul.f32 v24, v4;
	[tilespmem:s7+$0xFFFFFFC0] =	vst v10  }
0x336: {  	v7 =	vmul.f32 v24, v7;
	[tilespmem:s30+$0x0] =	vst v3  }
0x337: {  	v1 =	vmul.f32 v24, v1;
	(xrf2) =	vadd.scan.msk.f32 $0xffff, v42;
	[tilespmem:s30+$0x10] =	vst v4  }
0x338: {  	v2 =	vmul.f32 v24, v2;
	[tilespmem:s30+$0x20] =	vst v7  }
0x339: {  	v8 =	vmul.f32 v41, v14;
	[tilespmem:s30+$0x40] =	vst v1  }
0x33a: {  	v9 =	vmul.f32 v41, v17;
	[tilespmem:s30+$0x60] =	vst v2  }
0x33b: {  	v3 =	vmul.f32 v24, v5;
	[tilespmem:s7+$0xFFFFFFD0] =	vst v8  }
0x33c: {  	v4 =	vmul.f32 v24, v6;
	[tilespmem:s7+$0xFFFFFFE0] =	vst v9;
	v14 =	vpop (erf)  }
0x33d: {  	[tilespmem:s30+$0x30] =	vst v3;
	v1 =	vpop (erf)  }
0x33e: {  	s14 =	sadd.s32 $0x120, s30;
	[tilespmem:s30+$0x50] =	vst v4;
	v10 =	vmul.f32 v14, v28;
	v3 =	vnsel vm0, $0x0, v14;
	v2 =	vnsel vm0, $0x0, v1  }
0x33f: {  	[tilespmem:s14+$0x80] =	vst v3  }
0x340: {  	[tilespmem:s14+$0x70] =	vst v10;
	v4 =	vmul.f32 v1, v11  }
0x341: {  	v5 =	vmul.f32 v1, v12;
	[tilespmem:s30+$0xFFFFFFF0] =	vst v2;
	v2, _, _ =	vpop (xrf2)  }
0x342: {  	v3 =	vmul.f32 v1, v13;
	[tilespmem:s30+$0xFFFFFF70] =	vst v4;
	v2 =	vmul.f32 $1.442695020e+00, v2  }
0x343: {  	v4 =	vmul.f32 v1, v16;
	[tilespmem:s30+$0xFFFFFF80] =	vst v5  }
0x344: {  	[tilespmem:s30+$0xFFFFFF90] =	vst v3;
	v3 =	vmul.f32 v1, v18;
	v2 =	vbroadcast v2, $0xF  }
0x345: {  	v5 =	vmul.f32 v1, v15;
	[tilespmem:s30+$0xFFFFFFA0] =	vst v4  }
0x346: {  	[tilespmem:s30+$0xFFFFFFC0] =	vst v3;
	v3 =	vmul.f32 v14, v25;
	(erf) = vpow2.f32 v2  }
0x347: {  	[tilespmem:s30+$0xFFFFFFB0] =	vst v5;
	v2 =	vmul.f32 v1, v19  }
0x348: {  	[tilespmem:s14+$0x0] =	vst v3;
	v3 =	vmul.f32 v14, v26  }
0x349: {  	[tilespmem:s30+$0xFFFFFFD0] =	vst v2;
	v2 =	vmul.f32 v14, v27  }
0x34a: {  	v1 =	vmul.f32 v1, v20;
	[tilespmem:s14+$0x30] =	vst v3  }
0x34b: {  	v3 =	vmul.f32 v14, v21;
	[tilespmem:s14+$0x10] =	vst v2;
	v2 =	vmul.f32 v14, v23  }
0x34c: {  	[tilespmem:s30+$0xFFFFFFE0] =	vst v1;
	v1 =	vmul.f32 v14, v30  }
0x34d: {  	[tilespmem:s14+$0x60] =	vst v3  }
0x34e: {  	[tilespmem:s14+$0x20] =	vst v1;
	v1 =	vmul.f32 v14, v22  }
0x34f: {  	[tilespmem:s14+$0x40] =	vst v2;
	v2 =	vpop (erf)  }
0x350: {  	[tilespmem:s14+$0x50] =	vst v1;
	v1 =	vnsel vm0, $0x0, v2;
	v3 =	vmul.f32 v2, v29  }
0x351: {  	v4 =	vmul.f32 v2, v39;
	[tilespmem:s14+$0xFFFFFFF0] =	vst v1  }
0x352: {  	v1 =	vmul.f32 v2, v40;
	[tilespmem:s14+$0xFFFFFF70] =	vst v3  }
0x353: {  	v3 =	vmul.f32 v2, v34;
	[tilespmem:s14+$0xFFFFFF80] =	vst v4  }
0x354: {  	v4 =	vmul.f32 v2, v36;
	[tilespmem:s14+$0xFFFFFF90] =	vst v1  }
0x355: {  	v1 =	vmul.f32 v2, v35;
	[tilespmem:s14+$0xFFFFFFA0] =	vst v3  }
0x356: {  	v3 =	vmul.f32 v2, v37;
	[tilespmem:s14+$0xFFFFFFB0] =	vst v4  }
0x357: {  	v2 =	vmul.f32 v2, v38;
	[tilespmem:s14+$0xFFFFFFC0] =	vst v1  }
0x358: {  	[tilespmem:s14+$0xFFFFFFD0] =	vst v3  }
0x359: {  	[tilespmem:s14+$0xFFFFFFE0] =	vst v2  }
0x35a: {  	[spmem:s3] =	stream.indirect.scatter.add.f32 [tilespmem:s8], [sflag:$0x5], $0x90, s24, s11, $0xb8;
	[tilespmem:$0x1BDF0] =	vst v63  }
0x35b: {  	_ =	swait.ge [sflag:s25], $0xA00  }
0x35c: {  	[sflag:s25] =	ssyncset.done $0x0  }
0x35d: {  	[sflag:s25] =	ssyncadd.s32 $0xFFFFF600  }
0x35e: {  	_ =	swait.ge [sflag:s25], $0xA00  }
0x35f: {  	[sflag:s25] =	ssyncset.done $0x0  }
0x360: {  	s7 =	simm.s32 @p0 $0x6;
	[sflag:s25] =	ssyncadd.s32 $0xFFFFF600  }
0x361: {  	_ =	swait.ge @p0 [sflag:s7], $0x1680  }
0x362: {  	[sflag:s7] =	ssyncset.done @p0 $0x0  }
0x363: {  	[sflag:s7] =	ssyncadd.s32 @p0 $0xFFFFE980;
	s7 =	simm.s32 @!p0 $0x1  }
0x364: {  	_ =	swait.ge @!p0 [sflag:s7], $0x28  }
0x365: {  	[sflag:s7] =	ssyncset.done @!p0 $0x0  }
0x366: {  	[sflag:s7] =	ssyncadd.s32 @!p0 $0xFFFFFFD8  }
0x367: {  	_ =	swait.ge @!p0 [sflag:s7], $0x28  }
0x368: {  	s30 =	simm.s32 @!p0 $0xF0;
	[sflag:s7] =	ssyncset.done @!p0 $0x0  }
0x369: {  	s14 =	simm.s32 @!p0 $0x0;
	[sflag:s7] =	ssyncadd.s32 @!p0 $0xFFFFFFD8;
	s7 =	simm.s32 @!p0 $0x28  }
0x36a: {  	[tilespmem:s30], [sflag:$0x3] =	stream.indirect.gather @!p0 [hbm4b:s1+s7], $0x40, s14, s7, $0xb8;
	[tilespmem:$0x1BDF0] =	vst v63  }
0x36b: {  	s31 =	simm.s32 @!p0 $0xAF0;
	s30 =	simm.s32 @!p0 $0x50  }
0x36c: {  	[tilespmem:s31], [sflag:$0x3] =	stream.indirect.gather @!p0 [hbm4b:s1+s7], $0x40, s30, s7, $0xb8;
	[tilespmem:$0x1BDF0] =	vst v63  }
0x36d: {  	s30 =	simm.s32 @!p0 $0x6  }
0x36e: {  	s2 =	sadd.s32 @!p0 s2, s23;
	_ =	swait.ge @!p0 [sflag:s30], $0x1680  }
0x36f: {  	s2 =	sshrl.u32 @!p0 s2, $0x3;
	[sflag:s30] =	ssyncset.done @!p0 $0x0  }
0x370: {  	[sflag:s30] =	ssyncadd.s32 @!p0 $0xFFFFE980;
	s30 =	sadd.s32 @!p0 s5, s2  }
0x371: {  	[tilespmem:s7], [sflag:$0x2] =	stream.linear.gather @!p0 [hbm4b:s30+s14], $0x28, $0x38;
	[tilespmem:$0x1BDF0] =	vst v63  }
0x372: {  	s2 =	sadd.s32 @!p0 s6, s2;
	s7 =	simm.s32 @!p0 $0x78  }
0x373: {  	[tilespmem:s7], [sflag:$0x2] =	stream.linear.gather @!p0 [hbm4b:s2+s14], $0x28, $0x38;
	[tilespmem:$0x1BDF0] =	vst v63  }
0x374: {  	s7 =	simm.s32 $0x1F60  }
0x375: {  	v1 =	vld [tilespmem:s7+$0xFFFFF600]  }
0x376: {  	v2 =	vld [tilespmem:s7+$0xFFFFF5D0]  }
0x377: {  	v3 =	vld [tilespmem:s7+$0xFFFFF5F0]  }
0x378: {  	v4 =	vld [tilespmem:s7+$0xFFFFF5E0]  }
0x379: {  	v5 =	vld [tilespmem:s7+$0xFFFFFFD0];
	_ =	sdelay $0x1  }
0x37a: {  	v9 =	vld [tilespmem:s7+$0xFFFFF5A0];
	v27 =	vunpack.i.u.bf16.f32 v1  }
0x37b: {  	v24 =	vunpack.i.l.bf16.f32 v2;
	v21 =	vunpack.i.l.bf16.f32 v1;
	v22 =	vunpack.i.u.bf16.f32 v3  }
0x37c: {  	v23 =	vunpack.i.l.bf16.f32 v3;
	v26 =	vunpack.i.u.bf16.f32 v2;
	v1 =	vmul.f32 $9.999999770e-03, v24  }
0x37d: {  	v2 =	vld [tilespmem:s7+$0xFFFFFFE0];
	v25 =	vunpack.i.u.bf16.f32 v4;
	v3 =	vunpack.i.l.bf16.f32 v5;
	vm1 =	vgt.f32 v24, $0.0e+00  }
0x37e: {  	v28 =	vunpack.i.l.bf16.f32 v4;
	v6 =	vmul.f32 $9.999999770e-03, v26;
	v1 =	vsel vm1, v24, v1  }
0x37f: {  	v33 =	vunpack.i.l.bf16.f32 v9;
	vm1 =	vgt.f32 v26, $0.0e+00;
	v1 =	vmul.f32 v1, v3  }
0x380: {  	v12 =	vld [tilespmem:s7+$0xFFFFF5C0];
	v3 =	vunpack.i.u.bf16.f32 v5;
	v4 =	vsel vm1, v26, v6;
	v5 =	vmul.f32 $9.999999770e-03, v28  }
0x381: {  	vm1 =	vgt.f32 v28, $0.0e+00;
	v3 =	vmul.f32 v4, v3;
	v4 =	vld [tilespmem:s7+$0xFFFFFFF0];
	v1 =	vadd.f32 $0.0e+00, v1  }
0x382: {  	v7 =	vmul.f32 $9.999999770e-03, v25;
	v6 =	vunpack.i.l.bf16.f32 v2;
	v5 =	vsel vm1, v28, v5  }
0x383: {  	vm1 =	vgt.f32 v25, $0.0e+00;
	v1 =	vadd.f32 v1, v3;
	v3 =	vmul.f32 v5, v6  }
0x384: {  	v2 =	vunpack.i.u.bf16.f32 v2;
	v5 =	vsel vm1, v25, v7;
	v6 =	vmul.f32 $9.999999770e-03, v23  }
0x385: {  	vm1 =	vgt.f32 v23, $0.0e+00;
	v2 =	vmul.f32 v5, v2;
	v1 =	vadd.f32 v3, v1  }
0x386: {  	v14 =	vunpack.i.l.bf16.f32 v12;
	v5 =	vld [tilespmem:s7+$0xFFFFF590];
	v7 =	vunpack.i.l.bf16.f32 v4;
	v6 =	vsel vm1, v23, v6  }
0x387: {  	v8 =	vmul.f32 $9.999999770e-03, v22;
	v3 =	vld [tilespmem:s7+$0x0];
	v1 =	vadd.f32 v1, v2;
	v2 =	vmul.f32 v6, v7  }
0x388: {  	vm1 =	vgt.f32 v22, $0.0e+00;
	v4 =	vunpack.i.u.bf16.f32 v4;
	v7 =	vmul.f32 $9.999999770e-03, v21  }
0x389: {  	v6 =	vsel vm1, v22, v8;
	v8 =	vld [tilespmem:s7+$0xFFFFFF90];
	vm1 =	vgt.f32 v21, $0.0e+00;
	v1 =	vadd.f32 v2, v1  }
0x38a: {  	v2 =	vmul.f32 v6, v4;
	v6 =	vsel vm1, v21, v7;
	v7 =	vmul.f32 $9.999999770e-03, v27  }
0x38b: {  	vm1 =	vgt.f32 v27, $0.0e+00;
	v31 =	vunpack.i.l.bf16.f32 v5;
	v32 =	vunpack.i.u.bf16.f32 v5  }
0x38c: {  	v4 =	vunpack.i.l.bf16.f32 v3;
	v1 =	vadd.f32 v1, v2;
	v2 =	vunpack.i.u.bf16.f32 v3  }
0x38d: {  	v3 =	vsel vm1, v27, v7;
	v7 =	vmul.f32 $9.999999770e-03, v31;
	v4 =	vmul.f32 v6, v4  }
0x38e: {  	vm1 =	vgt.f32 v31, $0.0e+00;
	v2 =	vmul.f32 v3, v2;
	v3 =	vld [tilespmem:s7+$0xFFFFFFA0];
	v5 =	vunpack.i.l.bf16.f32 v8  }
0x38f: {  	v6 =	vsel vm1, v31, v7;
	v1 =	vadd.f32 v4, v1;
	v4 =	vmul.f32 $9.999999770e-03, v32  }
0x390: {  	v17 =	vunpack.i.u.bf16.f32 v12;
	vm1 =	vgt.f32 v32, $0.0e+00;
	v5 =	vmul.f32 v6, v5;
	v6 =	vld [tilespmem:s7+$0xFFFFF5B0]  }
0x391: {  	v10 =	vmul.f32 $9.999999770e-03, v33;
	v7 =	vunpack.i.u.bf16.f32 v8;
	v4 =	vsel vm1, v32, v4  }
0x392: {  	vm1 =	vgt.f32 v33, $0.0e+00;
	v5 =	vadd.f32 $0.0e+00, v5;
	v4 =	vmul.f32 v4, v7  }
0x393: {  	v11 =	vld [tilespmem:s7+$0xFFFFFFB0];
	v8 =	vunpack.i.u.bf16.f32 v9;
	v9 =	vsel vm1, v33, v10;
	v7 =	vunpack.i.l.bf16.f32 v3  }
0x394: {  	v10 =	vmul.f32 $9.999999770e-03, v8;
	v4 =	vadd.f32 v5, v4;
	v5 =	vmul.f32 v9, v7  }
0x395: {  	vm1 =	vgt.f32 v8, $0.0e+00;
	v3 =	vunpack.i.u.bf16.f32 v3;
	v9 =	vunpack.i.l.bf16.f32 v6  }
0x396: {  	v7 =	vsel vm1, v8, v10;
	v4 =	vadd.f32 v5, v4;
	v5 =	vmul.f32 $9.999999770e-03, v9  }
0x397: {  	v3 =	vmul.f32 v7, v3;
	v7 =	vld [tilespmem:s7+$0xFFFFFFC0];
	v10 =	vunpack.i.u.bf16.f32 v6;
	vm1 =	vgt.f32 v9, $0.0e+00  }
0x398: {  	s14 =	simm.s32 $0x1FE0;
	v6 =	vunpack.i.l.bf16.f32 v11;
	v13 =	vmul.f32 $9.999999770e-03, v10;
	v5 =	vsel vm1, v9, v5  }
0x399: {  	v12 =	vld [tilespmem:s14+$0xFFFFF5F0];
	v3 =	vadd.f32 v4, v3;
	vm1 =	vgt.f32 v10, $0.0e+00;
	v4 =	vmul.f32 v5, v6  }
0x39a: {  	v15 =	vmul.f32 $9.999999770e-03, v17;
	v5 =	vunpack.i.u.bf16.f32 v11;
	v6 =	vsel vm1, v10, v13;
	v13 =	vld [tilespmem:s14+$0xFFFFF600]  }
0x39b: {  	v11 =	vmul.f32 $9.999999770e-03, v14;
	v3 =	vadd.f32 v4, v3;
	v4 =	vmul.f32 v6, v5;
	v5 =	vld [tilespmem:s14+$0xFFFFF5D0]  }
0x39c: {  	v16 =	vadd.f32 v1, v2;
	vm1 =	vgt.f32 v14, $0.0e+00;
	v19 =	vunpack.i.u.bf16.f32 v7  }
0x39d: {  	v18 =	vld [tilespmem:s14+$0xFFFFFFD0];
	v6 =	vunpack.i.l.bf16.f32 v7;
	v11 =	vsel vm1, v14, v11;
	vm1 =	vgt.f32 v17, $0.0e+00  }
0x39e: {  	v15 =	vsel vm1, v17, v15;
	v3 =	vadd.f32 v3, v4;
	v4 =	vmul.f32 v11, v6;
	v11 =	vld [tilespmem:s14+$0xFFFFF5E0]  }
0x39f: {  	v1 =	vunpack.i.l.bf16.f32 v12;
	v6 =	vunpack.i.u.bf16.f32 v12;
	v15 =	vmul.f32 v15, v19  }
0x3a0: {  	v29 =	vunpack.i.u.bf16.f32 v13;
	v20 =	vadd.f32 v4, v3;
	v3 =	vunpack.i.l.bf16.f32 v5  }
0x3a1: {  	v2 =	vunpack.i.l.bf16.f32 v13;
	v4 =	vunpack.i.u.bf16.f32 v5;
	v7 =	vmul.f32 $9.999999770e-03, v3  }
0x3a2: {  	v12 =	vld [tilespmem:s14+$0xFFFFFFE0];
	v13 =	vunpack.i.l.bf16.f32 v18;
	vm1 =	vgt.f32 v3, $0.0e+00;
	v30 =	vmul.f32 $9.999999770e-03, v4  }
0x3a3: {  	v15 =	vadd.f32 v20, v15;
	v5 =	vunpack.i.u.bf16.f32 v11;
	v7 =	vsel vm1, v3, v7  }
0x3a4: {  	vm1 =	vgt.f32 v4, $0.0e+00;
	v13 =	vmul.f32 v7, v13;
	v7 =	vunpack.i.l.bf16.f32 v11  }
0x3a5: {  	v11 =	vunpack.i.u.bf16.f32 v18;
	v18 =	vsel vm1, v4, v30;
	v30 =	vmul.f32 $9.999999770e-03, v7  }
0x3a6: {  	v11 =	vmul.f32 v18, v11;
	vm1 =	vgt.f32 v7, $0.0e+00;
	v18 =	vld [tilespmem:s14+$0xFFFFFFF0];
	v13 =	vadd.f32 $0.0e+00, v13  }
0x3a7: {  	(xrf2) =	vadd.scan.msk.f32 $0xffff, v16;
	v16 =	vunpack.i.l.bf16.f32 v12;
	v55 =	vmul.f32 $9.999999770e-03, v5;
	v30 =	vsel vm1, v7, v30  }
0x3a8: {  	vm1 =	vgt.f32 v5, $0.0e+00;
	v11 =	vadd.f32 v13, v11;
	v13 =	vmul.f32 v30, v16  }
0x3a9: {  	v12 =	vunpack.i.u.bf16.f32 v12;
	v16 =	vsel vm1, v5, v55;
	v30 =	vmul.f32 $9.999999770e-03, v1  }
0x3aa: {  	vm1 =	vgt.f32 v1, $0.0e+00;
	v12 =	vmul.f32 v16, v12;
	v11 =	vadd.f32 v13, v11;
	v13 =	vld [tilespmem:s14+$0x0]  }
0x3ab: {  	v56 =	vmul.f32 $9.999999770e-03, v6;
	v16 =	vunpack.i.l.bf16.f32 v18;
	v30 =	vsel vm1, v1, v30  }
0x3ac: {  	(xrf2) =	vadd.scan.msk.f32 $0xffff, v15;
	vm1 =	vgt.f32 v6, $0.0e+00;
	v11 =	vadd.f32 v11, v12;
	v12 =	vmul.f32 v30, v16  }
0x3ad: {  	v16 =	vunpack.i.u.bf16.f32 v18;
	v18 =	vsel vm1, v6, v56;
	v30 =	vmul.f32 $9.999999770e-03, v2  }
0x3ae: {  	v60 =	vld [tilespmem:s14+$0xFFFFFFB0];
	vm1 =	vgt.f32 v2, $0.0e+00;
	v11 =	vadd.f32 v12, v11;
	v12 =	vmul.f32 v18, v16  }
0x3af: {  	v46 =	vld [tilespmem:s14+$0xFFFFFFC0];
	v57 =	vmul.f32 $9.999999770e-03, v29;
	v30 =	vsel vm1, v2, v30;
	v18 =	vunpack.i.l.bf16.f32 v13  }
0x3b0: {  	v16 =	vld [tilespmem:s14+$0xFFFFF590];
	vm1 =	vgt.f32 v29, $0.0e+00;
	v11 =	vadd.f32 v11, v12;
	v12 =	vmul.f32 v30, v18  }
0x3b1: {  	v13 =	vunpack.i.u.bf16.f32 v13;
	v19 =	vsel vm1, v29, v57  }
0x3b2: {  	v13 =	vmul.f32 v19, v13;
	v12 =	vadd.f32 v12, v11  }
0x3b3: {  	v30 =	vld [tilespmem:s14+$0xFFFFFF90];
	v18, _, _ =	vpop (xrf2)  }
0x3b4: {  	v18 =	vmul.f32 $1.442695020e+00, v18;
	v12 =	vadd.f32 v12, v13  }
0x3b5: {  	v36 =	vunpack.i.u.bf16.f32 v60;
	v50 =	vunpack.i.l.bf16.f32 v46;
	v19 =	vld [tilespmem:s14+$0xFFFFF5A0];
	v11 =	vunpack.i.l.bf16.f32 v16  }
0x3b6: {  	v54 =	vunpack.i.u.bf16.f32 v46;
	v62, _, _ =	vpop (xrf2);
	v13 =	vmul.f32 $9.999999770e-03, v11;
	v18 =	vbroadcast v18, $0xF;
	(xrf2) =	vadd.scan.msk.f32 $0xffff, v12  }
0x3b7: {  	v15 =	vld [tilespmem:s14+$0xFFFFFFA0];
	vm1 =	vgt.f32 v11, $0.0e+00;
	v35 =	vmul.f32 $1.442695020e+00, v62;
	v12 =	vunpack.i.u.bf16.f32 v16  }
0x3b8: {  	v16 =	vunpack.i.l.bf16.f32 v30;
	v13 =	vsel vm1, v11, v13;
	(erf) = vpow2.f32 v18  }
0x3b9: {  	v30 =	vunpack.i.u.bf16.f32 v30;
	v18 =	vmul.f32 $9.999999770e-03, v12;
	v16 =	vmul.f32 v13, v16  }
0x3ba: {  	v20 =	vld [tilespmem:s14+$0xFFFFF5B0];
	v35 =	vbroadcast v35, $0xF;
	vm1 =	vgt.f32 v12, $0.0e+00;
	v13 =	vunpack.i.l.bf16.f32 v19  }
0x3bb: {  	v58 =	vmul.f32 $9.999999770e-03, v13;
	v18 =	vsel vm1, v12, v18;
	v59 =	vadd.f32 $0.0e+00, v16  }
0x3bc: {  	vm1 =	vgt.f32 v13, $0.0e+00;
	v16 =	vunpack.i.u.bf16.f32 v19;
	v19 =	vunpack.i.l.bf16.f32 v15  }
0x3bd: {  	v18 =	vmul.f32 v18, v30;
	v30 =	vsel vm1, v13, v58;
	v61 =	vmul.f32 $9.999999770e-03, v16  }
0x3be: {  	v63 =	vld [tilespmem:s14+$0xFFFFF5C0];
	vm1 =	vgt.f32 v16, $0.0e+00;
	v19 =	vmul.f32 v30, v19;
	v30 =	vunpack.i.u.bf16.f32 v15  }
0x3bf: {  	v15 =	vunpack.i.l.bf16.f32 v20;
	v18 =	vadd.f32 v59, v18;
	v34 =	vsel vm1, v16, v61  }
0x3c0: {  	v44 =	vmul.f32 $9.999999770e-03, v15;
	vm1 =	vgt.f32 v15, $0.0e+00;
	v30 =	vmul.f32 v34, v30;
	v45, _, _ =	vpop (xrf2)  }
0x3c1: {  	s31 =	simm.s32 $0x2060;
	v19 =	vadd.f32 v19, v18;
	v18 =	vunpack.i.u.bf16.f32 v20;
	v34 =	vmul.f32 $1.442695020e+00, v45  }
0x3c2: {  	v55 =	vld [tilespmem:s31+$0xFFFFF600];
	v20 =	vunpack.i.l.bf16.f32 v60;
	v38 =	vsel vm1, v15, v44;
	v47 =	vmul.f32 $9.999999770e-03, v18  }
0x3c3: {  	v56 =	vld [tilespmem:s31+$0xFFFFF5D0];
	v30 =	vadd.f32 v19, v30;
	v19 =	vunpack.i.l.bf16.f32 v63;
	v34 =	vbroadcast v34, $0xF  }
0x3c4: {  	v20 =	vmul.f32 v38, v20;
	vm1 =	vgt.f32 v18, $0.0e+00;
	v53 =	vpop (erf);
	v49 =	vmul.f32 $9.999999770e-03, v19  }
0x3c5: {  	v57 =	vld [tilespmem:s31+$0xFFFFF5F0];
	v48 =	vsel vm1, v18, v47;
	v46 =	vmul.f32 v53, v27;
	(erf) = vpow2.f32 v34  }
0x3c6: {  	vm1 =	vgt.f32 v19, $0.0e+00;
	v47 =	vmul.f32 v53, v24;
	v45 =	vmul.f32 v53, v28  }
0x3c7: {  	v44 =	vmul.f32 v53, v25;
	v41 =	vmul.f32 v53, v23;
	v28 =	vunpack.i.u.bf16.f32 v55  }
0x3c8: {  	v43 =	vmul.f32 v53, v22;
	v42 =	vmul.f32 v53, v21;
	v25 =	vunpack.i.l.bf16.f32 v56  }
0x3c9: {  	v21 =	vunpack.i.l.bf16.f32 v55;
	v30 =	vadd.f32 v20, v30;
	v20 =	vunpack.i.u.bf16.f32 v63  }
0x3ca: {  	v22 =	vunpack.i.u.bf16.f32 v57;
	v36 =	vmul.f32 v48, v36;
	v52 =	vmul.f32 $9.999999770e-03, v20  }
0x3cb: {  	v58 =	vld [tilespmem:s31+$0xFFFFF5E0];
	v23 =	vunpack.i.l.bf16.f32 v57;
	v51 =	vsel vm1, v19, v49;
	vm1 =	vgt.f32 v20, $0.0e+00  }
0x3cc: {  	v49 =	vld [tilespmem:s31+$0xFFFFFFD0];
	v30 =	vadd.f32 v30, v36;
	v34 =	vmul.f32 v51, v50;
	v38 =	vsel vm1, v20, v52  }
0x3cd: {  	v48 =	vnsel vm0, $0x0, v53;
	v57 =	vmul.f32 $9.999999770e-03, v23;
	v27 =	vmul.f32 v38, v54  }
0x3ce: {  	(erf) = vpow2.f32 v35;
	v38 =	vmul.f32 v53, v26;
	v30 =	vadd.f32 v34, v30;
	v24 =	vpop (erf)  }
0x3cf: {  	vm1 =	vgt.f32 v25, $0.0e+00;
	v50 =	vmul.f32 v24, v29;
	v29 =	vmul.f32 $9.999999770e-03, v25  }
0x3d0: {  	v59 =	vld [tilespmem:s31+$0xFFFFFFE0];
	v26 =	vunpack.i.u.bf16.f32 v58;
	v40 =	vadd.f32 v30, v27;
	v27 =	vunpack.i.u.bf16.f32 v56  }
0x3d1: {  	v30 =	vunpack.i.l.bf16.f32 v49;
	v60 =	vmul.f32 $9.999999770e-03, v27;
	v29 =	vsel vm1, v25, v29  }
0x3d2: {  	vm1 =	vgt.f32 v27, $0.0e+00;
	v29 =	vmul.f32 v29, v30;
	v30 =	vunpack.i.l.bf16.f32 v58  }
0x3d3: {  	v63 =	vld [tilespmem:s31+$0xFFFFFFF0];
	v61 =	vunpack.i.u.bf16.f32 v49;
	v36 =	vsel vm1, v27, v60;
	v62 =	vmul.f32 $9.999999770e-03, v30  }
0x3d4: {  	v52 =	vld [tilespmem:s31+$0xFFFFF5A0];
	v35 =	vmul.f32 v36, v61;
	vm1 =	vgt.f32 v30, $0.0e+00;
	v29 =	vadd.f32 $0.0e+00, v29  }
0x3d5: {  	v53 =	vunpack.i.l.bf16.f32 v59;
	v54 =	vmul.f32 $9.999999770e-03, v26;
	v37 =	vsel vm1, v30, v62  }
0x3d6: {  	vm1 =	vgt.f32 v26, $0.0e+00;
	v29 =	vadd.f32 v29, v35;
	v55 =	vmul.f32 v37, v53  }
0x3d7: {  	v34 =	vunpack.i.u.bf16.f32 v59;
	v59 =	vmul.f32 $9.999999770e-03, v22;
	v56 =	vsel vm1, v26, v54  }
0x3d8: {  	vm1 =	vgt.f32 v23, $0.0e+00;
	v35 =	vld [tilespmem:s31+$0x0];
	v34 =	vmul.f32 v56, v34;
	v29 =	vadd.f32 v55, v29  }
0x3d9: {  	(xrf2) =	vadd.scan.msk.f32 $0xffff, v40;
	v40 =	vunpack.i.l.bf16.f32 v52;
	v58 =	vunpack.i.l.bf16.f32 v63;
	v39 =	vsel vm1, v23, v57  }
0x3da: {  	v51 =	vld [tilespmem:s31+$0xFFFFF590];
	vm1 =	vgt.f32 v22, $0.0e+00;
	v60 =	vmul.f32 v39, v58;
	v29 =	vadd.f32 v29, v34  }
0x3db: {  	v36 =	vunpack.i.u.bf16.f32 v63;
	v62 =	vmul.f32 $9.999999770e-03, v21;
	v61 =	vsel vm1, v22, v59  }
0x3dc: {  	v49 =	vld [tilespmem:s31+$0xFFFFFF90];
	vm1 =	vgt.f32 v21, $0.0e+00;
	v63 =	vmul.f32 v61, v36;
	v29 =	vadd.f32 v60, v29  }
0x3dd: {  	v58 =	vmul.f32 $9.999999770e-03, v28;
	v57 =	vsel vm1, v21, v62;
	v56 =	vunpack.i.l.bf16.f32 v35  }
0x3de: {  	vm1 =	vgt.f32 v28, $0.0e+00;
	v36 =	vmul.f32 v57, v56;
	v34 =	vadd.f32 v29, v63  }
0x3df: {  	v39 =	vunpack.i.u.bf16.f32 v51;
	v59 =	vsel vm1, v28, v58;
	v35 =	vunpack.i.u.bf16.f32 v35  }
0x3e0: {  	v35 =	vmul.f32 v59, v35;
	v29 =	vunpack.i.l.bf16.f32 v51;
	v63 =	vld [tilespmem:s31+$0xFFFFF5B0];
	v34 =	vadd.f32 v36, v34  }
0x3e1: {  	v62 =	vmul.f32 $9.999999770e-03, v39;
	v60 =	vunpack.i.l.bf16.f32 v49;
	v53 =	vmul.f32 $9.999999770e-03, v29;
	v36 =	vld [tilespmem:s31+$0xFFFFFFA0]  }
0x3e2: {  	v49 =	vunpack.i.u.bf16.f32 v49;
	vm1 =	vgt.f32 v29, $0.0e+00;
	v34 =	vadd.f32 v34, v35  }
0x3e3: {  	v57 =	vmul.f32 $9.999999770e-03, v40;
	v61 =	vsel vm1, v29, v53;
	vm1 =	vgt.f32 v39, $0.0e+00  }
0x3e4: {  	v37 =	vmul.f32 v61, v60;
	v56 =	vsel vm1, v39, v62;
	vm1 =	vgt.f32 v40, $0.0e+00;
	(xrf2) =	vadd.scan.msk.f32 $0xffff, v34  }
0x3e5: {  	v49 =	vmul.f32 v56, v49;
	v53 =	vsel vm1, v40, v57;
	v35 =	vunpack.i.u.bf16.f32 v63  }
0x3e6: {  	s7 =	simm.s32 $0x4000;
	v51 =	vld [tilespmem:s31+$0xFFFFFFB0];
	v37 =	vadd.f32 $0.0e+00, v37;
	v34 =	vunpack.i.u.bf16.f32 v52;
	v58 =	vunpack.i.l.bf16.f32 v36  }
0x3e7: {  	[tilespmem:s7+$0x70] =	vst v46;
	v46 =	vld [tilespmem:s31+$0xFFFFFFC0];
	v60 =	vmul.f32 $9.999999770e-03, v34;
	v54 =	vunpack.i.u.bf16.f32 v36;
	v36 =	vunpack.i.l.bf16.f32 v63  }
0x3e8: {  	vm1 =	vgt.f32 v34, $0.0e+00;
	v37 =	vadd.f32 v37, v49;
	v62 =	vmul.f32 $9.999999770e-03, v36  }
0x3e9: {  	v59 =	vmul.f32 v53, v58;
	v53 =	vld [tilespmem:s31+$0xFFFFF5C0];
	v61 =	vsel vm1, v34, v60;
	vm1 =	vgt.f32 v36, $0.0e+00  }
0x3ea: {  	v55 =	vmul.f32 $9.999999770e-03, v35;
	v52 =	vsel vm1, v36, v62  }
0x3eb: {  	v63 =	vunpack.i.l.bf16.f32 v51;
	v58 =	vunpack.i.u.bf16.f32 v51;
	v37 =	vadd.f32 v59, v37  }
0x3ec: {  	[tilespmem:s7+$0x80] =	vst v48;
	v49 =	vmul.f32 v61, v54;
	vm1 =	vgt.f32 v35, $0.0e+00;
	v54 =	vunpack.i.l.bf16.f32 v46  }
0x3ed: {  	[tilespmem:s7+$0x0] =	vst v47;
	v46 =	vunpack.i.u.bf16.f32 v46;
	v57 =	vmul.f32 v52, v63;
	v59 =	vsel vm1, v35, v55;
	v52, _, _ =	vpop (xrf2)  }
0x3ee: {  	s2 =	simm.s32 $0x4120;
	[tilespmem:s7+$0x10] =	vst v38;
	v56 =	vadd.f32 v37, v49;
	v61 =	vmul.f32 v59, v58;
	v37 =	vunpack.i.l.bf16.f32 v53;
	v63, _, _ =	vpop (xrf2)  }
0x3ef: {  	[tilespmem:s2+$0x70] =	vst v50;
	v38 =	vunpack.i.u.bf16.f32 v53;
	v62 =	vmul.f32 $9.999999770e-03, v37;
	v50 =	vmul.f32 $1.442695020e+00, v63  }
0x3f0: {  	[tilespmem:s7+$0x20] =	vst v45;
	v60 =	vadd.f32 v57, v56;
	vm1 =	vgt.f32 v37, $0.0e+00;
	v55 =	vmul.f32 $9.999999770e-03, v38  }
0x3f1: {  	[tilespmem:s7+$0x30] =	vst v44;
	v58 =	vmul.f32 $1.442695020e+00, v52;
	v49 =	vsel vm1, v37, v62;
	v57 =	vbroadcast v50, $0xF  }
0x3f2: {  	[tilespmem:s7+$0x40] =	vst v41;
	v56 =	vadd.f32 v60, v61;
	vm1 =	vgt.f32 v38, $0.0e+00;
	v45 =	vmul.f32 v49, v54  }
0x3f3: {  	[tilespmem:s7+$0x50] =	vst v43;
	v41 =	vpop (erf);
	v61 =	vbroadcast v58, $0xF;
	v59 =	vsel vm1, v38, v55;
	(erf) = vpow2.f32 v57  }
0x3f4: {  	[tilespmem:s7+$0x60] =	vst v42;
	v62 =	vnsel vm0, $0x0, v41;
	v60 =	vmul.f32 v59, v46;
	v45 =	vadd.f32 v45, v56  }
0x3f5: {  	v44 =	vmul.f32 v41, v31;
	v43 =	vmul.f32 v41, v32;
	v63 =	vnsel vm0, $0x0, v24;
	[tilespmem:s7+$0xFFFFFFF0] =	vst v62  }
0x3f6: {  	s30 =	simm.s32 $0x4;
	s14 =	simm.s32 $0x20E0;
	v33 =	vmul.f32 v41, v33;
	[tilespmem:s2+$0x80] =	vst v63;
	v42 =	vadd.f32 v45, v60;
	(erf) = vpow2.f32 v61  }
.LBB2_11:
0x3f7: {  	v45 =	vld [tilespmem:s14+$0xFFFFF600];
	[tilespmem:s7+$0xFFFFFF70] =	vst v44;
	v8 =	vmul.f32 v41, v8;
	v9 =	vmul.f32 v41, v9;
	v31 =	vmovc v12;
	v12 =	vmov v39  }
0x3f8: {  	s30 =	sadd.s32 $0x2, s30;
	v10 =	vmul.f32 v41, v10;
	v14 =	vmul.f32 v41, v14;
	v32 =	vmovc v13;
	v39 =	vld [tilespmem:s14+$0xFFFFF5D0];
	(xrf2) =	vadd.scan.msk.f32 $0xffff, v42;
	[tilespmem:s7+$0xFFFFFF80] =	vst v43  }
0x3f9: {  	v17 =	vmul.f32 v41, v17;
	v13 =	vmovc v40;
	p0 =	slt.u32 s30, $0x26;
	v43 =	vmul.f32 v24, v3;
	v3 =	vmov v25;
	v42 =	vld [tilespmem:s14+$0xFFFFF5F0];
	[tilespmem:s7+$0xFFFFFF90] =	vst v33  }
0x3fa: {  	v40 =	vmul.f32 v24, v4;
	v44 =	vmul.f32 v24, v7;
	v4 =	vmovc v27;
	v7 =	vmov v30;
	v33 =	vld [tilespmem:s14+$0xFFFFF5E0];
	[tilespmem:s7+$0xFFFFFFA0] =	vst v8  }
0x3fb: {  	v47 =	vmul.f32 v24, v5;
	v48 =	vmul.f32 v24, v1;
	v1 =	vmovc v23;
	v5 =	vmov v26;
	v46 =	vld [tilespmem:s14+$0xFFFFFFD0];
	[tilespmem:s7+$0xFFFFFFB0] =	vst v9  }
0x3fc: {  	v50 =	vmul.f32 v24, v6;
	v51 =	vmul.f32 v24, v2;
	v49 =	vld [tilespmem:s14+$0xFFFFF590];
	v26 =	vunpack.i.u.bf16.f32 v45;
	v24 =	vpop (erf);
	[tilespmem:s7+$0xFFFFFFC0] =	vst v10  }
0x3fd: {  	v2 =	vmovc v21;
	v21 =	vunpack.i.l.bf16.f32 v45;
	v52 =	vld [tilespmem:s14+$0xFFFFFF90];
	v25 =	vunpack.i.l.bf16.f32 v39;
	v30 =	vmul.f32 v24, v28;
	[tilespmem:s7+$0xFFFFFFD0] =	vst v14;
	v28 =	vmovc v26  }
0x3fe: {  	v6 =	vmovc v22;
	v8 =	vmovc v16;
	v45 =	vld [tilespmem:s14+$0xFFFFF5A0];
	v55 =	vmul.f32 $9.999999770e-03, v25;
	v23 =	vunpack.i.l.bf16.f32 v42;
	[tilespmem:s7+$0xFFFFFFE0] =	vst v17;
	v22 =	vunpack.i.u.bf16.f32 v42;
	s7 =	smov.u32 s2;
	s2 =	sadd.s32 $0x120, s2  }
0x3ff: {  	v27 =	vunpack.i.u.bf16.f32 v39;
	vm1 =	vgt.f32 v25, $0.0e+00;
	v39 =	vld [tilespmem:s14+$0xFFFFFFE0];
	v26 =	vunpack.i.u.bf16.f32 v33;
	[tilespmem:s2+$0x70] =	vst v30;
	v41 =	vpop (erf)  }
0x400: {  	v16 =	vmovc v34;
	v9 =	vmovc v15;
	v17 =	vmul.f32 $9.999999770e-03, v27;
	v42 =	vld [tilespmem:s14+$0xFFFFFFA0];
	v14 =	vunpack.i.l.bf16.f32 v46;
	v53 =	vsel vm1, v25, v55;
	[tilespmem:s7+$0x0] =	vst v43  }
0x401: {  	v15 =	vmovc v36;
	v10 =	vmovc v18;
	v30 =	vunpack.i.l.bf16.f32 v33;
	vm1 =	vgt.f32 v27, $0.0e+00;
	v43 =	vld [tilespmem:s14+$0xFFFFF5B0];
	v54 =	vmul.f32 v53, v14;
	[tilespmem:s7+$0x10] =	vst v40  }
0x402: {  	v46 =	vunpack.i.u.bf16.f32 v46;
	v34 =	vmul.f32 $9.999999770e-03, v30;
	v55 =	vsel vm1, v27, v17;
	v53 =	vld [tilespmem:s14+$0xFFFFFFB0];
	v33, _, _ =	vpop (xrf2);
	[tilespmem:s7+$0x20] =	vst v44  }
0x403: {  	v18 =	vmovc v35;
	vm1 =	vgt.f32 v30, $0.0e+00;
	v40 =	vmul.f32 v55, v46;
	v36 =	vadd.f32 $0.0e+00, v54;
	v44 =	vld [tilespmem:s14+$0xFFFFFFF0];
	[tilespmem:s7+$0x30] =	vst v47;
	v14 =	vmovc v19  }
0x404: {  	v34 =	vsel vm1, v30, v34;
	v17 =	vmovc v20;
	v47 =	vmul.f32 $9.999999770e-03, v26;
	v19 =	vmovc v37;
	v46 =	vld [tilespmem:s14+$0xFFFFF5C0];
	v35 =	vunpack.i.l.bf16.f32 v39;
	[tilespmem:s7+$0x40] =	vst v48  }
0x405: {  	vm1 =	vgt.f32 v26, $0.0e+00;
	v20 =	vmovc v38;
	v48 =	vld [tilespmem:s14+$0xFFFFFFC0];
	v36 =	vadd.f32 v36, v40;
	v34 =	vmul.f32 v34, v35;
	[tilespmem:s7+$0x50] =	vst v50  }
0x406: {  	v38 =	vmul.f32 $9.999999770e-03, v23;
	v35 =	vunpack.i.u.bf16.f32 v39;
	v37 =	vsel vm1, v26, v47;
	[tilespmem:s7+$0x60] =	vst v51  }
0x407: {  	vm1 =	vgt.f32 v23, $0.0e+00;
	v35 =	vmul.f32 v37, v35;
	v34 =	vadd.f32 v34, v36;
	v36 =	vld [tilespmem:s14+$0x0]  }
0x408: {  	v39 =	vmul.f32 $9.999999770e-03, v22;
	v38 =	vsel vm1, v23, v38;
	v37 =	vunpack.i.l.bf16.f32 v44  }
0x409: {  	vm1 =	vgt.f32 v22, $0.0e+00;
	v34 =	vadd.f32 v34, v35;
	v35 =	vmul.f32 v38, v37  }
0x40a: {  	v37 =	vunpack.i.u.bf16.f32 v44;
	v38 =	vsel vm1, v22, v39;
	v39 =	vmul.f32 $9.999999770e-03, v21  }
0x40b: {  	vm1 =	vgt.f32 v21, $0.0e+00;
	v34 =	vadd.f32 v35, v34;
	v35 =	vmul.f32 v38, v37  }
0x40c: {  	v38 =	vsel vm1, v21, v39;
	v39 =	vmul.f32 $9.999999770e-03, v28;
	v37 =	vunpack.i.l.bf16.f32 v36  }
0x40d: {  	vm1 =	vgt.f32 v28, $0.0e+00;
	v34 =	vadd.f32 v34, v35;
	v35 =	vmul.f32 v38, v37  }
0x40e: {  	v47 =	vunpack.i.l.bf16.f32 v49;
	v36 =	vunpack.i.u.bf16.f32 v36;
	v37 =	vsel vm1, v28, v39  }
0x40f: {  	v38 =	vmul.f32 $9.999999770e-03, v47;
	v34 =	vadd.f32 v35, v34;
	v35 =	vmul.f32 v37, v36  }
0x410: {  	v39 =	vunpack.i.u.bf16.f32 v49;
	vm1 =	vgt.f32 v47, $0.0e+00;
	v36 =	vunpack.i.l.bf16.f32 v52  }
0x411: {  	v37 =	vsel vm1, v47, v38;
	v38 =	vmul.f32 $9.999999770e-03, v39;
	v34 =	vadd.f32 v34, v35  }
0x412: {  	v40 =	vunpack.i.l.bf16.f32 v45;
	vm1 =	vgt.f32 v39, $0.0e+00;
	v35 =	vmul.f32 v37, v36  }
0x413: {  	v36 =	vunpack.i.u.bf16.f32 v52;
	v37 =	vsel vm1, v39, v38;
	v38 =	vmul.f32 $9.999999770e-03, v40;
	(xrf2) =	vadd.scan.msk.f32 $0xffff, v34  }
0x414: {  	vm1 =	vgt.f32 v40, $0.0e+00;
	v36 =	vmul.f32 v37, v36;
	v35 =	vadd.f32 $0.0e+00, v35  }
0x415: {  	v37 =	vunpack.i.l.bf16.f32 v42;
	v34 =	vunpack.i.u.bf16.f32 v45;
	v38 =	vsel vm1, v40, v38  }
0x416: {  	v37 =	vmul.f32 v38, v37;
	v38 =	vmul.f32 $9.999999770e-03, v34;
	v35 =	vadd.f32 v35, v36  }
0x417: {  	v42 =	vunpack.i.u.bf16.f32 v42;
	vm1 =	vgt.f32 v34, $0.0e+00;
	v36 =	vunpack.i.l.bf16.f32 v43  }
0x418: {  	v37 =	vadd.f32 v37, v35;
	v35 =	vsel vm1, v34, v38;
	v38 =	vmul.f32 $9.999999770e-03, v36  }
0x419: {  	vm1 =	vgt.f32 v36, $0.0e+00;
	v42 =	vmul.f32 v35, v42;
	v35 =	vunpack.i.u.bf16.f32 v43  }
0x41a: {  	v43 =	vunpack.i.l.bf16.f32 v53;
	v38 =	vsel vm1, v36, v38;
	v44 =	vmul.f32 $9.999999770e-03, v35  }
0x41b: {  	vm1 =	vgt.f32 v35, $0.0e+00;
	v42 =	vadd.f32 v37, v42;
	v38 =	vmul.f32 v38, v43  }
0x41c: {  	v43 =	vunpack.i.u.bf16.f32 v53;
	v37 =	vunpack.i.l.bf16.f32 v46;
	v44 =	vsel vm1, v35, v44  }
0x41d: {  	v42 =	vadd.f32 v38, v42;
	v43 =	vmul.f32 v44, v43;
	v44 =	vmul.f32 $9.999999770e-03, v37;
	v45, _, _ =	vpop (xrf2)  }
0x41e: {  	vm1 =	vgt.f32 v37, $0.0e+00;
	v38 =	vunpack.i.u.bf16.f32 v46;
	v45 =	vmul.f32 $1.442695020e+00, v45  }
0x41f: {  	v46 =	vunpack.i.l.bf16.f32 v48;
	v49 =	vmul.f32 $9.999999770e-03, v38;
	v44 =	vsel vm1, v37, v44  }
0x420: {  	v42 =	vadd.f32 v42, v43;
	v43 =	vmul.f32 v44, v46;
	v44 =	vbroadcast v45, $0xF  }
.Ltmp4:
0x421: {  	v33 =	vmul.f32 $1.442695020e+00, v33;
	vm1 =	vgt.f32 v38, $0.0e+00;
	v45 =	vunpack.i.u.bf16.f32 v48;
	(pc) =	sbr.rel @p0 .LBB2_11-.Ltmp4, $4  }
0x422: {  	v42 =	vadd.f32 v43, v42;
	v43 =	vsel vm1, v38, v49;
	(erf) = vpow2.f32 v44  }
0x423: {  	v33 =	vbroadcast v33, $0xF;
	v46 =	vnsel vm0, $0x0, v41;
	v45 =	vmul.f32 v43, v45  }
0x424: {  	v48 =	vnsel vm0, $0x0, v24;
	v44 =	vmul.f32 v41, v11;
	v43 =	vmul.f32 v41, v31;
	v11 =	vmovc v29;
	[tilespmem:s7+$0xFFFFFFF0] =	vst v46  }
0x425: {  	s14 =	sadd.s32 $0x80, s14;
	v29 =	vmovc v47;
	v42 =	vadd.f32 v42, v45;
	[tilespmem:s2+$0x80] =	vst v48;
	(erf) = vpow2.f32 v33;
	v33 =	vmul.f32 v41, v32  }
0x426: {  	[tilespmem:s7+$0xFFFFFF70] =	vst v44  }
0x427: {  	v8 =	vmul.f32 v41, v8;
	[tilespmem:s7+$0xFFFFFF80] =	vst v43  }
0x428: {  	v9 =	vmul.f32 v41, v9;
	[tilespmem:s7+$0xFFFFFF90] =	vst v33  }
0x429: {  	v10 =	vmul.f32 v41, v10;
	[tilespmem:s7+$0xFFFFFFA0] =	vst v8  }
0x42a: {  	v53 =	vmul.f32 v41, v14;
	[tilespmem:s7+$0xFFFFFFB0] =	vst v9  }
0x42b: {  	v54 =	vmul.f32 v41, v17;
	[tilespmem:s7+$0xFFFFFFC0] =	vst v10  }
0x42c: {  	v3 =	vmul.f32 v24, v3;
	[tilespmem:s7+$0xFFFFFFD0] =	vst v53  }
0x42d: {  	v4 =	vmul.f32 v24, v4;
	(xrf2) =	vadd.scan.msk.f32 $0xffff, v42;
	[tilespmem:s7+$0xFFFFFFE0] =	vst v54  }
0x42e: {  	v7 =	vmul.f32 v24, v7;
	[tilespmem:s2+$0x0] =	vst v3  }
0x42f: {  	v1 =	vmul.f32 v24, v1;
	[tilespmem:s2+$0x10] =	vst v4  }
0x430: {  	v57 =	vmul.f32 v24, v6;
	[tilespmem:s2+$0x20] =	vst v7  }
0x431: {  	v2 =	vmul.f32 v24, v2;
	[tilespmem:s2+$0x40] =	vst v1  }
0x432: {  	v3 =	vmul.f32 v24, v5;
	[tilespmem:s2+$0x50] =	vst v57;
	v55 =	vpop (erf)  }
0x433: {  	[tilespmem:s2+$0x60] =	vst v2;
	v1 =	vpop (erf)  }
0x434: {  	s14 =	sadd.s32 $0x120, s2;
	[tilespmem:s2+$0x30] =	vst v3;
	v56 =	vmul.f32 v55, v28;
	v3 =	vnsel vm0, $0x0, v55;
	v2 =	vnsel vm0, $0x0, v1  }
0x435: {  	[tilespmem:s14+$0x80] =	vst v3  }
0x436: {  	[tilespmem:s14+$0x70] =	vst v56;
	v58 =	vmul.f32 v1, v11  }
0x437: {  	v59 =	vmul.f32 v1, v12;
	[tilespmem:s2+$0xFFFFFFF0] =	vst v2;
	v2, _, _ =	vpop (xrf2)  }
0x438: {  	v3 =	vmul.f32 v1, v13;
	[tilespmem:s2+$0xFFFFFF70] =	vst v58;
	v2 =	vmul.f32 $1.442695020e+00, v2  }
0x439: {  	v60 =	vmul.f32 v1, v16;
	[tilespmem:s2+$0xFFFFFF80] =	vst v59  }
0x43a: {  	[tilespmem:s2+$0xFFFFFF90] =	vst v3;
	v3 =	vmul.f32 v1, v18;
	v2 =	vbroadcast v2, $0xF  }
0x43b: {  	v61 =	vmul.f32 v1, v15;
	[tilespmem:s2+$0xFFFFFFA0] =	vst v60  }
0x43c: {  	[tilespmem:s2+$0xFFFFFFC0] =	vst v3;
	v3 =	vmul.f32 v55, v25;
	(erf) = vpow2.f32 v2  }
0x43d: {  	[tilespmem:s2+$0xFFFFFFB0] =	vst v61;
	v2 =	vmul.f32 v1, v19  }
0x43e: {  	[tilespmem:s14+$0x0] =	vst v3;
	v3 =	vmul.f32 v55, v26  }
0x43f: {  	[tilespmem:s2+$0xFFFFFFD0] =	vst v2;
	v2 =	vmul.f32 v55, v27  }
0x440: {  	v1 =	vmul.f32 v1, v20;
	[tilespmem:s14+$0x30] =	vst v3  }
0x441: {  	v3 =	vmul.f32 v55, v21;
	[tilespmem:s14+$0x10] =	vst v2;
	v2 =	vmul.f32 v55, v23  }
0x442: {  	[tilespmem:s2+$0xFFFFFFE0] =	vst v1;
	v1 =	vmul.f32 v55, v30  }
0x443: {  	[tilespmem:s14+$0x60] =	vst v3  }
0x444: {  	[tilespmem:s14+$0x20] =	vst v1;
	v1 =	vmul.f32 v55, v22  }
0x445: {  	[tilespmem:s14+$0x40] =	vst v2;
	v2 =	vpop (erf)  }
0x446: {  	[tilespmem:s14+$0x50] =	vst v1;
	v1 =	vnsel vm0, $0x0, v2;
	v3 =	vmul.f32 v2, v29  }
0x447: {  	v62 =	vmul.f32 v2, v39;
	[tilespmem:s14+$0xFFFFFFF0] =	vst v1  }
0x448: {  	v63 =	vmul.f32 v2, v36;
	[tilespmem:s14+$0xFFFFFF70] =	vst v3  }
0x449: {  	v1 =	vmul.f32 v2, v40;
	[tilespmem:s14+$0xFFFFFF80] =	vst v62  }
0x44a: {  	s0 =	sadd.s32 $0x1, s0;
	v3 =	vmul.f32 v2, v34;
	[tilespmem:s14+$0xFFFFFFB0] =	vst v63  }
0x44b: {  	p0 =	sne.s32 s0, $0x7D;
	[tilespmem:s14+$0xFFFFFF90] =	vst v1;
	v1 =	vmul.f32 v2, v35  }
.Ltmp5:
0x44c: {  	[tilespmem:s14+$0xFFFFFFA0] =	vst v3;
	v3 =	vmul.f32 v2, v37;
	(pc) =	sbr.rel @p0 .LBB2_4-.Ltmp5, $4  }
0x44d: {  	v2 =	vmul.f32 v2, v38;
	[tilespmem:s14+$0xFFFFFFC0] =	vst v1  }
0x44e: {  	[tilespmem:s14+$0xFFFFFFD0] =	vst v3  }
0x44f: {  	[tilespmem:s14+$0xFFFFFFE0] =	vst v2  }
0x450: {  	[spmem:s3] =	stream.indirect.scatter.add.f32 [tilespmem:s28], [sflag:$0x6], $0x90, s26, s11, $0xb8;
	[tilespmem:$0x1BDF0] =	vst v63  }
0x451: {  	_ =	swait.ge [sflag:s29], $0x1680  }
0x452: {  	[sflag:s29] =	ssyncset.done $0x0  }
0x453: {  	s0 =	simm.s32 $0x6;
	[sflag:s29] =	ssyncadd.s32 $0xFFFFE980  }
0x454: {  	_ =	swait.ge [sflag:s0], $0x1680  }
0x455: {  	[sflag:s0] =	ssyncset.done $0x0  }
0x456: {  	[sflag:s0] =	ssyncadd.s32 $0xFFFFE980  }
0x457: {  	s14 =	stileid.u32;
	[bflag:$0x0] =	sbarrier.arrive $0xFFFF  }
0x458: {  	s0 =	sshll.u32 s14, $0x6;
	s14 =	rddreg [dreg:$0x4]  }
0x459: {  	s0 =	sor.u32 $0x1C07, s0;
	s7 =	rddreg [dreg:$0x11];
	s2 =	sshrl.u32 s14, $0x3  }
0x45a: {  	[hbm:s7], [sflag:s0] =	dma.local [spmem:s2], $0x2D00  }
0x45b: {  	_ =	swait.ge [sflag:s9], $0x2D00  }
0x45c: {  	s30 =	rddreg [dreg:$0x1a]  }
0x45d: {  	s31 =	rddreg [dreg:$0x12];
	s2 =	sadd.s32 $0x1, s30  }
0x45e: {  	p0 =	sne.s32 s2, s31  }
.Ltmp6:
0x45f: {  	_ = 	snop;
	(pc) =	sbr.rel @p0 .LBB2_1-.Ltmp6, $3  }
0x460: {  	_ =	sdelay $0x1  }
0x461: {  	[sflag:s9] =	ssyncset.done $0x0  }
0x462: {  	[sflag:s9] =	ssyncadd.s32 $0xFFFFD300  }
0x463: {  	_ =	sfence.sel $0x180000  }
0x464: {  	[bflag:$0x0] =	sbarrier.arrive $0xFFFF  }
0x465: {  	_ =	strace $0x90000047  }
0x466: {  	s0 =	stileid.u32;
	[bflag:$0x2] =	sbarrier.arrive $0xFFFF  }
0x467: {  	p0 =	sne.s32 s0, $0x0;
	s0 =	rddreg [dreg:$0x3]  }
0x468: {  	s0 =	sadd.s32 @!p0 $0x100000, s0  }
0x469: {  	[sflag:s0] =	ssyncadd.tile.s32 @!p0 $0x1;
	_ =	shalt  }
.Lfunc_end2:
_tile_overlayer_lowered:
.L_overlay_start_2:
0x46a: {  	(tag) =	ssettag $0x2  }
0x46b: {  	s0 =	rddreg [dreg:$0x0];
	s2 =	stileid.u32  }
0x46c: {  	s1 =	rddreg [dreg:$0x1];
	p0 =	sne.s32 s2, $0x0  }
0x46d: {  	s3 =	rddreg [dreg:$0x2];
	[bflag:$0x3] =	sbarrier.arrive $0xFFFF;
	s2 =	simm.s32 @!p0 $0x1C07  }
0x46e: {  	[timem:s3], [sflag:s2] =	dma.local @!p0 [hbm:s0], s1  }
0x46f: {  	s0 =	simm.s32 @!p0 $0x7  }
0x470: {  	_ =	swait.ge @!p0 [sflag:s0], s1  }
0x471: {  	s1 =	ssub.s32 @!p0 $0x0, s1;
	[sflag:s0] =	ssyncset.done @!p0 $0x0  }
0x472: {  	[sflag:s0] =	ssyncadd.s32 @!p0 s1  }
0x473: {  	[bflag:$0x3] =	sbarrier.arrive $0xFFFF  }
0x474: {  	_ =	shalt  }

</sc_bundles>
